<compile_context>
chip_gen: v7x
topology: tpu7x:2x2x1
jax: 0.10.2.dev20260603
libtpu: 0.0.44.dev20260713+nightly
codegen_flags: <defaults>
</compile_context>

<pallas_src>
import functools

import jax
import jax.numpy as jnp
from jax import lax
from jax.experimental import pallas as pl
from jax.experimental.pallas import tpu as pltpu
from jax.experimental.pallas import tpu_sc as plsc

N = 100000
F = 64
C = 751
CP = 768
B = 1024
TEMP = 0.05

NC = 2
NS = 16
NW = NC * NS

CHUNK = 128
SLOT = 256
MAIN_ITERS = 12
MAIN_SLOTS = NW * MAIN_ITERS
LEFT_SLOTS = 6
TAIL_BASE = (MAIN_SLOTS + LEFT_SLOTS) * SLOT
TAIL_REM_BASE = TAIL_BASE + CHUNK
TAIL_REM = N - TAIL_REM_BASE
NSLOTS3 = MAIN_SLOTS + LEFT_SLOTS + 1
PIDS_PER_TILE = B // NW


def _sc_segment_sum(features, labels3d, labels1d, pids):
    mesh = plsc.VectorSubcoreMesh(core_axis_name="c", subcore_axis_name="s")

    @functools.partial(
        pl.kernel,
        mesh=mesh,
        compiler_params=pltpu.CompilerParams(needs_layout_passes=False),
        out_type=[
            jax.ShapeDtypeStruct((NC, CP, F), jnp.float32),
            jax.ShapeDtypeStruct((NC, CP, 16), jnp.float32),
            jax.ShapeDtypeStruct((B,), jnp.int32),
        ],
        scratch_types=[
            pltpu.VMEM((SLOT, F), jnp.float32),
            pltpu.VMEM((SLOT, F), jnp.float32),
            pltpu.VMEM((SLOT // CHUNK, CHUNK), jnp.int32),
            pltpu.VMEM((SLOT // CHUNK, CHUNK), jnp.int32),
            pltpu.VMEM((TAIL_REM, F), jnp.float32),
            pltpu.VMEM((1, TAIL_REM), jnp.int32),
            pltpu.VMEM((CHUNK, 16), jnp.float32),
            pltpu.VMEM((16, 16), jnp.float32),
            pltpu.VMEM((PIDS_PER_TILE,), jnp.int32),
            pltpu.VMEM((PIDS_PER_TILE,), jnp.int32),
            pltpu.VMEM((16, F), jnp.float32),
            pltpu.VMEM_SHARED((CP, F), jnp.float32),
            pltpu.VMEM_SHARED((CP, 16), jnp.float32),
            pltpu.SemaphoreType.DMA,
            pltpu.SemaphoreType.DMA,
            pltpu.SemaphoreType.DMA,
            pltpu.SemaphoreType.DMA,
        ],
    )
    def sc_kernel(feat_hbm, lab3_hbm, lab1_hbm, pid_hbm, acc_out, cnt_out, tgt_out,
                  feat_buf0, feat_buf1, lab_buf0, lab_buf1, feat_tail, lab_tail,
                  ones_buf, zcnt, pid_buf, tgt_buf, zrow, acc_sh, cnt_sh,
                  stage_sem0, stage_sem1, scat_sem0, scat_sem1):
        cid = lax.axis_index("c")
        sid = lax.axis_index("s")
        wid = sid * NC + cid

        feat_bufs = (feat_buf0, feat_buf1)
        lab_bufs = (lab_buf0, lab_buf1)
        stage_sems = (stage_sem0, stage_sem1)
        scat_sems = (scat_sem0, scat_sem1)

        zero16 = jnp.zeros((16,), jnp.float32)
        one16 = jnp.full((16,), 1.0, jnp.float32)
        for r in range(16):
            for q in range(F // 16):
                zrow[r, pl.ds(q * 16, 16)] = zero16
            zcnt[r, pl.ds(0, 16)] = zero16
        for r in range(CHUNK):
            ones_buf[r, pl.ds(0, 16)] = one16

        def fire_stage(j, b):
            g = wid + NW * j
            h1 = pltpu.async_copy(lab3_hbm.at[g], lab_bufs[b], stage_sems[b])
            h2 = pltpu.async_copy(feat_hbm.at[pl.ds(g * SLOT, SLOT)],
                                  feat_bufs[b], stage_sems[b])
            return [h1, h2]

        rows_per_tile = CP // NS
        for blk in range(rows_per_tile // 16):
            base = sid * rows_per_tile + blk * 16
            pltpu.sync_copy(zrow, acc_sh.at[pl.ds(base, 16)])
            pltpu.sync_copy(zcnt, cnt_sh.at[pl.ds(base, 16)])

        pltpu.sync_copy(pid_hbm.at[pl.ds(wid * PIDS_PER_TILE, PIDS_PER_TILE)], pid_buf)
        pltpu.sync_copy(lab1_hbm.at[pid_buf], tgt_buf)
        pltpu.sync_copy(tgt_buf, tgt_out.at[pl.ds(wid * PIDS_PER_TILE, PIDS_PER_TILE)])

        plsc.subcore_barrier()

        stageh = [None, None]
        scath = [None, None]
        stageh[0] = fire_stage(0, 0)
        for j in range(MAIN_ITERS):
            b = j & 1
            for h in stageh[b]:
                h.wait()
            if j + 1 < MAIN_ITERS:
                if scath[1 - b] is not None:
                    for h in scath[1 - b]:
                        h.wait()
                stageh[1 - b] = fire_stage(j + 1, 1 - b)
            hs = []
            for k in range(SLOT // CHUNK):
                hs.append(pltpu.async_copy(
                    feat_bufs[b].at[pl.ds(k * CHUNK, CHUNK)],
                    acc_sh.at[lab_bufs[b].at[k]], scat_sems[b], add=True))
                hs.append(pltpu.async_copy(
                    ones_buf, cnt_sh.at[lab_bufs[b].at[k]], scat_sems[b], add=True))
            scath[b] = hs
        for b2 in (0, 1):
            if scath[b2] is not None:
                for h in scath[b2]:
                    h.wait()

        @pl.when(wid < LEFT_SLOTS)
        def _left():
            g = MAIN_SLOTS + wid
            pltpu.sync_copy(lab3_hbm.at[g], lab_buf0)
            pltpu.sync_copy(feat_hbm.at[pl.ds(g * SLOT, SLOT)], feat_buf0)
            for k in range(SLOT // CHUNK):
                pltpu.sync_copy(feat_buf0.at[pl.ds(k * CHUNK, CHUNK)],
                                acc_sh.at[lab_buf0.at[k]], add=True)
                pltpu.sync_copy(ones_buf, cnt_sh.at[lab_buf0.at[k]], add=True)

        @pl.when(wid == LEFT_SLOTS)
        def _tail():
            g = MAIN_SLOTS + LEFT_SLOTS
            pltpu.sync_copy(lab3_hbm.at[g], lab_buf0)
            pltpu.sync_copy(feat_hbm.at[pl.ds(TAIL_BASE, CHUNK)],
                            feat_buf0.at[pl.ds(0, CHUNK)])
            pltpu.sync_copy(feat_buf0.at[pl.ds(0, CHUNK)],
                            acc_sh.at[lab_buf0.at[0]], add=True)
            pltpu.sync_copy(ones_buf, cnt_sh.at[lab_buf0.at[0]], add=True)
            pltpu.sync_copy(lab1_hbm.at[pl.ds(TAIL_REM_BASE, TAIL_REM)], lab_tail.at[0])
            pltpu.sync_copy(feat_hbm.at[pl.ds(TAIL_REM_BASE, TAIL_REM)], feat_tail)
            pltpu.sync_copy(feat_tail, acc_sh.at[lab_tail.at[0]], add=True)
            pltpu.sync_copy(ones_buf.at[pl.ds(0, TAIL_REM)], cnt_sh.at[lab_tail.at[0]], add=True)

        plsc.subcore_barrier()

        @pl.when(sid == 0)
        def _publish():
            pltpu.sync_copy(acc_sh, acc_out.at[cid])
            pltpu.sync_copy(cnt_sh, cnt_out.at[cid])

    return sc_kernel(features, labels3d, labels1d, pids)


def _tc_loss(inputs, acc, cnt, tgt):
    def body(x_ref, acc_ref, cnt_ref, tgt_ref, out_ref):
        x = x_ref[...]
        cs = acc_ref[0] + acc_ref[1]
        counts = cnt_ref[0, :, 0:1] + cnt_ref[1, :, 0:1]
        sim = lax.dot_general(cs, x, (((1,), (1,)), ((), ())),
                              preferred_element_type=jnp.float32)
        valid = (counts > 0.0) & (
            lax.broadcasted_iota(jnp.int32, (CP, 1), 0) < C)
        denom = jnp.where(counts > 0.0, counts, 1.0) * TEMP
        sim = sim / denom
        exps = jnp.exp(sim) * valid.astype(jnp.float32)
        sums = jnp.sum(exps, axis=0, keepdims=True) + 1e-6
        msim = exps / sums
        logp = jnp.log(msim + 1e-6)
        tgt_row = jnp.reshape(tgt_ref[...], (1, B))
        onehot = lax.broadcasted_iota(jnp.int32, (CP, B), 0) == tgt_row
        chosen = jnp.sum(jnp.where(onehot, logp, 0.0), axis=0)
        loss = -jnp.sum(chosen) / float(B)
        out_ref[...] = jnp.reshape(loss, (1, 1))

    out = pl.pallas_call(
        body,
        out_shape=jax.ShapeDtypeStruct((1, 1), jnp.float32),
    )(inputs, acc, cnt, tgt)
    return out[0, 0]


def kernel(inputs, gt_labels, features, labels):
    pids = gt_labels[:, :, -1].reshape(-1)
    labels3d = jnp.pad(labels, (0, NSLOTS3 * SLOT - N)).reshape(
        NSLOTS3, SLOT // CHUNK, CHUNK)
    acc, cnt, tgt = _sc_segment_sum(features, labels3d, labels, pids)
    return _tc_loss(inputs, acc, cnt, tgt)

# --- scband reference (transcript-rebuilt; emitter-appended) ---
"""Pipeline reference for scband-hybrid-memory-20074677141926 (READ-ONLY COPY).

The authoritative reference and input builder live on the scoring server;
editing this copy changes nothing except your own understanding.
"""

import jax, jax.numpy as jnp
import numpy as np

NUM_SAMPLES = 100000
NUM_FEATURES = 64
NUM_CLASSES = 751
TEMP = 0.05
B = 1024


def setup_inputs(seed: int = 0):
    key = jax.random.key(seed)
    k1, k2, k3, k4 = jax.random.split(key, 4)
    inputs = jax.random.normal(k1, (B, NUM_FEATURES), dtype=jnp.float32)
    gt_labels = jax.random.randint(k2, (B, 1, 2), 0, NUM_SAMPLES, dtype=jnp.int32)
    # learned/buffer state: memory bank features (row-normalized, as maintained by the
    # momentum update in HM.backward) and per-sample cluster labels
    features = jax.random.normal(k3, (NUM_SAMPLES, NUM_FEATURES), dtype=jnp.float32)
    features = features / (jnp.linalg.norm(features, axis=1, keepdims=True) + 1e-12)
    labels = jax.random.randint(k4, (NUM_SAMPLES,), 0, NUM_CLASSES, dtype=jnp.int32)
    return {"inputs": inputs, "gt_labels": gt_labels, "features": features, "labels": labels}


def reference(inputs, gt_labels, features, labels):
    # pids = torch.cat([i[:, -1] for i in gt_labels]) for a [G, n, C] tensor
    pids = gt_labels[:, :, -1].reshape(-1)
    # hm(): similarities = inputs @ features.T (features treated as constant buffer)
    similarities = inputs @ features.T
    similarities = similarities / TEMP
    # targets = torch.cat([labels[i[:, -1]] for i in gt_labels])
    targets = labels[pids]
    b = similarities.shape[0]
    # sim.index_add_(0, labels, similarities.t())  -> per-class sum over memory rows
    sim = jax.ops.segment_sum(similarities.T, labels, num_segments=NUM_CLASSES)
    # nums.index_add_(0, labels, ones)             -> per-class counts
    nums = jax.ops.segment_sum(jnp.ones((NUM_SAMPLES, 1), dtype=jnp.float32), labels, num_segments=NUM_CLASSES)
    mask = (nums > 0).astype(jnp.float32)
    sim = sim / (mask * nums + (1.0 - mask))
    sim_t = sim.T
    mask_t = jnp.broadcast_to(mask.T, sim_t.shape)
    # masked_softmax
    exps = jnp.exp(sim_t)
    masked_exps = exps * mask_t
    masked_sums = jnp.sum(masked_exps, axis=1, keepdims=True) + 1e-6
    masked_sim = masked_exps / masked_sums
    # F.nll_loss(log(masked_sim + 1e-6), targets) with mean reduction
    logp = jnp.log(masked_sim + 1e-6)
    loss = -jnp.mean(logp[jnp.arange(b), targets])
    return loss

if __name__ == "__main__":
    import jax
    _d = setup_inputs()
    print(jax.jit(kernel)(*tuple(_d.values())))

</pallas_src>

<mosaic_0001>
#map = affine_map<(d0, d1) -> (0, 0)>
#map1 = affine_map<(d0, d1) -> (0, 0, 0)>
#map2 = affine_map<(d0, d1) -> (0)>
module attributes {stable_mosaic.version = 14 : i64} {
  func.func @sc_kernel(%arg0: i32, %arg1: i32, %arg2: memref<100000x64xf32, #tpu.memory_space<hbm>>, %arg3: memref<391x2x128xi32, #tpu.memory_space<hbm>>, %arg4: memref<100000xi32, #tpu.memory_space<hbm>>, %arg5: memref<1024xi32, #tpu.memory_space<hbm>>, %arg6: memref<2x768x64xf32, #tpu.memory_space<hbm>>, %arg7: memref<2x768x16xf32, #tpu.memory_space<hbm>>, %arg8: memref<1024xi32, #tpu.memory_space<hbm>>, %arg9: memref<256x64xf32, #tpu.memory_space<vmem>>, %arg10: memref<256x64xf32, #tpu.memory_space<vmem>>, %arg11: memref<2x128xi32, #tpu.memory_space<vmem>>, %arg12: memref<2x128xi32, #tpu.memory_space<vmem>>, %arg13: memref<32x64xf32, #tpu.memory_space<vmem>>, %arg14: memref<1x32xi32, #tpu.memory_space<vmem>>, %arg15: memref<128x16xf32, #tpu.memory_space<vmem>>, %arg16: memref<16x16xf32, #tpu.memory_space<vmem>>, %arg17: memref<32xi32, #tpu.memory_space<vmem>>, %arg18: memref<32xi32, #tpu.memory_space<vmem>>, %arg19: memref<16x64xf32, #tpu.memory_space<vmem>>, %arg20: memref<768x64xf32, #tpu.memory_space<vmem_shared>>, %arg21: memref<768x16xf32, #tpu.memory_space<vmem_shared>>, %arg22: memref<!tpu.dma_semaphore, #tpu.memory_space<semaphore_mem>>, %arg23: memref<!tpu.dma_semaphore, #tpu.memory_space<semaphore_mem>>, %arg24: memref<!tpu.dma_semaphore, #tpu.memory_space<semaphore_mem>>, %arg25: memref<!tpu.dma_semaphore, #tpu.memory_space<semaphore_mem>>) attributes {dimension_semantics = [#tpu.dimension_semantics<core_parallel>, #tpu.dimension_semantics<subcore_parallel>], iteration_bounds = array<i64: 2, 16>, scalar_prefetch = 0 : i64, scratch_operands = 17 : i64, tpu.core_type = #tpu.core_type<sc_vector_subcore>, window_params = [{transform_indices = #map}, {transform_indices = #map1}, {transform_indices = #map2}, {transform_indices = #map2}, {transform_indices = #map1}, {transform_indices = #map1}, {transform_indices = #map2}]} {
    %mul3A = arith.constant 2 : i32
    %mul3A_0 = arith.muli %arg1, %mul3A : i32
    %add3A = arith.addi %mul3A_0, %arg0 : i32
    %broadcast_in_dim3A = arith.constant 0.000000e+00 : f32
    %broadcast_in_dim3A_1 = vector.broadcast %broadcast_in_dim3A : f32 to vector<16xf32>
    %broadcast_in_dim3A_2 = arith.constant 1.000000e+00 : f32
    %broadcast_in_dim3A_3 = vector.broadcast %broadcast_in_dim3A_2 : f32 to vector<16xf32>
    %swap3A = arith.constant 0 : i32
    %swap3A_4 = arith.index_cast %swap3A : i32 to index
    %swap3A_5 = arith.constant 0 : index
    %swap3A_6 = tpu.vector_load %arg19[%swap3A_4, %swap3A_5] {strides = array<i32>} : memref<16x64xf32, #tpu.memory_space<vmem>>, vector<16xf32>,
    tpu.vector_store %arg19[%swap3A_4, %swap3A_5], %broadcast_in_dim3A_1 {strides = array<i32>} : memref<16x64xf32, #tpu.memory_space<vmem>>, vector<16xf32>,
    %swap3A_7 = arith.constant 0 : i32
    %swap3A_8 = arith.index_cast %swap3A_7 : i32 to index
    %swap3A_9 = arith.constant 16 : index
    %swap3A_10 = tpu.vector_load %arg19[%swap3A_8, %swap3A_9] {strides = array<i32>} : memref<16x64xf32, #tpu.memory_space<vmem>>, vector<16xf32>,
    tpu.vector_store %arg19[%swap3A_8, %swap3A_9], %broadcast_in_dim3A_1 {strides = array<i32>} : memref<16x64xf32, #tpu.memory_space<vmem>>, vector<16xf32>,
    %swap3A_11 = arith.constant 0 : i32
    %swap3A_12 = arith.index_cast %swap3A_11 : i32 to index
    %swap3A_13 = arith.constant 32 : index
    %swap3A_14 = tpu.vector_load %arg19[%swap3A_12, %swap3A_13] {strides = array<i32>} : memref<16x64xf32, #tpu.memory_space<vmem>>, vector<16xf32>,
    tpu.vector_store %arg19[%swap3A_12, %swap3A_13], %broadcast_in_dim3A_1 {strides = array<i32>} : memref<16x64xf32, #tpu.memory_space<vmem>>, vector<16xf32>,
    %swap3A_15 = arith.constant 0 : i32
    %swap3A_16 = arith.index_cast %swap3A_15 : i32 to index
    %swap3A_17 = arith.constant 48 : index
    %swap3A_18 = tpu.vector_load %arg19[%swap3A_16, %swap3A_17] {strides = array<i32>} : memref<16x64xf32, #tpu.memory_space<vmem>>, vector<16xf32>,
    tpu.vector_store %arg19[%swap3A_16, %swap3A_17], %broadcast_in_dim3A_1 {strides = array<i32>} : memref<16x64xf32, #tpu.memory_space<vmem>>, vector<16xf32>,
    %swap3A_19 = arith.constant 0 : i32
    %swap3A_20 = arith.index_cast %swap3A_19 : i32 to index
    %swap3A_21 = arith.constant 0 : index
    %swap3A_22 = tpu.vector_load %arg16[%swap3A_20, %swap3A_21] {strides = array<i32>} : memref<16x16xf32, #tpu.memory_space<vmem>>, vector<16xf32>,
    tpu.vector_store %arg16[%swap3A_20, %swap3A_21], %broadcast_in_dim3A_1 {strides = array<i32>} : memref<16x16xf32, #tpu.memory_space<vmem>>, vector<16xf32>,
    %swap3A_23 = arith.constant 1 : i32
    %swap3A_24 = arith.index_cast %swap3A_23 : i32 to index
    %swap3A_25 = arith.constant 0 : index
    %swap3A_26 = tpu.vector_load %arg19[%swap3A_24, %swap3A_25] {strides = array<i32>} : memref<16x64xf32, #tpu.memory_space<vmem>>, vector<16xf32>,
    tpu.vector_store %arg19[%swap3A_24, %swap3A_25], %broadcast_in_dim3A_1 {strides = array<i32>} : memref<16x64xf32, #tpu.memory_space<vmem>>, vector<16xf32>,
    %swap3A_27 = arith.constant 1 : i32
    %swap3A_28 = arith.index_cast %swap3A_27 : i32 to index
    %swap3A_29 = arith.constant 16 : index
    %swap3A_30 = tpu.vector_load %arg19[%swap3A_28, %swap3A_29] {strides = array<i32>} : memref<16x64xf32, #tpu.memory_space<vmem>>, vector<16xf32>,
    tpu.vector_store %arg19[%swap3A_28, %swap3A_29], %broadcast_in_dim3A_1 {strides = array<i32>} : memref<16x64xf32, #tpu.memory_space<vmem>>, vector<16xf32>,
    %swap3A_31 = arith.constant 1 : i32
    %swap3A_32 = arith.index_cast %swap3A_31 : i32 to index
    %swap3A_33 = arith.constant 32 : index
    %swap3A_34 = tpu.vector_load %arg19[%swap3A_32, %swap3A_33] {strides = array<i32>} : memref<16x64xf32, #tpu.memory_space<vmem>>, vector<16xf32>,
    tpu.vector_store %arg19[%swap3A_32, %swap3A_33], %broadcast_in_dim3A_1 {strides = array<i32>} : memref<16x64xf32, #tpu.memory_space<vmem>>, vector<16xf32>,
    %swap3A_35 = arith.constant 1 : i32
    %swap3A_36 = arith.index_cast %swap3A_35 : i32 to index
    %swap3A_37 = arith.constant 48 : index
    %swap3A_38 = tpu.vector_load %arg19[%swap3A_36, %swap3A_37] {strides = array<i32>} : memref<16x64xf32, #tpu.memory_space<vmem>>, vector<16xf32>,
    tpu.vector_store %arg19[%swap3A_36, %swap3A_37], %broadcast_in_dim3A_1 {strides = array<i32>} : memref<16x64xf32, #tpu.memory_space<vmem>>, vector<16xf32>,
    %swap3A_39 = arith.constant 1 : i32
    %swap3A_40 = arith.index_cast %swap3A_39 : i32 to index
    %swap3A_41 = arith.constant 0 : index
    %swap3A_42 = tpu.vector_load %arg16[%swap3A_40, %swap3A_41] {strides = array<i32>} : memref<16x16xf32, #tpu.memory_space<vmem>>, vector<16xf32>,
    tpu.vector_store %arg16[%swap3A_40, %swap3A_41], %broadcast_in_dim3A_1 {strides = array<i32>} : memref<16x16xf32, #tpu.memory_space<vmem>>, vector<16xf32>,
    %swap3A_43 = arith.constant 2 : i32
    %swap3A_44 = arith.index_cast %swap3A_43 : i32 to index
    %swap3A_45 = arith.constant 0 : index
    %swap3A_46 = tpu.vector_load %arg19[%swap3A_44, %swap3A_45] {strides = array<i32>} : memref<16x64xf32, #tpu.memory_space<vmem>>, vector<16xf32>,
    tpu.vector_store %arg19[%swap3A_44, %swap3A_45], %broadcast_in_dim3A_1 {strides = array<i32>} : memref<16x64xf32, #tpu.memory_space<vmem>>, vector<16xf32>,
    %swap3A_47 = arith.constant 2 : i32
    %swap3A_48 = arith.index_cast %swap3A_47 : i32 to index
    %swap3A_49 = arith.constant 16 : index
    %swap3A_50 = tpu.vector_load %arg19[%swap3A_48, %swap3A_49] {strides = array<i32>} : memref<16x64xf32, #tpu.memory_space<vmem>>, vector<16xf32>,
    tpu.vector_store %arg19[%swap3A_48, %swap3A_49], %broadcast_in_dim3A_1 {strides = array<i32>} : memref<16x64xf32, #tpu.memory_space<vmem>>, vector<16xf32>,
    %swap3A_51 = arith.constant 2 : i32
    %swap3A_52 = arith.index_cast %swap3A_51 : i32 to index
    %swap3A_53 = arith.constant 32 : index
    %swap3A_54 = tpu.vector_load %arg19[%swap3A_52, %swap3A_53] {strides = array<i32>} : memref<16x64xf32, #tpu.memory_space<vmem>>, vector<16xf32>,
    tpu.vector_store %arg19[%swap3A_52, %swap3A_53], %broadcast_in_dim3A_1 {strides = array<i32>} : memref<16x64xf32, #tpu.memory_space<vmem>>, vector<16xf32>,
    %swap3A_55 = arith.constant 2 : i32
    %swap3A_56 = arith.index_cast %swap3A_55 : i32 to index
    %swap3A_57 = arith.constant 48 : index
    %swap3A_58 = tpu.vector_load %arg19[%swap3A_56, %swap3A_57] {strides = array<i32>} : memref<16x64xf32, #tpu.memory_space<vmem>>, vector<16xf32>,
    tpu.vector_store %arg19[%swap3A_56, %swap3A_57], %broadcast_in_dim3A_1 {strides = array<i32>} : memref<16x64xf32, #tpu.memory_space<vmem>>, vector<16xf32>,
    %swap3A_59 = arith.constant 2 : i32
    %swap3A_60 = arith.index_cast %swap3A_59 : i32 to index
    %swap3A_61 = arith.constant 0 : index
    %swap3A_62 = tpu.vector_load %arg16[%swap3A_60, %swap3A_61] {strides = array<i32>} : memref<16x16xf32, #tpu.memory_space<vmem>>, vector<16xf32>,
    tpu.vector_store %arg16[%swap3A_60, %swap3A_61], %broadcast_in_dim3A_1 {strides = array<i32>} : memref<16x16xf32, #tpu.memory_space<vmem>>, vector<16xf32>,
    %swap3A_63 = arith.constant 3 : i32
    %swap3A_64 = arith.index_cast %swap3A_63 : i32 to index
    %swap3A_65 = arith.constant 0 : index
    %swap3A_66 = tpu.vector_load %arg19[%swap3A_64, %swap3A_65] {strides = array<i32>} : memref<16x64xf32, #tpu.memory_space<vmem>>, vector<16xf32>,
    tpu.vector_store %arg19[%swap3A_64, %swap3A_65], %broadcast_in_dim3A_1 {strides = array<i32>} : memref<16x64xf32, #tpu.memory_space<vmem>>, vector<16xf32>,
    %swap3A_67 = arith.constant 3 : i32
    %swap3A_68 = arith.index_cast %swap3A_67 : i32 to index
    %swap3A_69 = arith.constant 16 : index
    %swap3A_70 = tpu.vector_load %arg19[%swap3A_68, %swap3A_69] {strides = array<i32>} : memref<16x64xf32, #tpu.memory_space<vmem>>, vector<16xf32>,
    tpu.vector_store %arg19[%swap3A_68, %swap3A_69], %broadcast_in_dim3A_1 {strides = array<i32>} : memref<16x64xf32, #tpu.memory_space<vmem>>, vector<16xf32>,
    %swap3A_71 = arith.constant 3 : i32
    %swap3A_72 = arith.index_cast %swap3A_71 : i32 to index
    %swap3A_73 = arith.constant 32 : index
    %swap3A_74 = tpu.vector_load %arg19[%swap3A_72, %swap3A_73] {strides = array<i32>} : memref<16x64xf32, #tpu.memory_space<vmem>>, vector<16xf32>,
    tpu.vector_store %arg19[%swap3A_72, %swap3A_73], %broadcast_in_dim3A_1 {strides = array<i32>} : memref<16x64xf32, #tpu.memory_space<vmem>>, vector<16xf32>,
    %swap3A_75 = arith.constant 3 : i32
    %swap3A_76 = arith.index_cast %swap3A_75 : i32 to index
    %swap3A_77 = arith.constant 48 : index
    %swap3A_78 = tpu.vector_load %arg19[%swap3A_76, %swap3A_77] {strides = array<i32>} : memref<16x64xf32, #tpu.memory_space<vmem>>, vector<16xf32>,
    tpu.vector_store %arg19[%swap3A_76, %swap3A_77], %broadcast_in_dim3A_1 {strides = array<i32>} : memref<16x64xf32, #tpu.memory_space<vmem>>, vector<16xf32>,
    %swap3A_79 = arith.constant 3 : i32
    %swap3A_80 = arith.index_cast %swap3A_79 : i32 to index
    %swap3A_81 = arith.constant 0 : index
    %swap3A_82 = tpu.vector_load %arg16[%swap3A_80, %swap3A_81] {strides = array<i32>} : memref<16x16xf32, #tpu.memory_space<vmem>>, vector<16xf32>,
    tpu.vector_store %arg16[%swap3A_80, %swap3A_81], %broadcast_in_dim3A_1 {strides = array<i32>} : memref<16x16xf32, #tpu.memory_space<vmem>>, vector<16xf32>,
    %swap3A_83 = arith.constant 4 : i32
    %swap3A_84 = arith.index_cast %swap3A_83 : i32 to index
    %swap3A_85 = arith.constant 0 : index
    %swap3A_86 = tpu.vector_load %arg19[%swap3A_84, %swap3A_85] {strides = array<i32>} : memref<16x64xf32, #tpu.memory_space<vmem>>, vector<16xf32>,
    tpu.vector_store %arg19[%swap3A_84, %swap3A_85], %broadcast_in_dim3A_1 {strides = array<i32>} : memref<16x64xf32, #tpu.memory_space<vmem>>, vector<16xf32>,
    %swap3A_87 = arith.constant 4 : i32
    %swap3A_88 = arith.index_cast %swap3A_87 : i32 to index
    %swap3A_89 = arith.constant 16 : index
    %swap3A_90 = tpu.vector_load %arg19[%swap3A_88, %swap3A_89] {strides = array<i32>} : memref<16x64xf32, #tpu.memory_space<vmem>>, vector<16xf32>,
    tpu.vector_store %arg19[%swap3A_88, %swap3A_89], %broadcast_in_dim3A_1 {strides = array<i32>} : memref<16x64xf32, #tpu.memory_space<vmem>>, vector<16xf32>,
    %swap3A_91 = arith.constant 4 : i32
    %swap3A_92 = arith.index_cast %swap3A_91 : i32 to index
    %swap3A_93 = arith.constant 32 : index
    %swap3A_94 = tpu.vector_load %arg19[%swap3A_92, %swap3A_93] {strides = array<i32>} : memref<16x64xf32, #tpu.memory_space<vmem>>, vector<16xf32>,
    tpu.vector_store %arg19[%swap3A_92, %swap3A_93], %broadcast_in_dim3A_1 {strides = array<i32>} : memref<16x64xf32, #tpu.memory_space<vmem>>, vector<16xf32>,
    %swap3A_95 = arith.constant 4 : i32
    %swap3A_96 = arith.index_cast %swap3A_95 : i32 to index
    %swap3A_97 = arith.constant 48 : index
    %swap3A_98 = tpu.vector_load %arg19[%swap3A_96, %swap3A_97] {strides = array<i32>} : memref<16x64xf32, #tpu.memory_space<vmem>>, vector<16xf32>,
    tpu.vector_store %arg19[%swap3A_96, %swap3A_97], %broadcast_in_dim3A_1 {strides = array<i32>} : memref<16x64xf32, #tpu.memory_space<vmem>>, vector<16xf32>,
    %swap3A_99 = arith.constant 4 : i32
    %swap3A_100 = arith.index_cast %swap3A_99 : i32 to index
    %swap3A_101 = arith.constant 0 : index
    %swap3A_102 = tpu.vector_load %arg16[%swap3A_100, %swap3A_101] {strides = array<i32>} : memref<16x16xf32, #tpu.memory_space<vmem>>, vector<16xf32>,
    tpu.vector_store %arg16[%swap3A_100, %swap3A_101], %broadcast_in_dim3A_1 {strides = array<i32>} : memref<16x16xf32, #tpu.memory_space<vmem>>, vector<16xf32>,
    %swap3A_103 = arith.constant 5 : i32
    %swap3A_104 = arith.index_cast %swap3A_103 : i32 to index
    %swap3A_105 = arith.constant 0 : index
    %swap3A_106 = tpu.vector_load %arg19[%swap3A_104, %swap3A_105] {strides = array<i32>} : memref<16x64xf32, #tpu.memory_space<vmem>>, vector<16xf32>,
    tpu.vector_store %arg19[%swap3A_104, %swap3A_105], %broadcast_in_dim3A_1 {strides = array<i32>} : memref<16x64xf32, #tpu.memory_space<vmem>>, vector<16xf32>,
    %swap3A_107 = arith.constant 5 : i32
    %swap3A_108 = arith.index_cast %swap3A_107 : i32 to index
    %swap3A_109 = arith.constant 16 : index
    %swap3A_110 = tpu.vector_load %arg19[%swap3A_108, %swap3A_109] {strides = array<i32>} : memref<16x64xf32, #tpu.memory_space<vmem>>, vector<16xf32>,
    tpu.vector_store %arg19[%swap3A_108, %swap3A_109], %broadcast_in_dim3A_1 {strides = array<i32>} : memref<16x64xf32, #tpu.memory_space<vmem>>, vector<16xf32>,
    %swap3A_111 = arith.constant 5 : i32
    %swap3A_112 = arith.index_cast %swap3A_111 : i32 to index
    %swap3A_113 = arith.constant 32 : index
    %swap3A_114 = tpu.vector_load %arg19[%swap3A_112, %swap3A_113] {strides = array<i32>} : memref<16x64xf32, #tpu.memory_space<vmem>>, vector<16xf32>,
    tpu.vector_store %arg19[%swap3A_112, %swap3A_113], %broadcast_in_dim3A_1 {strides = array<i32>} : memref<16x64xf32, #tpu.memory_space<vmem>>, vector<16xf32>,
    %swap3A_115 = arith.constant 5 : i32
    %swap3A_116 = arith.index_cast %swap3A_115 : i32 to index
    %swap3A_117 = arith.constant 48 : index
    %swap3A_118 = tpu.vector_load %arg19[%swap3A_116, %swap3A_117] {strides = array<i32>} : memref<16x64xf32, #tpu.memory_space<vmem>>, vector<16xf32>,
    tpu.vector_store %arg19[%swap3A_116, %swap3A_117], %broadcast_in_dim3A_1 {strides = array<i32>} : memref<16x64xf32, #tpu.memory_space<vmem>>, vector<16xf32>,
    %swap3A_119 = arith.constant 5 : i32
    %swap3A_120 = arith.index_cast %swap3A_119 : i32 to index
    %swap3A_121 = arith.constant 0 : index
    %swap3A_122 = tpu.vector_load %arg16[%swap3A_120, %swap3A_121] {strides = array<i32>} : memref<16x16xf32, #tpu.memory_space<vmem>>, vector<16xf32>,
    tpu.vector_store %arg16[%swap3A_120, %swap3A_121], %broadcast_in_dim3A_1 {strides = array<i32>} : memref<16x16xf32, #tpu.memory_space<vmem>>, vector<16xf32>,
    %swap3A_123 = arith.constant 6 : i32
    %swap3A_124 = arith.index_cast %swap3A_123 : i32 to index
    %swap3A_125 = arith.constant 0 : index
    %swap3A_126 = tpu.vector_load %arg19[%swap3A_124, %swap3A_125] {strides = array<i32>} : memref<16x64xf32, #tpu.memory_space<vmem>>, vector<16xf32>,
    tpu.vector_store %arg19[%swap3A_124, %swap3A_125], %broadcast_in_dim3A_1 {strides = array<i32>} : memref<16x64xf32, #tpu.memory_space<vmem>>, vector<16xf32>,
    %swap3A_127 = arith.constant 6 : i32
    %swap3A_128 = arith.index_cast %swap3A_127 : i32 to index
    %swap3A_129 = arith.constant 16 : index
    %swap3A_130 = tpu.vector_load %arg19[%swap3A_128, %swap3A_129] {strides = array<i32>} : memref<16x64xf32, #tpu.memory_space<vmem>>, vector<16xf32>,
    tpu.vector_store %arg19[%swap3A_128, %swap3A_129], %broadcast_in_dim3A_1 {strides = array<i32>} : memref<16x64xf32, #tpu.memory_space<vmem>>, vector<16xf32>,
    %swap3A_131 = arith.constant 6 : i32
    %swap3A_132 = arith.index_cast %swap3A_131 : i32 to index
    %swap3A_133 = arith.constant 32 : index
    %swap3A_134 = tpu.vector_load %arg19[%swap3A_132, %swap3A_133] {strides = array<i32>} : memref<16x64xf32, #tpu.memory_space<vmem>>, vector<16xf32>,
    tpu.vector_store %arg19[%swap3A_132, %swap3A_133], %broadcast_in_dim3A_1 {strides = array<i32>} : memref<16x64xf32, #tpu.memory_space<vmem>>, vector<16xf32>,
    %swap3A_135 = arith.constant 6 : i32
    %swap3A_136 = arith.index_cast %swap3A_135 : i32 to index
    %swap3A_137 = arith.constant 48 : index
    %swap3A_138 = tpu.vector_load %arg19[%swap3A_136, %swap3A_137] {strides = array<i32>} : memref<16x64xf32, #tpu.memory_space<vmem>>, vector<16xf32>,
    tpu.vector_store %arg19[%swap3A_136, %swap3A_137], %broadcast_in_dim3A_1 {strides = array<i32>} : memref<16x64xf32, #tpu.memory_space<vmem>>, vector<16xf32>,
    %swap3A_139 = arith.constant 6 : i32
    %swap3A_140 = arith.index_cast %swap3A_139 : i32 to index
    %swap3A_141 = arith.constant 0 : index
    %swap3A_142 = tpu.vector_load %arg16[%swap3A_140, %swap3A_141] {strides = array<i32>} : memref<16x16xf32, #tpu.memory_space<vmem>>, vector<16xf32>,
    tpu.vector_store %arg16[%swap3A_140, %swap3A_141], %broadcast_in_dim3A_1 {strides = array<i32>} : memref<16x16xf32, #tpu.memory_space<vmem>>, vector<16xf32>,
    %swap3A_143 = arith.constant 7 : i32
    %swap3A_144 = arith.index_cast %swap3A_143 : i32 to index
    %swap3A_145 = arith.constant 0 : index
    %swap3A_146 = tpu.vector_load %arg19[%swap3A_144, %swap3A_145] {strides = array<i32>} : memref<16x64xf32, #tpu.memory_space<vmem>>, vector<16xf32>,
    tpu.vector_store %arg19[%swap3A_144, %swap3A_145], %broadcast_in_dim3A_1 {strides = array<i32>} : memref<16x64xf32, #tpu.memory_space<vmem>>, vector<16xf32>,
    %swap3A_147 = arith.constant 7 : i32
    %swap3A_148 = arith.index_cast %swap3A_147 : i32 to index
    %swap3A_149 = arith.constant 16 : index
    %swap3A_150 = tpu.vector_load %arg19[%swap3A_148, %swap3A_149] {strides = array<i32>} : memref<16x64xf32, #tpu.memory_space<vmem>>, vector<16xf32>,
    tpu.vector_store %arg19[%swap3A_148, %swap3A_149], %broadcast_in_dim3A_1 {strides = array<i32>} : memref<16x64xf32, #tpu.memory_space<vmem>>, vector<16xf32>,
    %swap3A_151 = arith.constant 7 : i32
    %swap3A_152 = arith.index_cast %swap3A_151 : i32 to index
    %swap3A_153 = arith.constant 32 : index
    %swap3A_154 = tpu.vector_load %arg19[%swap3A_152, %swap3A_153] {strides = array<i32>} : memref<16x64xf32, #tpu.memory_space<vmem>>, vector<16xf32>,
    tpu.vector_store %arg19[%swap3A_152, %swap3A_153], %broadcast_in_dim3A_1 {strides = array<i32>} : memref<16x64xf32, #tpu.memory_space<vmem>>, vector<16xf32>,
    %swap3A_155 = arith.constant 7 : i32
    %swap3A_156 = arith.index_cast %swap3A_155 : i32 to index
    %swap3A_157 = arith.constant 48 : index
    %swap3A_158 = tpu.vector_load %arg19[%swap3A_156, %swap3A_157] {strides = array<i32>} : memref<16x64xf32, #tpu.memory_space<vmem>>, vector<16xf32>,
    tpu.vector_store %arg19[%swap3A_156, %swap3A_157], %broadcast_in_dim3A_1 {strides = array<i32>} : memref<16x64xf32, #tpu.memory_space<vmem>>, vector<16xf32>,
    %swap3A_159 = arith.constant 7 : i32
    %swap3A_160 = arith.index_cast %swap3A_159 : i32 to index
    %swap3A_161 = arith.constant 0 : index
    %swap3A_162 = tpu.vector_load %arg16[%swap3A_160, %swap3A_161] {strides = array<i32>} : memref<16x16xf32, #tpu.memory_space<vmem>>, vector<16xf32>,
    tpu.vector_store %arg16[%swap3A_160, %swap3A_161], %broadcast_in_dim3A_1 {strides = array<i32>} : memref<16x16xf32, #tpu.memory_space<vmem>>, vector<16xf32>,
    %swap3A_163 = arith.constant 8 : i32
    %swap3A_164 = arith.index_cast %swap3A_163 : i32 to index
    %swap3A_165 = arith.constant 0 : index
    %swap3A_166 = tpu.vector_load %arg19[%swap3A_164, %swap3A_165] {strides = array<i32>} : memref<16x64xf32, #tpu.memory_space<vmem>>, vector<16xf32>,
    tpu.vector_store %arg19[%swap3A_164, %swap3A_165], %broadcast_in_dim3A_1 {strides = array<i32>} : memref<16x64xf32, #tpu.memory_space<vmem>>, vector<16xf32>,
    %swap3A_167 = arith.constant 8 : i32
    %swap3A_168 = arith.index_cast %swap3A_167 : i32 to index
    %swap3A_169 = arith.constant 16 : index
    %swap3A_170 = tpu.vector_load %arg19[%swap3A_168, %swap3A_169] {strides = array<i32>} : memref<16x64xf32, #tpu.memory_space<vmem>>, vector<16xf32>,
    tpu.vector_store %arg19[%swap3A_168, %swap3A_169], %broadcast_in_dim3A_1 {strides = array<i32>} : memref<16x64xf32, #tpu.memory_space<vmem>>, vector<16xf32>,
    %swap3A_171 = arith.constant 8 : i32
    %swap3A_172 = arith.index_cast %swap3A_171 : i32 to index
    %swap3A_173 = arith.constant 32 : index
    %swap3A_174 = tpu.vector_load %arg19[%swap3A_172, %swap3A_173] {strides = array<i32>} : memref<16x64xf32, #tpu.memory_space<vmem>>, vector<16xf32>,
    tpu.vector_store %arg19[%swap3A_172, %swap3A_173], %broadcast_in_dim3A_1 {strides = array<i32>} : memref<16x64xf32, #tpu.memory_space<vmem>>, vector<16xf32>,
    %swap3A_175 = arith.constant 8 : i32
    %swap3A_176 = arith.index_cast %swap3A_175 : i32 to index
    %swap3A_177 = arith.constant 48 : index
    %swap3A_178 = tpu.vector_load %arg19[%swap3A_176, %swap3A_177] {strides = array<i32>} : memref<16x64xf32, #tpu.memory_space<vmem>>, vector<16xf32>,
    tpu.vector_store %arg19[%swap3A_176, %swap3A_177], %broadcast_in_dim3A_1 {strides = array<i32>} : memref<16x64xf32, #tpu.memory_space<vmem>>, vector<16xf32>,
    %swap3A_179 = arith.constant 8 : i32
    %swap3A_180 = arith.index_cast %swap3A_179 : i32 to index
    %swap3A_181 = arith.constant 0 : index
    %swap3A_182 = tpu.vector_load %arg16[%swap3A_180, %swap3A_181] {strides = array<i32>} : memref<16x16xf32, #tpu.memory_space<vmem>>, vector<16xf32>,
    tpu.vector_store %arg16[%swap3A_180, %swap3A_181], %broadcast_in_dim3A_1 {strides = array<i32>} : memref<16x16xf32, #tpu.memory_space<vmem>>, vector<16xf32>,
    %swap3A_183 = arith.constant 9 : i32
    %swap3A_184 = arith.index_cast %swap3A_183 : i32 to index
    %swap3A_185 = arith.constant 0 : index
    %swap3A_186 = tpu.vector_load %arg19[%swap3A_184, %swap3A_185] {strides = array<i32>} : memref<16x64xf32, #tpu.memory_space<vmem>>, vector<16xf32>,
    tpu.vector_store %arg19[%swap3A_184, %swap3A_185], %broadcast_in_dim3A_1 {strides = array<i32>} : memref<16x64xf32, #tpu.memory_space<vmem>>, vector<16xf32>,
    %swap3A_187 = arith.constant 9 : i32
    %swap3A_188 = arith.index_cast %swap3A_187 : i32 to index
    %swap3A_189 = arith.constant 16 : index
    %swap3A_190 = tpu.vector_load %arg19[%swap3A_188, %swap3A_189] {strides = array<i32>} : memref<16x64xf32, #tpu.memory_space<vmem>>, vector<16xf32>,
    tpu.vector_store %arg19[%swap3A_188, %swap3A_189], %broadcast_in_dim3A_1 {strides = array<i32>} : memref<16x64xf32, #tpu.memory_space<vmem>>, vector<16xf32>,
    %swap3A_191 = arith.constant 9 : i32
    %swap3A_192 = arith.index_cast %swap3A_191 : i32 to index
    %swap3A_193 = arith.constant 32 : index
    %swap3A_194 = tpu.vector_load %arg19[%swap3A_192, %swap3A_193] {strides = array<i32>} : memref<16x64xf32, #tpu.memory_space<vmem>>, vector<16xf32>,
    tpu.vector_store %arg19[%swap3A_192, %swap3A_193], %broadcast_in_dim3A_1 {strides = array<i32>} : memref<16x64xf32, #tpu.memory_space<vmem>>, vector<16xf32>,
    %swap3A_195 = arith.constant 9 : i32
    %swap3A_196 = arith.index_cast %swap3A_195 : i32 to index
    %swap3A_197 = arith.constant 48 : index
    %swap3A_198 = tpu.vector_load %arg19[%swap3A_196, %swap3A_197] {strides = array<i32>} : memref<16x64xf32, #tpu.memory_space<vmem>>, vector<16xf32>,
    tpu.vector_store %arg19[%swap3A_196, %swap3A_197], %broadcast_in_dim3A_1 {strides = array<i32>} : memref<16x64xf32, #tpu.memory_space<vmem>>, vector<16xf32>,
    %swap3A_199 = arith.constant 9 : i32
    %swap3A_200 = arith.index_cast %swap3A_199 : i32 to index
    %swap3A_201 = arith.constant 0 : index
    %swap3A_202 = tpu.vector_load %arg16[%swap3A_200, %swap3A_201] {strides = array<i32>} : memref<16x16xf32, #tpu.memory_space<vmem>>, vector<16xf32>,
    tpu.vector_store %arg16[%swap3A_200, %swap3A_201], %broadcast_in_dim3A_1 {strides = array<i32>} : memref<16x16xf32, #tpu.memory_space<vmem>>, vector<16xf32>,
    %swap3A_203 = arith.constant 10 : i32
    %swap3A_204 = arith.index_cast %swap3A_203 : i32 to index
    %swap3A_205 = arith.constant 0 : index
    %swap3A_206 = tpu.vector_load %arg19[%swap3A_204, %swap3A_205] {strides = array<i32>} : memref<16x64xf32, #tpu.memory_space<vmem>>, vector<16xf32>,
    tpu.vector_store %arg19[%swap3A_204, %swap3A_205], %broadcast_in_dim3A_1 {strides = array<i32>} : memref<16x64xf32, #tpu.memory_space<vmem>>, vector<16xf32>,
    %swap3A_207 = arith.constant 10 : i32
    %swap3A_208 = arith.index_cast %swap3A_207 : i32 to index
    %swap3A_209 = arith.constant 16 : index
    %swap3A_210 = tpu.vector_load %arg19[%swap3A_208, %swap3A_209] {strides = array<i32>} : memref<16x64xf32, #tpu.memory_space<vmem>>, vector<16xf32>,
    tpu.vector_store %arg19[%swap3A_208, %swap3A_209], %broadcast_in_dim3A_1 {strides = array<i32>} : memref<16x64xf32, #tpu.memory_space<vmem>>, vector<16xf32>,
    %swap3A_211 = arith.constant 10 : i32
    %swap3A_212 = arith.index_cast %swap3A_211 : i32 to index
    %swap3A_213 = arith.constant 32 : index
    %swap3A_214 = tpu.vector_load %arg19[%swap3A_212, %swap3A_213] {strides = array<i32>} : memref<16x64xf32, #tpu.memory_space<vmem>>, vector<16xf32>,
    tpu.vector_store %arg19[%swap3A_212, %swap3A_213], %broadcast_in_dim3A_1 {strides = array<i32>} : memref<16x64xf32, #tpu.memory_space<vmem>>, vector<16xf32>,
    %swap3A_215 = arith.constant 10 : i32
    %swap3A_216 = arith.index_cast %swap3A_215 : i32 to index
    %swap3A_217 = arith.constant 48 : index
    %swap3A_218 = tpu.vector_load %arg19[%swap3A_216, %swap3A_217] {strides = array<i32>} : memref<16x64xf32, #tpu.memory_space<vmem>>, vector<16xf32>,
    tpu.vector_store %arg19[%swap3A_216, %swap3A_217], %broadcast_in_dim3A_1 {strides = array<i32>} : memref<16x64xf32, #tpu.memory_space<vmem>>, vector<16xf32>,
    %swap3A_219 = arith.constant 10 : i32
    %swap3A_220 = arith.index_cast %swap3A_219 : i32 to index
    %swap3A_221 = arith.constant 0 : index
    %swap3A_222 = tpu.vector_load %arg16[%swap3A_220, %swap3A_221] {strides = array<i32>} : memref<16x16xf32, #tpu.memory_space<vmem>>, vector<16xf32>,
    tpu.vector_store %arg16[%swap3A_220, %swap3A_221], %broadcast_in_dim3A_1 {strides = array<i32>} : memref<16x16xf32, #tpu.memory_space<vmem>>, vector<16xf32>,
    %swap3A_223 = arith.constant 11 : i32
    %swap3A_224 = arith.index_cast %swap3A_223 : i32 to index
    %swap3A_225 = arith.constant 0 : index
    %swap3A_226 = tpu.vector_load %arg19[%swap3A_224, %swap3A_225] {strides = array<i32>} : memref<16x64xf32, #tpu.memory_space<vmem>>, vector<16xf32>,
    tpu.vector_store %arg19[%swap3A_224, %swap3A_225], %broadcast_in_dim3A_1 {strides = array<i32>} : memref<16x64xf32, #tpu.memory_space<vmem>>, vector<16xf32>,
    %swap3A_227 = arith.constant 11 : i32
    %swap3A_228 = arith.index_cast %swap3A_227 : i32 to index
    %swap3A_229 = arith.constant 16 : index
    %swap3A_230 = tpu.vector_load %arg19[%swap3A_228, %swap3A_229] {strides = array<i32>} : memref<16x64xf32, #tpu.memory_space<vmem>>, vector<16xf32>,
    tpu.vector_store %arg19[%swap3A_228, %swap3A_229], %broadcast_in_dim3A_1 {strides = array<i32>} : memref<16x64xf32, #tpu.memory_space<vmem>>, vector<16xf32>,
    %swap3A_231 = arith.constant 11 : i32
    %swap3A_232 = arith.index_cast %swap3A_231 : i32 to index
    %swap3A_233 = arith.constant 32 : index
    %swap3A_234 = tpu.vector_load %arg19[%swap3A_232, %swap3A_233] {strides = array<i32>} : memref<16x64xf32, #tpu.memory_space<vmem>>, vector<16xf32>,
    tpu.vector_store %arg19[%swap3A_232, %swap3A_233], %broadcast_in_dim3A_1 {strides = array<i32>} : memref<16x64xf32, #tpu.memory_space<vmem>>, vector<16xf32>,
    %swap3A_235 = arith.constant 11 : i32
    %swap3A_236 = arith.index_cast %swap3A_235 : i32 to index
    %swap3A_237 = arith.constant 48 : index
    %swap3A_238 = tpu.vector_load %arg19[%swap3A_236, %swap3A_237] {strides = array<i32>} : memref<16x64xf32, #tpu.memory_space<vmem>>, vector<16xf32>,
    tpu.vector_store %arg19[%swap3A_236, %swap3A_237], %broadcast_in_dim3A_1 {strides = array<i32>} : memref<16x64xf32, #tpu.memory_space<vmem>>, vector<16xf32>,
    %swap3A_239 = arith.constant 11 : i32
    %swap3A_240 = arith.index_cast %swap3A_239 : i32 to index
    %swap3A_241 = arith.constant 0 : index
    %swap3A_242 = tpu.vector_load %arg16[%swap3A_240, %swap3A_241] {strides = array<i32>} : memref<16x16xf32, #tpu.memory_space<vmem>>, vector<16xf32>,
    tpu.vector_store %arg16[%swap3A_240, %swap3A_241], %broadcast_in_dim3A_1 {strides = array<i32>} : memref<16x16xf32, #tpu.memory_space<vmem>>, vector<16xf32>,
    %swap3A_243 = arith.constant 12 : i32
    %swap3A_244 = arith.index_cast %swap3A_243 : i32 to index
    %swap3A_245 = arith.constant 0 : index
    %swap3A_246 = tpu.vector_load %arg19[%swap3A_244, %swap3A_245] {strides = array<i32>} : memref<16x64xf32, #tpu.memory_space<vmem>>, vector<16xf32>,
    tpu.vector_store %arg19[%swap3A_244, %swap3A_245], %broadcast_in_dim3A_1 {strides = array<i32>} : memref<16x64xf32, #tpu.memory_space<vmem>>, vector<16xf32>,
    %swap3A_247 = arith.constant 12 : i32
    %swap3A_248 = arith.index_cast %swap3A_247 : i32 to index
    %swap3A_249 = arith.constant 16 : index
    %swap3A_250 = tpu.vector_load %arg19[%swap3A_248, %swap3A_249] {strides = array<i32>} : memref<16x64xf32, #tpu.memory_space<vmem>>, vector<16xf32>,
    tpu.vector_store %arg19[%swap3A_248, %swap3A_249], %broadcast_in_dim3A_1 {strides = array<i32>} : memref<16x64xf32, #tpu.memory_space<vmem>>, vector<16xf32>,
    %swap3A_251 = arith.constant 12 : i32
    %swap3A_252 = arith.index_cast %swap3A_251 : i32 to index
    %swap3A_253 = arith.constant 32 : index
    %swap3A_254 = tpu.vector_load %arg19[%swap3A_252, %swap3A_253] {strides = array<i32>} : memref<16x64xf32, #tpu.memory_space<vmem>>, vector<16xf32>,
    tpu.vector_store %arg19[%swap3A_252, %swap3A_253], %broadcast_in_dim3A_1 {strides = array<i32>} : memref<16x64xf32, #tpu.memory_space<vmem>>, vector<16xf32>,
    %swap3A_255 = arith.constant 12 : i32
    %swap3A_256 = arith.index_cast %swap3A_255 : i32 to index
    %swap3A_257 = arith.constant 48 : index
    %swap3A_258 = tpu.vector_load %arg19[%swap3A_256, %swap3A_257] {strides = array<i32>} : memref<16x64xf32, #tpu.memory_space<vmem>>, vector<16xf32>,
    tpu.vector_store %arg19[%swap3A_256, %swap3A_257], %broadcast_in_dim3A_1 {strides = array<i32>} : memref<16x64xf32, #tpu.memory_space<vmem>>, vector<16xf32>,
    %swap3A_259 = arith.constant 12 : i32
    %swap3A_260 = arith.index_cast %swap3A_259 : i32 to index
    %swap3A_261 = arith.constant 0 : index
    %swap3A_262 = tpu.vector_load %arg16[%swap3A_260, %swap3A_261] {strides = array<i32>} : memref<16x16xf32, #tpu.memory_space<vmem>>, vector<16xf32>,
    tpu.vector_store %arg16[%swap3A_260, %swap3A_261], %broadcast_in_dim3A_1 {strides = array<i32>} : memref<16x16xf32, #tpu.memory_space<vmem>>, vector<16xf32>,
    %swap3A_263 = arith.constant 13 : i32
    %swap3A_264 = arith.index_cast %swap3A_263 : i32 to index
    %swap3A_265 = arith.constant 0 : index
    %swap3A_266 = tpu.vector_load %arg19[%swap3A_264, %swap3A_265] {strides = array<i32>} : memref<16x64xf32, #tpu.memory_space<vmem>>, vector<16xf32>,
    tpu.vector_store %arg19[%swap3A_264, %swap3A_265], %broadcast_in_dim3A_1 {strides = array<i32>} : memref<16x64xf32, #tpu.memory_space<vmem>>, vector<16xf32>,
    %swap3A_267 = arith.constant 13 : i32
    %swap3A_268 = arith.index_cast %swap3A_267 : i32 to index
    %swap3A_269 = arith.constant 16 : index
    %swap3A_270 = tpu.vector_load %arg19[%swap3A_268, %swap3A_269] {strides = array<i32>} : memref<16x64xf32, #tpu.memory_space<vmem>>, vector<16xf32>,
    tpu.vector_store %arg19[%swap3A_268, %swap3A_269], %broadcast_in_dim3A_1 {strides = array<i32>} : memref<16x64xf32, #tpu.memory_space<vmem>>, vector<16xf32>,
    %swap3A_271 = arith.constant 13 : i32
    %swap3A_272 = arith.index_cast %swap3A_271 : i32 to index
    %swap3A_273 = arith.constant 32 : index
    %swap3A_274 = tpu.vector_load %arg19[%swap3A_272, %swap3A_273] {strides = array<i32>} : memref<16x64xf32, #tpu.memory_space<vmem>>, vector<16xf32>,
    tpu.vector_store %arg19[%swap3A_272, %swap3A_273], %broadcast_in_dim3A_1 {strides = array<i32>} : memref<16x64xf32, #tpu.memory_space<vmem>>, vector<16xf32>,
    %swap3A_275 = arith.constant 13 : i32
    %swap3A_276 = arith.index_cast %swap3A_275 : i32 to index
    %swap3A_277 = arith.constant 48 : index
    %swap3A_278 = tpu.vector_load %arg19[%swap3A_276, %swap3A_277] {strides = array<i32>} : memref<16x64xf32, #tpu.memory_space<vmem>>, vector<16xf32>,
    tpu.vector_store %arg19[%swap3A_276, %swap3A_277], %broadcast_in_dim3A_1 {strides = array<i32>} : memref<16x64xf32, #tpu.memory_space<vmem>>, vector<16xf32>,
    %swap3A_279 = arith.constant 13 : i32
    %swap3A_280 = arith.index_cast %swap3A_279 : i32 to index
    %swap3A_281 = arith.constant 0 : index
    %swap3A_282 = tpu.vector_load %arg16[%swap3A_280, %swap3A_281] {strides = array<i32>} : memref<16x16xf32, #tpu.memory_space<vmem>>, vector<16xf32>,
    tpu.vector_store %arg16[%swap3A_280, %swap3A_281], %broadcast_in_dim3A_1 {strides = array<i32>} : memref<16x16xf32, #tpu.memory_space<vmem>>, vector<16xf32>,
    %swap3A_283 = arith.constant 14 : i32
    %swap3A_284 = arith.index_cast %swap3A_283 : i32 to index
    %swap3A_285 = arith.constant 0 : index
    %swap3A_286 = tpu.vector_load %arg19[%swap3A_284, %swap3A_285] {strides = array<i32>} : memref<16x64xf32, #tpu.memory_space<vmem>>, vector<16xf32>,
    tpu.vector_store %arg19[%swap3A_284, %swap3A_285], %broadcast_in_dim3A_1 {strides = array<i32>} : memref<16x64xf32, #tpu.memory_space<vmem>>, vector<16xf32>,
    %swap3A_287 = arith.constant 14 : i32
    %swap3A_288 = arith.index_cast %swap3A_287 : i32 to index
    %swap3A_289 = arith.constant 16 : index
    %swap3A_290 = tpu.vector_load %arg19[%swap3A_288, %swap3A_289] {strides = array<i32>} : memref<16x64xf32, #tpu.memory_space<vmem>>, vector<16xf32>,
    tpu.vector_store %arg19[%swap3A_288, %swap3A_289], %broadcast_in_dim3A_1 {strides = array<i32>} : memref<16x64xf32, #tpu.memory_space<vmem>>, vector<16xf32>,
    %swap3A_291 = arith.constant 14 : i32
    %swap3A_292 = arith.index_cast %swap3A_291 : i32 to index
    %swap3A_293 = arith.constant 32 : index
    %swap3A_294 = tpu.vector_load %arg19[%swap3A_292, %swap3A_293] {strides = array<i32>} : memref<16x64xf32, #tpu.memory_space<vmem>>, vector<16xf32>,
    tpu.vector_store %arg19[%swap3A_292, %swap3A_293], %broadcast_in_dim3A_1 {strides = array<i32>} : memref<16x64xf32, #tpu.memory_space<vmem>>, vector<16xf32>,
    %swap3A_295 = arith.constant 14 : i32
    %swap3A_296 = arith.index_cast %swap3A_295 : i32 to index
    %swap3A_297 = arith.constant 48 : index
    %swap3A_298 = tpu.vector_load %arg19[%swap3A_296, %swap3A_297] {strides = array<i32>} : memref<16x64xf32, #tpu.memory_space<vmem>>, vector<16xf32>,
    tpu.vector_store %arg19[%swap3A_296, %swap3A_297], %broadcast_in_dim3A_1 {strides = array<i32>} : memref<16x64xf32, #tpu.memory_space<vmem>>, vector<16xf32>,
    %swap3A_299 = arith.constant 14 : i32
    %swap3A_300 = arith.index_cast %swap3A_299 : i32 to index
    %swap3A_301 = arith.constant 0 : index
    %swap3A_302 = tpu.vector_load %arg16[%swap3A_300, %swap3A_301] {strides = array<i32>} : memref<16x16xf32, #tpu.memory_space<vmem>>, vector<16xf32>,
    tpu.vector_store %arg16[%swap3A_300, %swap3A_301], %broadcast_in_dim3A_1 {strides = array<i32>} : memref<16x16xf32, #tpu.memory_space<vmem>>, vector<16xf32>,
    %swap3A_303 = arith.constant 15 : i32
    %swap3A_304 = arith.index_cast %swap3A_303 : i32 to index
    %swap3A_305 = arith.constant 0 : index
    %swap3A_306 = tpu.vector_load %arg19[%swap3A_304, %swap3A_305] {strides = array<i32>} : memref<16x64xf32, #tpu.memory_space<vmem>>, vector<16xf32>,
    tpu.vector_store %arg19[%swap3A_304, %swap3A_305], %broadcast_in_dim3A_1 {strides = array<i32>} : memref<16x64xf32, #tpu.memory_space<vmem>>, vector<16xf32>,
    %swap3A_307 = arith.constant 15 : i32
    %swap3A_308 = arith.index_cast %swap3A_307 : i32 to index
    %swap3A_309 = arith.constant 16 : index
    %swap3A_310 = tpu.vector_load %arg19[%swap3A_308, %swap3A_309] {strides = array<i32>} : memref<16x64xf32, #tpu.memory_space<vmem>>, vector<16xf32>,
    tpu.vector_store %arg19[%swap3A_308, %swap3A_309], %broadcast_in_dim3A_1 {strides = array<i32>} : memref<16x64xf32, #tpu.memory_space<vmem>>, vector<16xf32>,
    %swap3A_311 = arith.constant 15 : i32
    %swap3A_312 = arith.index_cast %swap3A_311 : i32 to index
    %swap3A_313 = arith.constant 32 : index
    %swap3A_314 = tpu.vector_load %arg19[%swap3A_312, %swap3A_313] {strides = array<i32>} : memref<16x64xf32, #tpu.memory_space<vmem>>, vector<16xf32>,
    tpu.vector_store %arg19[%swap3A_312, %swap3A_313], %broadcast_in_dim3A_1 {strides = array<i32>} : memref<16x64xf32, #tpu.memory_space<vmem>>, vector<16xf32>,
    %swap3A_315 = arith.constant 15 : i32
    %swap3A_316 = arith.index_cast %swap3A_315 : i32 to index
    %swap3A_317 = arith.constant 48 : index
    %swap3A_318 = tpu.vector_load %arg19[%swap3A_316, %swap3A_317] {strides = array<i32>} : memref<16x64xf32, #tpu.memory_space<vmem>>, vector<16xf32>,
    tpu.vector_store %arg19[%swap3A_316, %swap3A_317], %broadcast_in_dim3A_1 {strides = array<i32>} : memref<16x64xf32, #tpu.memory_space<vmem>>, vector<16xf32>,
    %swap3A_319 = arith.constant 15 : i32
    %swap3A_320 = arith.index_cast %swap3A_319 : i32 to index
    %swap3A_321 = arith.constant 0 : index
    %swap3A_322 = tpu.vector_load %arg16[%swap3A_320, %swap3A_321] {strides = array<i32>} : memref<16x16xf32, #tpu.memory_space<vmem>>, vector<16xf32>,
    tpu.vector_store %arg16[%swap3A_320, %swap3A_321], %broadcast_in_dim3A_1 {strides = array<i32>} : memref<16x16xf32, #tpu.memory_space<vmem>>, vector<16xf32>,
    %swap3A_323 = arith.constant 0 : i32
    %swap3A_324 = arith.index_cast %swap3A_323 : i32 to index
    %swap3A_325 = arith.constant 0 : index
    %swap3A_326 = tpu.vector_load %arg15[%swap3A_324, %swap3A_325] {strides = array<i32>} : memref<128x16xf32, #tpu.memory_space<vmem>>, vector<16xf32>,
    tpu.vector_store %arg15[%swap3A_324, %swap3A_325], %broadcast_in_dim3A_3 {strides = array<i32>} : memref<128x16xf32, #tpu.memory_space<vmem>>, vector<16xf32>,
    %swap3A_327 = arith.constant 1 : i32
    %swap3A_328 = arith.index_cast %swap3A_327 : i32 to index
    %swap3A_329 = arith.constant 0 : index
    %swap3A_330 = tpu.vector_load %arg15[%swap3A_328, %swap3A_329] {strides = array<i32>} : memref<128x16xf32, #tpu.memory_space<vmem>>, vector<16xf32>,
    tpu.vector_store %arg15[%swap3A_328, %swap3A_329], %broadcast_in_dim3A_3 {strides = array<i32>} : memref<128x16xf32, #tpu.memory_space<vmem>>, vector<16xf32>,
    %swap3A_331 = arith.constant 2 : i32
    %swap3A_332 = arith.index_cast %swap3A_331 : i32 to index
    %swap3A_333 = arith.constant 0 : index
    %swap3A_334 = tpu.vector_load %arg15[%swap3A_332, %swap3A_333] {strides = array<i32>} : memref<128x16xf32, #tpu.memory_space<vmem>>, vector<16xf32>,
    tpu.vector_store %arg15[%swap3A_332, %swap3A_333], %broadcast_in_dim3A_3 {strides = array<i32>} : memref<128x16xf32, #tpu.memory_space<vmem>>, vector<16xf32>,
    %swap3A_335 = arith.constant 3 : i32
    %swap3A_336 = arith.index_cast %swap3A_335 : i32 to index
    %swap3A_337 = arith.constant 0 : index
    %swap3A_338 = tpu.vector_load %arg15[%swap3A_336, %swap3A_337] {strides = array<i32>} : memref<128x16xf32, #tpu.memory_space<vmem>>, vector<16xf32>,
    tpu.vector_store %arg15[%swap3A_336, %swap3A_337], %broadcast_in_dim3A_3 {strides = array<i32>} : memref<128x16xf32, #tpu.memory_space<vmem>>, vector<16xf32>,
    %swap3A_339 = arith.constant 4 : i32
    %swap3A_340 = arith.index_cast %swap3A_339 : i32 to index
    %swap3A_341 = arith.constant 0 : index
    %swap3A_342 = tpu.vector_load %arg15[%swap3A_340, %swap3A_341] {strides = array<i32>} : memref<128x16xf32, #tpu.memory_space<vmem>>, vector<16xf32>,
    tpu.vector_store %arg15[%swap3A_340, %swap3A_341], %broadcast_in_dim3A_3 {strides = array<i32>} : memref<128x16xf32, #tpu.memory_space<vmem>>, vector<16xf32>,
    %swap3A_343 = arith.constant 5 : i32
    %swap3A_344 = arith.index_cast %swap3A_343 : i32 to index
    %swap3A_345 = arith.constant 0 : index
    %swap3A_346 = tpu.vector_load %arg15[%swap3A_344, %swap3A_345] {strides = array<i32>} : memref<128x16xf32, #tpu.memory_space<vmem>>, vector<16xf32>,
    tpu.vector_store %arg15[%swap3A_344, %swap3A_345], %broadcast_in_dim3A_3 {strides = array<i32>} : memref<128x16xf32, #tpu.memory_space<vmem>>, vector<16xf32>,
    %swap3A_347 = arith.constant 6 : i32
    %swap3A_348 = arith.index_cast %swap3A_347 : i32 to index
    %swap3A_349 = arith.constant 0 : index
    %swap3A_350 = tpu.vector_load %arg15[%swap3A_348, %swap3A_349] {strides = array<i32>} : memref<128x16xf32, #tpu.memory_space<vmem>>, vector<16xf32>,
    tpu.vector_store %arg15[%swap3A_348, %swap3A_349], %broadcast_in_dim3A_3 {strides = array<i32>} : memref<128x16xf32, #tpu.memory_space<vmem>>, vector<16xf32>,
    %swap3A_351 = arith.constant 7 : i32
    %swap3A_352 = arith.index_cast %swap3A_351 : i32 to index
    %swap3A_353 = arith.constant 0 : index
    %swap3A_354 = tpu.vector_load %arg15[%swap3A_352, %swap3A_353] {strides = array<i32>} : memref<128x16xf32, #tpu.memory_space<vmem>>, vector<16xf32>,
    tpu.vector_store %arg15[%swap3A_352, %swap3A_353], %broadcast_in_dim3A_3 {strides = array<i32>} : memref<128x16xf32, #tpu.memory_space<vmem>>, vector<16xf32>,
    %swap3A_355 = arith.constant 8 : i32
    %swap3A_356 = arith.index_cast %swap3A_355 : i32 to index
    %swap3A_357 = arith.constant 0 : index
    %swap3A_358 = tpu.vector_load %arg15[%swap3A_356, %swap3A_357] {strides = array<i32>} : memref<128x16xf32, #tpu.memory_space<vmem>>, vector<16xf32>,
    tpu.vector_store %arg15[%swap3A_356, %swap3A_357], %broadcast_in_dim3A_3 {strides = array<i32>} : memref<128x16xf32, #tpu.memory_space<vmem>>, vector<16xf32>,
    %swap3A_359 = arith.constant 9 : i32
    %swap3A_360 = arith.index_cast %swap3A_359 : i32 to index
    %swap3A_361 = arith.constant 0 : index
    %swap3A_362 = tpu.vector_load %arg15[%swap3A_360, %swap3A_361] {strides = array<i32>} : memref<128x16xf32, #tpu.memory_space<vmem>>, vector<16xf32>,
    tpu.vector_store %arg15[%swap3A_360, %swap3A_361], %broadcast_in_dim3A_3 {strides = array<i32>} : memref<128x16xf32, #tpu.memory_space<vmem>>, vector<16xf32>,
    %swap3A_363 = arith.constant 10 : i32
    %swap3A_364 = arith.index_cast %swap3A_363 : i32 to index
    %swap3A_365 = arith.constant 0 : index
    %swap3A_366 = tpu.vector_load %arg15[%swap3A_364, %swap3A_365] {strides = array<i32>} : memref<128x16xf32, #tpu.memory_space<vmem>>, vector<16xf32>,
    tpu.vector_store %arg15[%swap3A_364, %swap3A_365], %broadcast_in_dim3A_3 {strides = array<i32>} : memref<128x16xf32, #tpu.memory_space<vmem>>, vector<16xf32>,
    %swap3A_367 = arith.constant 11 : i32
    %swap3A_368 = arith.index_cast %swap3A_367 : i32 to index
    %swap3A_369 = arith.constant 0 : index
    %swap3A_370 = tpu.vector_load %arg15[%swap3A_368, %swap3A_369] {strides = array<i32>} : memref<128x16xf32, #tpu.memory_space<vmem>>, vector<16xf32>,
    tpu.vector_store %arg15[%swap3A_368, %swap3A_369], %broadcast_in_dim3A_3 {strides = array<i32>} : memref<128x16xf32, #tpu.memory_space<vmem>>, vector<16xf32>,
    %swap3A_371 = arith.constant 12 : i32
    %swap3A_372 = arith.index_cast %swap3A_371 : i32 to index
    %swap3A_373 = arith.constant 0 : index
    %swap3A_374 = tpu.vector_load %arg15[%swap3A_372, %swap3A_373] {strides = array<i32>} : memref<128x16xf32, #tpu.memory_space<vmem>>, vector<16xf32>,
    tpu.vector_store %arg15[%swap3A_372, %swap3A_373], %broadcast_in_dim3A_3 {strides = array<i32>} : memref<128x16xf32, #tpu.memory_space<vmem>>, vector<16xf32>,
    %swap3A_375 = arith.constant 13 : i32
    %swap3A_376 = arith.index_cast %swap3A_375 : i32 to index
    %swap3A_377 = arith.constant 0 : index
    %swap3A_378 = tpu.vector_load %arg15[%swap3A_376, %swap3A_377] {strides = array<i32>} : memref<128x16xf32, #tpu.memory_space<vmem>>, vector<16xf32>,
    tpu.vector_store %arg15[%swap3A_376, %swap3A_377], %broadcast_in_dim3A_3 {strides = array<i32>} : memref<128x16xf32, #tpu.memory_space<vmem>>, vector<16xf32>,
    %swap3A_379 = arith.constant 14 : i32
    %swap3A_380 = arith.index_cast %swap3A_379 : i32 to index
    %swap3A_381 = arith.constant 0 : index
    %swap3A_382 = tpu.vector_load %arg15[%swap3A_380, %swap3A_381] {strides = array<i32>} : memref<128x16xf32, #tpu.memory_space<vmem>>, vector<16xf32>,
    tpu.vector_store %arg15[%swap3A_380, %swap3A_381], %broadcast_in_dim3A_3 {strides = array<i32>} : memref<128x16xf32, #tpu.memory_space<vmem>>, vector<16xf32>,
    %swap3A_383 = arith.constant 15 : i32
    %swap3A_384 = arith.index_cast %swap3A_383 : i32 to index
    %swap3A_385 = arith.constant 0 : index
    %swap3A_386 = tpu.vector_load %arg15[%swap3A_384, %swap3A_385] {strides = array<i32>} : memref<128x16xf32, #tpu.memory_space<vmem>>, vector<16xf32>,
    tpu.vector_store %arg15[%swap3A_384, %swap3A_385], %broadcast_in_dim3A_3 {strides = array<i32>} : memref<128x16xf32, #tpu.memory_space<vmem>>, vector<16xf32>,
    %swap3A_387 = arith.constant 16 : i32
    %swap3A_388 = arith.index_cast %swap3A_387 : i32 to index
    %swap3A_389 = arith.constant 0 : index
    %swap3A_390 = tpu.vector_load %arg15[%swap3A_388, %swap3A_389] {strides = array<i32>} : memref<128x16xf32, #tpu.memory_space<vmem>>, vector<16xf32>,
    tpu.vector_store %arg15[%swap3A_388, %swap3A_389], %broadcast_in_dim3A_3 {strides = array<i32>} : memref<128x16xf32, #tpu.memory_space<vmem>>, vector<16xf32>,
    %swap3A_391 = arith.constant 17 : i32
    %swap3A_392 = arith.index_cast %swap3A_391 : i32 to index
    %swap3A_393 = arith.constant 0 : index
    %swap3A_394 = tpu.vector_load %arg15[%swap3A_392, %swap3A_393] {strides = array<i32>} : memref<128x16xf32, #tpu.memory_space<vmem>>, vector<16xf32>,
    tpu.vector_store %arg15[%swap3A_392, %swap3A_393], %broadcast_in_dim3A_3 {strides = array<i32>} : memref<128x16xf32, #tpu.memory_space<vmem>>, vector<16xf32>,
    %swap3A_395 = arith.constant 18 : i32
    %swap3A_396 = arith.index_cast %swap3A_395 : i32 to index
    %swap3A_397 = arith.constant 0 : index
    %swap3A_398 = tpu.vector_load %arg15[%swap3A_396, %swap3A_397] {strides = array<i32>} : memref<128x16xf32, #tpu.memory_space<vmem>>, vector<16xf32>,
    tpu.vector_store %arg15[%swap3A_396, %swap3A_397], %broadcast_in_dim3A_3 {strides = array<i32>} : memref<128x16xf32, #tpu.memory_space<vmem>>, vector<16xf32>,
    %swap3A_399 = arith.constant 19 : i32
    %swap3A_400 = arith.index_cast %swap3A_399 : i32 to index
    %swap3A_401 = arith.constant 0 : index
    %swap3A_402 = tpu.vector_load %arg15[%swap3A_400, %swap3A_401] {strides = array<i32>} : memref<128x16xf32, #tpu.memory_space<vmem>>, vector<16xf32>,
    tpu.vector_store %arg15[%swap3A_400, %swap3A_401], %broadcast_in_dim3A_3 {strides = array<i32>} : memref<128x16xf32, #tpu.memory_space<vmem>>, vector<16xf32>,
    %swap3A_403 = arith.constant 20 : i32
    %swap3A_404 = arith.index_cast %swap3A_403 : i32 to index
    %swap3A_405 = arith.constant 0 : index
    %swap3A_406 = tpu.vector_load %arg15[%swap3A_404, %swap3A_405] {strides = array<i32>} : memref<128x16xf32, #tpu.memory_space<vmem>>, vector<16xf32>,
    tpu.vector_store %arg15[%swap3A_404, %swap3A_405], %broadcast_in_dim3A_3 {strides = array<i32>} : memref<128x16xf32, #tpu.memory_space<vmem>>, vector<16xf32>,
    %swap3A_407 = arith.constant 21 : i32
    %swap3A_408 = arith.index_cast %swap3A_407 : i32 to index
    %swap3A_409 = arith.constant 0 : index
    %swap3A_410 = tpu.vector_load %arg15[%swap3A_408, %swap3A_409] {strides = array<i32>} : memref<128x16xf32, #tpu.memory_space<vmem>>, vector<16xf32>,
    tpu.vector_store %arg15[%swap3A_408, %swap3A_409], %broadcast_in_dim3A_3 {strides = array<i32>} : memref<128x16xf32, #tpu.memory_space<vmem>>, vector<16xf32>,
    %swap3A_411 = arith.constant 22 : i32
    %swap3A_412 = arith.index_cast %swap3A_411 : i32 to index
    %swap3A_413 = arith.constant 0 : index
    %swap3A_414 = tpu.vector_load %arg15[%swap3A_412, %swap3A_413] {strides = array<i32>} : memref<128x16xf32, #tpu.memory_space<vmem>>, vector<16xf32>,
    tpu.vector_store %arg15[%swap3A_412, %swap3A_413], %broadcast_in_dim3A_3 {strides = array<i32>} : memref<128x16xf32, #tpu.memory_space<vmem>>, vector<16xf32>,
    %swap3A_415 = arith.constant 23 : i32
    %swap3A_416 = arith.index_cast %swap3A_415 : i32 to index
    %swap3A_417 = arith.constant 0 : index
    %swap3A_418 = tpu.vector_load %arg15[%swap3A_416, %swap3A_417] {strides = array<i32>} : memref<128x16xf32, #tpu.memory_space<vmem>>, vector<16xf32>,
    tpu.vector_store %arg15[%swap3A_416, %swap3A_417], %broadcast_in_dim3A_3 {strides = array<i32>} : memref<128x16xf32, #tpu.memory_space<vmem>>, vector<16xf32>,
    %swap3A_419 = arith.constant 24 : i32
    %swap3A_420 = arith.index_cast %swap3A_419 : i32 to index
    %swap3A_421 = arith.constant 0 : index
    %swap3A_422 = tpu.vector_load %arg15[%swap3A_420, %swap3A_421] {strides = array<i32>} : memref<128x16xf32, #tpu.memory_space<vmem>>, vector<16xf32>,
    tpu.vector_store %arg15[%swap3A_420, %swap3A_421], %broadcast_in_dim3A_3 {strides = array<i32>} : memref<128x16xf32, #tpu.memory_space<vmem>>, vector<16xf32>,
    %swap3A_423 = arith.constant 25 : i32
    %swap3A_424 = arith.index_cast %swap3A_423 : i32 to index
    %swap3A_425 = arith.constant 0 : index
    %swap3A_426 = tpu.vector_load %arg15[%swap3A_424, %swap3A_425] {strides = array<i32>} : memref<128x16xf32, #tpu.memory_space<vmem>>, vector<16xf32>,
    tpu.vector_store %arg15[%swap3A_424, %swap3A_425], %broadcast_in_dim3A_3 {strides = array<i32>} : memref<128x16xf32, #tpu.memory_space<vmem>>, vector<16xf32>,
    %swap3A_427 = arith.constant 26 : i32
    %swap3A_428 = arith.index_cast %swap3A_427 : i32 to index
    %swap3A_429 = arith.constant 0 : index
    %swap3A_430 = tpu.vector_load %arg15[%swap3A_428, %swap3A_429] {strides = array<i32>} : memref<128x16xf32, #tpu.memory_space<vmem>>, vector<16xf32>,
    tpu.vector_store %arg15[%swap3A_428, %swap3A_429], %broadcast_in_dim3A_3 {strides = array<i32>} : memref<128x16xf32, #tpu.memory_space<vmem>>, vector<16xf32>,
    %swap3A_431 = arith.constant 27 : i32
    %swap3A_432 = arith.index_cast %swap3A_431 : i32 to index
    %swap3A_433 = arith.constant 0 : index
    %swap3A_434 = tpu.vector_load %arg15[%swap3A_432, %swap3A_433] {strides = array<i32>} : memref<128x16xf32, #tpu.memory_space<vmem>>, vector<16xf32>,
    tpu.vector_store %arg15[%swap3A_432, %swap3A_433], %broadcast_in_dim3A_3 {strides = array<i32>} : memref<128x16xf32, #tpu.memory_space<vmem>>, vector<16xf32>,
    %swap3A_435 = arith.constant 28 : i32
    %swap3A_436 = arith.index_cast %swap3A_435 : i32 to index
    %swap3A_437 = arith.constant 0 : index
    %swap3A_438 = tpu.vector_load %arg15[%swap3A_436, %swap3A_437] {strides = array<i32>} : memref<128x16xf32, #tpu.memory_space<vmem>>, vector<16xf32>,
    tpu.vector_store %arg15[%swap3A_436, %swap3A_437], %broadcast_in_dim3A_3 {strides = array<i32>} : memref<128x16xf32, #tpu.memory_space<vmem>>, vector<16xf32>,
    %swap3A_439 = arith.constant 29 : i32
    %swap3A_440 = arith.index_cast %swap3A_439 : i32 to index
    %swap3A_441 = arith.constant 0 : index
    %swap3A_442 = tpu.vector_load %arg15[%swap3A_440, %swap3A_441] {strides = array<i32>} : memref<128x16xf32, #tpu.memory_space<vmem>>, vector<16xf32>,
    tpu.vector_store %arg15[%swap3A_440, %swap3A_441], %broadcast_in_dim3A_3 {strides = array<i32>} : memref<128x16xf32, #tpu.memory_space<vmem>>, vector<16xf32>,
    %swap3A_443 = arith.constant 30 : i32
    %swap3A_444 = arith.index_cast %swap3A_443 : i32 to index
    %swap3A_445 = arith.constant 0 : index
    %swap3A_446 = tpu.vector_load %arg15[%swap3A_444, %swap3A_445] {strides = array<i32>} : memref<128x16xf32, #tpu.memory_space<vmem>>, vector<16xf32>,
    tpu.vector_store %arg15[%swap3A_444, %swap3A_445], %broadcast_in_dim3A_3 {strides = array<i32>} : memref<128x16xf32, #tpu.memory_space<vmem>>, vector<16xf32>,
    %swap3A_447 = arith.constant 31 : i32
    %swap3A_448 = arith.index_cast %swap3A_447 : i32 to index
    %swap3A_449 = arith.constant 0 : index
    %swap3A_450 = tpu.vector_load %arg15[%swap3A_448, %swap3A_449] {strides = array<i32>} : memref<128x16xf32, #tpu.memory_space<vmem>>, vector<16xf32>,
    tpu.vector_store %arg15[%swap3A_448, %swap3A_449], %broadcast_in_dim3A_3 {strides = array<i32>} : memref<128x16xf32, #tpu.memory_space<vmem>>, vector<16xf32>,
    %swap3A_451 = arith.constant 32 : i32
    %swap3A_452 = arith.index_cast %swap3A_451 : i32 to index
    %swap3A_453 = arith.constant 0 : index
    %swap3A_454 = tpu.vector_load %arg15[%swap3A_452, %swap3A_453] {strides = array<i32>} : memref<128x16xf32, #tpu.memory_space<vmem>>, vector<16xf32>,
    tpu.vector_store %arg15[%swap3A_452, %swap3A_453], %broadcast_in_dim3A_3 {strides = array<i32>} : memref<128x16xf32, #tpu.memory_space<vmem>>, vector<16xf32>,
    %swap3A_455 = arith.constant 33 : i32
    %swap3A_456 = arith.index_cast %swap3A_455 : i32 to index
    %swap3A_457 = arith.constant 0 : index
    %swap3A_458 = tpu.vector_load %arg15[%swap3A_456, %swap3A_457] {strides = array<i32>} : memref<128x16xf32, #tpu.memory_space<vmem>>, vector<16xf32>,
    tpu.vector_store %arg15[%swap3A_456, %swap3A_457], %broadcast_in_dim3A_3 {strides = array<i32>} : memref<128x16xf32, #tpu.memory_space<vmem>>, vector<16xf32>,
    %swap3A_459 = arith.constant 34 : i32
    %swap3A_460 = arith.index_cast %swap3A_459 : i32 to index
    %swap3A_461 = arith.constant 0 : index
    %swap3A_462 = tpu.vector_load %arg15[%swap3A_460, %swap3A_461] {strides = array<i32>} : memref<128x16xf32, #tpu.memory_space<vmem>>, vector<16xf32>,
    tpu.vector_store %arg15[%swap3A_460, %swap3A_461], %broadcast_in_dim3A_3 {strides = array<i32>} : memref<128x16xf32, #tpu.memory_space<vmem>>, vector<16xf32>,
    %swap3A_463 = arith.constant 35 : i32
    %swap3A_464 = arith.index_cast %swap3A_463 : i32 to index
    %swap3A_465 = arith.constant 0 : index
    %swap3A_466 = tpu.vector_load %arg15[%swap3A_464, %swap3A_465] {strides = array<i32>} : memref<128x16xf32, #tpu.memory_space<vmem>>, vector<16xf32>,
    tpu.vector_store %arg15[%swap3A_464, %swap3A_465], %broadcast_in_dim3A_3 {strides = array<i32>} : memref<128x16xf32, #tpu.memory_space<vmem>>, vector<16xf32>,
    %swap3A_467 = arith.constant 36 : i32
    %swap3A_468 = arith.index_cast %swap3A_467 : i32 to index
    %swap3A_469 = arith.constant 0 : index
    %swap3A_470 = tpu.vector_load %arg15[%swap3A_468, %swap3A_469] {strides = array<i32>} : memref<128x16xf32, #tpu.memory_space<vmem>>, vector<16xf32>,
    tpu.vector_store %arg15[%swap3A_468, %swap3A_469], %broadcast_in_dim3A_3 {strides = array<i32>} : memref<128x16xf32, #tpu.memory_space<vmem>>, vector<16xf32>,
    %swap3A_471 = arith.constant 37 : i32
    %swap3A_472 = arith.index_cast %swap3A_471 : i32 to index
    %swap3A_473 = arith.constant 0 : index
    %swap3A_474 = tpu.vector_load %arg15[%swap3A_472, %swap3A_473] {strides = array<i32>} : memref<128x16xf32, #tpu.memory_space<vmem>>, vector<16xf32>,
    tpu.vector_store %arg15[%swap3A_472, %swap3A_473], %broadcast_in_dim3A_3 {strides = array<i32>} : memref<128x16xf32, #tpu.memory_space<vmem>>, vector<16xf32>,
    %swap3A_475 = arith.constant 38 : i32
    %swap3A_476 = arith.index_cast %swap3A_475 : i32 to index
    %swap3A_477 = arith.constant 0 : index
    %swap3A_478 = tpu.vector_load %arg15[%swap3A_476, %swap3A_477] {strides = array<i32>} : memref<128x16xf32, #tpu.memory_space<vmem>>, vector<16xf32>,
    tpu.vector_store %arg15[%swap3A_476, %swap3A_477], %broadcast_in_dim3A_3 {strides = array<i32>} : memref<128x16xf32, #tpu.memory_space<vmem>>, vector<16xf32>,
    %swap3A_479 = arith.constant 39 : i32
    %swap3A_480 = arith.index_cast %swap3A_479 : i32 to index
    %swap3A_481 = arith.constant 0 : index
    %swap3A_482 = tpu.vector_load %arg15[%swap3A_480, %swap3A_481] {strides = array<i32>} : memref<128x16xf32, #tpu.memory_space<vmem>>, vector<16xf32>,
    tpu.vector_store %arg15[%swap3A_480, %swap3A_481], %broadcast_in_dim3A_3 {strides = array<i32>} : memref<128x16xf32, #tpu.memory_space<vmem>>, vector<16xf32>,
    %swap3A_483 = arith.constant 40 : i32
    %swap3A_484 = arith.index_cast %swap3A_483 : i32 to index
    %swap3A_485 = arith.constant 0 : index
    %swap3A_486 = tpu.vector_load %arg15[%swap3A_484, %swap3A_485] {strides = array<i32>} : memref<128x16xf32, #tpu.memory_space<vmem>>, vector<16xf32>,
    tpu.vector_store %arg15[%swap3A_484, %swap3A_485], %broadcast_in_dim3A_3 {strides = array<i32>} : memref<128x16xf32, #tpu.memory_space<vmem>>, vector<16xf32>,
    %swap3A_487 = arith.constant 41 : i32
    %swap3A_488 = arith.index_cast %swap3A_487 : i32 to index
    %swap3A_489 = arith.constant 0 : index
    %swap3A_490 = tpu.vector_load %arg15[%swap3A_488, %swap3A_489] {strides = array<i32>} : memref<128x16xf32, #tpu.memory_space<vmem>>, vector<16xf32>,
    tpu.vector_store %arg15[%swap3A_488, %swap3A_489], %broadcast_in_dim3A_3 {strides = array<i32>} : memref<128x16xf32, #tpu.memory_space<vmem>>, vector<16xf32>,
    %swap3A_491 = arith.constant 42 : i32
    %swap3A_492 = arith.index_cast %swap3A_491 : i32 to index
    %swap3A_493 = arith.constant 0 : index
    %swap3A_494 = tpu.vector_load %arg15[%swap3A_492, %swap3A_493] {strides = array<i32>} : memref<128x16xf32, #tpu.memory_space<vmem>>, vector<16xf32>,
    tpu.vector_store %arg15[%swap3A_492, %swap3A_493], %broadcast_in_dim3A_3 {strides = array<i32>} : memref<128x16xf32, #tpu.memory_space<vmem>>, vector<16xf32>,
    %swap3A_495 = arith.constant 43 : i32
    %swap3A_496 = arith.index_cast %swap3A_495 : i32 to index
    %swap3A_497 = arith.constant 0 : index
    %swap3A_498 = tpu.vector_load %arg15[%swap3A_496, %swap3A_497] {strides = array<i32>} : memref<128x16xf32, #tpu.memory_space<vmem>>, vector<16xf32>,
    tpu.vector_store %arg15[%swap3A_496, %swap3A_497], %broadcast_in_dim3A_3 {strides = array<i32>} : memref<128x16xf32, #tpu.memory_space<vmem>>, vector<16xf32>,
    %swap3A_499 = arith.constant 44 : i32
    %swap3A_500 = arith.index_cast %swap3A_499 : i32 to index
    %swap3A_501 = arith.constant 0 : index
    %swap3A_502 = tpu.vector_load %arg15[%swap3A_500, %swap3A_501] {strides = array<i32>} : memref<128x16xf32, #tpu.memory_space<vmem>>, vector<16xf32>,
    tpu.vector_store %arg15[%swap3A_500, %swap3A_501], %broadcast_in_dim3A_3 {strides = array<i32>} : memref<128x16xf32, #tpu.memory_space<vmem>>, vector<16xf32>,
    %swap3A_503 = arith.constant 45 : i32
    %swap3A_504 = arith.index_cast %swap3A_503 : i32 to index
    %swap3A_505 = arith.constant 0 : index
    %swap3A_506 = tpu.vector_load %arg15[%swap3A_504, %swap3A_505] {strides = array<i32>} : memref<128x16xf32, #tpu.memory_space<vmem>>, vector<16xf32>,
    tpu.vector_store %arg15[%swap3A_504, %swap3A_505], %broadcast_in_dim3A_3 {strides = array<i32>} : memref<128x16xf32, #tpu.memory_space<vmem>>, vector<16xf32>,
    %swap3A_507 = arith.constant 46 : i32
    %swap3A_508 = arith.index_cast %swap3A_507 : i32 to index
    %swap3A_509 = arith.constant 0 : index
    %swap3A_510 = tpu.vector_load %arg15[%swap3A_508, %swap3A_509] {strides = array<i32>} : memref<128x16xf32, #tpu.memory_space<vmem>>, vector<16xf32>,
    tpu.vector_store %arg15[%swap3A_508, %swap3A_509], %broadcast_in_dim3A_3 {strides = array<i32>} : memref<128x16xf32, #tpu.memory_space<vmem>>, vector<16xf32>,
    %swap3A_511 = arith.constant 47 : i32
    %swap3A_512 = arith.index_cast %swap3A_511 : i32 to index
    %swap3A_513 = arith.constant 0 : index
    %swap3A_514 = tpu.vector_load %arg15[%swap3A_512, %swap3A_513] {strides = array<i32>} : memref<128x16xf32, #tpu.memory_space<vmem>>, vector<16xf32>,
    tpu.vector_store %arg15[%swap3A_512, %swap3A_513], %broadcast_in_dim3A_3 {strides = array<i32>} : memref<128x16xf32, #tpu.memory_space<vmem>>, vector<16xf32>,
    %swap3A_515 = arith.constant 48 : i32
    %swap3A_516 = arith.index_cast %swap3A_515 : i32 to index
    %swap3A_517 = arith.constant 0 : index
    %swap3A_518 = tpu.vector_load %arg15[%swap3A_516, %swap3A_517] {strides = array<i32>} : memref<128x16xf32, #tpu.memory_space<vmem>>, vector<16xf32>,
    tpu.vector_store %arg15[%swap3A_516, %swap3A_517], %broadcast_in_dim3A_3 {strides = array<i32>} : memref<128x16xf32, #tpu.memory_space<vmem>>, vector<16xf32>,
    %swap3A_519 = arith.constant 49 : i32
    %swap3A_520 = arith.index_cast %swap3A_519 : i32 to index
    %swap3A_521 = arith.constant 0 : index
    %swap3A_522 = tpu.vector_load %arg15[%swap3A_520, %swap3A_521] {strides = array<i32>} : memref<128x16xf32, #tpu.memory_space<vmem>>, vector<16xf32>,
    tpu.vector_store %arg15[%swap3A_520, %swap3A_521], %broadcast_in_dim3A_3 {strides = array<i32>} : memref<128x16xf32, #tpu.memory_space<vmem>>, vector<16xf32>,
    %swap3A_523 = arith.constant 50 : i32
    %swap3A_524 = arith.index_cast %swap3A_523 : i32 to index
    %swap3A_525 = arith.constant 0 : index
    %swap3A_526 = tpu.vector_load %arg15[%swap3A_524, %swap3A_525] {strides = array<i32>} : memref<128x16xf32, #tpu.memory_space<vmem>>, vector<16xf32>,
    tpu.vector_store %arg15[%swap3A_524, %swap3A_525], %broadcast_in_dim3A_3 {strides = array<i32>} : memref<128x16xf32, #tpu.memory_space<vmem>>, vector<16xf32>,
    %swap3A_527 = arith.constant 51 : i32
    %swap3A_528 = arith.index_cast %swap3A_527 : i32 to index
    %swap3A_529 = arith.constant 0 : index
    %swap3A_530 = tpu.vector_load %arg15[%swap3A_528, %swap3A_529] {strides = array<i32>} : memref<128x16xf32, #tpu.memory_space<vmem>>, vector<16xf32>,
    tpu.vector_store %arg15[%swap3A_528, %swap3A_529], %broadcast_in_dim3A_3 {strides = array<i32>} : memref<128x16xf32, #tpu.memory_space<vmem>>, vector<16xf32>,
    %swap3A_531 = arith.constant 52 : i32
    %swap3A_532 = arith.index_cast %swap3A_531 : i32 to index
    %swap3A_533 = arith.constant 0 : index
    %swap3A_534 = tpu.vector_load %arg15[%swap3A_532, %swap3A_533] {strides = array<i32>} : memref<128x16xf32, #tpu.memory_space<vmem>>, vector<16xf32>,
    tpu.vector_store %arg15[%swap3A_532, %swap3A_533], %broadcast_in_dim3A_3 {strides = array<i32>} : memref<128x16xf32, #tpu.memory_space<vmem>>, vector<16xf32>,
    %swap3A_535 = arith.constant 53 : i32
    %swap3A_536 = arith.index_cast %swap3A_535 : i32 to index
    %swap3A_537 = arith.constant 0 : index
    %swap3A_538 = tpu.vector_load %arg15[%swap3A_536, %swap3A_537] {strides = array<i32>} : memref<128x16xf32, #tpu.memory_space<vmem>>, vector<16xf32>,
    tpu.vector_store %arg15[%swap3A_536, %swap3A_537], %broadcast_in_dim3A_3 {strides = array<i32>} : memref<128x16xf32, #tpu.memory_space<vmem>>, vector<16xf32>,
    %swap3A_539 = arith.constant 54 : i32
    %swap3A_540 = arith.index_cast %swap3A_539 : i32 to index
    %swap3A_541 = arith.constant 0 : index
    %swap3A_542 = tpu.vector_load %arg15[%swap3A_540, %swap3A_541] {strides = array<i32>} : memref<128x16xf32, #tpu.memory_space<vmem>>, vector<16xf32>,
    tpu.vector_store %arg15[%swap3A_540, %swap3A_541], %broadcast_in_dim3A_3 {strides = array<i32>} : memref<128x16xf32, #tpu.memory_space<vmem>>, vector<16xf32>,
    %swap3A_543 = arith.constant 55 : i32
    %swap3A_544 = arith.index_cast %swap3A_543 : i32 to index
    %swap3A_545 = arith.constant 0 : index
    %swap3A_546 = tpu.vector_load %arg15[%swap3A_544, %swap3A_545] {strides = array<i32>} : memref<128x16xf32, #tpu.memory_space<vmem>>, vector<16xf32>,
    tpu.vector_store %arg15[%swap3A_544, %swap3A_545], %broadcast_in_dim3A_3 {strides = array<i32>} : memref<128x16xf32, #tpu.memory_space<vmem>>, vector<16xf32>,
    %swap3A_547 = arith.constant 56 : i32
    %swap3A_548 = arith.index_cast %swap3A_547 : i32 to index
    %swap3A_549 = arith.constant 0 : index
    %swap3A_550 = tpu.vector_load %arg15[%swap3A_548, %swap3A_549] {strides = array<i32>} : memref<128x16xf32, #tpu.memory_space<vmem>>, vector<16xf32>,
    tpu.vector_store %arg15[%swap3A_548, %swap3A_549], %broadcast_in_dim3A_3 {strides = array<i32>} : memref<128x16xf32, #tpu.memory_space<vmem>>, vector<16xf32>,
    %swap3A_551 = arith.constant 57 : i32
    %swap3A_552 = arith.index_cast %swap3A_551 : i32 to index
    %swap3A_553 = arith.constant 0 : index
    %swap3A_554 = tpu.vector_load %arg15[%swap3A_552, %swap3A_553] {strides = array<i32>} : memref<128x16xf32, #tpu.memory_space<vmem>>, vector<16xf32>,
    tpu.vector_store %arg15[%swap3A_552, %swap3A_553], %broadcast_in_dim3A_3 {strides = array<i32>} : memref<128x16xf32, #tpu.memory_space<vmem>>, vector<16xf32>,
    %swap3A_555 = arith.constant 58 : i32
    %swap3A_556 = arith.index_cast %swap3A_555 : i32 to index
    %swap3A_557 = arith.constant 0 : index
    %swap3A_558 = tpu.vector_load %arg15[%swap3A_556, %swap3A_557] {strides = array<i32>} : memref<128x16xf32, #tpu.memory_space<vmem>>, vector<16xf32>,
    tpu.vector_store %arg15[%swap3A_556, %swap3A_557], %broadcast_in_dim3A_3 {strides = array<i32>} : memref<128x16xf32, #tpu.memory_space<vmem>>, vector<16xf32>,
    %swap3A_559 = arith.constant 59 : i32
    %swap3A_560 = arith.index_cast %swap3A_559 : i32 to index
    %swap3A_561 = arith.constant 0 : index
    %swap3A_562 = tpu.vector_load %arg15[%swap3A_560, %swap3A_561] {strides = array<i32>} : memref<128x16xf32, #tpu.memory_space<vmem>>, vector<16xf32>,
    tpu.vector_store %arg15[%swap3A_560, %swap3A_561], %broadcast_in_dim3A_3 {strides = array<i32>} : memref<128x16xf32, #tpu.memory_space<vmem>>, vector<16xf32>,
    %swap3A_563 = arith.constant 60 : i32
    %swap3A_564 = arith.index_cast %swap3A_563 : i32 to index
    %swap3A_565 = arith.constant 0 : index
    %swap3A_566 = tpu.vector_load %arg15[%swap3A_564, %swap3A_565] {strides = array<i32>} : memref<128x16xf32, #tpu.memory_space<vmem>>, vector<16xf32>,
    tpu.vector_store %arg15[%swap3A_564, %swap3A_565], %broadcast_in_dim3A_3 {strides = array<i32>} : memref<128x16xf32, #tpu.memory_space<vmem>>, vector<16xf32>,
    %swap3A_567 = arith.constant 61 : i32
    %swap3A_568 = arith.index_cast %swap3A_567 : i32 to index
    %swap3A_569 = arith.constant 0 : index
    %swap3A_570 = tpu.vector_load %arg15[%swap3A_568, %swap3A_569] {strides = array<i32>} : memref<128x16xf32, #tpu.memory_space<vmem>>, vector<16xf32>,
    tpu.vector_store %arg15[%swap3A_568, %swap3A_569], %broadcast_in_dim3A_3 {strides = array<i32>} : memref<128x16xf32, #tpu.memory_space<vmem>>, vector<16xf32>,
    %swap3A_571 = arith.constant 62 : i32
    %swap3A_572 = arith.index_cast %swap3A_571 : i32 to index
    %swap3A_573 = arith.constant 0 : index
    %swap3A_574 = tpu.vector_load %arg15[%swap3A_572, %swap3A_573] {strides = array<i32>} : memref<128x16xf32, #tpu.memory_space<vmem>>, vector<16xf32>,
    tpu.vector_store %arg15[%swap3A_572, %swap3A_573], %broadcast_in_dim3A_3 {strides = array<i32>} : memref<128x16xf32, #tpu.memory_space<vmem>>, vector<16xf32>,
    %swap3A_575 = arith.constant 63 : i32
    %swap3A_576 = arith.index_cast %swap3A_575 : i32 to index
    %swap3A_577 = arith.constant 0 : index
    %swap3A_578 = tpu.vector_load %arg15[%swap3A_576, %swap3A_577] {strides = array<i32>} : memref<128x16xf32, #tpu.memory_space<vmem>>, vector<16xf32>,
    tpu.vector_store %arg15[%swap3A_576, %swap3A_577], %broadcast_in_dim3A_3 {strides = array<i32>} : memref<128x16xf32, #tpu.memory_space<vmem>>, vector<16xf32>,
    %swap3A_579 = arith.constant 64 : i32
    %swap3A_580 = arith.index_cast %swap3A_579 : i32 to index
    %swap3A_581 = arith.constant 0 : index
    %swap3A_582 = tpu.vector_load %arg15[%swap3A_580, %swap3A_581] {strides = array<i32>} : memref<128x16xf32, #tpu.memory_space<vmem>>, vector<16xf32>,
    tpu.vector_store %arg15[%swap3A_580, %swap3A_581], %broadcast_in_dim3A_3 {strides = array<i32>} : memref<128x16xf32, #tpu.memory_space<vmem>>, vector<16xf32>,
    %swap3A_583 = arith.constant 65 : i32
    %swap3A_584 = arith.index_cast %swap3A_583 : i32 to index
    %swap3A_585 = arith.constant 0 : index
    %swap3A_586 = tpu.vector_load %arg15[%swap3A_584, %swap3A_585] {strides = array<i32>} : memref<128x16xf32, #tpu.memory_space<vmem>>, vector<16xf32>,
    tpu.vector_store %arg15[%swap3A_584, %swap3A_585], %broadcast_in_dim3A_3 {strides = array<i32>} : memref<128x16xf32, #tpu.memory_space<vmem>>, vector<16xf32>,
    %swap3A_587 = arith.constant 66 : i32
    %swap3A_588 = arith.index_cast %swap3A_587 : i32 to index
    %swap3A_589 = arith.constant 0 : index
    %swap3A_590 = tpu.vector_load %arg15[%swap3A_588, %swap3A_589] {strides = array<i32>} : memref<128x16xf32, #tpu.memory_space<vmem>>, vector<16xf32>,
    tpu.vector_store %arg15[%swap3A_588, %swap3A_589], %broadcast_in_dim3A_3 {strides = array<i32>} : memref<128x16xf32, #tpu.memory_space<vmem>>, vector<16xf32>,
    %swap3A_591 = arith.constant 67 : i32
    %swap3A_592 = arith.index_cast %swap3A_591 : i32 to index
    %swap3A_593 = arith.constant 0 : index
    %swap3A_594 = tpu.vector_load %arg15[%swap3A_592, %swap3A_593] {strides = array<i32>} : memref<128x16xf32, #tpu.memory_space<vmem>>, vector<16xf32>,
    tpu.vector_store %arg15[%swap3A_592, %swap3A_593], %broadcast_in_dim3A_3 {strides = array<i32>} : memref<128x16xf32, #tpu.memory_space<vmem>>, vector<16xf32>,
    %swap3A_595 = arith.constant 68 : i32
    %swap3A_596 = arith.index_cast %swap3A_595 : i32 to index
    %swap3A_597 = arith.constant 0 : index
    %swap3A_598 = tpu.vector_load %arg15[%swap3A_596, %swap3A_597] {strides = array<i32>} : memref<128x16xf32, #tpu.memory_space<vmem>>, vector<16xf32>,
    tpu.vector_store %arg15[%swap3A_596, %swap3A_597], %broadcast_in_dim3A_3 {strides = array<i32>} : memref<128x16xf32, #tpu.memory_space<vmem>>, vector<16xf32>,
    %swap3A_599 = arith.constant 69 : i32
    %swap3A_600 = arith.index_cast %swap3A_599 : i32 to index
    %swap3A_601 = arith.constant 0 : index
    %swap3A_602 = tpu.vector_load %arg15[%swap3A_600, %swap3A_601] {strides = array<i32>} : memref<128x16xf32, #tpu.memory_space<vmem>>, vector<16xf32>,
    tpu.vector_store %arg15[%swap3A_600, %swap3A_601], %broadcast_in_dim3A_3 {strides = array<i32>} : memref<128x16xf32, #tpu.memory_space<vmem>>, vector<16xf32>,
    %swap3A_603 = arith.constant 70 : i32
    %swap3A_604 = arith.index_cast %swap3A_603 : i32 to index
    %swap3A_605 = arith.constant 0 : index
    %swap3A_606 = tpu.vector_load %arg15[%swap3A_604, %swap3A_605] {strides = array<i32>} : memref<128x16xf32, #tpu.memory_space<vmem>>, vector<16xf32>,
    tpu.vector_store %arg15[%swap3A_604, %swap3A_605], %broadcast_in_dim3A_3 {strides = array<i32>} : memref<128x16xf32, #tpu.memory_space<vmem>>, vector<16xf32>,
    %swap3A_607 = arith.constant 71 : i32
    %swap3A_608 = arith.index_cast %swap3A_607 : i32 to index
    %swap3A_609 = arith.constant 0 : index
    %swap3A_610 = tpu.vector_load %arg15[%swap3A_608, %swap3A_609] {strides = array<i32>} : memref<128x16xf32, #tpu.memory_space<vmem>>, vector<16xf32>,
    tpu.vector_store %arg15[%swap3A_608, %swap3A_609], %broadcast_in_dim3A_3 {strides = array<i32>} : memref<128x16xf32, #tpu.memory_space<vmem>>, vector<16xf32>,
    %swap3A_611 = arith.constant 72 : i32
    %swap3A_612 = arith.index_cast %swap3A_611 : i32 to index
    %swap3A_613 = arith.constant 0 : index
    %swap3A_614 = tpu.vector_load %arg15[%swap3A_612, %swap3A_613] {strides = array<i32>} : memref<128x16xf32, #tpu.memory_space<vmem>>, vector<16xf32>,
    tpu.vector_store %arg15[%swap3A_612, %swap3A_613], %broadcast_in_dim3A_3 {strides = array<i32>} : memref<128x16xf32, #tpu.memory_space<vmem>>, vector<16xf32>,
    %swap3A_615 = arith.constant 73 : i32
    %swap3A_616 = arith.index_cast %swap3A_615 : i32 to index
    %swap3A_617 = arith.constant 0 : index
    %swap3A_618 = tpu.vector_load %arg15[%swap3A_616, %swap3A_617] {strides = array<i32>} : memref<128x16xf32, #tpu.memory_space<vmem>>, vector<16xf32>,
    tpu.vector_store %arg15[%swap3A_616, %swap3A_617], %broadcast_in_dim3A_3 {strides = array<i32>} : memref<128x16xf32, #tpu.memory_space<vmem>>, vector<16xf32>,
    %swap3A_619 = arith.constant 74 : i32
    %swap3A_620 = arith.index_cast %swap3A_619 : i32 to index
    %swap3A_621 = arith.constant 0 : index
    %swap3A_622 = tpu.vector_load %arg15[%swap3A_620, %swap3A_621] {strides = array<i32>} : memref<128x16xf32, #tpu.memory_space<vmem>>, vector<16xf32>,
    tpu.vector_store %arg15[%swap3A_620, %swap3A_621], %broadcast_in_dim3A_3 {strides = array<i32>} : memref<128x16xf32, #tpu.memory_space<vmem>>, vector<16xf32>,
    %swap3A_623 = arith.constant 75 : i32
    %swap3A_624 = arith.index_cast %swap3A_623 : i32 to index
    %swap3A_625 = arith.constant 0 : index
    %swap3A_626 = tpu.vector_load %arg15[%swap3A_624, %swap3A_625] {strides = array<i32>} : memref<128x16xf32, #tpu.memory_space<vmem>>, vector<16xf32>,
    tpu.vector_store %arg15[%swap3A_624, %swap3A_625], %broadcast_in_dim3A_3 {strides = array<i32>} : memref<128x16xf32, #tpu.memory_space<vmem>>, vector<16xf32>,
    %swap3A_627 = arith.constant 76 : i32
    %swap3A_628 = arith.index_cast %swap3A_627 : i32 to index
    %swap3A_629 = arith.constant 0 : index
    %swap3A_630 = tpu.vector_load %arg15[%swap3A_628, %swap3A_629] {strides = array<i32>} : memref<128x16xf32, #tpu.memory_space<vmem>>, vector<16xf32>,
    tpu.vector_store %arg15[%swap3A_628, %swap3A_629], %broadcast_in_dim3A_3 {strides = array<i32>} : memref<128x16xf32, #tpu.memory_space<vmem>>, vector<16xf32>,
    %swap3A_631 = arith.constant 77 : i32
    %swap3A_632 = arith.index_cast %swap3A_631 : i32 to index
    %swap3A_633 = arith.constant 0 : index
    %swap3A_634 = tpu.vector_load %arg15[%swap3A_632, %swap3A_633] {strides = array<i32>} : memref<128x16xf32, #tpu.memory_space<vmem>>, vector<16xf32>,
    tpu.vector_store %arg15[%swap3A_632, %swap3A_633], %broadcast_in_dim3A_3 {strides = array<i32>} : memref<128x16xf32, #tpu.memory_space<vmem>>, vector<16xf32>,
    %swap3A_635 = arith.constant 78 : i32
    %swap3A_636 = arith.index_cast %swap3A_635 : i32 to index
    %swap3A_637 = arith.constant 0 : index
    %swap3A_638 = tpu.vector_load %arg15[%swap3A_636, %swap3A_637] {strides = array<i32>} : memref<128x16xf32, #tpu.memory_space<vmem>>, vector<16xf32>,
    tpu.vector_store %arg15[%swap3A_636, %swap3A_637], %broadcast_in_dim3A_3 {strides = array<i32>} : memref<128x16xf32, #tpu.memory_space<vmem>>, vector<16xf32>,
    %swap3A_639 = arith.constant 79 : i32
    %swap3A_640 = arith.index_cast %swap3A_639 : i32 to index
    %swap3A_641 = arith.constant 0 : index
    %swap3A_642 = tpu.vector_load %arg15[%swap3A_640, %swap3A_641] {strides = array<i32>} : memref<128x16xf32, #tpu.memory_space<vmem>>, vector<16xf32>,
    tpu.vector_store %arg15[%swap3A_640, %swap3A_641], %broadcast_in_dim3A_3 {strides = array<i32>} : memref<128x16xf32, #tpu.memory_space<vmem>>, vector<16xf32>,
    %swap3A_643 = arith.constant 80 : i32
    %swap3A_644 = arith.index_cast %swap3A_643 : i32 to index
    %swap3A_645 = arith.constant 0 : index
    %swap3A_646 = tpu.vector_load %arg15[%swap3A_644, %swap3A_645] {strides = array<i32>} : memref<128x16xf32, #tpu.memory_space<vmem>>, vector<16xf32>,
    tpu.vector_store %arg15[%swap3A_644, %swap3A_645], %broadcast_in_dim3A_3 {strides = array<i32>} : memref<128x16xf32, #tpu.memory_space<vmem>>, vector<16xf32>,
    %swap3A_647 = arith.constant 81 : i32
    %swap3A_648 = arith.index_cast %swap3A_647 : i32 to index
    %swap3A_649 = arith.constant 0 : index
    %swap3A_650 = tpu.vector_load %arg15[%swap3A_648, %swap3A_649] {strides = array<i32>} : memref<128x16xf32, #tpu.memory_space<vmem>>, vector<16xf32>,
    tpu.vector_store %arg15[%swap3A_648, %swap3A_649], %broadcast_in_dim3A_3 {strides = array<i32>} : memref<128x16xf32, #tpu.memory_space<vmem>>, vector<16xf32>,
    %swap3A_651 = arith.constant 82 : i32
    %swap3A_652 = arith.index_cast %swap3A_651 : i32 to index
    %swap3A_653 = arith.constant 0 : index
    %swap3A_654 = tpu.vector_load %arg15[%swap3A_652, %swap3A_653] {strides = array<i32>} : memref<128x16xf32, #tpu.memory_space<vmem>>, vector<16xf32>,
    tpu.vector_store %arg15[%swap3A_652, %swap3A_653], %broadcast_in_dim3A_3 {strides = array<i32>} : memref<128x16xf32, #tpu.memory_space<vmem>>, vector<16xf32>,
    %swap3A_655 = arith.constant 83 : i32
    %swap3A_656 = arith.index_cast %swap3A_655 : i32 to index
    %swap3A_657 = arith.constant 0 : index
    %swap3A_658 = tpu.vector_load %arg15[%swap3A_656, %swap3A_657] {strides = array<i32>} : memref<128x16xf32, #tpu.memory_space<vmem>>, vector<16xf32>,
    tpu.vector_store %arg15[%swap3A_656, %swap3A_657], %broadcast_in_dim3A_3 {strides = array<i32>} : memref<128x16xf32, #tpu.memory_space<vmem>>, vector<16xf32>,
    %swap3A_659 = arith.constant 84 : i32
    %swap3A_660 = arith.index_cast %swap3A_659 : i32 to index
    %swap3A_661 = arith.constant 0 : index
    %swap3A_662 = tpu.vector_load %arg15[%swap3A_660, %swap3A_661] {strides = array<i32>} : memref<128x16xf32, #tpu.memory_space<vmem>>, vector<16xf32>,
    tpu.vector_store %arg15[%swap3A_660, %swap3A_661], %broadcast_in_dim3A_3 {strides = array<i32>} : memref<128x16xf32, #tpu.memory_space<vmem>>, vector<16xf32>,
    %swap3A_663 = arith.constant 85 : i32
    %swap3A_664 = arith.index_cast %swap3A_663 : i32 to index
    %swap3A_665 = arith.constant 0 : index
    %swap3A_666 = tpu.vector_load %arg15[%swap3A_664, %swap3A_665] {strides = array<i32>} : memref<128x16xf32, #tpu.memory_space<vmem>>, vector<16xf32>,
    tpu.vector_store %arg15[%swap3A_664, %swap3A_665], %broadcast_in_dim3A_3 {strides = array<i32>} : memref<128x16xf32, #tpu.memory_space<vmem>>, vector<16xf32>,
    %swap3A_667 = arith.constant 86 : i32
    %swap3A_668 = arith.index_cast %swap3A_667 : i32 to index
    %swap3A_669 = arith.constant 0 : index
    %swap3A_670 = tpu.vector_load %arg15[%swap3A_668, %swap3A_669] {strides = array<i32>} : memref<128x16xf32, #tpu.memory_space<vmem>>, vector<16xf32>,
    tpu.vector_store %arg15[%swap3A_668, %swap3A_669], %broadcast_in_dim3A_3 {strides = array<i32>} : memref<128x16xf32, #tpu.memory_space<vmem>>, vector<16xf32>,
    %swap3A_671 = arith.constant 87 : i32
    %swap3A_672 = arith.index_cast %swap3A_671 : i32 to index
    %swap3A_673 = arith.constant 0 : index
    %swap3A_674 = tpu.vector_load %arg15[%swap3A_672, %swap3A_673] {strides = array<i32>} : memref<128x16xf32, #tpu.memory_space<vmem>>, vector<16xf32>,
    tpu.vector_store %arg15[%swap3A_672, %swap3A_673], %broadcast_in_dim3A_3 {strides = array<i32>} : memref<128x16xf32, #tpu.memory_space<vmem>>, vector<16xf32>,
    %swap3A_675 = arith.constant 88 : i32
    %swap3A_676 = arith.index_cast %swap3A_675 : i32 to index
    %swap3A_677 = arith.constant 0 : index
    %swap3A_678 = tpu.vector_load %arg15[%swap3A_676, %swap3A_677] {strides = array<i32>} : memref<128x16xf32, #tpu.memory_space<vmem>>, vector<16xf32>,
    tpu.vector_store %arg15[%swap3A_676, %swap3A_677], %broadcast_in_dim3A_3 {strides = array<i32>} : memref<128x16xf32, #tpu.memory_space<vmem>>, vector<16xf32>,
    %swap3A_679 = arith.constant 89 : i32
    %swap3A_680 = arith.index_cast %swap3A_679 : i32 to index
    %swap3A_681 = arith.constant 0 : index
    %swap3A_682 = tpu.vector_load %arg15[%swap3A_680, %swap3A_681] {strides = array<i32>} : memref<128x16xf32, #tpu.memory_space<vmem>>, vector<16xf32>,
    tpu.vector_store %arg15[%swap3A_680, %swap3A_681], %broadcast_in_dim3A_3 {strides = array<i32>} : memref<128x16xf32, #tpu.memory_space<vmem>>, vector<16xf32>,
    %swap3A_683 = arith.constant 90 : i32
    %swap3A_684 = arith.index_cast %swap3A_683 : i32 to index
    %swap3A_685 = arith.constant 0 : index
    %swap3A_686 = tpu.vector_load %arg15[%swap3A_684, %swap3A_685] {strides = array<i32>} : memref<128x16xf32, #tpu.memory_space<vmem>>, vector<16xf32>,
    tpu.vector_store %arg15[%swap3A_684, %swap3A_685], %broadcast_in_dim3A_3 {strides = array<i32>} : memref<128x16xf32, #tpu.memory_space<vmem>>, vector<16xf32>,
    %swap3A_687 = arith.constant 91 : i32
    %swap3A_688 = arith.index_cast %swap3A_687 : i32 to index
    %swap3A_689 = arith.constant 0 : index
    %swap3A_690 = tpu.vector_load %arg15[%swap3A_688, %swap3A_689] {strides = array<i32>} : memref<128x16xf32, #tpu.memory_space<vmem>>, vector<16xf32>,
    tpu.vector_store %arg15[%swap3A_688, %swap3A_689], %broadcast_in_dim3A_3 {strides = array<i32>} : memref<128x16xf32, #tpu.memory_space<vmem>>, vector<16xf32>,
    %swap3A_691 = arith.constant 92 : i32
    %swap3A_692 = arith.index_cast %swap3A_691 : i32 to index
    %swap3A_693 = arith.constant 0 : index
    %swap3A_694 = tpu.vector_load %arg15[%swap3A_692, %swap3A_693] {strides = array<i32>} : memref<128x16xf32, #tpu.memory_space<vmem>>, vector<16xf32>,
    tpu.vector_store %arg15[%swap3A_692, %swap3A_693], %broadcast_in_dim3A_3 {strides = array<i32>} : memref<128x16xf32, #tpu.memory_space<vmem>>, vector<16xf32>,
    %swap3A_695 = arith.constant 93 : i32
    %swap3A_696 = arith.index_cast %swap3A_695 : i32 to index
    %swap3A_697 = arith.constant 0 : index
    %swap3A_698 = tpu.vector_load %arg15[%swap3A_696, %swap3A_697] {strides = array<i32>} : memref<128x16xf32, #tpu.memory_space<vmem>>, vector<16xf32>,
    tpu.vector_store %arg15[%swap3A_696, %swap3A_697], %broadcast_in_dim3A_3 {strides = array<i32>} : memref<128x16xf32, #tpu.memory_space<vmem>>, vector<16xf32>,
    %swap3A_699 = arith.constant 94 : i32
    %swap3A_700 = arith.index_cast %swap3A_699 : i32 to index
    %swap3A_701 = arith.constant 0 : index
    %swap3A_702 = tpu.vector_load %arg15[%swap3A_700, %swap3A_701] {strides = array<i32>} : memref<128x16xf32, #tpu.memory_space<vmem>>, vector<16xf32>,
    tpu.vector_store %arg15[%swap3A_700, %swap3A_701], %broadcast_in_dim3A_3 {strides = array<i32>} : memref<128x16xf32, #tpu.memory_space<vmem>>, vector<16xf32>,
    %swap3A_703 = arith.constant 95 : i32
    %swap3A_704 = arith.index_cast %swap3A_703 : i32 to index
    %swap3A_705 = arith.constant 0 : index
    %swap3A_706 = tpu.vector_load %arg15[%swap3A_704, %swap3A_705] {strides = array<i32>} : memref<128x16xf32, #tpu.memory_space<vmem>>, vector<16xf32>,
    tpu.vector_store %arg15[%swap3A_704, %swap3A_705], %broadcast_in_dim3A_3 {strides = array<i32>} : memref<128x16xf32, #tpu.memory_space<vmem>>, vector<16xf32>,
    %swap3A_707 = arith.constant 96 : i32
    %swap3A_708 = arith.index_cast %swap3A_707 : i32 to index
    %swap3A_709 = arith.constant 0 : index
    %swap3A_710 = tpu.vector_load %arg15[%swap3A_708, %swap3A_709] {strides = array<i32>} : memref<128x16xf32, #tpu.memory_space<vmem>>, vector<16xf32>,
    tpu.vector_store %arg15[%swap3A_708, %swap3A_709], %broadcast_in_dim3A_3 {strides = array<i32>} : memref<128x16xf32, #tpu.memory_space<vmem>>, vector<16xf32>,
    %swap3A_711 = arith.constant 97 : i32
    %swap3A_712 = arith.index_cast %swap3A_711 : i32 to index
    %swap3A_713 = arith.constant 0 : index
    %swap3A_714 = tpu.vector_load %arg15[%swap3A_712, %swap3A_713] {strides = array<i32>} : memref<128x16xf32, #tpu.memory_space<vmem>>, vector<16xf32>,
    tpu.vector_store %arg15[%swap3A_712, %swap3A_713], %broadcast_in_dim3A_3 {strides = array<i32>} : memref<128x16xf32, #tpu.memory_space<vmem>>, vector<16xf32>,
    %swap3A_715 = arith.constant 98 : i32
    %swap3A_716 = arith.index_cast %swap3A_715 : i32 to index
    %swap3A_717 = arith.constant 0 : index
    %swap3A_718 = tpu.vector_load %arg15[%swap3A_716, %swap3A_717] {strides = array<i32>} : memref<128x16xf32, #tpu.memory_space<vmem>>, vector<16xf32>,
    tpu.vector_store %arg15[%swap3A_716, %swap3A_717], %broadcast_in_dim3A_3 {strides = array<i32>} : memref<128x16xf32, #tpu.memory_space<vmem>>, vector<16xf32>,
    %swap3A_719 = arith.constant 99 : i32
    %swap3A_720 = arith.index_cast %swap3A_719 : i32 to index
    %swap3A_721 = arith.constant 0 : index
    %swap3A_722 = tpu.vector_load %arg15[%swap3A_720, %swap3A_721] {strides = array<i32>} : memref<128x16xf32, #tpu.memory_space<vmem>>, vector<16xf32>,
    tpu.vector_store %arg15[%swap3A_720, %swap3A_721], %broadcast_in_dim3A_3 {strides = array<i32>} : memref<128x16xf32, #tpu.memory_space<vmem>>, vector<16xf32>,
    %swap3A_723 = arith.constant 100 : i32
    %swap3A_724 = arith.index_cast %swap3A_723 : i32 to index
    %swap3A_725 = arith.constant 0 : index
    %swap3A_726 = tpu.vector_load %arg15[%swap3A_724, %swap3A_725] {strides = array<i32>} : memref<128x16xf32, #tpu.memory_space<vmem>>, vector<16xf32>,
    tpu.vector_store %arg15[%swap3A_724, %swap3A_725], %broadcast_in_dim3A_3 {strides = array<i32>} : memref<128x16xf32, #tpu.memory_space<vmem>>, vector<16xf32>,
    %swap3A_727 = arith.constant 101 : i32
    %swap3A_728 = arith.index_cast %swap3A_727 : i32 to index
    %swap3A_729 = arith.constant 0 : index
    %swap3A_730 = tpu.vector_load %arg15[%swap3A_728, %swap3A_729] {strides = array<i32>} : memref<128x16xf32, #tpu.memory_space<vmem>>, vector<16xf32>,
    tpu.vector_store %arg15[%swap3A_728, %swap3A_729], %broadcast_in_dim3A_3 {strides = array<i32>} : memref<128x16xf32, #tpu.memory_space<vmem>>, vector<16xf32>,
    %swap3A_731 = arith.constant 102 : i32
    %swap3A_732 = arith.index_cast %swap3A_731 : i32 to index
    %swap3A_733 = arith.constant 0 : index
    %swap3A_734 = tpu.vector_load %arg15[%swap3A_732, %swap3A_733] {strides = array<i32>} : memref<128x16xf32, #tpu.memory_space<vmem>>, vector<16xf32>,
    tpu.vector_store %arg15[%swap3A_732, %swap3A_733], %broadcast_in_dim3A_3 {strides = array<i32>} : memref<128x16xf32, #tpu.memory_space<vmem>>, vector<16xf32>,
    %swap3A_735 = arith.constant 103 : i32
    %swap3A_736 = arith.index_cast %swap3A_735 : i32 to index
    %swap3A_737 = arith.constant 0 : index
    %swap3A_738 = tpu.vector_load %arg15[%swap3A_736, %swap3A_737] {strides = array<i32>} : memref<128x16xf32, #tpu.memory_space<vmem>>, vector<16xf32>,
    tpu.vector_store %arg15[%swap3A_736, %swap3A_737], %broadcast_in_dim3A_3 {strides = array<i32>} : memref<128x16xf32, #tpu.memory_space<vmem>>, vector<16xf32>,
    %swap3A_739 = arith.constant 104 : i32
    %swap3A_740 = arith.index_cast %swap3A_739 : i32 to index
    %swap3A_741 = arith.constant 0 : index
    %swap3A_742 = tpu.vector_load %arg15[%swap3A_740, %swap3A_741] {strides = array<i32>} : memref<128x16xf32, #tpu.memory_space<vmem>>, vector<16xf32>,
    tpu.vector_store %arg15[%swap3A_740, %swap3A_741], %broadcast_in_dim3A_3 {strides = array<i32>} : memref<128x16xf32, #tpu.memory_space<vmem>>, vector<16xf32>,
    %swap3A_743 = arith.constant 105 : i32
    %swap3A_744 = arith.index_cast %swap3A_743 : i32 to index
    %swap3A_745 = arith.constant 0 : index
    %swap3A_746 = tpu.vector_load %arg15[%swap3A_744, %swap3A_745] {strides = array<i32>} : memref<128x16xf32, #tpu.memory_space<vmem>>, vector<16xf32>,
    tpu.vector_store %arg15[%swap3A_744, %swap3A_745], %broadcast_in_dim3A_3 {strides = array<i32>} : memref<128x16xf32, #tpu.memory_space<vmem>>, vector<16xf32>,
    %swap3A_747 = arith.constant 106 : i32
    %swap3A_748 = arith.index_cast %swap3A_747 : i32 to index
    %swap3A_749 = arith.constant 0 : index
    %swap3A_750 = tpu.vector_load %arg15[%swap3A_748, %swap3A_749] {strides = array<i32>} : memref<128x16xf32, #tpu.memory_space<vmem>>, vector<16xf32>,
    tpu.vector_store %arg15[%swap3A_748, %swap3A_749], %broadcast_in_dim3A_3 {strides = array<i32>} : memref<128x16xf32, #tpu.memory_space<vmem>>, vector<16xf32>,
    %swap3A_751 = arith.constant 107 : i32
    %swap3A_752 = arith.index_cast %swap3A_751 : i32 to index
    %swap3A_753 = arith.constant 0 : index
    %swap3A_754 = tpu.vector_load %arg15[%swap3A_752, %swap3A_753] {strides = array<i32>} : memref<128x16xf32, #tpu.memory_space<vmem>>, vector<16xf32>,
    tpu.vector_store %arg15[%swap3A_752, %swap3A_753], %broadcast_in_dim3A_3 {strides = array<i32>} : memref<128x16xf32, #tpu.memory_space<vmem>>, vector<16xf32>,
    %swap3A_755 = arith.constant 108 : i32
    %swap3A_756 = arith.index_cast %swap3A_755 : i32 to index
    %swap3A_757 = arith.constant 0 : index
    %swap3A_758 = tpu.vector_load %arg15[%swap3A_756, %swap3A_757] {strides = array<i32>} : memref<128x16xf32, #tpu.memory_space<vmem>>, vector<16xf32>,
    tpu.vector_store %arg15[%swap3A_756, %swap3A_757], %broadcast_in_dim3A_3 {strides = array<i32>} : memref<128x16xf32, #tpu.memory_space<vmem>>, vector<16xf32>,
    %swap3A_759 = arith.constant 109 : i32
    %swap3A_760 = arith.index_cast %swap3A_759 : i32 to index
    %swap3A_761 = arith.constant 0 : index
    %swap3A_762 = tpu.vector_load %arg15[%swap3A_760, %swap3A_761] {strides = array<i32>} : memref<128x16xf32, #tpu.memory_space<vmem>>, vector<16xf32>,
    tpu.vector_store %arg15[%swap3A_760, %swap3A_761], %broadcast_in_dim3A_3 {strides = array<i32>} : memref<128x16xf32, #tpu.memory_space<vmem>>, vector<16xf32>,
    %swap3A_763 = arith.constant 110 : i32
    %swap3A_764 = arith.index_cast %swap3A_763 : i32 to index
    %swap3A_765 = arith.constant 0 : index
    %swap3A_766 = tpu.vector_load %arg15[%swap3A_764, %swap3A_765] {strides = array<i32>} : memref<128x16xf32, #tpu.memory_space<vmem>>, vector<16xf32>,
    tpu.vector_store %arg15[%swap3A_764, %swap3A_765], %broadcast_in_dim3A_3 {strides = array<i32>} : memref<128x16xf32, #tpu.memory_space<vmem>>, vector<16xf32>,
    %swap3A_767 = arith.constant 111 : i32
    %swap3A_768 = arith.index_cast %swap3A_767 : i32 to index
    %swap3A_769 = arith.constant 0 : index
    %swap3A_770 = tpu.vector_load %arg15[%swap3A_768, %swap3A_769] {strides = array<i32>} : memref<128x16xf32, #tpu.memory_space<vmem>>, vector<16xf32>,
    tpu.vector_store %arg15[%swap3A_768, %swap3A_769], %broadcast_in_dim3A_3 {strides = array<i32>} : memref<128x16xf32, #tpu.memory_space<vmem>>, vector<16xf32>,
    %swap3A_771 = arith.constant 112 : i32
    %swap3A_772 = arith.index_cast %swap3A_771 : i32 to index
    %swap3A_773 = arith.constant 0 : index
    %swap3A_774 = tpu.vector_load %arg15[%swap3A_772, %swap3A_773] {strides = array<i32>} : memref<128x16xf32, #tpu.memory_space<vmem>>, vector<16xf32>,
    tpu.vector_store %arg15[%swap3A_772, %swap3A_773], %broadcast_in_dim3A_3 {strides = array<i32>} : memref<128x16xf32, #tpu.memory_space<vmem>>, vector<16xf32>,
    %swap3A_775 = arith.constant 113 : i32
    %swap3A_776 = arith.index_cast %swap3A_775 : i32 to index
    %swap3A_777 = arith.constant 0 : index
    %swap3A_778 = tpu.vector_load %arg15[%swap3A_776, %swap3A_777] {strides = array<i32>} : memref<128x16xf32, #tpu.memory_space<vmem>>, vector<16xf32>,
    tpu.vector_store %arg15[%swap3A_776, %swap3A_777], %broadcast_in_dim3A_3 {strides = array<i32>} : memref<128x16xf32, #tpu.memory_space<vmem>>, vector<16xf32>,
    %swap3A_779 = arith.constant 114 : i32
    %swap3A_780 = arith.index_cast %swap3A_779 : i32 to index
    %swap3A_781 = arith.constant 0 : index
    %swap3A_782 = tpu.vector_load %arg15[%swap3A_780, %swap3A_781] {strides = array<i32>} : memref<128x16xf32, #tpu.memory_space<vmem>>, vector<16xf32>,
    tpu.vector_store %arg15[%swap3A_780, %swap3A_781], %broadcast_in_dim3A_3 {strides = array<i32>} : memref<128x16xf32, #tpu.memory_space<vmem>>, vector<16xf32>,
    %swap3A_783 = arith.constant 115 : i32
    %swap3A_784 = arith.index_cast %swap3A_783 : i32 to index
    %swap3A_785 = arith.constant 0 : index
    %swap3A_786 = tpu.vector_load %arg15[%swap3A_784, %swap3A_785] {strides = array<i32>} : memref<128x16xf32, #tpu.memory_space<vmem>>, vector<16xf32>,
    tpu.vector_store %arg15[%swap3A_784, %swap3A_785], %broadcast_in_dim3A_3 {strides = array<i32>} : memref<128x16xf32, #tpu.memory_space<vmem>>, vector<16xf32>,
    %swap3A_787 = arith.constant 116 : i32
    %swap3A_788 = arith.index_cast %swap3A_787 : i32 to index
    %swap3A_789 = arith.constant 0 : index
    %swap3A_790 = tpu.vector_load %arg15[%swap3A_788, %swap3A_789] {strides = array<i32>} : memref<128x16xf32, #tpu.memory_space<vmem>>, vector<16xf32>,
    tpu.vector_store %arg15[%swap3A_788, %swap3A_789], %broadcast_in_dim3A_3 {strides = array<i32>} : memref<128x16xf32, #tpu.memory_space<vmem>>, vector<16xf32>,
    %swap3A_791 = arith.constant 117 : i32
    %swap3A_792 = arith.index_cast %swap3A_791 : i32 to index
    %swap3A_793 = arith.constant 0 : index
    %swap3A_794 = tpu.vector_load %arg15[%swap3A_792, %swap3A_793] {strides = array<i32>} : memref<128x16xf32, #tpu.memory_space<vmem>>, vector<16xf32>,
    tpu.vector_store %arg15[%swap3A_792, %swap3A_793], %broadcast_in_dim3A_3 {strides = array<i32>} : memref<128x16xf32, #tpu.memory_space<vmem>>, vector<16xf32>,
    %swap3A_795 = arith.constant 118 : i32
    %swap3A_796 = arith.index_cast %swap3A_795 : i32 to index
    %swap3A_797 = arith.constant 0 : index
    %swap3A_798 = tpu.vector_load %arg15[%swap3A_796, %swap3A_797] {strides = array<i32>} : memref<128x16xf32, #tpu.memory_space<vmem>>, vector<16xf32>,
    tpu.vector_store %arg15[%swap3A_796, %swap3A_797], %broadcast_in_dim3A_3 {strides = array<i32>} : memref<128x16xf32, #tpu.memory_space<vmem>>, vector<16xf32>,
    %swap3A_799 = arith.constant 119 : i32
    %swap3A_800 = arith.index_cast %swap3A_799 : i32 to index
    %swap3A_801 = arith.constant 0 : index
    %swap3A_802 = tpu.vector_load %arg15[%swap3A_800, %swap3A_801] {strides = array<i32>} : memref<128x16xf32, #tpu.memory_space<vmem>>, vector<16xf32>,
    tpu.vector_store %arg15[%swap3A_800, %swap3A_801], %broadcast_in_dim3A_3 {strides = array<i32>} : memref<128x16xf32, #tpu.memory_space<vmem>>, vector<16xf32>,
    %swap3A_803 = arith.constant 120 : i32
    %swap3A_804 = arith.index_cast %swap3A_803 : i32 to index
    %swap3A_805 = arith.constant 0 : index
    %swap3A_806 = tpu.vector_load %arg15[%swap3A_804, %swap3A_805] {strides = array<i32>} : memref<128x16xf32, #tpu.memory_space<vmem>>, vector<16xf32>,
    tpu.vector_store %arg15[%swap3A_804, %swap3A_805], %broadcast_in_dim3A_3 {strides = array<i32>} : memref<128x16xf32, #tpu.memory_space<vmem>>, vector<16xf32>,
    %swap3A_807 = arith.constant 121 : i32
    %swap3A_808 = arith.index_cast %swap3A_807 : i32 to index
    %swap3A_809 = arith.constant 0 : index
    %swap3A_810 = tpu.vector_load %arg15[%swap3A_808, %swap3A_809] {strides = array<i32>} : memref<128x16xf32, #tpu.memory_space<vmem>>, vector<16xf32>,
    tpu.vector_store %arg15[%swap3A_808, %swap3A_809], %broadcast_in_dim3A_3 {strides = array<i32>} : memref<128x16xf32, #tpu.memory_space<vmem>>, vector<16xf32>,
    %swap3A_811 = arith.constant 122 : i32
    %swap3A_812 = arith.index_cast %swap3A_811 : i32 to index
    %swap3A_813 = arith.constant 0 : index
    %swap3A_814 = tpu.vector_load %arg15[%swap3A_812, %swap3A_813] {strides = array<i32>} : memref<128x16xf32, #tpu.memory_space<vmem>>, vector<16xf32>,
    tpu.vector_store %arg15[%swap3A_812, %swap3A_813], %broadcast_in_dim3A_3 {strides = array<i32>} : memref<128x16xf32, #tpu.memory_space<vmem>>, vector<16xf32>,
    %swap3A_815 = arith.constant 123 : i32
    %swap3A_816 = arith.index_cast %swap3A_815 : i32 to index
    %swap3A_817 = arith.constant 0 : index
    %swap3A_818 = tpu.vector_load %arg15[%swap3A_816, %swap3A_817] {strides = array<i32>} : memref<128x16xf32, #tpu.memory_space<vmem>>, vector<16xf32>,
    tpu.vector_store %arg15[%swap3A_816, %swap3A_817], %broadcast_in_dim3A_3 {strides = array<i32>} : memref<128x16xf32, #tpu.memory_space<vmem>>, vector<16xf32>,
    %swap3A_819 = arith.constant 124 : i32
    %swap3A_820 = arith.index_cast %swap3A_819 : i32 to index
    %swap3A_821 = arith.constant 0 : index
    %swap3A_822 = tpu.vector_load %arg15[%swap3A_820, %swap3A_821] {strides = array<i32>} : memref<128x16xf32, #tpu.memory_space<vmem>>, vector<16xf32>,
    tpu.vector_store %arg15[%swap3A_820, %swap3A_821], %broadcast_in_dim3A_3 {strides = array<i32>} : memref<128x16xf32, #tpu.memory_space<vmem>>, vector<16xf32>,
    %swap3A_823 = arith.constant 125 : i32
    %swap3A_824 = arith.index_cast %swap3A_823 : i32 to index
    %swap3A_825 = arith.constant 0 : index
    %swap3A_826 = tpu.vector_load %arg15[%swap3A_824, %swap3A_825] {strides = array<i32>} : memref<128x16xf32, #tpu.memory_space<vmem>>, vector<16xf32>,
    tpu.vector_store %arg15[%swap3A_824, %swap3A_825], %broadcast_in_dim3A_3 {strides = array<i32>} : memref<128x16xf32, #tpu.memory_space<vmem>>, vector<16xf32>,
    %swap3A_827 = arith.constant 126 : i32
    %swap3A_828 = arith.index_cast %swap3A_827 : i32 to index
    %swap3A_829 = arith.constant 0 : index
    %swap3A_830 = tpu.vector_load %arg15[%swap3A_828, %swap3A_829] {strides = array<i32>} : memref<128x16xf32, #tpu.memory_space<vmem>>, vector<16xf32>,
    tpu.vector_store %arg15[%swap3A_828, %swap3A_829], %broadcast_in_dim3A_3 {strides = array<i32>} : memref<128x16xf32, #tpu.memory_space<vmem>>, vector<16xf32>,
    %swap3A_831 = arith.constant 127 : i32
    %swap3A_832 = arith.index_cast %swap3A_831 : i32 to index
    %swap3A_833 = arith.constant 0 : index
    %swap3A_834 = tpu.vector_load %arg15[%swap3A_832, %swap3A_833] {strides = array<i32>} : memref<128x16xf32, #tpu.memory_space<vmem>>, vector<16xf32>,
    tpu.vector_store %arg15[%swap3A_832, %swap3A_833], %broadcast_in_dim3A_3 {strides = array<i32>} : memref<128x16xf32, #tpu.memory_space<vmem>>, vector<16xf32>,
    %mul3A_835 = arith.constant 48 : i32
    %mul3A_836 = arith.muli %arg1, %mul3A_835 : i32
    %add3A_837 = arith.constant 0 : i32
    %add3A_838 = arith.addi %mul3A_836, %add3A_837 : i32
    "tpu.region"() ({
      %run_scoped3A = tpu.sem_alloc : memref<!tpu.dma_semaphore, #tpu.memory_space<semaphore_mem>>
      %dma_start3A_2013 = arith.constant 0 : i32
      %dma_start3A_2014 = tpu.memref_slice %arg20[%add3A_838, %dma_start3A_2013] : memref<768x64xf32, #tpu.memory_space<vmem_shared>> -> memref<16x64xf32, #tpu.memory_space<vmem_shared>>
      %dma_start3A_2015 = arith.constant 0 : i32
      %dma_start3A_2016 = tpu.memref_slice %arg20[%add3A_838, %dma_start3A_2015] : memref<768x64xf32, #tpu.memory_space<vmem_shared>> -> memref<16x64xf32, #tpu.memory_space<vmem_shared>>
      tpu.enqueue_dma source(%arg19 : memref<16x64xf32, #tpu.memory_space<vmem>>) target(%dma_start3A_2016 : memref<16x64xf32, #tpu.memory_space<vmem_shared>>) target_semaphore(%run_scoped3A : memref<!tpu.dma_semaphore, #tpu.memory_space<semaphore_mem>>)
      %dma_wait3A_2017 = arith.constant 0 : i32
      %dma_wait3A_2018 = tpu.memref_slice %arg20[%add3A_838, %dma_wait3A_2017] : memref<768x64xf32, #tpu.memory_space<vmem_shared>> -> memref<16x64xf32, #tpu.memory_space<vmem_shared>>
      %dma_wait3A_2019 = arith.constant 0 : i32
      %dma_wait3A_2020 = tpu.memref_slice %arg20[%add3A_838, %dma_wait3A_2019] : memref<768x64xf32, #tpu.memory_space<vmem_shared>> -> memref<16x64xf32, #tpu.memory_space<vmem_shared>>
      tpu.wait_dma2 semaphore(%run_scoped3A : memref<!tpu.dma_semaphore, #tpu.memory_space<semaphore_mem>>) src(%arg19 : memref<16x64xf32, #tpu.memory_space<vmem>>) dst(%dma_wait3A_2020 : memref<16x64xf32, #tpu.memory_space<vmem_shared>>)
      tpu.yield
    }) : () -> ()
    "tpu.region"() ({
      %run_scoped3A = tpu.sem_alloc : memref<!tpu.dma_semaphore, #tpu.memory_space<semaphore_mem>>
      %dma_start3A_2013 = arith.constant 0 : i32
      %dma_start3A_2014 = tpu.memref_slice %arg21[%add3A_838, %dma_start3A_2013] : memref<768x16xf32, #tpu.memory_space<vmem_shared>> -> memref<16x16xf32, #tpu.memory_space<vmem_shared>>
      %dma_start3A_2015 = arith.constant 0 : i32
      %dma_start3A_2016 = tpu.memref_slice %arg21[%add3A_838, %dma_start3A_2015] : memref<768x16xf32, #tpu.memory_space<vmem_shared>> -> memref<16x16xf32, #tpu.memory_space<vmem_shared>>
      tpu.enqueue_dma source(%arg16 : memref<16x16xf32, #tpu.memory_space<vmem>>) target(%dma_start3A_2016 : memref<16x16xf32, #tpu.memory_space<vmem_shared>>) target_semaphore(%run_scoped3A : memref<!tpu.dma_semaphore, #tpu.memory_space<semaphore_mem>>)
      %dma_wait3A_2017 = arith.constant 0 : i32
      %dma_wait3A_2018 = tpu.memref_slice %arg21[%add3A_838, %dma_wait3A_2017] : memref<768x16xf32, #tpu.memory_space<vmem_shared>> -> memref<16x16xf32, #tpu.memory_space<vmem_shared>>
      %dma_wait3A_2019 = arith.constant 0 : i32
      %dma_wait3A_2020 = tpu.memref_slice %arg21[%add3A_838, %dma_wait3A_2019] : memref<768x16xf32, #tpu.memory_space<vmem_shared>> -> memref<16x16xf32, #tpu.memory_space<vmem_shared>>
      tpu.wait_dma2 semaphore(%run_scoped3A : memref<!tpu.dma_semaphore, #tpu.memory_space<semaphore_mem>>) src(%arg16 : memref<16x16xf32, #tpu.memory_space<vmem>>) dst(%dma_wait3A_2020 : memref<16x16xf32, #tpu.memory_space<vmem_shared>>)
      tpu.yield
    }) : () -> ()
    %mul3A_839 = arith.constant 48 : i32
    %mul3A_840 = arith.muli %arg1, %mul3A_839 : i32
    %add3A_841 = arith.constant 16 : i32
    %add3A_842 = arith.addi %mul3A_840, %add3A_841 : i32
    "tpu.region"() ({
      %run_scoped3A = tpu.sem_alloc : memref<!tpu.dma_semaphore, #tpu.memory_space<semaphore_mem>>
      %dma_start3A_2013 = arith.constant 0 : i32
      %dma_start3A_2014 = tpu.memref_slice %arg20[%add3A_842, %dma_start3A_2013] : memref<768x64xf32, #tpu.memory_space<vmem_shared>> -> memref<16x64xf32, #tpu.memory_space<vmem_shared>>
      %dma_start3A_2015 = arith.constant 0 : i32
      %dma_start3A_2016 = tpu.memref_slice %arg20[%add3A_842, %dma_start3A_2015] : memref<768x64xf32, #tpu.memory_space<vmem_shared>> -> memref<16x64xf32, #tpu.memory_space<vmem_shared>>
      tpu.enqueue_dma source(%arg19 : memref<16x64xf32, #tpu.memory_space<vmem>>) target(%dma_start3A_2016 : memref<16x64xf32, #tpu.memory_space<vmem_shared>>) target_semaphore(%run_scoped3A : memref<!tpu.dma_semaphore, #tpu.memory_space<semaphore_mem>>)
      %dma_wait3A_2017 = arith.constant 0 : i32
      %dma_wait3A_2018 = tpu.memref_slice %arg20[%add3A_842, %dma_wait3A_2017] : memref<768x64xf32, #tpu.memory_space<vmem_shared>> -> memref<16x64xf32, #tpu.memory_space<vmem_shared>>
      %dma_wait3A_2019 = arith.constant 0 : i32
      %dma_wait3A_2020 = tpu.memref_slice %arg20[%add3A_842, %dma_wait3A_2019] : memref<768x64xf32, #tpu.memory_space<vmem_shared>> -> memref<16x64xf32, #tpu.memory_space<vmem_shared>>
      tpu.wait_dma2 semaphore(%run_scoped3A : memref<!tpu.dma_semaphore, #tpu.memory_space<semaphore_mem>>) src(%arg19 : memref<16x64xf32, #tpu.memory_space<vmem>>) dst(%dma_wait3A_2020 : memref<16x64xf32, #tpu.memory_space<vmem_shared>>)
      tpu.yield
    }) : () -> ()
    "tpu.region"() ({
      %run_scoped3A = tpu.sem_alloc : memref<!tpu.dma_semaphore, #tpu.memory_space<semaphore_mem>>
      %dma_start3A_2013 = arith.constant 0 : i32
      %dma_start3A_2014 = tpu.memref_slice %arg21[%add3A_842, %dma_start3A_2013] : memref<768x16xf32, #tpu.memory_space<vmem_shared>> -> memref<16x16xf32, #tpu.memory_space<vmem_shared>>
      %dma_start3A_2015 = arith.constant 0 : i32
      %dma_start3A_2016 = tpu.memref_slice %arg21[%add3A_842, %dma_start3A_2015] : memref<768x16xf32, #tpu.memory_space<vmem_shared>> -> memref<16x16xf32, #tpu.memory_space<vmem_shared>>
      tpu.enqueue_dma source(%arg16 : memref<16x16xf32, #tpu.memory_space<vmem>>) target(%dma_start3A_2016 : memref<16x16xf32, #tpu.memory_space<vmem_shared>>) target_semaphore(%run_scoped3A : memref<!tpu.dma_semaphore, #tpu.memory_space<semaphore_mem>>)
      %dma_wait3A_2017 = arith.constant 0 : i32
      %dma_wait3A_2018 = tpu.memref_slice %arg21[%add3A_842, %dma_wait3A_2017] : memref<768x16xf32, #tpu.memory_space<vmem_shared>> -> memref<16x16xf32, #tpu.memory_space<vmem_shared>>
      %dma_wait3A_2019 = arith.constant 0 : i32
      %dma_wait3A_2020 = tpu.memref_slice %arg21[%add3A_842, %dma_wait3A_2019] : memref<768x16xf32, #tpu.memory_space<vmem_shared>> -> memref<16x16xf32, #tpu.memory_space<vmem_shared>>
      tpu.wait_dma2 semaphore(%run_scoped3A : memref<!tpu.dma_semaphore, #tpu.memory_space<semaphore_mem>>) src(%arg16 : memref<16x16xf32, #tpu.memory_space<vmem>>) dst(%dma_wait3A_2020 : memref<16x16xf32, #tpu.memory_space<vmem_shared>>)
      tpu.yield
    }) : () -> ()
    %mul3A_843 = arith.constant 48 : i32
    %mul3A_844 = arith.muli %arg1, %mul3A_843 : i32
    %add3A_845 = arith.constant 32 : i32
    %add3A_846 = arith.addi %mul3A_844, %add3A_845 : i32
    "tpu.region"() ({
      %run_scoped3A = tpu.sem_alloc : memref<!tpu.dma_semaphore, #tpu.memory_space<semaphore_mem>>
      %dma_start3A_2013 = arith.constant 0 : i32
      %dma_start3A_2014 = tpu.memref_slice %arg20[%add3A_846, %dma_start3A_2013] : memref<768x64xf32, #tpu.memory_space<vmem_shared>> -> memref<16x64xf32, #tpu.memory_space<vmem_shared>>
      %dma_start3A_2015 = arith.constant 0 : i32
      %dma_start3A_2016 = tpu.memref_slice %arg20[%add3A_846, %dma_start3A_2015] : memref<768x64xf32, #tpu.memory_space<vmem_shared>> -> memref<16x64xf32, #tpu.memory_space<vmem_shared>>
      tpu.enqueue_dma source(%arg19 : memref<16x64xf32, #tpu.memory_space<vmem>>) target(%dma_start3A_2016 : memref<16x64xf32, #tpu.memory_space<vmem_shared>>) target_semaphore(%run_scoped3A : memref<!tpu.dma_semaphore, #tpu.memory_space<semaphore_mem>>)
      %dma_wait3A_2017 = arith.constant 0 : i32
      %dma_wait3A_2018 = tpu.memref_slice %arg20[%add3A_846, %dma_wait3A_2017] : memref<768x64xf32, #tpu.memory_space<vmem_shared>> -> memref<16x64xf32, #tpu.memory_space<vmem_shared>>
      %dma_wait3A_2019 = arith.constant 0 : i32
      %dma_wait3A_2020 = tpu.memref_slice %arg20[%add3A_846, %dma_wait3A_2019] : memref<768x64xf32, #tpu.memory_space<vmem_shared>> -> memref<16x64xf32, #tpu.memory_space<vmem_shared>>
      tpu.wait_dma2 semaphore(%run_scoped3A : memref<!tpu.dma_semaphore, #tpu.memory_space<semaphore_mem>>) src(%arg19 : memref<16x64xf32, #tpu.memory_space<vmem>>) dst(%dma_wait3A_2020 : memref<16x64xf32, #tpu.memory_space<vmem_shared>>)
      tpu.yield
    }) : () -> ()
    "tpu.region"() ({
      %run_scoped3A = tpu.sem_alloc : memref<!tpu.dma_semaphore, #tpu.memory_space<semaphore_mem>>
      %dma_start3A_2013 = arith.constant 0 : i32
      %dma_start3A_2014 = tpu.memref_slice %arg21[%add3A_846, %dma_start3A_2013] : memref<768x16xf32, #tpu.memory_space<vmem_shared>> -> memref<16x16xf32, #tpu.memory_space<vmem_shared>>
      %dma_start3A_2015 = arith.constant 0 : i32
      %dma_start3A_2016 = tpu.memref_slice %arg21[%add3A_846, %dma_start3A_2015] : memref<768x16xf32, #tpu.memory_space<vmem_shared>> -> memref<16x16xf32, #tpu.memory_space<vmem_shared>>
      tpu.enqueue_dma source(%arg16 : memref<16x16xf32, #tpu.memory_space<vmem>>) target(%dma_start3A_2016 : memref<16x16xf32, #tpu.memory_space<vmem_shared>>) target_semaphore(%run_scoped3A : memref<!tpu.dma_semaphore, #tpu.memory_space<semaphore_mem>>)
      %dma_wait3A_2017 = arith.constant 0 : i32
      %dma_wait3A_2018 = tpu.memref_slice %arg21[%add3A_846, %dma_wait3A_2017] : memref<768x16xf32, #tpu.memory_space<vmem_shared>> -> memref<16x16xf32, #tpu.memory_space<vmem_shared>>
      %dma_wait3A_2019 = arith.constant 0 : i32
      %dma_wait3A_2020 = tpu.memref_slice %arg21[%add3A_846, %dma_wait3A_2019] : memref<768x16xf32, #tpu.memory_space<vmem_shared>> -> memref<16x16xf32, #tpu.memory_space<vmem_shared>>
      tpu.wait_dma2 semaphore(%run_scoped3A : memref<!tpu.dma_semaphore, #tpu.memory_space<semaphore_mem>>) src(%arg16 : memref<16x16xf32, #tpu.memory_space<vmem>>) dst(%dma_wait3A_2020 : memref<16x16xf32, #tpu.memory_space<vmem_shared>>)
      tpu.yield
    }) : () -> ()
    %mul3A_847 = arith.constant 32 : i32
    %mul3A_848 = arith.muli %add3A, %mul3A_847 : i32
    "tpu.region"() ({
      %run_scoped3A = tpu.sem_alloc : memref<!tpu.dma_semaphore, #tpu.memory_space<semaphore_mem>>
      %dma_start3A_2013 = tpu.memref_slice %arg5[%mul3A_848] : memref<1024xi32, #tpu.memory_space<hbm>> -> memref<32xi32, #tpu.memory_space<hbm>>
      %dma_start3A_2014 = tpu.memref_slice %arg5[%mul3A_848] : memref<1024xi32, #tpu.memory_space<hbm>> -> memref<32xi32, #tpu.memory_space<hbm>>
      tpu.enqueue_dma source(%dma_start3A_2014 : memref<32xi32, #tpu.memory_space<hbm>>) target(%arg17 : memref<32xi32, #tpu.memory_space<vmem>>) target_semaphore(%run_scoped3A : memref<!tpu.dma_semaphore, #tpu.memory_space<semaphore_mem>>)
      %dma_wait3A_2015 = tpu.memref_slice %arg5[%mul3A_848] : memref<1024xi32, #tpu.memory_space<hbm>> -> memref<32xi32, #tpu.memory_space<hbm>>
      %dma_wait3A_2016 = tpu.memref_slice %arg5[%mul3A_848] : memref<1024xi32, #tpu.memory_space<hbm>> -> memref<32xi32, #tpu.memory_space<hbm>>
      tpu.wait_dma2 semaphore(%run_scoped3A : memref<!tpu.dma_semaphore, #tpu.memory_space<semaphore_mem>>) src(%dma_wait3A_2016 : memref<32xi32, #tpu.memory_space<hbm>>) dst(%arg17 : memref<32xi32, #tpu.memory_space<vmem>>)
      tpu.yield
    }) : () -> ()
    "tpu.region"() ({
      %run_scoped3A = tpu.sem_alloc : memref<!tpu.dma_semaphore, #tpu.memory_space<semaphore_mem>>
      %dma_start3A_2013 = arith.constant 0 : i32
      %dma_start3A_2014 = tpu.memref_slice %arg4[%dma_start3A_2013] : memref<100000xi32, #tpu.memory_space<hbm>> -> memref<100000xi32, #tpu.memory_space<hbm>>
      tpu.enqueue_indirect_dma source(%dma_start3A_2014 : memref<100000xi32, #tpu.memory_space<hbm>>) target(%arg18 : memref<32xi32, #tpu.memory_space<vmem>>) offsets(%arg17 : memref<32xi32, #tpu.memory_space<vmem>>) semaphore(%run_scoped3A : memref<!tpu.dma_semaphore, #tpu.memory_space<semaphore_mem>>)
      %dma_wait3A_2015 = arith.constant 0 : i32
      %dma_wait3A_2016 = tpu.memref_slice %arg4[%dma_wait3A_2015] : memref<100000xi32, #tpu.memory_space<hbm>> -> memref<100000xi32, #tpu.memory_space<hbm>>
      tpu.wait_indirect_dma semaphore(%run_scoped3A : memref<!tpu.dma_semaphore, #tpu.memory_space<semaphore_mem>>) src(%dma_wait3A_2016 : memref<100000xi32, #tpu.memory_space<hbm>>) dst(%arg18 : memref<32xi32, #tpu.memory_space<vmem>>)
      tpu.yield
    }) : () -> ()
    %mul3A_849 = arith.constant 32 : i32
    %mul3A_850 = arith.muli %add3A, %mul3A_849 : i32
    "tpu.region"() ({
      %run_scoped3A = tpu.sem_alloc : memref<!tpu.dma_semaphore, #tpu.memory_space<semaphore_mem>>
      %dma_start3A_2013 = tpu.memref_slice %arg8[%mul3A_850] : memref<1024xi32, #tpu.memory_space<hbm>> -> memref<32xi32, #tpu.memory_space<hbm>>
      %dma_start3A_2014 = tpu.memref_slice %arg8[%mul3A_850] : memref<1024xi32, #tpu.memory_space<hbm>> -> memref<32xi32, #tpu.memory_space<hbm>>
      tpu.enqueue_dma source(%arg18 : memref<32xi32, #tpu.memory_space<vmem>>) target(%dma_start3A_2014 : memref<32xi32, #tpu.memory_space<hbm>>) target_semaphore(%run_scoped3A : memref<!tpu.dma_semaphore, #tpu.memory_space<semaphore_mem>>)
      %dma_wait3A_2015 = tpu.memref_slice %arg8[%mul3A_850] : memref<1024xi32, #tpu.memory_space<hbm>> -> memref<32xi32, #tpu.memory_space<hbm>>
      %dma_wait3A_2016 = tpu.memref_slice %arg8[%mul3A_850] : memref<1024xi32, #tpu.memory_space<hbm>> -> memref<32xi32, #tpu.memory_space<hbm>>
      tpu.wait_dma2 semaphore(%run_scoped3A : memref<!tpu.dma_semaphore, #tpu.memory_space<semaphore_mem>>) src(%arg18 : memref<32xi32, #tpu.memory_space<vmem>>) dst(%dma_wait3A_2016 : memref<32xi32, #tpu.memory_space<hbm>>)
      tpu.yield
    }) : () -> ()
    %barrier3A = arith.constant 0 : index
    tpu.barrier barrier_id(%barrier3A)
    %add3A_851 = arith.constant 0 : i32
    %add3A_852 = arith.addi %add3A, %add3A_851 : i32
    %dma_start3A = arith.constant 0 : i32
    %dma_start3A_853 = arith.constant 0 : i32
    %dma_start3A_854 = tpu.memref_slice %arg3[%add3A_852, %dma_start3A, %dma_start3A_853] : memref<391x2x128xi32, #tpu.memory_space<hbm>> -> memref<1x2x128xi32, #tpu.memory_space<hbm>>
    %dma_start3A_855 = tpu.memref_squeeze %dma_start3A_854 : memref<1x2x128xi32, #tpu.memory_space<hbm>> -> memref<2x128xi32, #tpu.memory_space<hbm>>
    %dma_start3A_856 = arith.constant 0 : i32
    %dma_start3A_857 = arith.constant 0 : i32
    %dma_start3A_858 = tpu.memref_slice %arg3[%add3A_852, %dma_start3A_856, %dma_start3A_857] : memref<391x2x128xi32, #tpu.memory_space<hbm>> -> memref<1x2x128xi32, #tpu.memory_space<hbm>>
    %dma_start3A_859 = tpu.memref_squeeze %dma_start3A_858 : memref<1x2x128xi32, #tpu.memory_space<hbm>> -> memref<2x128xi32, #tpu.memory_space<hbm>>
    tpu.enqueue_dma source(%dma_start3A_859 : memref<2x128xi32, #tpu.memory_space<hbm>>) target(%arg11 : memref<2x128xi32, #tpu.memory_space<vmem>>) target_semaphore(%arg22 : memref<!tpu.dma_semaphore, #tpu.memory_space<semaphore_mem>>)
    %mul3A_860 = arith.constant 256 : i32
    %mul3A_861 = arith.muli %add3A_852, %mul3A_860 : i32
    %dma_start3A_862 = arith.constant 0 : i32
    %dma_start3A_863 = tpu.memref_slice %arg2[%mul3A_861, %dma_start3A_862] : memref<100000x64xf32, #tpu.memory_space<hbm>> -> memref<256x64xf32, #tpu.memory_space<hbm>>
    %dma_start3A_864 = arith.constant 0 : i32
    %dma_start3A_865 = tpu.memref_slice %arg2[%mul3A_861, %dma_start3A_864] : memref<100000x64xf32, #tpu.memory_space<hbm>> -> memref<256x64xf32, #tpu.memory_space<hbm>>
    tpu.enqueue_dma source(%dma_start3A_865 : memref<256x64xf32, #tpu.memory_space<hbm>>) target(%arg9 : memref<256x64xf32, #tpu.memory_space<vmem>>) target_semaphore(%arg22 : memref<!tpu.dma_semaphore, #tpu.memory_space<semaphore_mem>>)
    %dma_wait3A = arith.constant 0 : i32
    %dma_wait3A_866 = arith.constant 0 : i32
    %dma_wait3A_867 = tpu.memref_slice %arg3[%add3A_852, %dma_wait3A, %dma_wait3A_866] : memref<391x2x128xi32, #tpu.memory_space<hbm>> -> memref<1x2x128xi32, #tpu.memory_space<hbm>>
    %dma_wait3A_868 = tpu.memref_squeeze %dma_wait3A_867 : memref<1x2x128xi32, #tpu.memory_space<hbm>> -> memref<2x128xi32, #tpu.memory_space<hbm>>
    %dma_wait3A_869 = arith.constant 0 : i32
    %dma_wait3A_870 = arith.constant 0 : i32
    %dma_wait3A_871 = tpu.memref_slice %arg3[%add3A_852, %dma_wait3A_869, %dma_wait3A_870] : memref<391x2x128xi32, #tpu.memory_space<hbm>> -> memref<1x2x128xi32, #tpu.memory_space<hbm>>
    %dma_wait3A_872 = tpu.memref_squeeze %dma_wait3A_871 : memref<1x2x128xi32, #tpu.memory_space<hbm>> -> memref<2x128xi32, #tpu.memory_space<hbm>>
    tpu.wait_dma2 semaphore(%arg22 : memref<!tpu.dma_semaphore, #tpu.memory_space<semaphore_mem>>) src(%dma_wait3A_872 : memref<2x128xi32, #tpu.memory_space<hbm>>) dst(%arg11 : memref<2x128xi32, #tpu.memory_space<vmem>>)
    %dma_wait3A_873 = arith.constant 0 : i32
    %dma_wait3A_874 = tpu.memref_slice %arg2[%mul3A_861, %dma_wait3A_873] : memref<100000x64xf32, #tpu.memory_space<hbm>> -> memref<256x64xf32, #tpu.memory_space<hbm>>
    %dma_wait3A_875 = arith.constant 0 : i32
    %dma_wait3A_876 = tpu.memref_slice %arg2[%mul3A_861, %dma_wait3A_875] : memref<100000x64xf32, #tpu.memory_space<hbm>> -> memref<256x64xf32, #tpu.memory_space<hbm>>
    tpu.wait_dma2 semaphore(%arg22 : memref<!tpu.dma_semaphore, #tpu.memory_space<semaphore_mem>>) src(%dma_wait3A_876 : memref<256x64xf32, #tpu.memory_space<hbm>>) dst(%arg9 : memref<256x64xf32, #tpu.memory_space<vmem>>)
    %add3A_877 = arith.constant 32 : i32
    %add3A_878 = arith.addi %add3A, %add3A_877 : i32
    %dma_start3A_879 = arith.constant 0 : i32
    %dma_start3A_880 = arith.constant 0 : i32
    %dma_start3A_881 = tpu.memref_slice %arg3[%add3A_878, %dma_start3A_879, %dma_start3A_880] : memref<391x2x128xi32, #tpu.memory_space<hbm>> -> memref<1x2x128xi32, #tpu.memory_space<hbm>>
    %dma_start3A_882 = tpu.memref_squeeze %dma_start3A_881 : memref<1x2x128xi32, #tpu.memory_space<hbm>> -> memref<2x128xi32, #tpu.memory_space<hbm>>
    %dma_start3A_883 = arith.constant 0 : i32
    %dma_start3A_884 = arith.constant 0 : i32
    %dma_start3A_885 = tpu.memref_slice %arg3[%add3A_878, %dma_start3A_883, %dma_start3A_884] : memref<391x2x128xi32, #tpu.memory_space<hbm>> -> memref<1x2x128xi32, #tpu.memory_space<hbm>>
    %dma_start3A_886 = tpu.memref_squeeze %dma_start3A_885 : memref<1x2x128xi32, #tpu.memory_space<hbm>> -> memref<2x128xi32, #tpu.memory_space<hbm>>
    tpu.enqueue_dma source(%dma_start3A_886 : memref<2x128xi32, #tpu.memory_space<hbm>>) target(%arg12 : memref<2x128xi32, #tpu.memory_space<vmem>>) target_semaphore(%arg23 : memref<!tpu.dma_semaphore, #tpu.memory_space<semaphore_mem>>)
    %mul3A_887 = arith.constant 256 : i32
    %mul3A_888 = arith.muli %add3A_878, %mul3A_887 : i32
    %dma_start3A_889 = arith.constant 0 : i32
    %dma_start3A_890 = tpu.memref_slice %arg2[%mul3A_888, %dma_start3A_889] : memref<100000x64xf32, #tpu.memory_space<hbm>> -> memref<256x64xf32, #tpu.memory_space<hbm>>
    %dma_start3A_891 = arith.constant 0 : i32
    %dma_start3A_892 = tpu.memref_slice %arg2[%mul3A_888, %dma_start3A_891] : memref<100000x64xf32, #tpu.memory_space<hbm>> -> memref<256x64xf32, #tpu.memory_space<hbm>>
    tpu.enqueue_dma source(%dma_start3A_892 : memref<256x64xf32, #tpu.memory_space<hbm>>) target(%arg10 : memref<256x64xf32, #tpu.memory_space<vmem>>) target_semaphore(%arg23 : memref<!tpu.dma_semaphore, #tpu.memory_space<semaphore_mem>>)
    %dma_start3A_893 = arith.constant 0 : i32
    %dma_start3A_894 = arith.constant 0 : i32
    %dma_start3A_895 = arith.constant 0 : i32
    %dma_start3A_896 = tpu.memref_slice %arg9[%dma_start3A_894, %dma_start3A_895] : memref<256x64xf32, #tpu.memory_space<vmem>> -> memref<128x64xf32, #tpu.memory_space<vmem>>
    %dma_start3A_897 = arith.constant 0 : i32
    %dma_start3A_898 = tpu.memref_slice %arg11[%dma_start3A_893, %dma_start3A_897] : memref<2x128xi32, #tpu.memory_space<vmem>> -> memref<1x128xi32, #tpu.memory_space<vmem>>
    %dma_start3A_899 = tpu.memref_squeeze %dma_start3A_898 : memref<1x128xi32, #tpu.memory_space<vmem>> -> memref<128xi32, #tpu.memory_space<vmem>>
    %dma_start3A_900 = arith.constant 0 : i32
    %dma_start3A_901 = arith.constant 0 : i32
    %dma_start3A_902 = tpu.memref_slice %arg20[%dma_start3A_900, %dma_start3A_901] : memref<768x64xf32, #tpu.memory_space<vmem_shared>> -> memref<768x64xf32, #tpu.memory_space<vmem_shared>>
    tpu.enqueue_indirect_dma source(%dma_start3A_896 : memref<128x64xf32, #tpu.memory_space<vmem>>) target(%dma_start3A_902 : memref<768x64xf32, #tpu.memory_space<vmem_shared>>) offsets(%dma_start3A_899 : memref<128xi32, #tpu.memory_space<vmem>>) semaphore(%arg24 : memref<!tpu.dma_semaphore, #tpu.memory_space<semaphore_mem>>) {add = true}
    %dma_start3A_903 = arith.constant 0 : i32
    %dma_start3A_904 = arith.constant 0 : i32
    %dma_start3A_905 = tpu.memref_slice %arg11[%dma_start3A_903, %dma_start3A_904] : memref<2x128xi32, #tpu.memory_space<vmem>> -> memref<1x128xi32, #tpu.memory_space<vmem>>
    %dma_start3A_906 = tpu.memref_squeeze %dma_start3A_905 : memref<1x128xi32, #tpu.memory_space<vmem>> -> memref<128xi32, #tpu.memory_space<vmem>>
    %dma_start3A_907 = arith.constant 0 : i32
    %dma_start3A_908 = arith.constant 0 : i32
    %dma_start3A_909 = tpu.memref_slice %arg21[%dma_start3A_907, %dma_start3A_908] : memref<768x16xf32, #tpu.memory_space<vmem_shared>> -> memref<768x16xf32, #tpu.memory_space<vmem_shared>>
    tpu.enqueue_indirect_dma source(%arg15 : memref<128x16xf32, #tpu.memory_space<vmem>>) target(%dma_start3A_909 : memref<768x16xf32, #tpu.memory_space<vmem_shared>>) offsets(%dma_start3A_906 : memref<128xi32, #tpu.memory_space<vmem>>) semaphore(%arg24 : memref<!tpu.dma_semaphore, #tpu.memory_space<semaphore_mem>>) {add = true}
    %dma_start3A_910 = arith.constant 1 : i32
    %dma_start3A_911 = arith.constant 128 : i32
    %dma_start3A_912 = arith.constant 0 : i32
    %dma_start3A_913 = tpu.memref_slice %arg9[%dma_start3A_911, %dma_start3A_912] : memref<256x64xf32, #tpu.memory_space<vmem>> -> memref<128x64xf32, #tpu.memory_space<vmem>>
    %dma_start3A_914 = arith.constant 0 : i32
    %dma_start3A_915 = tpu.memref_slice %arg11[%dma_start3A_910, %dma_start3A_914] : memref<2x128xi32, #tpu.memory_space<vmem>> -> memref<1x128xi32, #tpu.memory_space<vmem>>
    %dma_start3A_916 = tpu.memref_squeeze %dma_start3A_915 : memref<1x128xi32, #tpu.memory_space<vmem>> -> memref<128xi32, #tpu.memory_space<vmem>>
    %dma_start3A_917 = arith.constant 0 : i32
    %dma_start3A_918 = arith.constant 0 : i32
    %dma_start3A_919 = tpu.memref_slice %arg20[%dma_start3A_917, %dma_start3A_918] : memref<768x64xf32, #tpu.memory_space<vmem_shared>> -> memref<768x64xf32, #tpu.memory_space<vmem_shared>>
    tpu.enqueue_indirect_dma source(%dma_start3A_913 : memref<128x64xf32, #tpu.memory_space<vmem>>) target(%dma_start3A_919 : memref<768x64xf32, #tpu.memory_space<vmem_shared>>) offsets(%dma_start3A_916 : memref<128xi32, #tpu.memory_space<vmem>>) semaphore(%arg24 : memref<!tpu.dma_semaphore, #tpu.memory_space<semaphore_mem>>) {add = true}
    %dma_start3A_920 = arith.constant 1 : i32
    %dma_start3A_921 = arith.constant 0 : i32
    %dma_start3A_922 = tpu.memref_slice %arg11[%dma_start3A_920, %dma_start3A_921] : memref<2x128xi32, #tpu.memory_space<vmem>> -> memref<1x128xi32, #tpu.memory_space<vmem>>
    %dma_start3A_923 = tpu.memref_squeeze %dma_start3A_922 : memref<1x128xi32, #tpu.memory_space<vmem>> -> memref<128xi32, #tpu.memory_space<vmem>>
    %dma_start3A_924 = arith.constant 0 : i32
    %dma_start3A_925 = arith.constant 0 : i32
    %dma_start3A_926 = tpu.memref_slice %arg21[%dma_start3A_924, %dma_start3A_925] : memref<768x16xf32, #tpu.memory_space<vmem_shared>> -> memref<768x16xf32, #tpu.memory_space<vmem_shared>>
    tpu.enqueue_indirect_dma source(%arg15 : memref<128x16xf32, #tpu.memory_space<vmem>>) target(%dma_start3A_926 : memref<768x16xf32, #tpu.memory_space<vmem_shared>>) offsets(%dma_start3A_923 : memref<128xi32, #tpu.memory_space<vmem>>) semaphore(%arg24 : memref<!tpu.dma_semaphore, #tpu.memory_space<semaphore_mem>>) {add = true}
    %dma_wait3A_927 = arith.constant 0 : i32
    %dma_wait3A_928 = arith.constant 0 : i32
    %dma_wait3A_929 = tpu.memref_slice %arg3[%add3A_878, %dma_wait3A_927, %dma_wait3A_928] : memref<391x2x128xi32, #tpu.memory_space<hbm>> -> memref<1x2x128xi32, #tpu.memory_space<hbm>>
    %dma_wait3A_930 = tpu.memref_squeeze %dma_wait3A_929 : memref<1x2x128xi32, #tpu.memory_space<hbm>> -> memref<2x128xi32, #tpu.memory_space<hbm>>
    %dma_wait3A_931 = arith.constant 0 : i32
    %dma_wait3A_932 = arith.constant 0 : i32
    %dma_wait3A_933 = tpu.memref_slice %arg3[%add3A_878, %dma_wait3A_931, %dma_wait3A_932] : memref<391x2x128xi32, #tpu.memory_space<hbm>> -> memref<1x2x128xi32, #tpu.memory_space<hbm>>
    %dma_wait3A_934 = tpu.memref_squeeze %dma_wait3A_933 : memref<1x2x128xi32, #tpu.memory_space<hbm>> -> memref<2x128xi32, #tpu.memory_space<hbm>>
    tpu.wait_dma2 semaphore(%arg23 : memref<!tpu.dma_semaphore, #tpu.memory_space<semaphore_mem>>) src(%dma_wait3A_934 : memref<2x128xi32, #tpu.memory_space<hbm>>) dst(%arg12 : memref<2x128xi32, #tpu.memory_space<vmem>>)
    %dma_wait3A_935 = arith.constant 0 : i32
    %dma_wait3A_936 = tpu.memref_slice %arg2[%mul3A_888, %dma_wait3A_935] : memref<100000x64xf32, #tpu.memory_space<hbm>> -> memref<256x64xf32, #tpu.memory_space<hbm>>
    %dma_wait3A_937 = arith.constant 0 : i32
    %dma_wait3A_938 = tpu.memref_slice %arg2[%mul3A_888, %dma_wait3A_937] : memref<100000x64xf32, #tpu.memory_space<hbm>> -> memref<256x64xf32, #tpu.memory_space<hbm>>
    tpu.wait_dma2 semaphore(%arg23 : memref<!tpu.dma_semaphore, #tpu.memory_space<semaphore_mem>>) src(%dma_wait3A_938 : memref<256x64xf32, #tpu.memory_space<hbm>>) dst(%arg10 : memref<256x64xf32, #tpu.memory_space<vmem>>)
    %dma_wait3A_939 = arith.constant 0 : i32
    %dma_wait3A_940 = arith.constant 0 : i32
    %dma_wait3A_941 = arith.constant 0 : i32
    %dma_wait3A_942 = tpu.memref_slice %arg9[%dma_wait3A_940, %dma_wait3A_941] : memref<256x64xf32, #tpu.memory_space<vmem>> -> memref<128x64xf32, #tpu.memory_space<vmem>>
    %dma_wait3A_943 = arith.constant 0 : i32
    %dma_wait3A_944 = tpu.memref_slice %arg11[%dma_wait3A_939, %dma_wait3A_943] : memref<2x128xi32, #tpu.memory_space<vmem>> -> memref<1x128xi32, #tpu.memory_space<vmem>>
    %dma_wait3A_945 = tpu.memref_squeeze %dma_wait3A_944 : memref<1x128xi32, #tpu.memory_space<vmem>> -> memref<128xi32, #tpu.memory_space<vmem>>
    %dma_wait3A_946 = arith.constant 0 : i32
    %dma_wait3A_947 = arith.constant 0 : i32
    %dma_wait3A_948 = tpu.memref_slice %arg20[%dma_wait3A_946, %dma_wait3A_947] : memref<768x64xf32, #tpu.memory_space<vmem_shared>> -> memref<768x64xf32, #tpu.memory_space<vmem_shared>>
    tpu.wait_indirect_dma semaphore(%arg24 : memref<!tpu.dma_semaphore, #tpu.memory_space<semaphore_mem>>) src(%dma_wait3A_942 : memref<128x64xf32, #tpu.memory_space<vmem>>) dst(%dma_wait3A_948 : memref<768x64xf32, #tpu.memory_space<vmem_shared>>)
    %dma_wait3A_949 = arith.constant 0 : i32
    %dma_wait3A_950 = arith.constant 0 : i32
    %dma_wait3A_951 = tpu.memref_slice %arg11[%dma_wait3A_949, %dma_wait3A_950] : memref<2x128xi32, #tpu.memory_space<vmem>> -> memref<1x128xi32, #tpu.memory_space<vmem>>
    %dma_wait3A_952 = tpu.memref_squeeze %dma_wait3A_951 : memref<1x128xi32, #tpu.memory_space<vmem>> -> memref<128xi32, #tpu.memory_space<vmem>>
    %dma_wait3A_953 = arith.constant 0 : i32
    %dma_wait3A_954 = arith.constant 0 : i32
    %dma_wait3A_955 = tpu.memref_slice %arg21[%dma_wait3A_953, %dma_wait3A_954] : memref<768x16xf32, #tpu.memory_space<vmem_shared>> -> memref<768x16xf32, #tpu.memory_space<vmem_shared>>
    tpu.wait_indirect_dma semaphore(%arg24 : memref<!tpu.dma_semaphore, #tpu.memory_space<semaphore_mem>>) src(%arg15 : memref<128x16xf32, #tpu.memory_space<vmem>>) dst(%dma_wait3A_955 : memref<768x16xf32, #tpu.memory_space<vmem_shared>>)
    %dma_wait3A_956 = arith.constant 1 : i32
    %dma_wait3A_957 = arith.constant 128 : i32
    %dma_wait3A_958 = arith.constant 0 : i32
    %dma_wait3A_959 = tpu.memref_slice %arg9[%dma_wait3A_957, %dma_wait3A_958] : memref<256x64xf32, #tpu.memory_space<vmem>> -> memref<128x64xf32, #tpu.memory_space<vmem>>
    %dma_wait3A_960 = arith.constant 0 : i32
    %dma_wait3A_961 = tpu.memref_slice %arg11[%dma_wait3A_956, %dma_wait3A_960] : memref<2x128xi32, #tpu.memory_space<vmem>> -> memref<1x128xi32, #tpu.memory_space<vmem>>
    %dma_wait3A_962 = tpu.memref_squeeze %dma_wait3A_961 : memref<1x128xi32, #tpu.memory_space<vmem>> -> memref<128xi32, #tpu.memory_space<vmem>>
    %dma_wait3A_963 = arith.constant 0 : i32
    %dma_wait3A_964 = arith.constant 0 : i32
    %dma_wait3A_965 = tpu.memref_slice %arg20[%dma_wait3A_963, %dma_wait3A_964] : memref<768x64xf32, #tpu.memory_space<vmem_shared>> -> memref<768x64xf32, #tpu.memory_space<vmem_shared>>
    tpu.wait_indirect_dma semaphore(%arg24 : memref<!tpu.dma_semaphore, #tpu.memory_space<semaphore_mem>>) src(%dma_wait3A_959 : memref<128x64xf32, #tpu.memory_space<vmem>>) dst(%dma_wait3A_965 : memref<768x64xf32, #tpu.memory_space<vmem_shared>>)
    %dma_wait3A_966 = arith.constant 1 : i32
    %dma_wait3A_967 = arith.constant 0 : i32
    %dma_wait3A_968 = tpu.memref_slice %arg11[%dma_wait3A_966, %dma_wait3A_967] : memref<2x128xi32, #tpu.memory_space<vmem>> -> memref<1x128xi32, #tpu.memory_space<vmem>>
    %dma_wait3A_969 = tpu.memref_squeeze %dma_wait3A_968 : memref<1x128xi32, #tpu.memory_space<vmem>> -> memref<128xi32, #tpu.memory_space<vmem>>
    %dma_wait3A_970 = arith.constant 0 : i32
    %dma_wait3A_971 = arith.constant 0 : i32
    %dma_wait3A_972 = tpu.memref_slice %arg21[%dma_wait3A_970, %dma_wait3A_971] : memref<768x16xf32, #tpu.memory_space<vmem_shared>> -> memref<768x16xf32, #tpu.memory_space<vmem_shared>>
    tpu.wait_indirect_dma semaphore(%arg24 : memref<!tpu.dma_semaphore, #tpu.memory_space<semaphore_mem>>) src(%arg15 : memref<128x16xf32, #tpu.memory_space<vmem>>) dst(%dma_wait3A_972 : memref<768x16xf32, #tpu.memory_space<vmem_shared>>)
    %add3A_973 = arith.constant 64 : i32
    %add3A_974 = arith.addi %add3A, %add3A_973 : i32
    %dma_start3A_975 = arith.constant 0 : i32
    %dma_start3A_976 = arith.constant 0 : i32
    %dma_start3A_977 = tpu.memref_slice %arg3[%add3A_974, %dma_start3A_975, %dma_start3A_976] : memref<391x2x128xi32, #tpu.memory_space<hbm>> -> memref<1x2x128xi32, #tpu.memory_space<hbm>>
    %dma_start3A_978 = tpu.memref_squeeze %dma_start3A_977 : memref<1x2x128xi32, #tpu.memory_space<hbm>> -> memref<2x128xi32, #tpu.memory_space<hbm>>
    %dma_start3A_979 = arith.constant 0 : i32
    %dma_start3A_980 = arith.constant 0 : i32
    %dma_start3A_981 = tpu.memref_slice %arg3[%add3A_974, %dma_start3A_979, %dma_start3A_980] : memref<391x2x128xi32, #tpu.memory_space<hbm>> -> memref<1x2x128xi32, #tpu.memory_space<hbm>>
    %dma_start3A_982 = tpu.memref_squeeze %dma_start3A_981 : memref<1x2x128xi32, #tpu.memory_space<hbm>> -> memref<2x128xi32, #tpu.memory_space<hbm>>
    tpu.enqueue_dma source(%dma_start3A_982 : memref<2x128xi32, #tpu.memory_space<hbm>>) target(%arg11 : memref<2x128xi32, #tpu.memory_space<vmem>>) target_semaphore(%arg22 : memref<!tpu.dma_semaphore, #tpu.memory_space<semaphore_mem>>)
    %mul3A_983 = arith.constant 256 : i32
    %mul3A_984 = arith.muli %add3A_974, %mul3A_983 : i32
    %dma_start3A_985 = arith.constant 0 : i32
    %dma_start3A_986 = tpu.memref_slice %arg2[%mul3A_984, %dma_start3A_985] : memref<100000x64xf32, #tpu.memory_space<hbm>> -> memref<256x64xf32, #tpu.memory_space<hbm>>
    %dma_start3A_987 = arith.constant 0 : i32
    %dma_start3A_988 = tpu.memref_slice %arg2[%mul3A_984, %dma_start3A_987] : memref<100000x64xf32, #tpu.memory_space<hbm>> -> memref<256x64xf32, #tpu.memory_space<hbm>>
    tpu.enqueue_dma source(%dma_start3A_988 : memref<256x64xf32, #tpu.memory_space<hbm>>) target(%arg9 : memref<256x64xf32, #tpu.memory_space<vmem>>) target_semaphore(%arg22 : memref<!tpu.dma_semaphore, #tpu.memory_space<semaphore_mem>>)
    %dma_start3A_989 = arith.constant 0 : i32
    %dma_start3A_990 = arith.constant 0 : i32
    %dma_start3A_991 = arith.constant 0 : i32
    %dma_start3A_992 = tpu.memref_slice %arg10[%dma_start3A_990, %dma_start3A_991] : memref<256x64xf32, #tpu.memory_space<vmem>> -> memref<128x64xf32, #tpu.memory_space<vmem>>
    %dma_start3A_993 = arith.constant 0 : i32
    %dma_start3A_994 = tpu.memref_slice %arg12[%dma_start3A_989, %dma_start3A_993] : memref<2x128xi32, #tpu.memory_space<vmem>> -> memref<1x128xi32, #tpu.memory_space<vmem>>
    %dma_start3A_995 = tpu.memref_squeeze %dma_start3A_994 : memref<1x128xi32, #tpu.memory_space<vmem>> -> memref<128xi32, #tpu.memory_space<vmem>>
    %dma_start3A_996 = arith.constant 0 : i32
    %dma_start3A_997 = arith.constant 0 : i32
    %dma_start3A_998 = tpu.memref_slice %arg20[%dma_start3A_996, %dma_start3A_997] : memref<768x64xf32, #tpu.memory_space<vmem_shared>> -> memref<768x64xf32, #tpu.memory_space<vmem_shared>>
    tpu.enqueue_indirect_dma source(%dma_start3A_992 : memref<128x64xf32, #tpu.memory_space<vmem>>) target(%dma_start3A_998 : memref<768x64xf32, #tpu.memory_space<vmem_shared>>) offsets(%dma_start3A_995 : memref<128xi32, #tpu.memory_space<vmem>>) semaphore(%arg25 : memref<!tpu.dma_semaphore, #tpu.memory_space<semaphore_mem>>) {add = true}
    %dma_start3A_999 = arith.constant 0 : i32
    %dma_start3A_1000 = arith.constant 0 : i32
    %dma_start3A_1001 = tpu.memref_slice %arg12[%dma_start3A_999, %dma_start3A_1000] : memref<2x128xi32, #tpu.memory_space<vmem>> -> memref<1x128xi32, #tpu.memory_space<vmem>>
    %dma_start3A_1002 = tpu.memref_squeeze %dma_start3A_1001 : memref<1x128xi32, #tpu.memory_space<vmem>> -> memref<128xi32, #tpu.memory_space<vmem>>
    %dma_start3A_1003 = arith.constant 0 : i32
    %dma_start3A_1004 = arith.constant 0 : i32
    %dma_start3A_1005 = tpu.memref_slice %arg21[%dma_start3A_1003, %dma_start3A_1004] : memref<768x16xf32, #tpu.memory_space<vmem_shared>> -> memref<768x16xf32, #tpu.memory_space<vmem_shared>>
    tpu.enqueue_indirect_dma source(%arg15 : memref<128x16xf32, #tpu.memory_space<vmem>>) target(%dma_start3A_1005 : memref<768x16xf32, #tpu.memory_space<vmem_shared>>) offsets(%dma_start3A_1002 : memref<128xi32, #tpu.memory_space<vmem>>) semaphore(%arg25 : memref<!tpu.dma_semaphore, #tpu.memory_space<semaphore_mem>>) {add = true}
    %dma_start3A_1006 = arith.constant 1 : i32
    %dma_start3A_1007 = arith.constant 128 : i32
    %dma_start3A_1008 = arith.constant 0 : i32
    %dma_start3A_1009 = tpu.memref_slice %arg10[%dma_start3A_1007, %dma_start3A_1008] : memref<256x64xf32, #tpu.memory_space<vmem>> -> memref<128x64xf32, #tpu.memory_space<vmem>>
    %dma_start3A_1010 = arith.constant 0 : i32
    %dma_start3A_1011 = tpu.memref_slice %arg12[%dma_start3A_1006, %dma_start3A_1010] : memref<2x128xi32, #tpu.memory_space<vmem>> -> memref<1x128xi32, #tpu.memory_space<vmem>>
    %dma_start3A_1012 = tpu.memref_squeeze %dma_start3A_1011 : memref<1x128xi32, #tpu.memory_space<vmem>> -> memref<128xi32, #tpu.memory_space<vmem>>
    %dma_start3A_1013 = arith.constant 0 : i32
    %dma_start3A_1014 = arith.constant 0 : i32
    %dma_start3A_1015 = tpu.memref_slice %arg20[%dma_start3A_1013, %dma_start3A_1014] : memref<768x64xf32, #tpu.memory_space<vmem_shared>> -> memref<768x64xf32, #tpu.memory_space<vmem_shared>>
    tpu.enqueue_indirect_dma source(%dma_start3A_1009 : memref<128x64xf32, #tpu.memory_space<vmem>>) target(%dma_start3A_1015 : memref<768x64xf32, #tpu.memory_space<vmem_shared>>) offsets(%dma_start3A_1012 : memref<128xi32, #tpu.memory_space<vmem>>) semaphore(%arg25 : memref<!tpu.dma_semaphore, #tpu.memory_space<semaphore_mem>>) {add = true}
    %dma_start3A_1016 = arith.constant 1 : i32
    %dma_start3A_1017 = arith.constant 0 : i32
    %dma_start3A_1018 = tpu.memref_slice %arg12[%dma_start3A_1016, %dma_start3A_1017] : memref<2x128xi32, #tpu.memory_space<vmem>> -> memref<1x128xi32, #tpu.memory_space<vmem>>
    %dma_start3A_1019 = tpu.memref_squeeze %dma_start3A_1018 : memref<1x128xi32, #tpu.memory_space<vmem>> -> memref<128xi32, #tpu.memory_space<vmem>>
    %dma_start3A_1020 = arith.constant 0 : i32
    %dma_start3A_1021 = arith.constant 0 : i32
    %dma_start3A_1022 = tpu.memref_slice %arg21[%dma_start3A_1020, %dma_start3A_1021] : memref<768x16xf32, #tpu.memory_space<vmem_shared>> -> memref<768x16xf32, #tpu.memory_space<vmem_shared>>
    tpu.enqueue_indirect_dma source(%arg15 : memref<128x16xf32, #tpu.memory_space<vmem>>) target(%dma_start3A_1022 : memref<768x16xf32, #tpu.memory_space<vmem_shared>>) offsets(%dma_start3A_1019 : memref<128xi32, #tpu.memory_space<vmem>>) semaphore(%arg25 : memref<!tpu.dma_semaphore, #tpu.memory_space<semaphore_mem>>) {add = true}
    %dma_wait3A_1023 = arith.constant 0 : i32
    %dma_wait3A_1024 = arith.constant 0 : i32
    %dma_wait3A_1025 = tpu.memref_slice %arg3[%add3A_974, %dma_wait3A_1023, %dma_wait3A_1024] : memref<391x2x128xi32, #tpu.memory_space<hbm>> -> memref<1x2x128xi32, #tpu.memory_space<hbm>>
    %dma_wait3A_1026 = tpu.memref_squeeze %dma_wait3A_1025 : memref<1x2x128xi32, #tpu.memory_space<hbm>> -> memref<2x128xi32, #tpu.memory_space<hbm>>
    %dma_wait3A_1027 = arith.constant 0 : i32
    %dma_wait3A_1028 = arith.constant 0 : i32
    %dma_wait3A_1029 = tpu.memref_slice %arg3[%add3A_974, %dma_wait3A_1027, %dma_wait3A_1028] : memref<391x2x128xi32, #tpu.memory_space<hbm>> -> memref<1x2x128xi32, #tpu.memory_space<hbm>>
    %dma_wait3A_1030 = tpu.memref_squeeze %dma_wait3A_1029 : memref<1x2x128xi32, #tpu.memory_space<hbm>> -> memref<2x128xi32, #tpu.memory_space<hbm>>
    tpu.wait_dma2 semaphore(%arg22 : memref<!tpu.dma_semaphore, #tpu.memory_space<semaphore_mem>>) src(%dma_wait3A_1030 : memref<2x128xi32, #tpu.memory_space<hbm>>) dst(%arg11 : memref<2x128xi32, #tpu.memory_space<vmem>>)
    %dma_wait3A_1031 = arith.constant 0 : i32
    %dma_wait3A_1032 = tpu.memref_slice %arg2[%mul3A_984, %dma_wait3A_1031] : memref<100000x64xf32, #tpu.memory_space<hbm>> -> memref<256x64xf32, #tpu.memory_space<hbm>>
    %dma_wait3A_1033 = arith.constant 0 : i32
    %dma_wait3A_1034 = tpu.memref_slice %arg2[%mul3A_984, %dma_wait3A_1033] : memref<100000x64xf32, #tpu.memory_space<hbm>> -> memref<256x64xf32, #tpu.memory_space<hbm>>
    tpu.wait_dma2 semaphore(%arg22 : memref<!tpu.dma_semaphore, #tpu.memory_space<semaphore_mem>>) src(%dma_wait3A_1034 : memref<256x64xf32, #tpu.memory_space<hbm>>) dst(%arg9 : memref<256x64xf32, #tpu.memory_space<vmem>>)
    %dma_wait3A_1035 = arith.constant 0 : i32
    %dma_wait3A_1036 = arith.constant 0 : i32
    %dma_wait3A_1037 = arith.constant 0 : i32
    %dma_wait3A_1038 = tpu.memref_slice %arg10[%dma_wait3A_1036, %dma_wait3A_1037] : memref<256x64xf32, #tpu.memory_space<vmem>> -> memref<128x64xf32, #tpu.memory_space<vmem>>
    %dma_wait3A_1039 = arith.constant 0 : i32
    %dma_wait3A_1040 = tpu.memref_slice %arg12[%dma_wait3A_1035, %dma_wait3A_1039] : memref<2x128xi32, #tpu.memory_space<vmem>> -> memref<1x128xi32, #tpu.memory_space<vmem>>
    %dma_wait3A_1041 = tpu.memref_squeeze %dma_wait3A_1040 : memref<1x128xi32, #tpu.memory_space<vmem>> -> memref<128xi32, #tpu.memory_space<vmem>>
    %dma_wait3A_1042 = arith.constant 0 : i32
    %dma_wait3A_1043 = arith.constant 0 : i32
    %dma_wait3A_1044 = tpu.memref_slice %arg20[%dma_wait3A_1042, %dma_wait3A_1043] : memref<768x64xf32, #tpu.memory_space<vmem_shared>> -> memref<768x64xf32, #tpu.memory_space<vmem_shared>>
    tpu.wait_indirect_dma semaphore(%arg25 : memref<!tpu.dma_semaphore, #tpu.memory_space<semaphore_mem>>) src(%dma_wait3A_1038 : memref<128x64xf32, #tpu.memory_space<vmem>>) dst(%dma_wait3A_1044 : memref<768x64xf32, #tpu.memory_space<vmem_shared>>)
    %dma_wait3A_1045 = arith.constant 0 : i32
    %dma_wait3A_1046 = arith.constant 0 : i32
    %dma_wait3A_1047 = tpu.memref_slice %arg12[%dma_wait3A_1045, %dma_wait3A_1046] : memref<2x128xi32, #tpu.memory_space<vmem>> -> memref<1x128xi32, #tpu.memory_space<vmem>>
    %dma_wait3A_1048 = tpu.memref_squeeze %dma_wait3A_1047 : memref<1x128xi32, #tpu.memory_space<vmem>> -> memref<128xi32, #tpu.memory_space<vmem>>
    %dma_wait3A_1049 = arith.constant 0 : i32
    %dma_wait3A_1050 = arith.constant 0 : i32
    %dma_wait3A_1051 = tpu.memref_slice %arg21[%dma_wait3A_1049, %dma_wait3A_1050] : memref<768x16xf32, #tpu.memory_space<vmem_shared>> -> memref<768x16xf32, #tpu.memory_space<vmem_shared>>
    tpu.wait_indirect_dma semaphore(%arg25 : memref<!tpu.dma_semaphore, #tpu.memory_space<semaphore_mem>>) src(%arg15 : memref<128x16xf32, #tpu.memory_space<vmem>>) dst(%dma_wait3A_1051 : memref<768x16xf32, #tpu.memory_space<vmem_shared>>)
    %dma_wait3A_1052 = arith.constant 1 : i32
    %dma_wait3A_1053 = arith.constant 128 : i32
    %dma_wait3A_1054 = arith.constant 0 : i32
    %dma_wait3A_1055 = tpu.memref_slice %arg10[%dma_wait3A_1053, %dma_wait3A_1054] : memref<256x64xf32, #tpu.memory_space<vmem>> -> memref<128x64xf32, #tpu.memory_space<vmem>>
    %dma_wait3A_1056 = arith.constant 0 : i32
    %dma_wait3A_1057 = tpu.memref_slice %arg12[%dma_wait3A_1052, %dma_wait3A_1056] : memref<2x128xi32, #tpu.memory_space<vmem>> -> memref<1x128xi32, #tpu.memory_space<vmem>>
    %dma_wait3A_1058 = tpu.memref_squeeze %dma_wait3A_1057 : memref<1x128xi32, #tpu.memory_space<vmem>> -> memref<128xi32, #tpu.memory_space<vmem>>
    %dma_wait3A_1059 = arith.constant 0 : i32
    %dma_wait3A_1060 = arith.constant 0 : i32
    %dma_wait3A_1061 = tpu.memref_slice %arg20[%dma_wait3A_1059, %dma_wait3A_1060] : memref<768x64xf32, #tpu.memory_space<vmem_shared>> -> memref<768x64xf32, #tpu.memory_space<vmem_shared>>
    tpu.wait_indirect_dma semaphore(%arg25 : memref<!tpu.dma_semaphore, #tpu.memory_space<semaphore_mem>>) src(%dma_wait3A_1055 : memref<128x64xf32, #tpu.memory_space<vmem>>) dst(%dma_wait3A_1061 : memref<768x64xf32, #tpu.memory_space<vmem_shared>>)
    %dma_wait3A_1062 = arith.constant 1 : i32
    %dma_wait3A_1063 = arith.constant 0 : i32
    %dma_wait3A_1064 = tpu.memref_slice %arg12[%dma_wait3A_1062, %dma_wait3A_1063] : memref<2x128xi32, #tpu.memory_space<vmem>> -> memref<1x128xi32, #tpu.memory_space<vmem>>
    %dma_wait3A_1065 = tpu.memref_squeeze %dma_wait3A_1064 : memref<1x128xi32, #tpu.memory_space<vmem>> -> memref<128xi32, #tpu.memory_space<vmem>>
    %dma_wait3A_1066 = arith.constant 0 : i32
    %dma_wait3A_1067 = arith.constant 0 : i32
    %dma_wait3A_1068 = tpu.memref_slice %arg21[%dma_wait3A_1066, %dma_wait3A_1067] : memref<768x16xf32, #tpu.memory_space<vmem_shared>> -> memref<768x16xf32, #tpu.memory_space<vmem_shared>>
    tpu.wait_indirect_dma semaphore(%arg25 : memref<!tpu.dma_semaphore, #tpu.memory_space<semaphore_mem>>) src(%arg15 : memref<128x16xf32, #tpu.memory_space<vmem>>) dst(%dma_wait3A_1068 : memref<768x16xf32, #tpu.memory_space<vmem_shared>>)
    %add3A_1069 = arith.constant 96 : i32
    %add3A_1070 = arith.addi %add3A, %add3A_1069 : i32
    %dma_start3A_1071 = arith.constant 0 : i32
    %dma_start3A_1072 = arith.constant 0 : i32
    %dma_start3A_1073 = tpu.memref_slice %arg3[%add3A_1070, %dma_start3A_1071, %dma_start3A_1072] : memref<391x2x128xi32, #tpu.memory_space<hbm>> -> memref<1x2x128xi32, #tpu.memory_space<hbm>>
    %dma_start3A_1074 = tpu.memref_squeeze %dma_start3A_1073 : memref<1x2x128xi32, #tpu.memory_space<hbm>> -> memref<2x128xi32, #tpu.memory_space<hbm>>
    %dma_start3A_1075 = arith.constant 0 : i32
    %dma_start3A_1076 = arith.constant 0 : i32
    %dma_start3A_1077 = tpu.memref_slice %arg3[%add3A_1070, %dma_start3A_1075, %dma_start3A_1076] : memref<391x2x128xi32, #tpu.memory_space<hbm>> -> memref<1x2x128xi32, #tpu.memory_space<hbm>>
    %dma_start3A_1078 = tpu.memref_squeeze %dma_start3A_1077 : memref<1x2x128xi32, #tpu.memory_space<hbm>> -> memref<2x128xi32, #tpu.memory_space<hbm>>
    tpu.enqueue_dma source(%dma_start3A_1078 : memref<2x128xi32, #tpu.memory_space<hbm>>) target(%arg12 : memref<2x128xi32, #tpu.memory_space<vmem>>) target_semaphore(%arg23 : memref<!tpu.dma_semaphore, #tpu.memory_space<semaphore_mem>>)
    %mul3A_1079 = arith.constant 256 : i32
    %mul3A_1080 = arith.muli %add3A_1070, %mul3A_1079 : i32
    %dma_start3A_1081 = arith.constant 0 : i32
    %dma_start3A_1082 = tpu.memref_slice %arg2[%mul3A_1080, %dma_start3A_1081] : memref<100000x64xf32, #tpu.memory_space<hbm>> -> memref<256x64xf32, #tpu.memory_space<hbm>>
    %dma_start3A_1083 = arith.constant 0 : i32
    %dma_start3A_1084 = tpu.memref_slice %arg2[%mul3A_1080, %dma_start3A_1083] : memref<100000x64xf32, #tpu.memory_space<hbm>> -> memref<256x64xf32, #tpu.memory_space<hbm>>
    tpu.enqueue_dma source(%dma_start3A_1084 : memref<256x64xf32, #tpu.memory_space<hbm>>) target(%arg10 : memref<256x64xf32, #tpu.memory_space<vmem>>) target_semaphore(%arg23 : memref<!tpu.dma_semaphore, #tpu.memory_space<semaphore_mem>>)
    %dma_start3A_1085 = arith.constant 0 : i32
    %dma_start3A_1086 = arith.constant 0 : i32
    %dma_start3A_1087 = arith.constant 0 : i32
    %dma_start3A_1088 = tpu.memref_slice %arg9[%dma_start3A_1086, %dma_start3A_1087] : memref<256x64xf32, #tpu.memory_space<vmem>> -> memref<128x64xf32, #tpu.memory_space<vmem>>
    %dma_start3A_1089 = arith.constant 0 : i32
    %dma_start3A_1090 = tpu.memref_slice %arg11[%dma_start3A_1085, %dma_start3A_1089] : memref<2x128xi32, #tpu.memory_space<vmem>> -> memref<1x128xi32, #tpu.memory_space<vmem>>
    %dma_start3A_1091 = tpu.memref_squeeze %dma_start3A_1090 : memref<1x128xi32, #tpu.memory_space<vmem>> -> memref<128xi32, #tpu.memory_space<vmem>>
    %dma_start3A_1092 = arith.constant 0 : i32
    %dma_start3A_1093 = arith.constant 0 : i32
    %dma_start3A_1094 = tpu.memref_slice %arg20[%dma_start3A_1092, %dma_start3A_1093] : memref<768x64xf32, #tpu.memory_space<vmem_shared>> -> memref<768x64xf32, #tpu.memory_space<vmem_shared>>
    tpu.enqueue_indirect_dma source(%dma_start3A_1088 : memref<128x64xf32, #tpu.memory_space<vmem>>) target(%dma_start3A_1094 : memref<768x64xf32, #tpu.memory_space<vmem_shared>>) offsets(%dma_start3A_1091 : memref<128xi32, #tpu.memory_space<vmem>>) semaphore(%arg24 : memref<!tpu.dma_semaphore, #tpu.memory_space<semaphore_mem>>) {add = true}
    %dma_start3A_1095 = arith.constant 0 : i32
    %dma_start3A_1096 = arith.constant 0 : i32
    %dma_start3A_1097 = tpu.memref_slice %arg11[%dma_start3A_1095, %dma_start3A_1096] : memref<2x128xi32, #tpu.memory_space<vmem>> -> memref<1x128xi32, #tpu.memory_space<vmem>>
    %dma_start3A_1098 = tpu.memref_squeeze %dma_start3A_1097 : memref<1x128xi32, #tpu.memory_space<vmem>> -> memref<128xi32, #tpu.memory_space<vmem>>
    %dma_start3A_1099 = arith.constant 0 : i32
    %dma_start3A_1100 = arith.constant 0 : i32
    %dma_start3A_1101 = tpu.memref_slice %arg21[%dma_start3A_1099, %dma_start3A_1100] : memref<768x16xf32, #tpu.memory_space<vmem_shared>> -> memref<768x16xf32, #tpu.memory_space<vmem_shared>>
    tpu.enqueue_indirect_dma source(%arg15 : memref<128x16xf32, #tpu.memory_space<vmem>>) target(%dma_start3A_1101 : memref<768x16xf32, #tpu.memory_space<vmem_shared>>) offsets(%dma_start3A_1098 : memref<128xi32, #tpu.memory_space<vmem>>) semaphore(%arg24 : memref<!tpu.dma_semaphore, #tpu.memory_space<semaphore_mem>>) {add = true}
    %dma_start3A_1102 = arith.constant 1 : i32
    %dma_start3A_1103 = arith.constant 128 : i32
    %dma_start3A_1104 = arith.constant 0 : i32
    %dma_start3A_1105 = tpu.memref_slice %arg9[%dma_start3A_1103, %dma_start3A_1104] : memref<256x64xf32, #tpu.memory_space<vmem>> -> memref<128x64xf32, #tpu.memory_space<vmem>>
    %dma_start3A_1106 = arith.constant 0 : i32
    %dma_start3A_1107 = tpu.memref_slice %arg11[%dma_start3A_1102, %dma_start3A_1106] : memref<2x128xi32, #tpu.memory_space<vmem>> -> memref<1x128xi32, #tpu.memory_space<vmem>>
    %dma_start3A_1108 = tpu.memref_squeeze %dma_start3A_1107 : memref<1x128xi32, #tpu.memory_space<vmem>> -> memref<128xi32, #tpu.memory_space<vmem>>
    %dma_start3A_1109 = arith.constant 0 : i32
    %dma_start3A_1110 = arith.constant 0 : i32
    %dma_start3A_1111 = tpu.memref_slice %arg20[%dma_start3A_1109, %dma_start3A_1110] : memref<768x64xf32, #tpu.memory_space<vmem_shared>> -> memref<768x64xf32, #tpu.memory_space<vmem_shared>>
    tpu.enqueue_indirect_dma source(%dma_start3A_1105 : memref<128x64xf32, #tpu.memory_space<vmem>>) target(%dma_start3A_1111 : memref<768x64xf32, #tpu.memory_space<vmem_shared>>) offsets(%dma_start3A_1108 : memref<128xi32, #tpu.memory_space<vmem>>) semaphore(%arg24 : memref<!tpu.dma_semaphore, #tpu.memory_space<semaphore_mem>>) {add = true}
    %dma_start3A_1112 = arith.constant 1 : i32
    %dma_start3A_1113 = arith.constant 0 : i32
    %dma_start3A_1114 = tpu.memref_slice %arg11[%dma_start3A_1112, %dma_start3A_1113] : memref<2x128xi32, #tpu.memory_space<vmem>> -> memref<1x128xi32, #tpu.memory_space<vmem>>
    %dma_start3A_1115 = tpu.memref_squeeze %dma_start3A_1114 : memref<1x128xi32, #tpu.memory_space<vmem>> -> memref<128xi32, #tpu.memory_space<vmem>>
    %dma_start3A_1116 = arith.constant 0 : i32
    %dma_start3A_1117 = arith.constant 0 : i32
    %dma_start3A_1118 = tpu.memref_slice %arg21[%dma_start3A_1116, %dma_start3A_1117] : memref<768x16xf32, #tpu.memory_space<vmem_shared>> -> memref<768x16xf32, #tpu.memory_space<vmem_shared>>
    tpu.enqueue_indirect_dma source(%arg15 : memref<128x16xf32, #tpu.memory_space<vmem>>) target(%dma_start3A_1118 : memref<768x16xf32, #tpu.memory_space<vmem_shared>>) offsets(%dma_start3A_1115 : memref<128xi32, #tpu.memory_space<vmem>>) semaphore(%arg24 : memref<!tpu.dma_semaphore, #tpu.memory_space<semaphore_mem>>) {add = true}
    %dma_wait3A_1119 = arith.constant 0 : i32
    %dma_wait3A_1120 = arith.constant 0 : i32
    %dma_wait3A_1121 = tpu.memref_slice %arg3[%add3A_1070, %dma_wait3A_1119, %dma_wait3A_1120] : memref<391x2x128xi32, #tpu.memory_space<hbm>> -> memref<1x2x128xi32, #tpu.memory_space<hbm>>
    %dma_wait3A_1122 = tpu.memref_squeeze %dma_wait3A_1121 : memref<1x2x128xi32, #tpu.memory_space<hbm>> -> memref<2x128xi32, #tpu.memory_space<hbm>>
    %dma_wait3A_1123 = arith.constant 0 : i32
    %dma_wait3A_1124 = arith.constant 0 : i32
    %dma_wait3A_1125 = tpu.memref_slice %arg3[%add3A_1070, %dma_wait3A_1123, %dma_wait3A_1124] : memref<391x2x128xi32, #tpu.memory_space<hbm>> -> memref<1x2x128xi32, #tpu.memory_space<hbm>>
    %dma_wait3A_1126 = tpu.memref_squeeze %dma_wait3A_1125 : memref<1x2x128xi32, #tpu.memory_space<hbm>> -> memref<2x128xi32, #tpu.memory_space<hbm>>
    tpu.wait_dma2 semaphore(%arg23 : memref<!tpu.dma_semaphore, #tpu.memory_space<semaphore_mem>>) src(%dma_wait3A_1126 : memref<2x128xi32, #tpu.memory_space<hbm>>) dst(%arg12 : memref<2x128xi32, #tpu.memory_space<vmem>>)
    %dma_wait3A_1127 = arith.constant 0 : i32
    %dma_wait3A_1128 = tpu.memref_slice %arg2[%mul3A_1080, %dma_wait3A_1127] : memref<100000x64xf32, #tpu.memory_space<hbm>> -> memref<256x64xf32, #tpu.memory_space<hbm>>
    %dma_wait3A_1129 = arith.constant 0 : i32
    %dma_wait3A_1130 = tpu.memref_slice %arg2[%mul3A_1080, %dma_wait3A_1129] : memref<100000x64xf32, #tpu.memory_space<hbm>> -> memref<256x64xf32, #tpu.memory_space<hbm>>
    tpu.wait_dma2 semaphore(%arg23 : memref<!tpu.dma_semaphore, #tpu.memory_space<semaphore_mem>>) src(%dma_wait3A_1130 : memref<256x64xf32, #tpu.memory_space<hbm>>) dst(%arg10 : memref<256x64xf32, #tpu.memory_space<vmem>>)
    %dma_wait3A_1131 = arith.constant 0 : i32
    %dma_wait3A_1132 = arith.constant 0 : i32
    %dma_wait3A_1133 = arith.constant 0 : i32
    %dma_wait3A_1134 = tpu.memref_slice %arg9[%dma_wait3A_1132, %dma_wait3A_1133] : memref<256x64xf32, #tpu.memory_space<vmem>> -> memref<128x64xf32, #tpu.memory_space<vmem>>
    %dma_wait3A_1135 = arith.constant 0 : i32
    %dma_wait3A_1136 = tpu.memref_slice %arg11[%dma_wait3A_1131, %dma_wait3A_1135] : memref<2x128xi32, #tpu.memory_space<vmem>> -> memref<1x128xi32, #tpu.memory_space<vmem>>
    %dma_wait3A_1137 = tpu.memref_squeeze %dma_wait3A_1136 : memref<1x128xi32, #tpu.memory_space<vmem>> -> memref<128xi32, #tpu.memory_space<vmem>>
    %dma_wait3A_1138 = arith.constant 0 : i32
    %dma_wait3A_1139 = arith.constant 0 : i32
    %dma_wait3A_1140 = tpu.memref_slice %arg20[%dma_wait3A_1138, %dma_wait3A_1139] : memref<768x64xf32, #tpu.memory_space<vmem_shared>> -> memref<768x64xf32, #tpu.memory_space<vmem_shared>>
    tpu.wait_indirect_dma semaphore(%arg24 : memref<!tpu.dma_semaphore, #tpu.memory_space<semaphore_mem>>) src(%dma_wait3A_1134 : memref<128x64xf32, #tpu.memory_space<vmem>>) dst(%dma_wait3A_1140 : memref<768x64xf32, #tpu.memory_space<vmem_shared>>)
    %dma_wait3A_1141 = arith.constant 0 : i32
    %dma_wait3A_1142 = arith.constant 0 : i32
    %dma_wait3A_1143 = tpu.memref_slice %arg11[%dma_wait3A_1141, %dma_wait3A_1142] : memref<2x128xi32, #tpu.memory_space<vmem>> -> memref<1x128xi32, #tpu.memory_space<vmem>>
    %dma_wait3A_1144 = tpu.memref_squeeze %dma_wait3A_1143 : memref<1x128xi32, #tpu.memory_space<vmem>> -> memref<128xi32, #tpu.memory_space<vmem>>
    %dma_wait3A_1145 = arith.constant 0 : i32
    %dma_wait3A_1146 = arith.constant 0 : i32
    %dma_wait3A_1147 = tpu.memref_slice %arg21[%dma_wait3A_1145, %dma_wait3A_1146] : memref<768x16xf32, #tpu.memory_space<vmem_shared>> -> memref<768x16xf32, #tpu.memory_space<vmem_shared>>
    tpu.wait_indirect_dma semaphore(%arg24 : memref<!tpu.dma_semaphore, #tpu.memory_space<semaphore_mem>>) src(%arg15 : memref<128x16xf32, #tpu.memory_space<vmem>>) dst(%dma_wait3A_1147 : memref<768x16xf32, #tpu.memory_space<vmem_shared>>)
    %dma_wait3A_1148 = arith.constant 1 : i32
    %dma_wait3A_1149 = arith.constant 128 : i32
    %dma_wait3A_1150 = arith.constant 0 : i32
    %dma_wait3A_1151 = tpu.memref_slice %arg9[%dma_wait3A_1149, %dma_wait3A_1150] : memref<256x64xf32, #tpu.memory_space<vmem>> -> memref<128x64xf32, #tpu.memory_space<vmem>>
    %dma_wait3A_1152 = arith.constant 0 : i32
    %dma_wait3A_1153 = tpu.memref_slice %arg11[%dma_wait3A_1148, %dma_wait3A_1152] : memref<2x128xi32, #tpu.memory_space<vmem>> -> memref<1x128xi32, #tpu.memory_space<vmem>>
    %dma_wait3A_1154 = tpu.memref_squeeze %dma_wait3A_1153 : memref<1x128xi32, #tpu.memory_space<vmem>> -> memref<128xi32, #tpu.memory_space<vmem>>
    %dma_wait3A_1155 = arith.constant 0 : i32
    %dma_wait3A_1156 = arith.constant 0 : i32
    %dma_wait3A_1157 = tpu.memref_slice %arg20[%dma_wait3A_1155, %dma_wait3A_1156] : memref<768x64xf32, #tpu.memory_space<vmem_shared>> -> memref<768x64xf32, #tpu.memory_space<vmem_shared>>
    tpu.wait_indirect_dma semaphore(%arg24 : memref<!tpu.dma_semaphore, #tpu.memory_space<semaphore_mem>>) src(%dma_wait3A_1151 : memref<128x64xf32, #tpu.memory_space<vmem>>) dst(%dma_wait3A_1157 : memref<768x64xf32, #tpu.memory_space<vmem_shared>>)
    %dma_wait3A_1158 = arith.constant 1 : i32
    %dma_wait3A_1159 = arith.constant 0 : i32
    %dma_wait3A_1160 = tpu.memref_slice %arg11[%dma_wait3A_1158, %dma_wait3A_1159] : memref<2x128xi32, #tpu.memory_space<vmem>> -> memref<1x128xi32, #tpu.memory_space<vmem>>
    %dma_wait3A_1161 = tpu.memref_squeeze %dma_wait3A_1160 : memref<1x128xi32, #tpu.memory_space<vmem>> -> memref<128xi32, #tpu.memory_space<vmem>>
    %dma_wait3A_1162 = arith.constant 0 : i32
    %dma_wait3A_1163 = arith.constant 0 : i32
    %dma_wait3A_1164 = tpu.memref_slice %arg21[%dma_wait3A_1162, %dma_wait3A_1163] : memref<768x16xf32, #tpu.memory_space<vmem_shared>> -> memref<768x16xf32, #tpu.memory_space<vmem_shared>>
    tpu.wait_indirect_dma semaphore(%arg24 : memref<!tpu.dma_semaphore, #tpu.memory_space<semaphore_mem>>) src(%arg15 : memref<128x16xf32, #tpu.memory_space<vmem>>) dst(%dma_wait3A_1164 : memref<768x16xf32, #tpu.memory_space<vmem_shared>>)
    %add3A_1165 = arith.constant 128 : i32
    %add3A_1166 = arith.addi %add3A, %add3A_1165 : i32
    %dma_start3A_1167 = arith.constant 0 : i32
    %dma_start3A_1168 = arith.constant 0 : i32
    %dma_start3A_1169 = tpu.memref_slice %arg3[%add3A_1166, %dma_start3A_1167, %dma_start3A_1168] : memref<391x2x128xi32, #tpu.memory_space<hbm>> -> memref<1x2x128xi32, #tpu.memory_space<hbm>>
    %dma_start3A_1170 = tpu.memref_squeeze %dma_start3A_1169 : memref<1x2x128xi32, #tpu.memory_space<hbm>> -> memref<2x128xi32, #tpu.memory_space<hbm>>
    %dma_start3A_1171 = arith.constant 0 : i32
    %dma_start3A_1172 = arith.constant 0 : i32
    %dma_start3A_1173 = tpu.memref_slice %arg3[%add3A_1166, %dma_start3A_1171, %dma_start3A_1172] : memref<391x2x128xi32, #tpu.memory_space<hbm>> -> memref<1x2x128xi32, #tpu.memory_space<hbm>>
    %dma_start3A_1174 = tpu.memref_squeeze %dma_start3A_1173 : memref<1x2x128xi32, #tpu.memory_space<hbm>> -> memref<2x128xi32, #tpu.memory_space<hbm>>
    tpu.enqueue_dma source(%dma_start3A_1174 : memref<2x128xi32, #tpu.memory_space<hbm>>) target(%arg11 : memref<2x128xi32, #tpu.memory_space<vmem>>) target_semaphore(%arg22 : memref<!tpu.dma_semaphore, #tpu.memory_space<semaphore_mem>>)
    %mul3A_1175 = arith.constant 256 : i32
    %mul3A_1176 = arith.muli %add3A_1166, %mul3A_1175 : i32
    %dma_start3A_1177 = arith.constant 0 : i32
    %dma_start3A_1178 = tpu.memref_slice %arg2[%mul3A_1176, %dma_start3A_1177] : memref<100000x64xf32, #tpu.memory_space<hbm>> -> memref<256x64xf32, #tpu.memory_space<hbm>>
    %dma_start3A_1179 = arith.constant 0 : i32
    %dma_start3A_1180 = tpu.memref_slice %arg2[%mul3A_1176, %dma_start3A_1179] : memref<100000x64xf32, #tpu.memory_space<hbm>> -> memref<256x64xf32, #tpu.memory_space<hbm>>
    tpu.enqueue_dma source(%dma_start3A_1180 : memref<256x64xf32, #tpu.memory_space<hbm>>) target(%arg9 : memref<256x64xf32, #tpu.memory_space<vmem>>) target_semaphore(%arg22 : memref<!tpu.dma_semaphore, #tpu.memory_space<semaphore_mem>>)
    %dma_start3A_1181 = arith.constant 0 : i32
    %dma_start3A_1182 = arith.constant 0 : i32
    %dma_start3A_1183 = arith.constant 0 : i32
    %dma_start3A_1184 = tpu.memref_slice %arg10[%dma_start3A_1182, %dma_start3A_1183] : memref<256x64xf32, #tpu.memory_space<vmem>> -> memref<128x64xf32, #tpu.memory_space<vmem>>
    %dma_start3A_1185 = arith.constant 0 : i32
    %dma_start3A_1186 = tpu.memref_slice %arg12[%dma_start3A_1181, %dma_start3A_1185] : memref<2x128xi32, #tpu.memory_space<vmem>> -> memref<1x128xi32, #tpu.memory_space<vmem>>
    %dma_start3A_1187 = tpu.memref_squeeze %dma_start3A_1186 : memref<1x128xi32, #tpu.memory_space<vmem>> -> memref<128xi32, #tpu.memory_space<vmem>>
    %dma_start3A_1188 = arith.constant 0 : i32
    %dma_start3A_1189 = arith.constant 0 : i32
    %dma_start3A_1190 = tpu.memref_slice %arg20[%dma_start3A_1188, %dma_start3A_1189] : memref<768x64xf32, #tpu.memory_space<vmem_shared>> -> memref<768x64xf32, #tpu.memory_space<vmem_shared>>
    tpu.enqueue_indirect_dma source(%dma_start3A_1184 : memref<128x64xf32, #tpu.memory_space<vmem>>) target(%dma_start3A_1190 : memref<768x64xf32, #tpu.memory_space<vmem_shared>>) offsets(%dma_start3A_1187 : memref<128xi32, #tpu.memory_space<vmem>>) semaphore(%arg25 : memref<!tpu.dma_semaphore, #tpu.memory_space<semaphore_mem>>) {add = true}
    %dma_start3A_1191 = arith.constant 0 : i32
    %dma_start3A_1192 = arith.constant 0 : i32
    %dma_start3A_1193 = tpu.memref_slice %arg12[%dma_start3A_1191, %dma_start3A_1192] : memref<2x128xi32, #tpu.memory_space<vmem>> -> memref<1x128xi32, #tpu.memory_space<vmem>>
    %dma_start3A_1194 = tpu.memref_squeeze %dma_start3A_1193 : memref<1x128xi32, #tpu.memory_space<vmem>> -> memref<128xi32, #tpu.memory_space<vmem>>
    %dma_start3A_1195 = arith.constant 0 : i32
    %dma_start3A_1196 = arith.constant 0 : i32
    %dma_start3A_1197 = tpu.memref_slice %arg21[%dma_start3A_1195, %dma_start3A_1196] : memref<768x16xf32, #tpu.memory_space<vmem_shared>> -> memref<768x16xf32, #tpu.memory_space<vmem_shared>>
    tpu.enqueue_indirect_dma source(%arg15 : memref<128x16xf32, #tpu.memory_space<vmem>>) target(%dma_start3A_1197 : memref<768x16xf32, #tpu.memory_space<vmem_shared>>) offsets(%dma_start3A_1194 : memref<128xi32, #tpu.memory_space<vmem>>) semaphore(%arg25 : memref<!tpu.dma_semaphore, #tpu.memory_space<semaphore_mem>>) {add = true}
    %dma_start3A_1198 = arith.constant 1 : i32
    %dma_start3A_1199 = arith.constant 128 : i32
    %dma_start3A_1200 = arith.constant 0 : i32
    %dma_start3A_1201 = tpu.memref_slice %arg10[%dma_start3A_1199, %dma_start3A_1200] : memref<256x64xf32, #tpu.memory_space<vmem>> -> memref<128x64xf32, #tpu.memory_space<vmem>>
    %dma_start3A_1202 = arith.constant 0 : i32
    %dma_start3A_1203 = tpu.memref_slice %arg12[%dma_start3A_1198, %dma_start3A_1202] : memref<2x128xi32, #tpu.memory_space<vmem>> -> memref<1x128xi32, #tpu.memory_space<vmem>>
    %dma_start3A_1204 = tpu.memref_squeeze %dma_start3A_1203 : memref<1x128xi32, #tpu.memory_space<vmem>> -> memref<128xi32, #tpu.memory_space<vmem>>
    %dma_start3A_1205 = arith.constant 0 : i32
    %dma_start3A_1206 = arith.constant 0 : i32
    %dma_start3A_1207 = tpu.memref_slice %arg20[%dma_start3A_1205, %dma_start3A_1206] : memref<768x64xf32, #tpu.memory_space<vmem_shared>> -> memref<768x64xf32, #tpu.memory_space<vmem_shared>>
    tpu.enqueue_indirect_dma source(%dma_start3A_1201 : memref<128x64xf32, #tpu.memory_space<vmem>>) target(%dma_start3A_1207 : memref<768x64xf32, #tpu.memory_space<vmem_shared>>) offsets(%dma_start3A_1204 : memref<128xi32, #tpu.memory_space<vmem>>) semaphore(%arg25 : memref<!tpu.dma_semaphore, #tpu.memory_space<semaphore_mem>>) {add = true}
    %dma_start3A_1208 = arith.constant 1 : i32
    %dma_start3A_1209 = arith.constant 0 : i32
    %dma_start3A_1210 = tpu.memref_slice %arg12[%dma_start3A_1208, %dma_start3A_1209] : memref<2x128xi32, #tpu.memory_space<vmem>> -> memref<1x128xi32, #tpu.memory_space<vmem>>
    %dma_start3A_1211 = tpu.memref_squeeze %dma_start3A_1210 : memref<1x128xi32, #tpu.memory_space<vmem>> -> memref<128xi32, #tpu.memory_space<vmem>>
    %dma_start3A_1212 = arith.constant 0 : i32
    %dma_start3A_1213 = arith.constant 0 : i32
    %dma_start3A_1214 = tpu.memref_slice %arg21[%dma_start3A_1212, %dma_start3A_1213] : memref<768x16xf32, #tpu.memory_space<vmem_shared>> -> memref<768x16xf32, #tpu.memory_space<vmem_shared>>
    tpu.enqueue_indirect_dma source(%arg15 : memref<128x16xf32, #tpu.memory_space<vmem>>) target(%dma_start3A_1214 : memref<768x16xf32, #tpu.memory_space<vmem_shared>>) offsets(%dma_start3A_1211 : memref<128xi32, #tpu.memory_space<vmem>>) semaphore(%arg25 : memref<!tpu.dma_semaphore, #tpu.memory_space<semaphore_mem>>) {add = true}
    %dma_wait3A_1215 = arith.constant 0 : i32
    %dma_wait3A_1216 = arith.constant 0 : i32
    %dma_wait3A_1217 = tpu.memref_slice %arg3[%add3A_1166, %dma_wait3A_1215, %dma_wait3A_1216] : memref<391x2x128xi32, #tpu.memory_space<hbm>> -> memref<1x2x128xi32, #tpu.memory_space<hbm>>
    %dma_wait3A_1218 = tpu.memref_squeeze %dma_wait3A_1217 : memref<1x2x128xi32, #tpu.memory_space<hbm>> -> memref<2x128xi32, #tpu.memory_space<hbm>>
    %dma_wait3A_1219 = arith.constant 0 : i32
    %dma_wait3A_1220 = arith.constant 0 : i32
    %dma_wait3A_1221 = tpu.memref_slice %arg3[%add3A_1166, %dma_wait3A_1219, %dma_wait3A_1220] : memref<391x2x128xi32, #tpu.memory_space<hbm>> -> memref<1x2x128xi32, #tpu.memory_space<hbm>>
    %dma_wait3A_1222 = tpu.memref_squeeze %dma_wait3A_1221 : memref<1x2x128xi32, #tpu.memory_space<hbm>> -> memref<2x128xi32, #tpu.memory_space<hbm>>
    tpu.wait_dma2 semaphore(%arg22 : memref<!tpu.dma_semaphore, #tpu.memory_space<semaphore_mem>>) src(%dma_wait3A_1222 : memref<2x128xi32, #tpu.memory_space<hbm>>) dst(%arg11 : memref<2x128xi32, #tpu.memory_space<vmem>>)
    %dma_wait3A_1223 = arith.constant 0 : i32
    %dma_wait3A_1224 = tpu.memref_slice %arg2[%mul3A_1176, %dma_wait3A_1223] : memref<100000x64xf32, #tpu.memory_space<hbm>> -> memref<256x64xf32, #tpu.memory_space<hbm>>
    %dma_wait3A_1225 = arith.constant 0 : i32
    %dma_wait3A_1226 = tpu.memref_slice %arg2[%mul3A_1176, %dma_wait3A_1225] : memref<100000x64xf32, #tpu.memory_space<hbm>> -> memref<256x64xf32, #tpu.memory_space<hbm>>
    tpu.wait_dma2 semaphore(%arg22 : memref<!tpu.dma_semaphore, #tpu.memory_space<semaphore_mem>>) src(%dma_wait3A_1226 : memref<256x64xf32, #tpu.memory_space<hbm>>) dst(%arg9 : memref<256x64xf32, #tpu.memory_space<vmem>>)
    %dma_wait3A_1227 = arith.constant 0 : i32
    %dma_wait3A_1228 = arith.constant 0 : i32
    %dma_wait3A_1229 = arith.constant 0 : i32
    %dma_wait3A_1230 = tpu.memref_slice %arg10[%dma_wait3A_1228, %dma_wait3A_1229] : memref<256x64xf32, #tpu.memory_space<vmem>> -> memref<128x64xf32, #tpu.memory_space<vmem>>
    %dma_wait3A_1231 = arith.constant 0 : i32
    %dma_wait3A_1232 = tpu.memref_slice %arg12[%dma_wait3A_1227, %dma_wait3A_1231] : memref<2x128xi32, #tpu.memory_space<vmem>> -> memref<1x128xi32, #tpu.memory_space<vmem>>
    %dma_wait3A_1233 = tpu.memref_squeeze %dma_wait3A_1232 : memref<1x128xi32, #tpu.memory_space<vmem>> -> memref<128xi32, #tpu.memory_space<vmem>>
    %dma_wait3A_1234 = arith.constant 0 : i32
    %dma_wait3A_1235 = arith.constant 0 : i32
    %dma_wait3A_1236 = tpu.memref_slice %arg20[%dma_wait3A_1234, %dma_wait3A_1235] : memref<768x64xf32, #tpu.memory_space<vmem_shared>> -> memref<768x64xf32, #tpu.memory_space<vmem_shared>>
    tpu.wait_indirect_dma semaphore(%arg25 : memref<!tpu.dma_semaphore, #tpu.memory_space<semaphore_mem>>) src(%dma_wait3A_1230 : memref<128x64xf32, #tpu.memory_space<vmem>>) dst(%dma_wait3A_1236 : memref<768x64xf32, #tpu.memory_space<vmem_shared>>)
    %dma_wait3A_1237 = arith.constant 0 : i32
    %dma_wait3A_1238 = arith.constant 0 : i32
    %dma_wait3A_1239 = tpu.memref_slice %arg12[%dma_wait3A_1237, %dma_wait3A_1238] : memref<2x128xi32, #tpu.memory_space<vmem>> -> memref<1x128xi32, #tpu.memory_space<vmem>>
    %dma_wait3A_1240 = tpu.memref_squeeze %dma_wait3A_1239 : memref<1x128xi32, #tpu.memory_space<vmem>> -> memref<128xi32, #tpu.memory_space<vmem>>
    %dma_wait3A_1241 = arith.constant 0 : i32
    %dma_wait3A_1242 = arith.constant 0 : i32
    %dma_wait3A_1243 = tpu.memref_slice %arg21[%dma_wait3A_1241, %dma_wait3A_1242] : memref<768x16xf32, #tpu.memory_space<vmem_shared>> -> memref<768x16xf32, #tpu.memory_space<vmem_shared>>
    tpu.wait_indirect_dma semaphore(%arg25 : memref<!tpu.dma_semaphore, #tpu.memory_space<semaphore_mem>>) src(%arg15 : memref<128x16xf32, #tpu.memory_space<vmem>>) dst(%dma_wait3A_1243 : memref<768x16xf32, #tpu.memory_space<vmem_shared>>)
    %dma_wait3A_1244 = arith.constant 1 : i32
    %dma_wait3A_1245 = arith.constant 128 : i32
    %dma_wait3A_1246 = arith.constant 0 : i32
    %dma_wait3A_1247 = tpu.memref_slice %arg10[%dma_wait3A_1245, %dma_wait3A_1246] : memref<256x64xf32, #tpu.memory_space<vmem>> -> memref<128x64xf32, #tpu.memory_space<vmem>>
    %dma_wait3A_1248 = arith.constant 0 : i32
    %dma_wait3A_1249 = tpu.memref_slice %arg12[%dma_wait3A_1244, %dma_wait3A_1248] : memref<2x128xi32, #tpu.memory_space<vmem>> -> memref<1x128xi32, #tpu.memory_space<vmem>>
    %dma_wait3A_1250 = tpu.memref_squeeze %dma_wait3A_1249 : memref<1x128xi32, #tpu.memory_space<vmem>> -> memref<128xi32, #tpu.memory_space<vmem>>
    %dma_wait3A_1251 = arith.constant 0 : i32
    %dma_wait3A_1252 = arith.constant 0 : i32
    %dma_wait3A_1253 = tpu.memref_slice %arg20[%dma_wait3A_1251, %dma_wait3A_1252] : memref<768x64xf32, #tpu.memory_space<vmem_shared>> -> memref<768x64xf32, #tpu.memory_space<vmem_shared>>
    tpu.wait_indirect_dma semaphore(%arg25 : memref<!tpu.dma_semaphore, #tpu.memory_space<semaphore_mem>>) src(%dma_wait3A_1247 : memref<128x64xf32, #tpu.memory_space<vmem>>) dst(%dma_wait3A_1253 : memref<768x64xf32, #tpu.memory_space<vmem_shared>>)
    %dma_wait3A_1254 = arith.constant 1 : i32
    %dma_wait3A_1255 = arith.constant 0 : i32
    %dma_wait3A_1256 = tpu.memref_slice %arg12[%dma_wait3A_1254, %dma_wait3A_1255] : memref<2x128xi32, #tpu.memory_space<vmem>> -> memref<1x128xi32, #tpu.memory_space<vmem>>
    %dma_wait3A_1257 = tpu.memref_squeeze %dma_wait3A_1256 : memref<1x128xi32, #tpu.memory_space<vmem>> -> memref<128xi32, #tpu.memory_space<vmem>>
    %dma_wait3A_1258 = arith.constant 0 : i32
    %dma_wait3A_1259 = arith.constant 0 : i32
    %dma_wait3A_1260 = tpu.memref_slice %arg21[%dma_wait3A_1258, %dma_wait3A_1259] : memref<768x16xf32, #tpu.memory_space<vmem_shared>> -> memref<768x16xf32, #tpu.memory_space<vmem_shared>>
    tpu.wait_indirect_dma semaphore(%arg25 : memref<!tpu.dma_semaphore, #tpu.memory_space<semaphore_mem>>) src(%arg15 : memref<128x16xf32, #tpu.memory_space<vmem>>) dst(%dma_wait3A_1260 : memref<768x16xf32, #tpu.memory_space<vmem_shared>>)
    %add3A_1261 = arith.constant 160 : i32
    %add3A_1262 = arith.addi %add3A, %add3A_1261 : i32
    %dma_start3A_1263 = arith.constant 0 : i32
    %dma_start3A_1264 = arith.constant 0 : i32
    %dma_start3A_1265 = tpu.memref_slice %arg3[%add3A_1262, %dma_start3A_1263, %dma_start3A_1264] : memref<391x2x128xi32, #tpu.memory_space<hbm>> -> memref<1x2x128xi32, #tpu.memory_space<hbm>>
    %dma_start3A_1266 = tpu.memref_squeeze %dma_start3A_1265 : memref<1x2x128xi32, #tpu.memory_space<hbm>> -> memref<2x128xi32, #tpu.memory_space<hbm>>
    %dma_start3A_1267 = arith.constant 0 : i32
    %dma_start3A_1268 = arith.constant 0 : i32
    %dma_start3A_1269 = tpu.memref_slice %arg3[%add3A_1262, %dma_start3A_1267, %dma_start3A_1268] : memref<391x2x128xi32, #tpu.memory_space<hbm>> -> memref<1x2x128xi32, #tpu.memory_space<hbm>>
    %dma_start3A_1270 = tpu.memref_squeeze %dma_start3A_1269 : memref<1x2x128xi32, #tpu.memory_space<hbm>> -> memref<2x128xi32, #tpu.memory_space<hbm>>
    tpu.enqueue_dma source(%dma_start3A_1270 : memref<2x128xi32, #tpu.memory_space<hbm>>) target(%arg12 : memref<2x128xi32, #tpu.memory_space<vmem>>) target_semaphore(%arg23 : memref<!tpu.dma_semaphore, #tpu.memory_space<semaphore_mem>>)
    %mul3A_1271 = arith.constant 256 : i32
    %mul3A_1272 = arith.muli %add3A_1262, %mul3A_1271 : i32
    %dma_start3A_1273 = arith.constant 0 : i32
    %dma_start3A_1274 = tpu.memref_slice %arg2[%mul3A_1272, %dma_start3A_1273] : memref<100000x64xf32, #tpu.memory_space<hbm>> -> memref<256x64xf32, #tpu.memory_space<hbm>>
    %dma_start3A_1275 = arith.constant 0 : i32
    %dma_start3A_1276 = tpu.memref_slice %arg2[%mul3A_1272, %dma_start3A_1275] : memref<100000x64xf32, #tpu.memory_space<hbm>> -> memref<256x64xf32, #tpu.memory_space<hbm>>
    tpu.enqueue_dma source(%dma_start3A_1276 : memref<256x64xf32, #tpu.memory_space<hbm>>) target(%arg10 : memref<256x64xf32, #tpu.memory_space<vmem>>) target_semaphore(%arg23 : memref<!tpu.dma_semaphore, #tpu.memory_space<semaphore_mem>>)
    %dma_start3A_1277 = arith.constant 0 : i32
    %dma_start3A_1278 = arith.constant 0 : i32
    %dma_start3A_1279 = arith.constant 0 : i32
    %dma_start3A_1280 = tpu.memref_slice %arg9[%dma_start3A_1278, %dma_start3A_1279] : memref<256x64xf32, #tpu.memory_space<vmem>> -> memref<128x64xf32, #tpu.memory_space<vmem>>
    %dma_start3A_1281 = arith.constant 0 : i32
    %dma_start3A_1282 = tpu.memref_slice %arg11[%dma_start3A_1277, %dma_start3A_1281] : memref<2x128xi32, #tpu.memory_space<vmem>> -> memref<1x128xi32, #tpu.memory_space<vmem>>
    %dma_start3A_1283 = tpu.memref_squeeze %dma_start3A_1282 : memref<1x128xi32, #tpu.memory_space<vmem>> -> memref<128xi32, #tpu.memory_space<vmem>>
    %dma_start3A_1284 = arith.constant 0 : i32
    %dma_start3A_1285 = arith.constant 0 : i32
    %dma_start3A_1286 = tpu.memref_slice %arg20[%dma_start3A_1284, %dma_start3A_1285] : memref<768x64xf32, #tpu.memory_space<vmem_shared>> -> memref<768x64xf32, #tpu.memory_space<vmem_shared>>
    tpu.enqueue_indirect_dma source(%dma_start3A_1280 : memref<128x64xf32, #tpu.memory_space<vmem>>) target(%dma_start3A_1286 : memref<768x64xf32, #tpu.memory_space<vmem_shared>>) offsets(%dma_start3A_1283 : memref<128xi32, #tpu.memory_space<vmem>>) semaphore(%arg24 : memref<!tpu.dma_semaphore, #tpu.memory_space<semaphore_mem>>) {add = true}
    %dma_start3A_1287 = arith.constant 0 : i32
    %dma_start3A_1288 = arith.constant 0 : i32
    %dma_start3A_1289 = tpu.memref_slice %arg11[%dma_start3A_1287, %dma_start3A_1288] : memref<2x128xi32, #tpu.memory_space<vmem>> -> memref<1x128xi32, #tpu.memory_space<vmem>>
    %dma_start3A_1290 = tpu.memref_squeeze %dma_start3A_1289 : memref<1x128xi32, #tpu.memory_space<vmem>> -> memref<128xi32, #tpu.memory_space<vmem>>
    %dma_start3A_1291 = arith.constant 0 : i32
    %dma_start3A_1292 = arith.constant 0 : i32
    %dma_start3A_1293 = tpu.memref_slice %arg21[%dma_start3A_1291, %dma_start3A_1292] : memref<768x16xf32, #tpu.memory_space<vmem_shared>> -> memref<768x16xf32, #tpu.memory_space<vmem_shared>>
    tpu.enqueue_indirect_dma source(%arg15 : memref<128x16xf32, #tpu.memory_space<vmem>>) target(%dma_start3A_1293 : memref<768x16xf32, #tpu.memory_space<vmem_shared>>) offsets(%dma_start3A_1290 : memref<128xi32, #tpu.memory_space<vmem>>) semaphore(%arg24 : memref<!tpu.dma_semaphore, #tpu.memory_space<semaphore_mem>>) {add = true}
    %dma_start3A_1294 = arith.constant 1 : i32
    %dma_start3A_1295 = arith.constant 128 : i32
    %dma_start3A_1296 = arith.constant 0 : i32
    %dma_start3A_1297 = tpu.memref_slice %arg9[%dma_start3A_1295, %dma_start3A_1296] : memref<256x64xf32, #tpu.memory_space<vmem>> -> memref<128x64xf32, #tpu.memory_space<vmem>>
    %dma_start3A_1298 = arith.constant 0 : i32
    %dma_start3A_1299 = tpu.memref_slice %arg11[%dma_start3A_1294, %dma_start3A_1298] : memref<2x128xi32, #tpu.memory_space<vmem>> -> memref<1x128xi32, #tpu.memory_space<vmem>>
    %dma_start3A_1300 = tpu.memref_squeeze %dma_start3A_1299 : memref<1x128xi32, #tpu.memory_space<vmem>> -> memref<128xi32, #tpu.memory_space<vmem>>
    %dma_start3A_1301 = arith.constant 0 : i32
    %dma_start3A_1302 = arith.constant 0 : i32
    %dma_start3A_1303 = tpu.memref_slice %arg20[%dma_start3A_1301, %dma_start3A_1302] : memref<768x64xf32, #tpu.memory_space<vmem_shared>> -> memref<768x64xf32, #tpu.memory_space<vmem_shared>>
    tpu.enqueue_indirect_dma source(%dma_start3A_1297 : memref<128x64xf32, #tpu.memory_space<vmem>>) target(%dma_start3A_1303 : memref<768x64xf32, #tpu.memory_space<vmem_shared>>) offsets(%dma_start3A_1300 : memref<128xi32, #tpu.memory_space<vmem>>) semaphore(%arg24 : memref<!tpu.dma_semaphore, #tpu.memory_space<semaphore_mem>>) {add = true}
    %dma_start3A_1304 = arith.constant 1 : i32
    %dma_start3A_1305 = arith.constant 0 : i32
    %dma_start3A_1306 = tpu.memref_slice %arg11[%dma_start3A_1304, %dma_start3A_1305] : memref<2x128xi32, #tpu.memory_space<vmem>> -> memref<1x128xi32, #tpu.memory_space<vmem>>
    %dma_start3A_1307 = tpu.memref_squeeze %dma_start3A_1306 : memref<1x128xi32, #tpu.memory_space<vmem>> -> memref<128xi32, #tpu.memory_space<vmem>>
    %dma_start3A_1308 = arith.constant 0 : i32
    %dma_start3A_1309 = arith.constant 0 : i32
    %dma_start3A_1310 = tpu.memref_slice %arg21[%dma_start3A_1308, %dma_start3A_1309] : memref<768x16xf32, #tpu.memory_space<vmem_shared>> -> memref<768x16xf32, #tpu.memory_space<vmem_shared>>
    tpu.enqueue_indirect_dma source(%arg15 : memref<128x16xf32, #tpu.memory_space<vmem>>) target(%dma_start3A_1310 : memref<768x16xf32, #tpu.memory_space<vmem_shared>>) offsets(%dma_start3A_1307 : memref<128xi32, #tpu.memory_space<vmem>>) semaphore(%arg24 : memref<!tpu.dma_semaphore, #tpu.memory_space<semaphore_mem>>) {add = true}
    %dma_wait3A_1311 = arith.constant 0 : i32
    %dma_wait3A_1312 = arith.constant 0 : i32
    %dma_wait3A_1313 = tpu.memref_slice %arg3[%add3A_1262, %dma_wait3A_1311, %dma_wait3A_1312] : memref<391x2x128xi32, #tpu.memory_space<hbm>> -> memref<1x2x128xi32, #tpu.memory_space<hbm>>
    %dma_wait3A_1314 = tpu.memref_squeeze %dma_wait3A_1313 : memref<1x2x128xi32, #tpu.memory_space<hbm>> -> memref<2x128xi32, #tpu.memory_space<hbm>>
    %dma_wait3A_1315 = arith.constant 0 : i32
    %dma_wait3A_1316 = arith.constant 0 : i32
    %dma_wait3A_1317 = tpu.memref_slice %arg3[%add3A_1262, %dma_wait3A_1315, %dma_wait3A_1316] : memref<391x2x128xi32, #tpu.memory_space<hbm>> -> memref<1x2x128xi32, #tpu.memory_space<hbm>>
    %dma_wait3A_1318 = tpu.memref_squeeze %dma_wait3A_1317 : memref<1x2x128xi32, #tpu.memory_space<hbm>> -> memref<2x128xi32, #tpu.memory_space<hbm>>
    tpu.wait_dma2 semaphore(%arg23 : memref<!tpu.dma_semaphore, #tpu.memory_space<semaphore_mem>>) src(%dma_wait3A_1318 : memref<2x128xi32, #tpu.memory_space<hbm>>) dst(%arg12 : memref<2x128xi32, #tpu.memory_space<vmem>>)
    %dma_wait3A_1319 = arith.constant 0 : i32
    %dma_wait3A_1320 = tpu.memref_slice %arg2[%mul3A_1272, %dma_wait3A_1319] : memref<100000x64xf32, #tpu.memory_space<hbm>> -> memref<256x64xf32, #tpu.memory_space<hbm>>
    %dma_wait3A_1321 = arith.constant 0 : i32
    %dma_wait3A_1322 = tpu.memref_slice %arg2[%mul3A_1272, %dma_wait3A_1321] : memref<100000x64xf32, #tpu.memory_space<hbm>> -> memref<256x64xf32, #tpu.memory_space<hbm>>
    tpu.wait_dma2 semaphore(%arg23 : memref<!tpu.dma_semaphore, #tpu.memory_space<semaphore_mem>>) src(%dma_wait3A_1322 : memref<256x64xf32, #tpu.memory_space<hbm>>) dst(%arg10 : memref<256x64xf32, #tpu.memory_space<vmem>>)
    %dma_wait3A_1323 = arith.constant 0 : i32
    %dma_wait3A_1324 = arith.constant 0 : i32
    %dma_wait3A_1325 = arith.constant 0 : i32
    %dma_wait3A_1326 = tpu.memref_slice %arg9[%dma_wait3A_1324, %dma_wait3A_1325] : memref<256x64xf32, #tpu.memory_space<vmem>> -> memref<128x64xf32, #tpu.memory_space<vmem>>
    %dma_wait3A_1327 = arith.constant 0 : i32
    %dma_wait3A_1328 = tpu.memref_slice %arg11[%dma_wait3A_1323, %dma_wait3A_1327] : memref<2x128xi32, #tpu.memory_space<vmem>> -> memref<1x128xi32, #tpu.memory_space<vmem>>
    %dma_wait3A_1329 = tpu.memref_squeeze %dma_wait3A_1328 : memref<1x128xi32, #tpu.memory_space<vmem>> -> memref<128xi32, #tpu.memory_space<vmem>>
    %dma_wait3A_1330 = arith.constant 0 : i32
    %dma_wait3A_1331 = arith.constant 0 : i32
    %dma_wait3A_1332 = tpu.memref_slice %arg20[%dma_wait3A_1330, %dma_wait3A_1331] : memref<768x64xf32, #tpu.memory_space<vmem_shared>> -> memref<768x64xf32, #tpu.memory_space<vmem_shared>>
    tpu.wait_indirect_dma semaphore(%arg24 : memref<!tpu.dma_semaphore, #tpu.memory_space<semaphore_mem>>) src(%dma_wait3A_1326 : memref<128x64xf32, #tpu.memory_space<vmem>>) dst(%dma_wait3A_1332 : memref<768x64xf32, #tpu.memory_space<vmem_shared>>)
    %dma_wait3A_1333 = arith.constant 0 : i32
    %dma_wait3A_1334 = arith.constant 0 : i32
    %dma_wait3A_1335 = tpu.memref_slice %arg11[%dma_wait3A_1333, %dma_wait3A_1334] : memref<2x128xi32, #tpu.memory_space<vmem>> -> memref<1x128xi32, #tpu.memory_space<vmem>>
    %dma_wait3A_1336 = tpu.memref_squeeze %dma_wait3A_1335 : memref<1x128xi32, #tpu.memory_space<vmem>> -> memref<128xi32, #tpu.memory_space<vmem>>
    %dma_wait3A_1337 = arith.constant 0 : i32
    %dma_wait3A_1338 = arith.constant 0 : i32
    %dma_wait3A_1339 = tpu.memref_slice %arg21[%dma_wait3A_1337, %dma_wait3A_1338] : memref<768x16xf32, #tpu.memory_space<vmem_shared>> -> memref<768x16xf32, #tpu.memory_space<vmem_shared>>
    tpu.wait_indirect_dma semaphore(%arg24 : memref<!tpu.dma_semaphore, #tpu.memory_space<semaphore_mem>>) src(%arg15 : memref<128x16xf32, #tpu.memory_space<vmem>>) dst(%dma_wait3A_1339 : memref<768x16xf32, #tpu.memory_space<vmem_shared>>)
    %dma_wait3A_1340 = arith.constant 1 : i32
    %dma_wait3A_1341 = arith.constant 128 : i32
    %dma_wait3A_1342 = arith.constant 0 : i32
    %dma_wait3A_1343 = tpu.memref_slice %arg9[%dma_wait3A_1341, %dma_wait3A_1342] : memref<256x64xf32, #tpu.memory_space<vmem>> -> memref<128x64xf32, #tpu.memory_space<vmem>>
    %dma_wait3A_1344 = arith.constant 0 : i32
    %dma_wait3A_1345 = tpu.memref_slice %arg11[%dma_wait3A_1340, %dma_wait3A_1344] : memref<2x128xi32, #tpu.memory_space<vmem>> -> memref<1x128xi32, #tpu.memory_space<vmem>>
    %dma_wait3A_1346 = tpu.memref_squeeze %dma_wait3A_1345 : memref<1x128xi32, #tpu.memory_space<vmem>> -> memref<128xi32, #tpu.memory_space<vmem>>
    %dma_wait3A_1347 = arith.constant 0 : i32
    %dma_wait3A_1348 = arith.constant 0 : i32
    %dma_wait3A_1349 = tpu.memref_slice %arg20[%dma_wait3A_1347, %dma_wait3A_1348] : memref<768x64xf32, #tpu.memory_space<vmem_shared>> -> memref<768x64xf32, #tpu.memory_space<vmem_shared>>
    tpu.wait_indirect_dma semaphore(%arg24 : memref<!tpu.dma_semaphore, #tpu.memory_space<semaphore_mem>>) src(%dma_wait3A_1343 : memref<128x64xf32, #tpu.memory_space<vmem>>) dst(%dma_wait3A_1349 : memref<768x64xf32, #tpu.memory_space<vmem_shared>>)
    %dma_wait3A_1350 = arith.constant 1 : i32
    %dma_wait3A_1351 = arith.constant 0 : i32
    %dma_wait3A_1352 = tpu.memref_slice %arg11[%dma_wait3A_1350, %dma_wait3A_1351] : memref<2x128xi32, #tpu.memory_space<vmem>> -> memref<1x128xi32, #tpu.memory_space<vmem>>
    %dma_wait3A_1353 = tpu.memref_squeeze %dma_wait3A_1352 : memref<1x128xi32, #tpu.memory_space<vmem>> -> memref<128xi32, #tpu.memory_space<vmem>>
    %dma_wait3A_1354 = arith.constant 0 : i32
    %dma_wait3A_1355 = arith.constant 0 : i32
    %dma_wait3A_1356 = tpu.memref_slice %arg21[%dma_wait3A_1354, %dma_wait3A_1355] : memref<768x16xf32, #tpu.memory_space<vmem_shared>> -> memref<768x16xf32, #tpu.memory_space<vmem_shared>>
    tpu.wait_indirect_dma semaphore(%arg24 : memref<!tpu.dma_semaphore, #tpu.memory_space<semaphore_mem>>) src(%arg15 : memref<128x16xf32, #tpu.memory_space<vmem>>) dst(%dma_wait3A_1356 : memref<768x16xf32, #tpu.memory_space<vmem_shared>>)
    %add3A_1357 = arith.constant 192 : i32
    %add3A_1358 = arith.addi %add3A, %add3A_1357 : i32
    %dma_start3A_1359 = arith.constant 0 : i32
    %dma_start3A_1360 = arith.constant 0 : i32
    %dma_start3A_1361 = tpu.memref_slice %arg3[%add3A_1358, %dma_start3A_1359, %dma_start3A_1360] : memref<391x2x128xi32, #tpu.memory_space<hbm>> -> memref<1x2x128xi32, #tpu.memory_space<hbm>>
    %dma_start3A_1362 = tpu.memref_squeeze %dma_start3A_1361 : memref<1x2x128xi32, #tpu.memory_space<hbm>> -> memref<2x128xi32, #tpu.memory_space<hbm>>
    %dma_start3A_1363 = arith.constant 0 : i32
    %dma_start3A_1364 = arith.constant 0 : i32
    %dma_start3A_1365 = tpu.memref_slice %arg3[%add3A_1358, %dma_start3A_1363, %dma_start3A_1364] : memref<391x2x128xi32, #tpu.memory_space<hbm>> -> memref<1x2x128xi32, #tpu.memory_space<hbm>>
    %dma_start3A_1366 = tpu.memref_squeeze %dma_start3A_1365 : memref<1x2x128xi32, #tpu.memory_space<hbm>> -> memref<2x128xi32, #tpu.memory_space<hbm>>
    tpu.enqueue_dma source(%dma_start3A_1366 : memref<2x128xi32, #tpu.memory_space<hbm>>) target(%arg11 : memref<2x128xi32, #tpu.memory_space<vmem>>) target_semaphore(%arg22 : memref<!tpu.dma_semaphore, #tpu.memory_space<semaphore_mem>>)
    %mul3A_1367 = arith.constant 256 : i32
    %mul3A_1368 = arith.muli %add3A_1358, %mul3A_1367 : i32
    %dma_start3A_1369 = arith.constant 0 : i32
    %dma_start3A_1370 = tpu.memref_slice %arg2[%mul3A_1368, %dma_start3A_1369] : memref<100000x64xf32, #tpu.memory_space<hbm>> -> memref<256x64xf32, #tpu.memory_space<hbm>>
    %dma_start3A_1371 = arith.constant 0 : i32
    %dma_start3A_1372 = tpu.memref_slice %arg2[%mul3A_1368, %dma_start3A_1371] : memref<100000x64xf32, #tpu.memory_space<hbm>> -> memref<256x64xf32, #tpu.memory_space<hbm>>
    tpu.enqueue_dma source(%dma_start3A_1372 : memref<256x64xf32, #tpu.memory_space<hbm>>) target(%arg9 : memref<256x64xf32, #tpu.memory_space<vmem>>) target_semaphore(%arg22 : memref<!tpu.dma_semaphore, #tpu.memory_space<semaphore_mem>>)
    %dma_start3A_1373 = arith.constant 0 : i32
    %dma_start3A_1374 = arith.constant 0 : i32
    %dma_start3A_1375 = arith.constant 0 : i32
    %dma_start3A_1376 = tpu.memref_slice %arg10[%dma_start3A_1374, %dma_start3A_1375] : memref<256x64xf32, #tpu.memory_space<vmem>> -> memref<128x64xf32, #tpu.memory_space<vmem>>
    %dma_start3A_1377 = arith.constant 0 : i32
    %dma_start3A_1378 = tpu.memref_slice %arg12[%dma_start3A_1373, %dma_start3A_1377] : memref<2x128xi32, #tpu.memory_space<vmem>> -> memref<1x128xi32, #tpu.memory_space<vmem>>
    %dma_start3A_1379 = tpu.memref_squeeze %dma_start3A_1378 : memref<1x128xi32, #tpu.memory_space<vmem>> -> memref<128xi32, #tpu.memory_space<vmem>>
    %dma_start3A_1380 = arith.constant 0 : i32
    %dma_start3A_1381 = arith.constant 0 : i32
    %dma_start3A_1382 = tpu.memref_slice %arg20[%dma_start3A_1380, %dma_start3A_1381] : memref<768x64xf32, #tpu.memory_space<vmem_shared>> -> memref<768x64xf32, #tpu.memory_space<vmem_shared>>
    tpu.enqueue_indirect_dma source(%dma_start3A_1376 : memref<128x64xf32, #tpu.memory_space<vmem>>) target(%dma_start3A_1382 : memref<768x64xf32, #tpu.memory_space<vmem_shared>>) offsets(%dma_start3A_1379 : memref<128xi32, #tpu.memory_space<vmem>>) semaphore(%arg25 : memref<!tpu.dma_semaphore, #tpu.memory_space<semaphore_mem>>) {add = true}
    %dma_start3A_1383 = arith.constant 0 : i32
    %dma_start3A_1384 = arith.constant 0 : i32
    %dma_start3A_1385 = tpu.memref_slice %arg12[%dma_start3A_1383, %dma_start3A_1384] : memref<2x128xi32, #tpu.memory_space<vmem>> -> memref<1x128xi32, #tpu.memory_space<vmem>>
    %dma_start3A_1386 = tpu.memref_squeeze %dma_start3A_1385 : memref<1x128xi32, #tpu.memory_space<vmem>> -> memref<128xi32, #tpu.memory_space<vmem>>
    %dma_start3A_1387 = arith.constant 0 : i32
    %dma_start3A_1388 = arith.constant 0 : i32
    %dma_start3A_1389 = tpu.memref_slice %arg21[%dma_start3A_1387, %dma_start3A_1388] : memref<768x16xf32, #tpu.memory_space<vmem_shared>> -> memref<768x16xf32, #tpu.memory_space<vmem_shared>>
    tpu.enqueue_indirect_dma source(%arg15 : memref<128x16xf32, #tpu.memory_space<vmem>>) target(%dma_start3A_1389 : memref<768x16xf32, #tpu.memory_space<vmem_shared>>) offsets(%dma_start3A_1386 : memref<128xi32, #tpu.memory_space<vmem>>) semaphore(%arg25 : memref<!tpu.dma_semaphore, #tpu.memory_space<semaphore_mem>>) {add = true}
    %dma_start3A_1390 = arith.constant 1 : i32
    %dma_start3A_1391 = arith.constant 128 : i32
    %dma_start3A_1392 = arith.constant 0 : i32
    %dma_start3A_1393 = tpu.memref_slice %arg10[%dma_start3A_1391, %dma_start3A_1392] : memref<256x64xf32, #tpu.memory_space<vmem>> -> memref<128x64xf32, #tpu.memory_space<vmem>>
    %dma_start3A_1394 = arith.constant 0 : i32
    %dma_start3A_1395 = tpu.memref_slice %arg12[%dma_start3A_1390, %dma_start3A_1394] : memref<2x128xi32, #tpu.memory_space<vmem>> -> memref<1x128xi32, #tpu.memory_space<vmem>>
    %dma_start3A_1396 = tpu.memref_squeeze %dma_start3A_1395 : memref<1x128xi32, #tpu.memory_space<vmem>> -> memref<128xi32, #tpu.memory_space<vmem>>
    %dma_start3A_1397 = arith.constant 0 : i32
    %dma_start3A_1398 = arith.constant 0 : i32
    %dma_start3A_1399 = tpu.memref_slice %arg20[%dma_start3A_1397, %dma_start3A_1398] : memref<768x64xf32, #tpu.memory_space<vmem_shared>> -> memref<768x64xf32, #tpu.memory_space<vmem_shared>>
    tpu.enqueue_indirect_dma source(%dma_start3A_1393 : memref<128x64xf32, #tpu.memory_space<vmem>>) target(%dma_start3A_1399 : memref<768x64xf32, #tpu.memory_space<vmem_shared>>) offsets(%dma_start3A_1396 : memref<128xi32, #tpu.memory_space<vmem>>) semaphore(%arg25 : memref<!tpu.dma_semaphore, #tpu.memory_space<semaphore_mem>>) {add = true}
    %dma_start3A_1400 = arith.constant 1 : i32
    %dma_start3A_1401 = arith.constant 0 : i32
    %dma_start3A_1402 = tpu.memref_slice %arg12[%dma_start3A_1400, %dma_start3A_1401] : memref<2x128xi32, #tpu.memory_space<vmem>> -> memref<1x128xi32, #tpu.memory_space<vmem>>
    %dma_start3A_1403 = tpu.memref_squeeze %dma_start3A_1402 : memref<1x128xi32, #tpu.memory_space<vmem>> -> memref<128xi32, #tpu.memory_space<vmem>>
    %dma_start3A_1404 = arith.constant 0 : i32
    %dma_start3A_1405 = arith.constant 0 : i32
    %dma_start3A_1406 = tpu.memref_slice %arg21[%dma_start3A_1404, %dma_start3A_1405] : memref<768x16xf32, #tpu.memory_space<vmem_shared>> -> memref<768x16xf32, #tpu.memory_space<vmem_shared>>
    tpu.enqueue_indirect_dma source(%arg15 : memref<128x16xf32, #tpu.memory_space<vmem>>) target(%dma_start3A_1406 : memref<768x16xf32, #tpu.memory_space<vmem_shared>>) offsets(%dma_start3A_1403 : memref<128xi32, #tpu.memory_space<vmem>>) semaphore(%arg25 : memref<!tpu.dma_semaphore, #tpu.memory_space<semaphore_mem>>) {add = true}
    %dma_wait3A_1407 = arith.constant 0 : i32
    %dma_wait3A_1408 = arith.constant 0 : i32
    %dma_wait3A_1409 = tpu.memref_slice %arg3[%add3A_1358, %dma_wait3A_1407, %dma_wait3A_1408] : memref<391x2x128xi32, #tpu.memory_space<hbm>> -> memref<1x2x128xi32, #tpu.memory_space<hbm>>
    %dma_wait3A_1410 = tpu.memref_squeeze %dma_wait3A_1409 : memref<1x2x128xi32, #tpu.memory_space<hbm>> -> memref<2x128xi32, #tpu.memory_space<hbm>>
    %dma_wait3A_1411 = arith.constant 0 : i32
    %dma_wait3A_1412 = arith.constant 0 : i32
    %dma_wait3A_1413 = tpu.memref_slice %arg3[%add3A_1358, %dma_wait3A_1411, %dma_wait3A_1412] : memref<391x2x128xi32, #tpu.memory_space<hbm>> -> memref<1x2x128xi32, #tpu.memory_space<hbm>>
    %dma_wait3A_1414 = tpu.memref_squeeze %dma_wait3A_1413 : memref<1x2x128xi32, #tpu.memory_space<hbm>> -> memref<2x128xi32, #tpu.memory_space<hbm>>
    tpu.wait_dma2 semaphore(%arg22 : memref<!tpu.dma_semaphore, #tpu.memory_space<semaphore_mem>>) src(%dma_wait3A_1414 : memref<2x128xi32, #tpu.memory_space<hbm>>) dst(%arg11 : memref<2x128xi32, #tpu.memory_space<vmem>>)
    %dma_wait3A_1415 = arith.constant 0 : i32
    %dma_wait3A_1416 = tpu.memref_slice %arg2[%mul3A_1368, %dma_wait3A_1415] : memref<100000x64xf32, #tpu.memory_space<hbm>> -> memref<256x64xf32, #tpu.memory_space<hbm>>
    %dma_wait3A_1417 = arith.constant 0 : i32
    %dma_wait3A_1418 = tpu.memref_slice %arg2[%mul3A_1368, %dma_wait3A_1417] : memref<100000x64xf32, #tpu.memory_space<hbm>> -> memref<256x64xf32, #tpu.memory_space<hbm>>
    tpu.wait_dma2 semaphore(%arg22 : memref<!tpu.dma_semaphore, #tpu.memory_space<semaphore_mem>>) src(%dma_wait3A_1418 : memref<256x64xf32, #tpu.memory_space<hbm>>) dst(%arg9 : memref<256x64xf32, #tpu.memory_space<vmem>>)
    %dma_wait3A_1419 = arith.constant 0 : i32
    %dma_wait3A_1420 = arith.constant 0 : i32
    %dma_wait3A_1421 = arith.constant 0 : i32
    %dma_wait3A_1422 = tpu.memref_slice %arg10[%dma_wait3A_1420, %dma_wait3A_1421] : memref<256x64xf32, #tpu.memory_space<vmem>> -> memref<128x64xf32, #tpu.memory_space<vmem>>
    %dma_wait3A_1423 = arith.constant 0 : i32
    %dma_wait3A_1424 = tpu.memref_slice %arg12[%dma_wait3A_1419, %dma_wait3A_1423] : memref<2x128xi32, #tpu.memory_space<vmem>> -> memref<1x128xi32, #tpu.memory_space<vmem>>
    %dma_wait3A_1425 = tpu.memref_squeeze %dma_wait3A_1424 : memref<1x128xi32, #tpu.memory_space<vmem>> -> memref<128xi32, #tpu.memory_space<vmem>>
    %dma_wait3A_1426 = arith.constant 0 : i32
    %dma_wait3A_1427 = arith.constant 0 : i32
    %dma_wait3A_1428 = tpu.memref_slice %arg20[%dma_wait3A_1426, %dma_wait3A_1427] : memref<768x64xf32, #tpu.memory_space<vmem_shared>> -> memref<768x64xf32, #tpu.memory_space<vmem_shared>>
    tpu.wait_indirect_dma semaphore(%arg25 : memref<!tpu.dma_semaphore, #tpu.memory_space<semaphore_mem>>) src(%dma_wait3A_1422 : memref<128x64xf32, #tpu.memory_space<vmem>>) dst(%dma_wait3A_1428 : memref<768x64xf32, #tpu.memory_space<vmem_shared>>)
    %dma_wait3A_1429 = arith.constant 0 : i32
    %dma_wait3A_1430 = arith.constant 0 : i32
    %dma_wait3A_1431 = tpu.memref_slice %arg12[%dma_wait3A_1429, %dma_wait3A_1430] : memref<2x128xi32, #tpu.memory_space<vmem>> -> memref<1x128xi32, #tpu.memory_space<vmem>>
    %dma_wait3A_1432 = tpu.memref_squeeze %dma_wait3A_1431 : memref<1x128xi32, #tpu.memory_space<vmem>> -> memref<128xi32, #tpu.memory_space<vmem>>
    %dma_wait3A_1433 = arith.constant 0 : i32
    %dma_wait3A_1434 = arith.constant 0 : i32
    %dma_wait3A_1435 = tpu.memref_slice %arg21[%dma_wait3A_1433, %dma_wait3A_1434] : memref<768x16xf32, #tpu.memory_space<vmem_shared>> -> memref<768x16xf32, #tpu.memory_space<vmem_shared>>
    tpu.wait_indirect_dma semaphore(%arg25 : memref<!tpu.dma_semaphore, #tpu.memory_space<semaphore_mem>>) src(%arg15 : memref<128x16xf32, #tpu.memory_space<vmem>>) dst(%dma_wait3A_1435 : memref<768x16xf32, #tpu.memory_space<vmem_shared>>)
    %dma_wait3A_1436 = arith.constant 1 : i32
    %dma_wait3A_1437 = arith.constant 128 : i32
    %dma_wait3A_1438 = arith.constant 0 : i32
    %dma_wait3A_1439 = tpu.memref_slice %arg10[%dma_wait3A_1437, %dma_wait3A_1438] : memref<256x64xf32, #tpu.memory_space<vmem>> -> memref<128x64xf32, #tpu.memory_space<vmem>>
    %dma_wait3A_1440 = arith.constant 0 : i32
    %dma_wait3A_1441 = tpu.memref_slice %arg12[%dma_wait3A_1436, %dma_wait3A_1440] : memref<2x128xi32, #tpu.memory_space<vmem>> -> memref<1x128xi32, #tpu.memory_space<vmem>>
    %dma_wait3A_1442 = tpu.memref_squeeze %dma_wait3A_1441 : memref<1x128xi32, #tpu.memory_space<vmem>> -> memref<128xi32, #tpu.memory_space<vmem>>
    %dma_wait3A_1443 = arith.constant 0 : i32
    %dma_wait3A_1444 = arith.constant 0 : i32
    %dma_wait3A_1445 = tpu.memref_slice %arg20[%dma_wait3A_1443, %dma_wait3A_1444] : memref<768x64xf32, #tpu.memory_space<vmem_shared>> -> memref<768x64xf32, #tpu.memory_space<vmem_shared>>
    tpu.wait_indirect_dma semaphore(%arg25 : memref<!tpu.dma_semaphore, #tpu.memory_space<semaphore_mem>>) src(%dma_wait3A_1439 : memref<128x64xf32, #tpu.memory_space<vmem>>) dst(%dma_wait3A_1445 : memref<768x64xf32, #tpu.memory_space<vmem_shared>>)
    %dma_wait3A_1446 = arith.constant 1 : i32
    %dma_wait3A_1447 = arith.constant 0 : i32
    %dma_wait3A_1448 = tpu.memref_slice %arg12[%dma_wait3A_1446, %dma_wait3A_1447] : memref<2x128xi32, #tpu.memory_space<vmem>> -> memref<1x128xi32, #tpu.memory_space<vmem>>
    %dma_wait3A_1449 = tpu.memref_squeeze %dma_wait3A_1448 : memref<1x128xi32, #tpu.memory_space<vmem>> -> memref<128xi32, #tpu.memory_space<vmem>>
    %dma_wait3A_1450 = arith.constant 0 : i32
    %dma_wait3A_1451 = arith.constant 0 : i32
    %dma_wait3A_1452 = tpu.memref_slice %arg21[%dma_wait3A_1450, %dma_wait3A_1451] : memref<768x16xf32, #tpu.memory_space<vmem_shared>> -> memref<768x16xf32, #tpu.memory_space<vmem_shared>>
    tpu.wait_indirect_dma semaphore(%arg25 : memref<!tpu.dma_semaphore, #tpu.memory_space<semaphore_mem>>) src(%arg15 : memref<128x16xf32, #tpu.memory_space<vmem>>) dst(%dma_wait3A_1452 : memref<768x16xf32, #tpu.memory_space<vmem_shared>>)
    %add3A_1453 = arith.constant 224 : i32
    %add3A_1454 = arith.addi %add3A, %add3A_1453 : i32
    %dma_start3A_1455 = arith.constant 0 : i32
    %dma_start3A_1456 = arith.constant 0 : i32
    %dma_start3A_1457 = tpu.memref_slice %arg3[%add3A_1454, %dma_start3A_1455, %dma_start3A_1456] : memref<391x2x128xi32, #tpu.memory_space<hbm>> -> memref<1x2x128xi32, #tpu.memory_space<hbm>>
    %dma_start3A_1458 = tpu.memref_squeeze %dma_start3A_1457 : memref<1x2x128xi32, #tpu.memory_space<hbm>> -> memref<2x128xi32, #tpu.memory_space<hbm>>
    %dma_start3A_1459 = arith.constant 0 : i32
    %dma_start3A_1460 = arith.constant 0 : i32
    %dma_start3A_1461 = tpu.memref_slice %arg3[%add3A_1454, %dma_start3A_1459, %dma_start3A_1460] : memref<391x2x128xi32, #tpu.memory_space<hbm>> -> memref<1x2x128xi32, #tpu.memory_space<hbm>>
    %dma_start3A_1462 = tpu.memref_squeeze %dma_start3A_1461 : memref<1x2x128xi32, #tpu.memory_space<hbm>> -> memref<2x128xi32, #tpu.memory_space<hbm>>
    tpu.enqueue_dma source(%dma_start3A_1462 : memref<2x128xi32, #tpu.memory_space<hbm>>) target(%arg12 : memref<2x128xi32, #tpu.memory_space<vmem>>) target_semaphore(%arg23 : memref<!tpu.dma_semaphore, #tpu.memory_space<semaphore_mem>>)
    %mul3A_1463 = arith.constant 256 : i32
    %mul3A_1464 = arith.muli %add3A_1454, %mul3A_1463 : i32
    %dma_start3A_1465 = arith.constant 0 : i32
    %dma_start3A_1466 = tpu.memref_slice %arg2[%mul3A_1464, %dma_start3A_1465] : memref<100000x64xf32, #tpu.memory_space<hbm>> -> memref<256x64xf32, #tpu.memory_space<hbm>>
    %dma_start3A_1467 = arith.constant 0 : i32
    %dma_start3A_1468 = tpu.memref_slice %arg2[%mul3A_1464, %dma_start3A_1467] : memref<100000x64xf32, #tpu.memory_space<hbm>> -> memref<256x64xf32, #tpu.memory_space<hbm>>
    tpu.enqueue_dma source(%dma_start3A_1468 : memref<256x64xf32, #tpu.memory_space<hbm>>) target(%arg10 : memref<256x64xf32, #tpu.memory_space<vmem>>) target_semaphore(%arg23 : memref<!tpu.dma_semaphore, #tpu.memory_space<semaphore_mem>>)
    %dma_start3A_1469 = arith.constant 0 : i32
    %dma_start3A_1470 = arith.constant 0 : i32
    %dma_start3A_1471 = arith.constant 0 : i32
    %dma_start3A_1472 = tpu.memref_slice %arg9[%dma_start3A_1470, %dma_start3A_1471] : memref<256x64xf32, #tpu.memory_space<vmem>> -> memref<128x64xf32, #tpu.memory_space<vmem>>
    %dma_start3A_1473 = arith.constant 0 : i32
    %dma_start3A_1474 = tpu.memref_slice %arg11[%dma_start3A_1469, %dma_start3A_1473] : memref<2x128xi32, #tpu.memory_space<vmem>> -> memref<1x128xi32, #tpu.memory_space<vmem>>
    %dma_start3A_1475 = tpu.memref_squeeze %dma_start3A_1474 : memref<1x128xi32, #tpu.memory_space<vmem>> -> memref<128xi32, #tpu.memory_space<vmem>>
    %dma_start3A_1476 = arith.constant 0 : i32
    %dma_start3A_1477 = arith.constant 0 : i32
    %dma_start3A_1478 = tpu.memref_slice %arg20[%dma_start3A_1476, %dma_start3A_1477] : memref<768x64xf32, #tpu.memory_space<vmem_shared>> -> memref<768x64xf32, #tpu.memory_space<vmem_shared>>
    tpu.enqueue_indirect_dma source(%dma_start3A_1472 : memref<128x64xf32, #tpu.memory_space<vmem>>) target(%dma_start3A_1478 : memref<768x64xf32, #tpu.memory_space<vmem_shared>>) offsets(%dma_start3A_1475 : memref<128xi32, #tpu.memory_space<vmem>>) semaphore(%arg24 : memref<!tpu.dma_semaphore, #tpu.memory_space<semaphore_mem>>) {add = true}
    %dma_start3A_1479 = arith.constant 0 : i32
    %dma_start3A_1480 = arith.constant 0 : i32
    %dma_start3A_1481 = tpu.memref_slice %arg11[%dma_start3A_1479, %dma_start3A_1480] : memref<2x128xi32, #tpu.memory_space<vmem>> -> memref<1x128xi32, #tpu.memory_space<vmem>>
    %dma_start3A_1482 = tpu.memref_squeeze %dma_start3A_1481 : memref<1x128xi32, #tpu.memory_space<vmem>> -> memref<128xi32, #tpu.memory_space<vmem>>
    %dma_start3A_1483 = arith.constant 0 : i32
    %dma_start3A_1484 = arith.constant 0 : i32
    %dma_start3A_1485 = tpu.memref_slice %arg21[%dma_start3A_1483, %dma_start3A_1484] : memref<768x16xf32, #tpu.memory_space<vmem_shared>> -> memref<768x16xf32, #tpu.memory_space<vmem_shared>>
    tpu.enqueue_indirect_dma source(%arg15 : memref<128x16xf32, #tpu.memory_space<vmem>>) target(%dma_start3A_1485 : memref<768x16xf32, #tpu.memory_space<vmem_shared>>) offsets(%dma_start3A_1482 : memref<128xi32, #tpu.memory_space<vmem>>) semaphore(%arg24 : memref<!tpu.dma_semaphore, #tpu.memory_space<semaphore_mem>>) {add = true}
    %dma_start3A_1486 = arith.constant 1 : i32
    %dma_start3A_1487 = arith.constant 128 : i32
    %dma_start3A_1488 = arith.constant 0 : i32
    %dma_start3A_1489 = tpu.memref_slice %arg9[%dma_start3A_1487, %dma_start3A_1488] : memref<256x64xf32, #tpu.memory_space<vmem>> -> memref<128x64xf32, #tpu.memory_space<vmem>>
    %dma_start3A_1490 = arith.constant 0 : i32
    %dma_start3A_1491 = tpu.memref_slice %arg11[%dma_start3A_1486, %dma_start3A_1490] : memref<2x128xi32, #tpu.memory_space<vmem>> -> memref<1x128xi32, #tpu.memory_space<vmem>>
    %dma_start3A_1492 = tpu.memref_squeeze %dma_start3A_1491 : memref<1x128xi32, #tpu.memory_space<vmem>> -> memref<128xi32, #tpu.memory_space<vmem>>
    %dma_start3A_1493 = arith.constant 0 : i32
    %dma_start3A_1494 = arith.constant 0 : i32
    %dma_start3A_1495 = tpu.memref_slice %arg20[%dma_start3A_1493, %dma_start3A_1494] : memref<768x64xf32, #tpu.memory_space<vmem_shared>> -> memref<768x64xf32, #tpu.memory_space<vmem_shared>>
    tpu.enqueue_indirect_dma source(%dma_start3A_1489 : memref<128x64xf32, #tpu.memory_space<vmem>>) target(%dma_start3A_1495 : memref<768x64xf32, #tpu.memory_space<vmem_shared>>) offsets(%dma_start3A_1492 : memref<128xi32, #tpu.memory_space<vmem>>) semaphore(%arg24 : memref<!tpu.dma_semaphore, #tpu.memory_space<semaphore_mem>>) {add = true}
    %dma_start3A_1496 = arith.constant 1 : i32
    %dma_start3A_1497 = arith.constant 0 : i32
    %dma_start3A_1498 = tpu.memref_slice %arg11[%dma_start3A_1496, %dma_start3A_1497] : memref<2x128xi32, #tpu.memory_space<vmem>> -> memref<1x128xi32, #tpu.memory_space<vmem>>
    %dma_start3A_1499 = tpu.memref_squeeze %dma_start3A_1498 : memref<1x128xi32, #tpu.memory_space<vmem>> -> memref<128xi32, #tpu.memory_space<vmem>>
    %dma_start3A_1500 = arith.constant 0 : i32
    %dma_start3A_1501 = arith.constant 0 : i32
    %dma_start3A_1502 = tpu.memref_slice %arg21[%dma_start3A_1500, %dma_start3A_1501] : memref<768x16xf32, #tpu.memory_space<vmem_shared>> -> memref<768x16xf32, #tpu.memory_space<vmem_shared>>
    tpu.enqueue_indirect_dma source(%arg15 : memref<128x16xf32, #tpu.memory_space<vmem>>) target(%dma_start3A_1502 : memref<768x16xf32, #tpu.memory_space<vmem_shared>>) offsets(%dma_start3A_1499 : memref<128xi32, #tpu.memory_space<vmem>>) semaphore(%arg24 : memref<!tpu.dma_semaphore, #tpu.memory_space<semaphore_mem>>) {add = true}
    %dma_wait3A_1503 = arith.constant 0 : i32
    %dma_wait3A_1504 = arith.constant 0 : i32
    %dma_wait3A_1505 = tpu.memref_slice %arg3[%add3A_1454, %dma_wait3A_1503, %dma_wait3A_1504] : memref<391x2x128xi32, #tpu.memory_space<hbm>> -> memref<1x2x128xi32, #tpu.memory_space<hbm>>
    %dma_wait3A_1506 = tpu.memref_squeeze %dma_wait3A_1505 : memref<1x2x128xi32, #tpu.memory_space<hbm>> -> memref<2x128xi32, #tpu.memory_space<hbm>>
    %dma_wait3A_1507 = arith.constant 0 : i32
    %dma_wait3A_1508 = arith.constant 0 : i32
    %dma_wait3A_1509 = tpu.memref_slice %arg3[%add3A_1454, %dma_wait3A_1507, %dma_wait3A_1508] : memref<391x2x128xi32, #tpu.memory_space<hbm>> -> memref<1x2x128xi32, #tpu.memory_space<hbm>>
    %dma_wait3A_1510 = tpu.memref_squeeze %dma_wait3A_1509 : memref<1x2x128xi32, #tpu.memory_space<hbm>> -> memref<2x128xi32, #tpu.memory_space<hbm>>
    tpu.wait_dma2 semaphore(%arg23 : memref<!tpu.dma_semaphore, #tpu.memory_space<semaphore_mem>>) src(%dma_wait3A_1510 : memref<2x128xi32, #tpu.memory_space<hbm>>) dst(%arg12 : memref<2x128xi32, #tpu.memory_space<vmem>>)
    %dma_wait3A_1511 = arith.constant 0 : i32
    %dma_wait3A_1512 = tpu.memref_slice %arg2[%mul3A_1464, %dma_wait3A_1511] : memref<100000x64xf32, #tpu.memory_space<hbm>> -> memref<256x64xf32, #tpu.memory_space<hbm>>
    %dma_wait3A_1513 = arith.constant 0 : i32
    %dma_wait3A_1514 = tpu.memref_slice %arg2[%mul3A_1464, %dma_wait3A_1513] : memref<100000x64xf32, #tpu.memory_space<hbm>> -> memref<256x64xf32, #tpu.memory_space<hbm>>
    tpu.wait_dma2 semaphore(%arg23 : memref<!tpu.dma_semaphore, #tpu.memory_space<semaphore_mem>>) src(%dma_wait3A_1514 : memref<256x64xf32, #tpu.memory_space<hbm>>) dst(%arg10 : memref<256x64xf32, #tpu.memory_space<vmem>>)
    %dma_wait3A_1515 = arith.constant 0 : i32
    %dma_wait3A_1516 = arith.constant 0 : i32
    %dma_wait3A_1517 = arith.constant 0 : i32
    %dma_wait3A_1518 = tpu.memref_slice %arg9[%dma_wait3A_1516, %dma_wait3A_1517] : memref<256x64xf32, #tpu.memory_space<vmem>> -> memref<128x64xf32, #tpu.memory_space<vmem>>
    %dma_wait3A_1519 = arith.constant 0 : i32
    %dma_wait3A_1520 = tpu.memref_slice %arg11[%dma_wait3A_1515, %dma_wait3A_1519] : memref<2x128xi32, #tpu.memory_space<vmem>> -> memref<1x128xi32, #tpu.memory_space<vmem>>
    %dma_wait3A_1521 = tpu.memref_squeeze %dma_wait3A_1520 : memref<1x128xi32, #tpu.memory_space<vmem>> -> memref<128xi32, #tpu.memory_space<vmem>>
    %dma_wait3A_1522 = arith.constant 0 : i32
    %dma_wait3A_1523 = arith.constant 0 : i32
    %dma_wait3A_1524 = tpu.memref_slice %arg20[%dma_wait3A_1522, %dma_wait3A_1523] : memref<768x64xf32, #tpu.memory_space<vmem_shared>> -> memref<768x64xf32, #tpu.memory_space<vmem_shared>>
    tpu.wait_indirect_dma semaphore(%arg24 : memref<!tpu.dma_semaphore, #tpu.memory_space<semaphore_mem>>) src(%dma_wait3A_1518 : memref<128x64xf32, #tpu.memory_space<vmem>>) dst(%dma_wait3A_1524 : memref<768x64xf32, #tpu.memory_space<vmem_shared>>)
    %dma_wait3A_1525 = arith.constant 0 : i32
    %dma_wait3A_1526 = arith.constant 0 : i32
    %dma_wait3A_1527 = tpu.memref_slice %arg11[%dma_wait3A_1525, %dma_wait3A_1526] : memref<2x128xi32, #tpu.memory_space<vmem>> -> memref<1x128xi32, #tpu.memory_space<vmem>>
    %dma_wait3A_1528 = tpu.memref_squeeze %dma_wait3A_1527 : memref<1x128xi32, #tpu.memory_space<vmem>> -> memref<128xi32, #tpu.memory_space<vmem>>
    %dma_wait3A_1529 = arith.constant 0 : i32
    %dma_wait3A_1530 = arith.constant 0 : i32
    %dma_wait3A_1531 = tpu.memref_slice %arg21[%dma_wait3A_1529, %dma_wait3A_1530] : memref<768x16xf32, #tpu.memory_space<vmem_shared>> -> memref<768x16xf32, #tpu.memory_space<vmem_shared>>
    tpu.wait_indirect_dma semaphore(%arg24 : memref<!tpu.dma_semaphore, #tpu.memory_space<semaphore_mem>>) src(%arg15 : memref<128x16xf32, #tpu.memory_space<vmem>>) dst(%dma_wait3A_1531 : memref<768x16xf32, #tpu.memory_space<vmem_shared>>)
    %dma_wait3A_1532 = arith.constant 1 : i32
    %dma_wait3A_1533 = arith.constant 128 : i32
    %dma_wait3A_1534 = arith.constant 0 : i32
    %dma_wait3A_1535 = tpu.memref_slice %arg9[%dma_wait3A_1533, %dma_wait3A_1534] : memref<256x64xf32, #tpu.memory_space<vmem>> -> memref<128x64xf32, #tpu.memory_space<vmem>>
    %dma_wait3A_1536 = arith.constant 0 : i32
    %dma_wait3A_1537 = tpu.memref_slice %arg11[%dma_wait3A_1532, %dma_wait3A_1536] : memref<2x128xi32, #tpu.memory_space<vmem>> -> memref<1x128xi32, #tpu.memory_space<vmem>>
    %dma_wait3A_1538 = tpu.memref_squeeze %dma_wait3A_1537 : memref<1x128xi32, #tpu.memory_space<vmem>> -> memref<128xi32, #tpu.memory_space<vmem>>
    %dma_wait3A_1539 = arith.constant 0 : i32
    %dma_wait3A_1540 = arith.constant 0 : i32
    %dma_wait3A_1541 = tpu.memref_slice %arg20[%dma_wait3A_1539, %dma_wait3A_1540] : memref<768x64xf32, #tpu.memory_space<vmem_shared>> -> memref<768x64xf32, #tpu.memory_space<vmem_shared>>
    tpu.wait_indirect_dma semaphore(%arg24 : memref<!tpu.dma_semaphore, #tpu.memory_space<semaphore_mem>>) src(%dma_wait3A_1535 : memref<128x64xf32, #tpu.memory_space<vmem>>) dst(%dma_wait3A_1541 : memref<768x64xf32, #tpu.memory_space<vmem_shared>>)
    %dma_wait3A_1542 = arith.constant 1 : i32
    %dma_wait3A_1543 = arith.constant 0 : i32
    %dma_wait3A_1544 = tpu.memref_slice %arg11[%dma_wait3A_1542, %dma_wait3A_1543] : memref<2x128xi32, #tpu.memory_space<vmem>> -> memref<1x128xi32, #tpu.memory_space<vmem>>
    %dma_wait3A_1545 = tpu.memref_squeeze %dma_wait3A_1544 : memref<1x128xi32, #tpu.memory_space<vmem>> -> memref<128xi32, #tpu.memory_space<vmem>>
    %dma_wait3A_1546 = arith.constant 0 : i32
    %dma_wait3A_1547 = arith.constant 0 : i32
    %dma_wait3A_1548 = tpu.memref_slice %arg21[%dma_wait3A_1546, %dma_wait3A_1547] : memref<768x16xf32, #tpu.memory_space<vmem_shared>> -> memref<768x16xf32, #tpu.memory_space<vmem_shared>>
    tpu.wait_indirect_dma semaphore(%arg24 : memref<!tpu.dma_semaphore, #tpu.memory_space<semaphore_mem>>) src(%arg15 : memref<128x16xf32, #tpu.memory_space<vmem>>) dst(%dma_wait3A_1548 : memref<768x16xf32, #tpu.memory_space<vmem_shared>>)
    %add3A_1549 = arith.constant 256 : i32
    %add3A_1550 = arith.addi %add3A, %add3A_1549 : i32
    %dma_start3A_1551 = arith.constant 0 : i32
    %dma_start3A_1552 = arith.constant 0 : i32
    %dma_start3A_1553 = tpu.memref_slice %arg3[%add3A_1550, %dma_start3A_1551, %dma_start3A_1552] : memref<391x2x128xi32, #tpu.memory_space<hbm>> -> memref<1x2x128xi32, #tpu.memory_space<hbm>>
    %dma_start3A_1554 = tpu.memref_squeeze %dma_start3A_1553 : memref<1x2x128xi32, #tpu.memory_space<hbm>> -> memref<2x128xi32, #tpu.memory_space<hbm>>
    %dma_start3A_1555 = arith.constant 0 : i32
    %dma_start3A_1556 = arith.constant 0 : i32
    %dma_start3A_1557 = tpu.memref_slice %arg3[%add3A_1550, %dma_start3A_1555, %dma_start3A_1556] : memref<391x2x128xi32, #tpu.memory_space<hbm>> -> memref<1x2x128xi32, #tpu.memory_space<hbm>>
    %dma_start3A_1558 = tpu.memref_squeeze %dma_start3A_1557 : memref<1x2x128xi32, #tpu.memory_space<hbm>> -> memref<2x128xi32, #tpu.memory_space<hbm>>
    tpu.enqueue_dma source(%dma_start3A_1558 : memref<2x128xi32, #tpu.memory_space<hbm>>) target(%arg11 : memref<2x128xi32, #tpu.memory_space<vmem>>) target_semaphore(%arg22 : memref<!tpu.dma_semaphore, #tpu.memory_space<semaphore_mem>>)
    %mul3A_1559 = arith.constant 256 : i32
    %mul3A_1560 = arith.muli %add3A_1550, %mul3A_1559 : i32
    %dma_start3A_1561 = arith.constant 0 : i32
    %dma_start3A_1562 = tpu.memref_slice %arg2[%mul3A_1560, %dma_start3A_1561] : memref<100000x64xf32, #tpu.memory_space<hbm>> -> memref<256x64xf32, #tpu.memory_space<hbm>>
    %dma_start3A_1563 = arith.constant 0 : i32
    %dma_start3A_1564 = tpu.memref_slice %arg2[%mul3A_1560, %dma_start3A_1563] : memref<100000x64xf32, #tpu.memory_space<hbm>> -> memref<256x64xf32, #tpu.memory_space<hbm>>
    tpu.enqueue_dma source(%dma_start3A_1564 : memref<256x64xf32, #tpu.memory_space<hbm>>) target(%arg9 : memref<256x64xf32, #tpu.memory_space<vmem>>) target_semaphore(%arg22 : memref<!tpu.dma_semaphore, #tpu.memory_space<semaphore_mem>>)
    %dma_start3A_1565 = arith.constant 0 : i32
    %dma_start3A_1566 = arith.constant 0 : i32
    %dma_start3A_1567 = arith.constant 0 : i32
    %dma_start3A_1568 = tpu.memref_slice %arg10[%dma_start3A_1566, %dma_start3A_1567] : memref<256x64xf32, #tpu.memory_space<vmem>> -> memref<128x64xf32, #tpu.memory_space<vmem>>
    %dma_start3A_1569 = arith.constant 0 : i32
    %dma_start3A_1570 = tpu.memref_slice %arg12[%dma_start3A_1565, %dma_start3A_1569] : memref<2x128xi32, #tpu.memory_space<vmem>> -> memref<1x128xi32, #tpu.memory_space<vmem>>
    %dma_start3A_1571 = tpu.memref_squeeze %dma_start3A_1570 : memref<1x128xi32, #tpu.memory_space<vmem>> -> memref<128xi32, #tpu.memory_space<vmem>>
    %dma_start3A_1572 = arith.constant 0 : i32
    %dma_start3A_1573 = arith.constant 0 : i32
    %dma_start3A_1574 = tpu.memref_slice %arg20[%dma_start3A_1572, %dma_start3A_1573] : memref<768x64xf32, #tpu.memory_space<vmem_shared>> -> memref<768x64xf32, #tpu.memory_space<vmem_shared>>
    tpu.enqueue_indirect_dma source(%dma_start3A_1568 : memref<128x64xf32, #tpu.memory_space<vmem>>) target(%dma_start3A_1574 : memref<768x64xf32, #tpu.memory_space<vmem_shared>>) offsets(%dma_start3A_1571 : memref<128xi32, #tpu.memory_space<vmem>>) semaphore(%arg25 : memref<!tpu.dma_semaphore, #tpu.memory_space<semaphore_mem>>) {add = true}
    %dma_start3A_1575 = arith.constant 0 : i32
    %dma_start3A_1576 = arith.constant 0 : i32
    %dma_start3A_1577 = tpu.memref_slice %arg12[%dma_start3A_1575, %dma_start3A_1576] : memref<2x128xi32, #tpu.memory_space<vmem>> -> memref<1x128xi32, #tpu.memory_space<vmem>>
    %dma_start3A_1578 = tpu.memref_squeeze %dma_start3A_1577 : memref<1x128xi32, #tpu.memory_space<vmem>> -> memref<128xi32, #tpu.memory_space<vmem>>
    %dma_start3A_1579 = arith.constant 0 : i32
    %dma_start3A_1580 = arith.constant 0 : i32
    %dma_start3A_1581 = tpu.memref_slice %arg21[%dma_start3A_1579, %dma_start3A_1580] : memref<768x16xf32, #tpu.memory_space<vmem_shared>> -> memref<768x16xf32, #tpu.memory_space<vmem_shared>>
    tpu.enqueue_indirect_dma source(%arg15 : memref<128x16xf32, #tpu.memory_space<vmem>>) target(%dma_start3A_1581 : memref<768x16xf32, #tpu.memory_space<vmem_shared>>) offsets(%dma_start3A_1578 : memref<128xi32, #tpu.memory_space<vmem>>) semaphore(%arg25 : memref<!tpu.dma_semaphore, #tpu.memory_space<semaphore_mem>>) {add = true}
    %dma_start3A_1582 = arith.constant 1 : i32
    %dma_start3A_1583 = arith.constant 128 : i32
    %dma_start3A_1584 = arith.constant 0 : i32
    %dma_start3A_1585 = tpu.memref_slice %arg10[%dma_start3A_1583, %dma_start3A_1584] : memref<256x64xf32, #tpu.memory_space<vmem>> -> memref<128x64xf32, #tpu.memory_space<vmem>>
    %dma_start3A_1586 = arith.constant 0 : i32
    %dma_start3A_1587 = tpu.memref_slice %arg12[%dma_start3A_1582, %dma_start3A_1586] : memref<2x128xi32, #tpu.memory_space<vmem>> -> memref<1x128xi32, #tpu.memory_space<vmem>>
    %dma_start3A_1588 = tpu.memref_squeeze %dma_start3A_1587 : memref<1x128xi32, #tpu.memory_space<vmem>> -> memref<128xi32, #tpu.memory_space<vmem>>
    %dma_start3A_1589 = arith.constant 0 : i32
    %dma_start3A_1590 = arith.constant 0 : i32
    %dma_start3A_1591 = tpu.memref_slice %arg20[%dma_start3A_1589, %dma_start3A_1590] : memref<768x64xf32, #tpu.memory_space<vmem_shared>> -> memref<768x64xf32, #tpu.memory_space<vmem_shared>>
    tpu.enqueue_indirect_dma source(%dma_start3A_1585 : memref<128x64xf32, #tpu.memory_space<vmem>>) target(%dma_start3A_1591 : memref<768x64xf32, #tpu.memory_space<vmem_shared>>) offsets(%dma_start3A_1588 : memref<128xi32, #tpu.memory_space<vmem>>) semaphore(%arg25 : memref<!tpu.dma_semaphore, #tpu.memory_space<semaphore_mem>>) {add = true}
    %dma_start3A_1592 = arith.constant 1 : i32
    %dma_start3A_1593 = arith.constant 0 : i32
    %dma_start3A_1594 = tpu.memref_slice %arg12[%dma_start3A_1592, %dma_start3A_1593] : memref<2x128xi32, #tpu.memory_space<vmem>> -> memref<1x128xi32, #tpu.memory_space<vmem>>
    %dma_start3A_1595 = tpu.memref_squeeze %dma_start3A_1594 : memref<1x128xi32, #tpu.memory_space<vmem>> -> memref<128xi32, #tpu.memory_space<vmem>>
    %dma_start3A_1596 = arith.constant 0 : i32
    %dma_start3A_1597 = arith.constant 0 : i32
    %dma_start3A_1598 = tpu.memref_slice %arg21[%dma_start3A_1596, %dma_start3A_1597] : memref<768x16xf32, #tpu.memory_space<vmem_shared>> -> memref<768x16xf32, #tpu.memory_space<vmem_shared>>
    tpu.enqueue_indirect_dma source(%arg15 : memref<128x16xf32, #tpu.memory_space<vmem>>) target(%dma_start3A_1598 : memref<768x16xf32, #tpu.memory_space<vmem_shared>>) offsets(%dma_start3A_1595 : memref<128xi32, #tpu.memory_space<vmem>>) semaphore(%arg25 : memref<!tpu.dma_semaphore, #tpu.memory_space<semaphore_mem>>) {add = true}
    %dma_wait3A_1599 = arith.constant 0 : i32
    %dma_wait3A_1600 = arith.constant 0 : i32
    %dma_wait3A_1601 = tpu.memref_slice %arg3[%add3A_1550, %dma_wait3A_1599, %dma_wait3A_1600] : memref<391x2x128xi32, #tpu.memory_space<hbm>> -> memref<1x2x128xi32, #tpu.memory_space<hbm>>
    %dma_wait3A_1602 = tpu.memref_squeeze %dma_wait3A_1601 : memref<1x2x128xi32, #tpu.memory_space<hbm>> -> memref<2x128xi32, #tpu.memory_space<hbm>>
    %dma_wait3A_1603 = arith.constant 0 : i32
    %dma_wait3A_1604 = arith.constant 0 : i32
    %dma_wait3A_1605 = tpu.memref_slice %arg3[%add3A_1550, %dma_wait3A_1603, %dma_wait3A_1604] : memref<391x2x128xi32, #tpu.memory_space<hbm>> -> memref<1x2x128xi32, #tpu.memory_space<hbm>>
    %dma_wait3A_1606 = tpu.memref_squeeze %dma_wait3A_1605 : memref<1x2x128xi32, #tpu.memory_space<hbm>> -> memref<2x128xi32, #tpu.memory_space<hbm>>
    tpu.wait_dma2 semaphore(%arg22 : memref<!tpu.dma_semaphore, #tpu.memory_space<semaphore_mem>>) src(%dma_wait3A_1606 : memref<2x128xi32, #tpu.memory_space<hbm>>) dst(%arg11 : memref<2x128xi32, #tpu.memory_space<vmem>>)
    %dma_wait3A_1607 = arith.constant 0 : i32
    %dma_wait3A_1608 = tpu.memref_slice %arg2[%mul3A_1560, %dma_wait3A_1607] : memref<100000x64xf32, #tpu.memory_space<hbm>> -> memref<256x64xf32, #tpu.memory_space<hbm>>
    %dma_wait3A_1609 = arith.constant 0 : i32
    %dma_wait3A_1610 = tpu.memref_slice %arg2[%mul3A_1560, %dma_wait3A_1609] : memref<100000x64xf32, #tpu.memory_space<hbm>> -> memref<256x64xf32, #tpu.memory_space<hbm>>
    tpu.wait_dma2 semaphore(%arg22 : memref<!tpu.dma_semaphore, #tpu.memory_space<semaphore_mem>>) src(%dma_wait3A_1610 : memref<256x64xf32, #tpu.memory_space<hbm>>) dst(%arg9 : memref<256x64xf32, #tpu.memory_space<vmem>>)
    %dma_wait3A_1611 = arith.constant 0 : i32
    %dma_wait3A_1612 = arith.constant 0 : i32
    %dma_wait3A_1613 = arith.constant 0 : i32
    %dma_wait3A_1614 = tpu.memref_slice %arg10[%dma_wait3A_1612, %dma_wait3A_1613] : memref<256x64xf32, #tpu.memory_space<vmem>> -> memref<128x64xf32, #tpu.memory_space<vmem>>
    %dma_wait3A_1615 = arith.constant 0 : i32
    %dma_wait3A_1616 = tpu.memref_slice %arg12[%dma_wait3A_1611, %dma_wait3A_1615] : memref<2x128xi32, #tpu.memory_space<vmem>> -> memref<1x128xi32, #tpu.memory_space<vmem>>
    %dma_wait3A_1617 = tpu.memref_squeeze %dma_wait3A_1616 : memref<1x128xi32, #tpu.memory_space<vmem>> -> memref<128xi32, #tpu.memory_space<vmem>>
    %dma_wait3A_1618 = arith.constant 0 : i32
    %dma_wait3A_1619 = arith.constant 0 : i32
    %dma_wait3A_1620 = tpu.memref_slice %arg20[%dma_wait3A_1618, %dma_wait3A_1619] : memref<768x64xf32, #tpu.memory_space<vmem_shared>> -> memref<768x64xf32, #tpu.memory_space<vmem_shared>>
    tpu.wait_indirect_dma semaphore(%arg25 : memref<!tpu.dma_semaphore, #tpu.memory_space<semaphore_mem>>) src(%dma_wait3A_1614 : memref<128x64xf32, #tpu.memory_space<vmem>>) dst(%dma_wait3A_1620 : memref<768x64xf32, #tpu.memory_space<vmem_shared>>)
    %dma_wait3A_1621 = arith.constant 0 : i32
    %dma_wait3A_1622 = arith.constant 0 : i32
    %dma_wait3A_1623 = tpu.memref_slice %arg12[%dma_wait3A_1621, %dma_wait3A_1622] : memref<2x128xi32, #tpu.memory_space<vmem>> -> memref<1x128xi32, #tpu.memory_space<vmem>>
    %dma_wait3A_1624 = tpu.memref_squeeze %dma_wait3A_1623 : memref<1x128xi32, #tpu.memory_space<vmem>> -> memref<128xi32, #tpu.memory_space<vmem>>
    %dma_wait3A_1625 = arith.constant 0 : i32
    %dma_wait3A_1626 = arith.constant 0 : i32
    %dma_wait3A_1627 = tpu.memref_slice %arg21[%dma_wait3A_1625, %dma_wait3A_1626] : memref<768x16xf32, #tpu.memory_space<vmem_shared>> -> memref<768x16xf32, #tpu.memory_space<vmem_shared>>
    tpu.wait_indirect_dma semaphore(%arg25 : memref<!tpu.dma_semaphore, #tpu.memory_space<semaphore_mem>>) src(%arg15 : memref<128x16xf32, #tpu.memory_space<vmem>>) dst(%dma_wait3A_1627 : memref<768x16xf32, #tpu.memory_space<vmem_shared>>)
    %dma_wait3A_1628 = arith.constant 1 : i32
    %dma_wait3A_1629 = arith.constant 128 : i32
    %dma_wait3A_1630 = arith.constant 0 : i32
    %dma_wait3A_1631 = tpu.memref_slice %arg10[%dma_wait3A_1629, %dma_wait3A_1630] : memref<256x64xf32, #tpu.memory_space<vmem>> -> memref<128x64xf32, #tpu.memory_space<vmem>>
    %dma_wait3A_1632 = arith.constant 0 : i32
    %dma_wait3A_1633 = tpu.memref_slice %arg12[%dma_wait3A_1628, %dma_wait3A_1632] : memref<2x128xi32, #tpu.memory_space<vmem>> -> memref<1x128xi32, #tpu.memory_space<vmem>>
    %dma_wait3A_1634 = tpu.memref_squeeze %dma_wait3A_1633 : memref<1x128xi32, #tpu.memory_space<vmem>> -> memref<128xi32, #tpu.memory_space<vmem>>
    %dma_wait3A_1635 = arith.constant 0 : i32
    %dma_wait3A_1636 = arith.constant 0 : i32
    %dma_wait3A_1637 = tpu.memref_slice %arg20[%dma_wait3A_1635, %dma_wait3A_1636] : memref<768x64xf32, #tpu.memory_space<vmem_shared>> -> memref<768x64xf32, #tpu.memory_space<vmem_shared>>
    tpu.wait_indirect_dma semaphore(%arg25 : memref<!tpu.dma_semaphore, #tpu.memory_space<semaphore_mem>>) src(%dma_wait3A_1631 : memref<128x64xf32, #tpu.memory_space<vmem>>) dst(%dma_wait3A_1637 : memref<768x64xf32, #tpu.memory_space<vmem_shared>>)
    %dma_wait3A_1638 = arith.constant 1 : i32
    %dma_wait3A_1639 = arith.constant 0 : i32
    %dma_wait3A_1640 = tpu.memref_slice %arg12[%dma_wait3A_1638, %dma_wait3A_1639] : memref<2x128xi32, #tpu.memory_space<vmem>> -> memref<1x128xi32, #tpu.memory_space<vmem>>
    %dma_wait3A_1641 = tpu.memref_squeeze %dma_wait3A_1640 : memref<1x128xi32, #tpu.memory_space<vmem>> -> memref<128xi32, #tpu.memory_space<vmem>>
    %dma_wait3A_1642 = arith.constant 0 : i32
    %dma_wait3A_1643 = arith.constant 0 : i32
    %dma_wait3A_1644 = tpu.memref_slice %arg21[%dma_wait3A_1642, %dma_wait3A_1643] : memref<768x16xf32, #tpu.memory_space<vmem_shared>> -> memref<768x16xf32, #tpu.memory_space<vmem_shared>>
    tpu.wait_indirect_dma semaphore(%arg25 : memref<!tpu.dma_semaphore, #tpu.memory_space<semaphore_mem>>) src(%arg15 : memref<128x16xf32, #tpu.memory_space<vmem>>) dst(%dma_wait3A_1644 : memref<768x16xf32, #tpu.memory_space<vmem_shared>>)
    %add3A_1645 = arith.constant 288 : i32
    %add3A_1646 = arith.addi %add3A, %add3A_1645 : i32
    %dma_start3A_1647 = arith.constant 0 : i32
    %dma_start3A_1648 = arith.constant 0 : i32
    %dma_start3A_1649 = tpu.memref_slice %arg3[%add3A_1646, %dma_start3A_1647, %dma_start3A_1648] : memref<391x2x128xi32, #tpu.memory_space<hbm>> -> memref<1x2x128xi32, #tpu.memory_space<hbm>>
    %dma_start3A_1650 = tpu.memref_squeeze %dma_start3A_1649 : memref<1x2x128xi32, #tpu.memory_space<hbm>> -> memref<2x128xi32, #tpu.memory_space<hbm>>
    %dma_start3A_1651 = arith.constant 0 : i32
    %dma_start3A_1652 = arith.constant 0 : i32
    %dma_start3A_1653 = tpu.memref_slice %arg3[%add3A_1646, %dma_start3A_1651, %dma_start3A_1652] : memref<391x2x128xi32, #tpu.memory_space<hbm>> -> memref<1x2x128xi32, #tpu.memory_space<hbm>>
    %dma_start3A_1654 = tpu.memref_squeeze %dma_start3A_1653 : memref<1x2x128xi32, #tpu.memory_space<hbm>> -> memref<2x128xi32, #tpu.memory_space<hbm>>
    tpu.enqueue_dma source(%dma_start3A_1654 : memref<2x128xi32, #tpu.memory_space<hbm>>) target(%arg12 : memref<2x128xi32, #tpu.memory_space<vmem>>) target_semaphore(%arg23 : memref<!tpu.dma_semaphore, #tpu.memory_space<semaphore_mem>>)
    %mul3A_1655 = arith.constant 256 : i32
    %mul3A_1656 = arith.muli %add3A_1646, %mul3A_1655 : i32
    %dma_start3A_1657 = arith.constant 0 : i32
    %dma_start3A_1658 = tpu.memref_slice %arg2[%mul3A_1656, %dma_start3A_1657] : memref<100000x64xf32, #tpu.memory_space<hbm>> -> memref<256x64xf32, #tpu.memory_space<hbm>>
    %dma_start3A_1659 = arith.constant 0 : i32
    %dma_start3A_1660 = tpu.memref_slice %arg2[%mul3A_1656, %dma_start3A_1659] : memref<100000x64xf32, #tpu.memory_space<hbm>> -> memref<256x64xf32, #tpu.memory_space<hbm>>
    tpu.enqueue_dma source(%dma_start3A_1660 : memref<256x64xf32, #tpu.memory_space<hbm>>) target(%arg10 : memref<256x64xf32, #tpu.memory_space<vmem>>) target_semaphore(%arg23 : memref<!tpu.dma_semaphore, #tpu.memory_space<semaphore_mem>>)
    %dma_start3A_1661 = arith.constant 0 : i32
    %dma_start3A_1662 = arith.constant 0 : i32
    %dma_start3A_1663 = arith.constant 0 : i32
    %dma_start3A_1664 = tpu.memref_slice %arg9[%dma_start3A_1662, %dma_start3A_1663] : memref<256x64xf32, #tpu.memory_space<vmem>> -> memref<128x64xf32, #tpu.memory_space<vmem>>
    %dma_start3A_1665 = arith.constant 0 : i32
    %dma_start3A_1666 = tpu.memref_slice %arg11[%dma_start3A_1661, %dma_start3A_1665] : memref<2x128xi32, #tpu.memory_space<vmem>> -> memref<1x128xi32, #tpu.memory_space<vmem>>
    %dma_start3A_1667 = tpu.memref_squeeze %dma_start3A_1666 : memref<1x128xi32, #tpu.memory_space<vmem>> -> memref<128xi32, #tpu.memory_space<vmem>>
    %dma_start3A_1668 = arith.constant 0 : i32
    %dma_start3A_1669 = arith.constant 0 : i32
    %dma_start3A_1670 = tpu.memref_slice %arg20[%dma_start3A_1668, %dma_start3A_1669] : memref<768x64xf32, #tpu.memory_space<vmem_shared>> -> memref<768x64xf32, #tpu.memory_space<vmem_shared>>
    tpu.enqueue_indirect_dma source(%dma_start3A_1664 : memref<128x64xf32, #tpu.memory_space<vmem>>) target(%dma_start3A_1670 : memref<768x64xf32, #tpu.memory_space<vmem_shared>>) offsets(%dma_start3A_1667 : memref<128xi32, #tpu.memory_space<vmem>>) semaphore(%arg24 : memref<!tpu.dma_semaphore, #tpu.memory_space<semaphore_mem>>) {add = true}
    %dma_start3A_1671 = arith.constant 0 : i32
    %dma_start3A_1672 = arith.constant 0 : i32
    %dma_start3A_1673 = tpu.memref_slice %arg11[%dma_start3A_1671, %dma_start3A_1672] : memref<2x128xi32, #tpu.memory_space<vmem>> -> memref<1x128xi32, #tpu.memory_space<vmem>>
    %dma_start3A_1674 = tpu.memref_squeeze %dma_start3A_1673 : memref<1x128xi32, #tpu.memory_space<vmem>> -> memref<128xi32, #tpu.memory_space<vmem>>
    %dma_start3A_1675 = arith.constant 0 : i32
    %dma_start3A_1676 = arith.constant 0 : i32
    %dma_start3A_1677 = tpu.memref_slice %arg21[%dma_start3A_1675, %dma_start3A_1676] : memref<768x16xf32, #tpu.memory_space<vmem_shared>> -> memref<768x16xf32, #tpu.memory_space<vmem_shared>>
    tpu.enqueue_indirect_dma source(%arg15 : memref<128x16xf32, #tpu.memory_space<vmem>>) target(%dma_start3A_1677 : memref<768x16xf32, #tpu.memory_space<vmem_shared>>) offsets(%dma_start3A_1674 : memref<128xi32, #tpu.memory_space<vmem>>) semaphore(%arg24 : memref<!tpu.dma_semaphore, #tpu.memory_space<semaphore_mem>>) {add = true}
    %dma_start3A_1678 = arith.constant 1 : i32
    %dma_start3A_1679 = arith.constant 128 : i32
    %dma_start3A_1680 = arith.constant 0 : i32
    %dma_start3A_1681 = tpu.memref_slice %arg9[%dma_start3A_1679, %dma_start3A_1680] : memref<256x64xf32, #tpu.memory_space<vmem>> -> memref<128x64xf32, #tpu.memory_space<vmem>>
    %dma_start3A_1682 = arith.constant 0 : i32
    %dma_start3A_1683 = tpu.memref_slice %arg11[%dma_start3A_1678, %dma_start3A_1682] : memref<2x128xi32, #tpu.memory_space<vmem>> -> memref<1x128xi32, #tpu.memory_space<vmem>>
    %dma_start3A_1684 = tpu.memref_squeeze %dma_start3A_1683 : memref<1x128xi32, #tpu.memory_space<vmem>> -> memref<128xi32, #tpu.memory_space<vmem>>
    %dma_start3A_1685 = arith.constant 0 : i32
    %dma_start3A_1686 = arith.constant 0 : i32
    %dma_start3A_1687 = tpu.memref_slice %arg20[%dma_start3A_1685, %dma_start3A_1686] : memref<768x64xf32, #tpu.memory_space<vmem_shared>> -> memref<768x64xf32, #tpu.memory_space<vmem_shared>>
    tpu.enqueue_indirect_dma source(%dma_start3A_1681 : memref<128x64xf32, #tpu.memory_space<vmem>>) target(%dma_start3A_1687 : memref<768x64xf32, #tpu.memory_space<vmem_shared>>) offsets(%dma_start3A_1684 : memref<128xi32, #tpu.memory_space<vmem>>) semaphore(%arg24 : memref<!tpu.dma_semaphore, #tpu.memory_space<semaphore_mem>>) {add = true}
    %dma_start3A_1688 = arith.constant 1 : i32
    %dma_start3A_1689 = arith.constant 0 : i32
    %dma_start3A_1690 = tpu.memref_slice %arg11[%dma_start3A_1688, %dma_start3A_1689] : memref<2x128xi32, #tpu.memory_space<vmem>> -> memref<1x128xi32, #tpu.memory_space<vmem>>
    %dma_start3A_1691 = tpu.memref_squeeze %dma_start3A_1690 : memref<1x128xi32, #tpu.memory_space<vmem>> -> memref<128xi32, #tpu.memory_space<vmem>>
    %dma_start3A_1692 = arith.constant 0 : i32
    %dma_start3A_1693 = arith.constant 0 : i32
    %dma_start3A_1694 = tpu.memref_slice %arg21[%dma_start3A_1692, %dma_start3A_1693] : memref<768x16xf32, #tpu.memory_space<vmem_shared>> -> memref<768x16xf32, #tpu.memory_space<vmem_shared>>
    tpu.enqueue_indirect_dma source(%arg15 : memref<128x16xf32, #tpu.memory_space<vmem>>) target(%dma_start3A_1694 : memref<768x16xf32, #tpu.memory_space<vmem_shared>>) offsets(%dma_start3A_1691 : memref<128xi32, #tpu.memory_space<vmem>>) semaphore(%arg24 : memref<!tpu.dma_semaphore, #tpu.memory_space<semaphore_mem>>) {add = true}
    %dma_wait3A_1695 = arith.constant 0 : i32
    %dma_wait3A_1696 = arith.constant 0 : i32
    %dma_wait3A_1697 = tpu.memref_slice %arg3[%add3A_1646, %dma_wait3A_1695, %dma_wait3A_1696] : memref<391x2x128xi32, #tpu.memory_space<hbm>> -> memref<1x2x128xi32, #tpu.memory_space<hbm>>
    %dma_wait3A_1698 = tpu.memref_squeeze %dma_wait3A_1697 : memref<1x2x128xi32, #tpu.memory_space<hbm>> -> memref<2x128xi32, #tpu.memory_space<hbm>>
    %dma_wait3A_1699 = arith.constant 0 : i32
    %dma_wait3A_1700 = arith.constant 0 : i32
    %dma_wait3A_1701 = tpu.memref_slice %arg3[%add3A_1646, %dma_wait3A_1699, %dma_wait3A_1700] : memref<391x2x128xi32, #tpu.memory_space<hbm>> -> memref<1x2x128xi32, #tpu.memory_space<hbm>>
    %dma_wait3A_1702 = tpu.memref_squeeze %dma_wait3A_1701 : memref<1x2x128xi32, #tpu.memory_space<hbm>> -> memref<2x128xi32, #tpu.memory_space<hbm>>
    tpu.wait_dma2 semaphore(%arg23 : memref<!tpu.dma_semaphore, #tpu.memory_space<semaphore_mem>>) src(%dma_wait3A_1702 : memref<2x128xi32, #tpu.memory_space<hbm>>) dst(%arg12 : memref<2x128xi32, #tpu.memory_space<vmem>>)
    %dma_wait3A_1703 = arith.constant 0 : i32
    %dma_wait3A_1704 = tpu.memref_slice %arg2[%mul3A_1656, %dma_wait3A_1703] : memref<100000x64xf32, #tpu.memory_space<hbm>> -> memref<256x64xf32, #tpu.memory_space<hbm>>
    %dma_wait3A_1705 = arith.constant 0 : i32
    %dma_wait3A_1706 = tpu.memref_slice %arg2[%mul3A_1656, %dma_wait3A_1705] : memref<100000x64xf32, #tpu.memory_space<hbm>> -> memref<256x64xf32, #tpu.memory_space<hbm>>
    tpu.wait_dma2 semaphore(%arg23 : memref<!tpu.dma_semaphore, #tpu.memory_space<semaphore_mem>>) src(%dma_wait3A_1706 : memref<256x64xf32, #tpu.memory_space<hbm>>) dst(%arg10 : memref<256x64xf32, #tpu.memory_space<vmem>>)
    %dma_wait3A_1707 = arith.constant 0 : i32
    %dma_wait3A_1708 = arith.constant 0 : i32
    %dma_wait3A_1709 = arith.constant 0 : i32
    %dma_wait3A_1710 = tpu.memref_slice %arg9[%dma_wait3A_1708, %dma_wait3A_1709] : memref<256x64xf32, #tpu.memory_space<vmem>> -> memref<128x64xf32, #tpu.memory_space<vmem>>
    %dma_wait3A_1711 = arith.constant 0 : i32
    %dma_wait3A_1712 = tpu.memref_slice %arg11[%dma_wait3A_1707, %dma_wait3A_1711] : memref<2x128xi32, #tpu.memory_space<vmem>> -> memref<1x128xi32, #tpu.memory_space<vmem>>
    %dma_wait3A_1713 = tpu.memref_squeeze %dma_wait3A_1712 : memref<1x128xi32, #tpu.memory_space<vmem>> -> memref<128xi32, #tpu.memory_space<vmem>>
    %dma_wait3A_1714 = arith.constant 0 : i32
    %dma_wait3A_1715 = arith.constant 0 : i32
    %dma_wait3A_1716 = tpu.memref_slice %arg20[%dma_wait3A_1714, %dma_wait3A_1715] : memref<768x64xf32, #tpu.memory_space<vmem_shared>> -> memref<768x64xf32, #tpu.memory_space<vmem_shared>>
    tpu.wait_indirect_dma semaphore(%arg24 : memref<!tpu.dma_semaphore, #tpu.memory_space<semaphore_mem>>) src(%dma_wait3A_1710 : memref<128x64xf32, #tpu.memory_space<vmem>>) dst(%dma_wait3A_1716 : memref<768x64xf32, #tpu.memory_space<vmem_shared>>)
    %dma_wait3A_1717 = arith.constant 0 : i32
    %dma_wait3A_1718 = arith.constant 0 : i32
    %dma_wait3A_1719 = tpu.memref_slice %arg11[%dma_wait3A_1717, %dma_wait3A_1718] : memref<2x128xi32, #tpu.memory_space<vmem>> -> memref<1x128xi32, #tpu.memory_space<vmem>>
    %dma_wait3A_1720 = tpu.memref_squeeze %dma_wait3A_1719 : memref<1x128xi32, #tpu.memory_space<vmem>> -> memref<128xi32, #tpu.memory_space<vmem>>
    %dma_wait3A_1721 = arith.constant 0 : i32
    %dma_wait3A_1722 = arith.constant 0 : i32
    %dma_wait3A_1723 = tpu.memref_slice %arg21[%dma_wait3A_1721, %dma_wait3A_1722] : memref<768x16xf32, #tpu.memory_space<vmem_shared>> -> memref<768x16xf32, #tpu.memory_space<vmem_shared>>
    tpu.wait_indirect_dma semaphore(%arg24 : memref<!tpu.dma_semaphore, #tpu.memory_space<semaphore_mem>>) src(%arg15 : memref<128x16xf32, #tpu.memory_space<vmem>>) dst(%dma_wait3A_1723 : memref<768x16xf32, #tpu.memory_space<vmem_shared>>)
    %dma_wait3A_1724 = arith.constant 1 : i32
    %dma_wait3A_1725 = arith.constant 128 : i32
    %dma_wait3A_1726 = arith.constant 0 : i32
    %dma_wait3A_1727 = tpu.memref_slice %arg9[%dma_wait3A_1725, %dma_wait3A_1726] : memref<256x64xf32, #tpu.memory_space<vmem>> -> memref<128x64xf32, #tpu.memory_space<vmem>>
    %dma_wait3A_1728 = arith.constant 0 : i32
    %dma_wait3A_1729 = tpu.memref_slice %arg11[%dma_wait3A_1724, %dma_wait3A_1728] : memref<2x128xi32, #tpu.memory_space<vmem>> -> memref<1x128xi32, #tpu.memory_space<vmem>>
    %dma_wait3A_1730 = tpu.memref_squeeze %dma_wait3A_1729 : memref<1x128xi32, #tpu.memory_space<vmem>> -> memref<128xi32, #tpu.memory_space<vmem>>
    %dma_wait3A_1731 = arith.constant 0 : i32
    %dma_wait3A_1732 = arith.constant 0 : i32
    %dma_wait3A_1733 = tpu.memref_slice %arg20[%dma_wait3A_1731, %dma_wait3A_1732] : memref<768x64xf32, #tpu.memory_space<vmem_shared>> -> memref<768x64xf32, #tpu.memory_space<vmem_shared>>
    tpu.wait_indirect_dma semaphore(%arg24 : memref<!tpu.dma_semaphore, #tpu.memory_space<semaphore_mem>>) src(%dma_wait3A_1727 : memref<128x64xf32, #tpu.memory_space<vmem>>) dst(%dma_wait3A_1733 : memref<768x64xf32, #tpu.memory_space<vmem_shared>>)
    %dma_wait3A_1734 = arith.constant 1 : i32
    %dma_wait3A_1735 = arith.constant 0 : i32
    %dma_wait3A_1736 = tpu.memref_slice %arg11[%dma_wait3A_1734, %dma_wait3A_1735] : memref<2x128xi32, #tpu.memory_space<vmem>> -> memref<1x128xi32, #tpu.memory_space<vmem>>
    %dma_wait3A_1737 = tpu.memref_squeeze %dma_wait3A_1736 : memref<1x128xi32, #tpu.memory_space<vmem>> -> memref<128xi32, #tpu.memory_space<vmem>>
    %dma_wait3A_1738 = arith.constant 0 : i32
    %dma_wait3A_1739 = arith.constant 0 : i32
    %dma_wait3A_1740 = tpu.memref_slice %arg21[%dma_wait3A_1738, %dma_wait3A_1739] : memref<768x16xf32, #tpu.memory_space<vmem_shared>> -> memref<768x16xf32, #tpu.memory_space<vmem_shared>>
    tpu.wait_indirect_dma semaphore(%arg24 : memref<!tpu.dma_semaphore, #tpu.memory_space<semaphore_mem>>) src(%arg15 : memref<128x16xf32, #tpu.memory_space<vmem>>) dst(%dma_wait3A_1740 : memref<768x16xf32, #tpu.memory_space<vmem_shared>>)
    %add3A_1741 = arith.constant 320 : i32
    %add3A_1742 = arith.addi %add3A, %add3A_1741 : i32
    %dma_start3A_1743 = arith.constant 0 : i32
    %dma_start3A_1744 = arith.constant 0 : i32
    %dma_start3A_1745 = tpu.memref_slice %arg3[%add3A_1742, %dma_start3A_1743, %dma_start3A_1744] : memref<391x2x128xi32, #tpu.memory_space<hbm>> -> memref<1x2x128xi32, #tpu.memory_space<hbm>>
    %dma_start3A_1746 = tpu.memref_squeeze %dma_start3A_1745 : memref<1x2x128xi32, #tpu.memory_space<hbm>> -> memref<2x128xi32, #tpu.memory_space<hbm>>
    %dma_start3A_1747 = arith.constant 0 : i32
    %dma_start3A_1748 = arith.constant 0 : i32
    %dma_start3A_1749 = tpu.memref_slice %arg3[%add3A_1742, %dma_start3A_1747, %dma_start3A_1748] : memref<391x2x128xi32, #tpu.memory_space<hbm>> -> memref<1x2x128xi32, #tpu.memory_space<hbm>>
    %dma_start3A_1750 = tpu.memref_squeeze %dma_start3A_1749 : memref<1x2x128xi32, #tpu.memory_space<hbm>> -> memref<2x128xi32, #tpu.memory_space<hbm>>
    tpu.enqueue_dma source(%dma_start3A_1750 : memref<2x128xi32, #tpu.memory_space<hbm>>) target(%arg11 : memref<2x128xi32, #tpu.memory_space<vmem>>) target_semaphore(%arg22 : memref<!tpu.dma_semaphore, #tpu.memory_space<semaphore_mem>>)
    %mul3A_1751 = arith.constant 256 : i32
    %mul3A_1752 = arith.muli %add3A_1742, %mul3A_1751 : i32
    %dma_start3A_1753 = arith.constant 0 : i32
    %dma_start3A_1754 = tpu.memref_slice %arg2[%mul3A_1752, %dma_start3A_1753] : memref<100000x64xf32, #tpu.memory_space<hbm>> -> memref<256x64xf32, #tpu.memory_space<hbm>>
    %dma_start3A_1755 = arith.constant 0 : i32
    %dma_start3A_1756 = tpu.memref_slice %arg2[%mul3A_1752, %dma_start3A_1755] : memref<100000x64xf32, #tpu.memory_space<hbm>> -> memref<256x64xf32, #tpu.memory_space<hbm>>
    tpu.enqueue_dma source(%dma_start3A_1756 : memref<256x64xf32, #tpu.memory_space<hbm>>) target(%arg9 : memref<256x64xf32, #tpu.memory_space<vmem>>) target_semaphore(%arg22 : memref<!tpu.dma_semaphore, #tpu.memory_space<semaphore_mem>>)
    %dma_start3A_1757 = arith.constant 0 : i32
    %dma_start3A_1758 = arith.constant 0 : i32
    %dma_start3A_1759 = arith.constant 0 : i32
    %dma_start3A_1760 = tpu.memref_slice %arg10[%dma_start3A_1758, %dma_start3A_1759] : memref<256x64xf32, #tpu.memory_space<vmem>> -> memref<128x64xf32, #tpu.memory_space<vmem>>
    %dma_start3A_1761 = arith.constant 0 : i32
    %dma_start3A_1762 = tpu.memref_slice %arg12[%dma_start3A_1757, %dma_start3A_1761] : memref<2x128xi32, #tpu.memory_space<vmem>> -> memref<1x128xi32, #tpu.memory_space<vmem>>
    %dma_start3A_1763 = tpu.memref_squeeze %dma_start3A_1762 : memref<1x128xi32, #tpu.memory_space<vmem>> -> memref<128xi32, #tpu.memory_space<vmem>>
    %dma_start3A_1764 = arith.constant 0 : i32
    %dma_start3A_1765 = arith.constant 0 : i32
    %dma_start3A_1766 = tpu.memref_slice %arg20[%dma_start3A_1764, %dma_start3A_1765] : memref<768x64xf32, #tpu.memory_space<vmem_shared>> -> memref<768x64xf32, #tpu.memory_space<vmem_shared>>
    tpu.enqueue_indirect_dma source(%dma_start3A_1760 : memref<128x64xf32, #tpu.memory_space<vmem>>) target(%dma_start3A_1766 : memref<768x64xf32, #tpu.memory_space<vmem_shared>>) offsets(%dma_start3A_1763 : memref<128xi32, #tpu.memory_space<vmem>>) semaphore(%arg25 : memref<!tpu.dma_semaphore, #tpu.memory_space<semaphore_mem>>) {add = true}
    %dma_start3A_1767 = arith.constant 0 : i32
    %dma_start3A_1768 = arith.constant 0 : i32
    %dma_start3A_1769 = tpu.memref_slice %arg12[%dma_start3A_1767, %dma_start3A_1768] : memref<2x128xi32, #tpu.memory_space<vmem>> -> memref<1x128xi32, #tpu.memory_space<vmem>>
    %dma_start3A_1770 = tpu.memref_squeeze %dma_start3A_1769 : memref<1x128xi32, #tpu.memory_space<vmem>> -> memref<128xi32, #tpu.memory_space<vmem>>
    %dma_start3A_1771 = arith.constant 0 : i32
    %dma_start3A_1772 = arith.constant 0 : i32
    %dma_start3A_1773 = tpu.memref_slice %arg21[%dma_start3A_1771, %dma_start3A_1772] : memref<768x16xf32, #tpu.memory_space<vmem_shared>> -> memref<768x16xf32, #tpu.memory_space<vmem_shared>>
    tpu.enqueue_indirect_dma source(%arg15 : memref<128x16xf32, #tpu.memory_space<vmem>>) target(%dma_start3A_1773 : memref<768x16xf32, #tpu.memory_space<vmem_shared>>) offsets(%dma_start3A_1770 : memref<128xi32, #tpu.memory_space<vmem>>) semaphore(%arg25 : memref<!tpu.dma_semaphore, #tpu.memory_space<semaphore_mem>>) {add = true}
    %dma_start3A_1774 = arith.constant 1 : i32
    %dma_start3A_1775 = arith.constant 128 : i32
    %dma_start3A_1776 = arith.constant 0 : i32
    %dma_start3A_1777 = tpu.memref_slice %arg10[%dma_start3A_1775, %dma_start3A_1776] : memref<256x64xf32, #tpu.memory_space<vmem>> -> memref<128x64xf32, #tpu.memory_space<vmem>>
    %dma_start3A_1778 = arith.constant 0 : i32
    %dma_start3A_1779 = tpu.memref_slice %arg12[%dma_start3A_1774, %dma_start3A_1778] : memref<2x128xi32, #tpu.memory_space<vmem>> -> memref<1x128xi32, #tpu.memory_space<vmem>>
    %dma_start3A_1780 = tpu.memref_squeeze %dma_start3A_1779 : memref<1x128xi32, #tpu.memory_space<vmem>> -> memref<128xi32, #tpu.memory_space<vmem>>
    %dma_start3A_1781 = arith.constant 0 : i32
    %dma_start3A_1782 = arith.constant 0 : i32
    %dma_start3A_1783 = tpu.memref_slice %arg20[%dma_start3A_1781, %dma_start3A_1782] : memref<768x64xf32, #tpu.memory_space<vmem_shared>> -> memref<768x64xf32, #tpu.memory_space<vmem_shared>>
    tpu.enqueue_indirect_dma source(%dma_start3A_1777 : memref<128x64xf32, #tpu.memory_space<vmem>>) target(%dma_start3A_1783 : memref<768x64xf32, #tpu.memory_space<vmem_shared>>) offsets(%dma_start3A_1780 : memref<128xi32, #tpu.memory_space<vmem>>) semaphore(%arg25 : memref<!tpu.dma_semaphore, #tpu.memory_space<semaphore_mem>>) {add = true}
    %dma_start3A_1784 = arith.constant 1 : i32
    %dma_start3A_1785 = arith.constant 0 : i32
    %dma_start3A_1786 = tpu.memref_slice %arg12[%dma_start3A_1784, %dma_start3A_1785] : memref<2x128xi32, #tpu.memory_space<vmem>> -> memref<1x128xi32, #tpu.memory_space<vmem>>
    %dma_start3A_1787 = tpu.memref_squeeze %dma_start3A_1786 : memref<1x128xi32, #tpu.memory_space<vmem>> -> memref<128xi32, #tpu.memory_space<vmem>>
    %dma_start3A_1788 = arith.constant 0 : i32
    %dma_start3A_1789 = arith.constant 0 : i32
    %dma_start3A_1790 = tpu.memref_slice %arg21[%dma_start3A_1788, %dma_start3A_1789] : memref<768x16xf32, #tpu.memory_space<vmem_shared>> -> memref<768x16xf32, #tpu.memory_space<vmem_shared>>
    tpu.enqueue_indirect_dma source(%arg15 : memref<128x16xf32, #tpu.memory_space<vmem>>) target(%dma_start3A_1790 : memref<768x16xf32, #tpu.memory_space<vmem_shared>>) offsets(%dma_start3A_1787 : memref<128xi32, #tpu.memory_space<vmem>>) semaphore(%arg25 : memref<!tpu.dma_semaphore, #tpu.memory_space<semaphore_mem>>) {add = true}
    %dma_wait3A_1791 = arith.constant 0 : i32
    %dma_wait3A_1792 = arith.constant 0 : i32
    %dma_wait3A_1793 = tpu.memref_slice %arg3[%add3A_1742, %dma_wait3A_1791, %dma_wait3A_1792] : memref<391x2x128xi32, #tpu.memory_space<hbm>> -> memref<1x2x128xi32, #tpu.memory_space<hbm>>
    %dma_wait3A_1794 = tpu.memref_squeeze %dma_wait3A_1793 : memref<1x2x128xi32, #tpu.memory_space<hbm>> -> memref<2x128xi32, #tpu.memory_space<hbm>>
    %dma_wait3A_1795 = arith.constant 0 : i32
    %dma_wait3A_1796 = arith.constant 0 : i32
    %dma_wait3A_1797 = tpu.memref_slice %arg3[%add3A_1742, %dma_wait3A_1795, %dma_wait3A_1796] : memref<391x2x128xi32, #tpu.memory_space<hbm>> -> memref<1x2x128xi32, #tpu.memory_space<hbm>>
    %dma_wait3A_1798 = tpu.memref_squeeze %dma_wait3A_1797 : memref<1x2x128xi32, #tpu.memory_space<hbm>> -> memref<2x128xi32, #tpu.memory_space<hbm>>
    tpu.wait_dma2 semaphore(%arg22 : memref<!tpu.dma_semaphore, #tpu.memory_space<semaphore_mem>>) src(%dma_wait3A_1798 : memref<2x128xi32, #tpu.memory_space<hbm>>) dst(%arg11 : memref<2x128xi32, #tpu.memory_space<vmem>>)
    %dma_wait3A_1799 = arith.constant 0 : i32
    %dma_wait3A_1800 = tpu.memref_slice %arg2[%mul3A_1752, %dma_wait3A_1799] : memref<100000x64xf32, #tpu.memory_space<hbm>> -> memref<256x64xf32, #tpu.memory_space<hbm>>
    %dma_wait3A_1801 = arith.constant 0 : i32
    %dma_wait3A_1802 = tpu.memref_slice %arg2[%mul3A_1752, %dma_wait3A_1801] : memref<100000x64xf32, #tpu.memory_space<hbm>> -> memref<256x64xf32, #tpu.memory_space<hbm>>
    tpu.wait_dma2 semaphore(%arg22 : memref<!tpu.dma_semaphore, #tpu.memory_space<semaphore_mem>>) src(%dma_wait3A_1802 : memref<256x64xf32, #tpu.memory_space<hbm>>) dst(%arg9 : memref<256x64xf32, #tpu.memory_space<vmem>>)
    %dma_wait3A_1803 = arith.constant 0 : i32
    %dma_wait3A_1804 = arith.constant 0 : i32
    %dma_wait3A_1805 = arith.constant 0 : i32
    %dma_wait3A_1806 = tpu.memref_slice %arg10[%dma_wait3A_1804, %dma_wait3A_1805] : memref<256x64xf32, #tpu.memory_space<vmem>> -> memref<128x64xf32, #tpu.memory_space<vmem>>
    %dma_wait3A_1807 = arith.constant 0 : i32
    %dma_wait3A_1808 = tpu.memref_slice %arg12[%dma_wait3A_1803, %dma_wait3A_1807] : memref<2x128xi32, #tpu.memory_space<vmem>> -> memref<1x128xi32, #tpu.memory_space<vmem>>
    %dma_wait3A_1809 = tpu.memref_squeeze %dma_wait3A_1808 : memref<1x128xi32, #tpu.memory_space<vmem>> -> memref<128xi32, #tpu.memory_space<vmem>>
    %dma_wait3A_1810 = arith.constant 0 : i32
    %dma_wait3A_1811 = arith.constant 0 : i32
    %dma_wait3A_1812 = tpu.memref_slice %arg20[%dma_wait3A_1810, %dma_wait3A_1811] : memref<768x64xf32, #tpu.memory_space<vmem_shared>> -> memref<768x64xf32, #tpu.memory_space<vmem_shared>>
    tpu.wait_indirect_dma semaphore(%arg25 : memref<!tpu.dma_semaphore, #tpu.memory_space<semaphore_mem>>) src(%dma_wait3A_1806 : memref<128x64xf32, #tpu.memory_space<vmem>>) dst(%dma_wait3A_1812 : memref<768x64xf32, #tpu.memory_space<vmem_shared>>)
    %dma_wait3A_1813 = arith.constant 0 : i32
    %dma_wait3A_1814 = arith.constant 0 : i32
    %dma_wait3A_1815 = tpu.memref_slice %arg12[%dma_wait3A_1813, %dma_wait3A_1814] : memref<2x128xi32, #tpu.memory_space<vmem>> -> memref<1x128xi32, #tpu.memory_space<vmem>>
    %dma_wait3A_1816 = tpu.memref_squeeze %dma_wait3A_1815 : memref<1x128xi32, #tpu.memory_space<vmem>> -> memref<128xi32, #tpu.memory_space<vmem>>
    %dma_wait3A_1817 = arith.constant 0 : i32
    %dma_wait3A_1818 = arith.constant 0 : i32
    %dma_wait3A_1819 = tpu.memref_slice %arg21[%dma_wait3A_1817, %dma_wait3A_1818] : memref<768x16xf32, #tpu.memory_space<vmem_shared>> -> memref<768x16xf32, #tpu.memory_space<vmem_shared>>
    tpu.wait_indirect_dma semaphore(%arg25 : memref<!tpu.dma_semaphore, #tpu.memory_space<semaphore_mem>>) src(%arg15 : memref<128x16xf32, #tpu.memory_space<vmem>>) dst(%dma_wait3A_1819 : memref<768x16xf32, #tpu.memory_space<vmem_shared>>)
    %dma_wait3A_1820 = arith.constant 1 : i32
    %dma_wait3A_1821 = arith.constant 128 : i32
    %dma_wait3A_1822 = arith.constant 0 : i32
    %dma_wait3A_1823 = tpu.memref_slice %arg10[%dma_wait3A_1821, %dma_wait3A_1822] : memref<256x64xf32, #tpu.memory_space<vmem>> -> memref<128x64xf32, #tpu.memory_space<vmem>>
    %dma_wait3A_1824 = arith.constant 0 : i32
    %dma_wait3A_1825 = tpu.memref_slice %arg12[%dma_wait3A_1820, %dma_wait3A_1824] : memref<2x128xi32, #tpu.memory_space<vmem>> -> memref<1x128xi32, #tpu.memory_space<vmem>>
    %dma_wait3A_1826 = tpu.memref_squeeze %dma_wait3A_1825 : memref<1x128xi32, #tpu.memory_space<vmem>> -> memref<128xi32, #tpu.memory_space<vmem>>
    %dma_wait3A_1827 = arith.constant 0 : i32
    %dma_wait3A_1828 = arith.constant 0 : i32
    %dma_wait3A_1829 = tpu.memref_slice %arg20[%dma_wait3A_1827, %dma_wait3A_1828] : memref<768x64xf32, #tpu.memory_space<vmem_shared>> -> memref<768x64xf32, #tpu.memory_space<vmem_shared>>
    tpu.wait_indirect_dma semaphore(%arg25 : memref<!tpu.dma_semaphore, #tpu.memory_space<semaphore_mem>>) src(%dma_wait3A_1823 : memref<128x64xf32, #tpu.memory_space<vmem>>) dst(%dma_wait3A_1829 : memref<768x64xf32, #tpu.memory_space<vmem_shared>>)
    %dma_wait3A_1830 = arith.constant 1 : i32
    %dma_wait3A_1831 = arith.constant 0 : i32
    %dma_wait3A_1832 = tpu.memref_slice %arg12[%dma_wait3A_1830, %dma_wait3A_1831] : memref<2x128xi32, #tpu.memory_space<vmem>> -> memref<1x128xi32, #tpu.memory_space<vmem>>
    %dma_wait3A_1833 = tpu.memref_squeeze %dma_wait3A_1832 : memref<1x128xi32, #tpu.memory_space<vmem>> -> memref<128xi32, #tpu.memory_space<vmem>>
    %dma_wait3A_1834 = arith.constant 0 : i32
    %dma_wait3A_1835 = arith.constant 0 : i32
    %dma_wait3A_1836 = tpu.memref_slice %arg21[%dma_wait3A_1834, %dma_wait3A_1835] : memref<768x16xf32, #tpu.memory_space<vmem_shared>> -> memref<768x16xf32, #tpu.memory_space<vmem_shared>>
    tpu.wait_indirect_dma semaphore(%arg25 : memref<!tpu.dma_semaphore, #tpu.memory_space<semaphore_mem>>) src(%arg15 : memref<128x16xf32, #tpu.memory_space<vmem>>) dst(%dma_wait3A_1836 : memref<768x16xf32, #tpu.memory_space<vmem_shared>>)
    %add3A_1837 = arith.constant 352 : i32
    %add3A_1838 = arith.addi %add3A, %add3A_1837 : i32
    %dma_start3A_1839 = arith.constant 0 : i32
    %dma_start3A_1840 = arith.constant 0 : i32
    %dma_start3A_1841 = tpu.memref_slice %arg3[%add3A_1838, %dma_start3A_1839, %dma_start3A_1840] : memref<391x2x128xi32, #tpu.memory_space<hbm>> -> memref<1x2x128xi32, #tpu.memory_space<hbm>>
    %dma_start3A_1842 = tpu.memref_squeeze %dma_start3A_1841 : memref<1x2x128xi32, #tpu.memory_space<hbm>> -> memref<2x128xi32, #tpu.memory_space<hbm>>
    %dma_start3A_1843 = arith.constant 0 : i32
    %dma_start3A_1844 = arith.constant 0 : i32
    %dma_start3A_1845 = tpu.memref_slice %arg3[%add3A_1838, %dma_start3A_1843, %dma_start3A_1844] : memref<391x2x128xi32, #tpu.memory_space<hbm>> -> memref<1x2x128xi32, #tpu.memory_space<hbm>>
    %dma_start3A_1846 = tpu.memref_squeeze %dma_start3A_1845 : memref<1x2x128xi32, #tpu.memory_space<hbm>> -> memref<2x128xi32, #tpu.memory_space<hbm>>
    tpu.enqueue_dma source(%dma_start3A_1846 : memref<2x128xi32, #tpu.memory_space<hbm>>) target(%arg12 : memref<2x128xi32, #tpu.memory_space<vmem>>) target_semaphore(%arg23 : memref<!tpu.dma_semaphore, #tpu.memory_space<semaphore_mem>>)
    %mul3A_1847 = arith.constant 256 : i32
    %mul3A_1848 = arith.muli %add3A_1838, %mul3A_1847 : i32
    %dma_start3A_1849 = arith.constant 0 : i32
    %dma_start3A_1850 = tpu.memref_slice %arg2[%mul3A_1848, %dma_start3A_1849] : memref<100000x64xf32, #tpu.memory_space<hbm>> -> memref<256x64xf32, #tpu.memory_space<hbm>>
    %dma_start3A_1851 = arith.constant 0 : i32
    %dma_start3A_1852 = tpu.memref_slice %arg2[%mul3A_1848, %dma_start3A_1851] : memref<100000x64xf32, #tpu.memory_space<hbm>> -> memref<256x64xf32, #tpu.memory_space<hbm>>
    tpu.enqueue_dma source(%dma_start3A_1852 : memref<256x64xf32, #tpu.memory_space<hbm>>) target(%arg10 : memref<256x64xf32, #tpu.memory_space<vmem>>) target_semaphore(%arg23 : memref<!tpu.dma_semaphore, #tpu.memory_space<semaphore_mem>>)
    %dma_start3A_1853 = arith.constant 0 : i32
    %dma_start3A_1854 = arith.constant 0 : i32
    %dma_start3A_1855 = arith.constant 0 : i32
    %dma_start3A_1856 = tpu.memref_slice %arg9[%dma_start3A_1854, %dma_start3A_1855] : memref<256x64xf32, #tpu.memory_space<vmem>> -> memref<128x64xf32, #tpu.memory_space<vmem>>
    %dma_start3A_1857 = arith.constant 0 : i32
    %dma_start3A_1858 = tpu.memref_slice %arg11[%dma_start3A_1853, %dma_start3A_1857] : memref<2x128xi32, #tpu.memory_space<vmem>> -> memref<1x128xi32, #tpu.memory_space<vmem>>
    %dma_start3A_1859 = tpu.memref_squeeze %dma_start3A_1858 : memref<1x128xi32, #tpu.memory_space<vmem>> -> memref<128xi32, #tpu.memory_space<vmem>>
    %dma_start3A_1860 = arith.constant 0 : i32
    %dma_start3A_1861 = arith.constant 0 : i32
    %dma_start3A_1862 = tpu.memref_slice %arg20[%dma_start3A_1860, %dma_start3A_1861] : memref<768x64xf32, #tpu.memory_space<vmem_shared>> -> memref<768x64xf32, #tpu.memory_space<vmem_shared>>
    tpu.enqueue_indirect_dma source(%dma_start3A_1856 : memref<128x64xf32, #tpu.memory_space<vmem>>) target(%dma_start3A_1862 : memref<768x64xf32, #tpu.memory_space<vmem_shared>>) offsets(%dma_start3A_1859 : memref<128xi32, #tpu.memory_space<vmem>>) semaphore(%arg24 : memref<!tpu.dma_semaphore, #tpu.memory_space<semaphore_mem>>) {add = true}
    %dma_start3A_1863 = arith.constant 0 : i32
    %dma_start3A_1864 = arith.constant 0 : i32
    %dma_start3A_1865 = tpu.memref_slice %arg11[%dma_start3A_1863, %dma_start3A_1864] : memref<2x128xi32, #tpu.memory_space<vmem>> -> memref<1x128xi32, #tpu.memory_space<vmem>>
    %dma_start3A_1866 = tpu.memref_squeeze %dma_start3A_1865 : memref<1x128xi32, #tpu.memory_space<vmem>> -> memref<128xi32, #tpu.memory_space<vmem>>
    %dma_start3A_1867 = arith.constant 0 : i32
    %dma_start3A_1868 = arith.constant 0 : i32
    %dma_start3A_1869 = tpu.memref_slice %arg21[%dma_start3A_1867, %dma_start3A_1868] : memref<768x16xf32, #tpu.memory_space<vmem_shared>> -> memref<768x16xf32, #tpu.memory_space<vmem_shared>>
    tpu.enqueue_indirect_dma source(%arg15 : memref<128x16xf32, #tpu.memory_space<vmem>>) target(%dma_start3A_1869 : memref<768x16xf32, #tpu.memory_space<vmem_shared>>) offsets(%dma_start3A_1866 : memref<128xi32, #tpu.memory_space<vmem>>) semaphore(%arg24 : memref<!tpu.dma_semaphore, #tpu.memory_space<semaphore_mem>>) {add = true}
    %dma_start3A_1870 = arith.constant 1 : i32
    %dma_start3A_1871 = arith.constant 128 : i32
    %dma_start3A_1872 = arith.constant 0 : i32
    %dma_start3A_1873 = tpu.memref_slice %arg9[%dma_start3A_1871, %dma_start3A_1872] : memref<256x64xf32, #tpu.memory_space<vmem>> -> memref<128x64xf32, #tpu.memory_space<vmem>>
    %dma_start3A_1874 = arith.constant 0 : i32
    %dma_start3A_1875 = tpu.memref_slice %arg11[%dma_start3A_1870, %dma_start3A_1874] : memref<2x128xi32, #tpu.memory_space<vmem>> -> memref<1x128xi32, #tpu.memory_space<vmem>>
    %dma_start3A_1876 = tpu.memref_squeeze %dma_start3A_1875 : memref<1x128xi32, #tpu.memory_space<vmem>> -> memref<128xi32, #tpu.memory_space<vmem>>
    %dma_start3A_1877 = arith.constant 0 : i32
    %dma_start3A_1878 = arith.constant 0 : i32
    %dma_start3A_1879 = tpu.memref_slice %arg20[%dma_start3A_1877, %dma_start3A_1878] : memref<768x64xf32, #tpu.memory_space<vmem_shared>> -> memref<768x64xf32, #tpu.memory_space<vmem_shared>>
    tpu.enqueue_indirect_dma source(%dma_start3A_1873 : memref<128x64xf32, #tpu.memory_space<vmem>>) target(%dma_start3A_1879 : memref<768x64xf32, #tpu.memory_space<vmem_shared>>) offsets(%dma_start3A_1876 : memref<128xi32, #tpu.memory_space<vmem>>) semaphore(%arg24 : memref<!tpu.dma_semaphore, #tpu.memory_space<semaphore_mem>>) {add = true}
    %dma_start3A_1880 = arith.constant 1 : i32
    %dma_start3A_1881 = arith.constant 0 : i32
    %dma_start3A_1882 = tpu.memref_slice %arg11[%dma_start3A_1880, %dma_start3A_1881] : memref<2x128xi32, #tpu.memory_space<vmem>> -> memref<1x128xi32, #tpu.memory_space<vmem>>
    %dma_start3A_1883 = tpu.memref_squeeze %dma_start3A_1882 : memref<1x128xi32, #tpu.memory_space<vmem>> -> memref<128xi32, #tpu.memory_space<vmem>>
    %dma_start3A_1884 = arith.constant 0 : i32
    %dma_start3A_1885 = arith.constant 0 : i32
    %dma_start3A_1886 = tpu.memref_slice %arg21[%dma_start3A_1884, %dma_start3A_1885] : memref<768x16xf32, #tpu.memory_space<vmem_shared>> -> memref<768x16xf32, #tpu.memory_space<vmem_shared>>
    tpu.enqueue_indirect_dma source(%arg15 : memref<128x16xf32, #tpu.memory_space<vmem>>) target(%dma_start3A_1886 : memref<768x16xf32, #tpu.memory_space<vmem_shared>>) offsets(%dma_start3A_1883 : memref<128xi32, #tpu.memory_space<vmem>>) semaphore(%arg24 : memref<!tpu.dma_semaphore, #tpu.memory_space<semaphore_mem>>) {add = true}
    %dma_wait3A_1887 = arith.constant 0 : i32
    %dma_wait3A_1888 = arith.constant 0 : i32
    %dma_wait3A_1889 = tpu.memref_slice %arg3[%add3A_1838, %dma_wait3A_1887, %dma_wait3A_1888] : memref<391x2x128xi32, #tpu.memory_space<hbm>> -> memref<1x2x128xi32, #tpu.memory_space<hbm>>
    %dma_wait3A_1890 = tpu.memref_squeeze %dma_wait3A_1889 : memref<1x2x128xi32, #tpu.memory_space<hbm>> -> memref<2x128xi32, #tpu.memory_space<hbm>>
    %dma_wait3A_1891 = arith.constant 0 : i32
    %dma_wait3A_1892 = arith.constant 0 : i32
    %dma_wait3A_1893 = tpu.memref_slice %arg3[%add3A_1838, %dma_wait3A_1891, %dma_wait3A_1892] : memref<391x2x128xi32, #tpu.memory_space<hbm>> -> memref<1x2x128xi32, #tpu.memory_space<hbm>>
    %dma_wait3A_1894 = tpu.memref_squeeze %dma_wait3A_1893 : memref<1x2x128xi32, #tpu.memory_space<hbm>> -> memref<2x128xi32, #tpu.memory_space<hbm>>
    tpu.wait_dma2 semaphore(%arg23 : memref<!tpu.dma_semaphore, #tpu.memory_space<semaphore_mem>>) src(%dma_wait3A_1894 : memref<2x128xi32, #tpu.memory_space<hbm>>) dst(%arg12 : memref<2x128xi32, #tpu.memory_space<vmem>>)
    %dma_wait3A_1895 = arith.constant 0 : i32
    %dma_wait3A_1896 = tpu.memref_slice %arg2[%mul3A_1848, %dma_wait3A_1895] : memref<100000x64xf32, #tpu.memory_space<hbm>> -> memref<256x64xf32, #tpu.memory_space<hbm>>
    %dma_wait3A_1897 = arith.constant 0 : i32
    %dma_wait3A_1898 = tpu.memref_slice %arg2[%mul3A_1848, %dma_wait3A_1897] : memref<100000x64xf32, #tpu.memory_space<hbm>> -> memref<256x64xf32, #tpu.memory_space<hbm>>
    tpu.wait_dma2 semaphore(%arg23 : memref<!tpu.dma_semaphore, #tpu.memory_space<semaphore_mem>>) src(%dma_wait3A_1898 : memref<256x64xf32, #tpu.memory_space<hbm>>) dst(%arg10 : memref<256x64xf32, #tpu.memory_space<vmem>>)
    %dma_start3A_1899 = arith.constant 0 : i32
    %dma_start3A_1900 = arith.constant 0 : i32
    %dma_start3A_1901 = arith.constant 0 : i32
    %dma_start3A_1902 = tpu.memref_slice %arg10[%dma_start3A_1900, %dma_start3A_1901] : memref<256x64xf32, #tpu.memory_space<vmem>> -> memref<128x64xf32, #tpu.memory_space<vmem>>
    %dma_start3A_1903 = arith.constant 0 : i32
    %dma_start3A_1904 = tpu.memref_slice %arg12[%dma_start3A_1899, %dma_start3A_1903] : memref<2x128xi32, #tpu.memory_space<vmem>> -> memref<1x128xi32, #tpu.memory_space<vmem>>
    %dma_start3A_1905 = tpu.memref_squeeze %dma_start3A_1904 : memref<1x128xi32, #tpu.memory_space<vmem>> -> memref<128xi32, #tpu.memory_space<vmem>>
    %dma_start3A_1906 = arith.constant 0 : i32
    %dma_start3A_1907 = arith.constant 0 : i32
    %dma_start3A_1908 = tpu.memref_slice %arg20[%dma_start3A_1906, %dma_start3A_1907] : memref<768x64xf32, #tpu.memory_space<vmem_shared>> -> memref<768x64xf32, #tpu.memory_space<vmem_shared>>
    tpu.enqueue_indirect_dma source(%dma_start3A_1902 : memref<128x64xf32, #tpu.memory_space<vmem>>) target(%dma_start3A_1908 : memref<768x64xf32, #tpu.memory_space<vmem_shared>>) offsets(%dma_start3A_1905 : memref<128xi32, #tpu.memory_space<vmem>>) semaphore(%arg25 : memref<!tpu.dma_semaphore, #tpu.memory_space<semaphore_mem>>) {add = true}
    %dma_start3A_1909 = arith.constant 0 : i32
    %dma_start3A_1910 = arith.constant 0 : i32
    %dma_start3A_1911 = tpu.memref_slice %arg12[%dma_start3A_1909, %dma_start3A_1910] : memref<2x128xi32, #tpu.memory_space<vmem>> -> memref<1x128xi32, #tpu.memory_space<vmem>>
    %dma_start3A_1912 = tpu.memref_squeeze %dma_start3A_1911 : memref<1x128xi32, #tpu.memory_space<vmem>> -> memref<128xi32, #tpu.memory_space<vmem>>
    %dma_start3A_1913 = arith.constant 0 : i32
    %dma_start3A_1914 = arith.constant 0 : i32
    %dma_start3A_1915 = tpu.memref_slice %arg21[%dma_start3A_1913, %dma_start3A_1914] : memref<768x16xf32, #tpu.memory_space<vmem_shared>> -> memref<768x16xf32, #tpu.memory_space<vmem_shared>>
    tpu.enqueue_indirect_dma source(%arg15 : memref<128x16xf32, #tpu.memory_space<vmem>>) target(%dma_start3A_1915 : memref<768x16xf32, #tpu.memory_space<vmem_shared>>) offsets(%dma_start3A_1912 : memref<128xi32, #tpu.memory_space<vmem>>) semaphore(%arg25 : memref<!tpu.dma_semaphore, #tpu.memory_space<semaphore_mem>>) {add = true}
    %dma_start3A_1916 = arith.constant 1 : i32
    %dma_start3A_1917 = arith.constant 128 : i32
    %dma_start3A_1918 = arith.constant 0 : i32
    %dma_start3A_1919 = tpu.memref_slice %arg10[%dma_start3A_1917, %dma_start3A_1918] : memref<256x64xf32, #tpu.memory_space<vmem>> -> memref<128x64xf32, #tpu.memory_space<vmem>>
    %dma_start3A_1920 = arith.constant 0 : i32
    %dma_start3A_1921 = tpu.memref_slice %arg12[%dma_start3A_1916, %dma_start3A_1920] : memref<2x128xi32, #tpu.memory_space<vmem>> -> memref<1x128xi32, #tpu.memory_space<vmem>>
    %dma_start3A_1922 = tpu.memref_squeeze %dma_start3A_1921 : memref<1x128xi32, #tpu.memory_space<vmem>> -> memref<128xi32, #tpu.memory_space<vmem>>
    %dma_start3A_1923 = arith.constant 0 : i32
    %dma_start3A_1924 = arith.constant 0 : i32
    %dma_start3A_1925 = tpu.memref_slice %arg20[%dma_start3A_1923, %dma_start3A_1924] : memref<768x64xf32, #tpu.memory_space<vmem_shared>> -> memref<768x64xf32, #tpu.memory_space<vmem_shared>>
    tpu.enqueue_indirect_dma source(%dma_start3A_1919 : memref<128x64xf32, #tpu.memory_space<vmem>>) target(%dma_start3A_1925 : memref<768x64xf32, #tpu.memory_space<vmem_shared>>) offsets(%dma_start3A_1922 : memref<128xi32, #tpu.memory_space<vmem>>) semaphore(%arg25 : memref<!tpu.dma_semaphore, #tpu.memory_space<semaphore_mem>>) {add = true}
    %dma_start3A_1926 = arith.constant 1 : i32
    %dma_start3A_1927 = arith.constant 0 : i32
    %dma_start3A_1928 = tpu.memref_slice %arg12[%dma_start3A_1926, %dma_start3A_1927] : memref<2x128xi32, #tpu.memory_space<vmem>> -> memref<1x128xi32, #tpu.memory_space<vmem>>
    %dma_start3A_1929 = tpu.memref_squeeze %dma_start3A_1928 : memref<1x128xi32, #tpu.memory_space<vmem>> -> memref<128xi32, #tpu.memory_space<vmem>>
    %dma_start3A_1930 = arith.constant 0 : i32
    %dma_start3A_1931 = arith.constant 0 : i32
    %dma_start3A_1932 = tpu.memref_slice %arg21[%dma_start3A_1930, %dma_start3A_1931] : memref<768x16xf32, #tpu.memory_space<vmem_shared>> -> memref<768x16xf32, #tpu.memory_space<vmem_shared>>
    tpu.enqueue_indirect_dma source(%arg15 : memref<128x16xf32, #tpu.memory_space<vmem>>) target(%dma_start3A_1932 : memref<768x16xf32, #tpu.memory_space<vmem_shared>>) offsets(%dma_start3A_1929 : memref<128xi32, #tpu.memory_space<vmem>>) semaphore(%arg25 : memref<!tpu.dma_semaphore, #tpu.memory_space<semaphore_mem>>) {add = true}
    %dma_wait3A_1933 = arith.constant 0 : i32
    %dma_wait3A_1934 = arith.constant 0 : i32
    %dma_wait3A_1935 = arith.constant 0 : i32
    %dma_wait3A_1936 = tpu.memref_slice %arg9[%dma_wait3A_1934, %dma_wait3A_1935] : memref<256x64xf32, #tpu.memory_space<vmem>> -> memref<128x64xf32, #tpu.memory_space<vmem>>
    %dma_wait3A_1937 = arith.constant 0 : i32
    %dma_wait3A_1938 = tpu.memref_slice %arg11[%dma_wait3A_1933, %dma_wait3A_1937] : memref<2x128xi32, #tpu.memory_space<vmem>> -> memref<1x128xi32, #tpu.memory_space<vmem>>
    %dma_wait3A_1939 = tpu.memref_squeeze %dma_wait3A_1938 : memref<1x128xi32, #tpu.memory_space<vmem>> -> memref<128xi32, #tpu.memory_space<vmem>>
    %dma_wait3A_1940 = arith.constant 0 : i32
    %dma_wait3A_1941 = arith.constant 0 : i32
    %dma_wait3A_1942 = tpu.memref_slice %arg20[%dma_wait3A_1940, %dma_wait3A_1941] : memref<768x64xf32, #tpu.memory_space<vmem_shared>> -> memref<768x64xf32, #tpu.memory_space<vmem_shared>>
    tpu.wait_indirect_dma semaphore(%arg24 : memref<!tpu.dma_semaphore, #tpu.memory_space<semaphore_mem>>) src(%dma_wait3A_1936 : memref<128x64xf32, #tpu.memory_space<vmem>>) dst(%dma_wait3A_1942 : memref<768x64xf32, #tpu.memory_space<vmem_shared>>)
    %dma_wait3A_1943 = arith.constant 0 : i32
    %dma_wait3A_1944 = arith.constant 0 : i32
    %dma_wait3A_1945 = tpu.memref_slice %arg11[%dma_wait3A_1943, %dma_wait3A_1944] : memref<2x128xi32, #tpu.memory_space<vmem>> -> memref<1x128xi32, #tpu.memory_space<vmem>>
    %dma_wait3A_1946 = tpu.memref_squeeze %dma_wait3A_1945 : memref<1x128xi32, #tpu.memory_space<vmem>> -> memref<128xi32, #tpu.memory_space<vmem>>
    %dma_wait3A_1947 = arith.constant 0 : i32
    %dma_wait3A_1948 = arith.constant 0 : i32
    %dma_wait3A_1949 = tpu.memref_slice %arg21[%dma_wait3A_1947, %dma_wait3A_1948] : memref<768x16xf32, #tpu.memory_space<vmem_shared>> -> memref<768x16xf32, #tpu.memory_space<vmem_shared>>
    tpu.wait_indirect_dma semaphore(%arg24 : memref<!tpu.dma_semaphore, #tpu.memory_space<semaphore_mem>>) src(%arg15 : memref<128x16xf32, #tpu.memory_space<vmem>>) dst(%dma_wait3A_1949 : memref<768x16xf32, #tpu.memory_space<vmem_shared>>)
    %dma_wait3A_1950 = arith.constant 1 : i32
    %dma_wait3A_1951 = arith.constant 128 : i32
    %dma_wait3A_1952 = arith.constant 0 : i32
    %dma_wait3A_1953 = tpu.memref_slice %arg9[%dma_wait3A_1951, %dma_wait3A_1952] : memref<256x64xf32, #tpu.memory_space<vmem>> -> memref<128x64xf32, #tpu.memory_space<vmem>>
    %dma_wait3A_1954 = arith.constant 0 : i32
    %dma_wait3A_1955 = tpu.memref_slice %arg11[%dma_wait3A_1950, %dma_wait3A_1954] : memref<2x128xi32, #tpu.memory_space<vmem>> -> memref<1x128xi32, #tpu.memory_space<vmem>>
    %dma_wait3A_1956 = tpu.memref_squeeze %dma_wait3A_1955 : memref<1x128xi32, #tpu.memory_space<vmem>> -> memref<128xi32, #tpu.memory_space<vmem>>
    %dma_wait3A_1957 = arith.constant 0 : i32
    %dma_wait3A_1958 = arith.constant 0 : i32
    %dma_wait3A_1959 = tpu.memref_slice %arg20[%dma_wait3A_1957, %dma_wait3A_1958] : memref<768x64xf32, #tpu.memory_space<vmem_shared>> -> memref<768x64xf32, #tpu.memory_space<vmem_shared>>
    tpu.wait_indirect_dma semaphore(%arg24 : memref<!tpu.dma_semaphore, #tpu.memory_space<semaphore_mem>>) src(%dma_wait3A_1953 : memref<128x64xf32, #tpu.memory_space<vmem>>) dst(%dma_wait3A_1959 : memref<768x64xf32, #tpu.memory_space<vmem_shared>>)
    %dma_wait3A_1960 = arith.constant 1 : i32
    %dma_wait3A_1961 = arith.constant 0 : i32
    %dma_wait3A_1962 = tpu.memref_slice %arg11[%dma_wait3A_1960, %dma_wait3A_1961] : memref<2x128xi32, #tpu.memory_space<vmem>> -> memref<1x128xi32, #tpu.memory_space<vmem>>
    %dma_wait3A_1963 = tpu.memref_squeeze %dma_wait3A_1962 : memref<1x128xi32, #tpu.memory_space<vmem>> -> memref<128xi32, #tpu.memory_space<vmem>>
    %dma_wait3A_1964 = arith.constant 0 : i32
    %dma_wait3A_1965 = arith.constant 0 : i32
    %dma_wait3A_1966 = tpu.memref_slice %arg21[%dma_wait3A_1964, %dma_wait3A_1965] : memref<768x16xf32, #tpu.memory_space<vmem_shared>> -> memref<768x16xf32, #tpu.memory_space<vmem_shared>>
    tpu.wait_indirect_dma semaphore(%arg24 : memref<!tpu.dma_semaphore, #tpu.memory_space<semaphore_mem>>) src(%arg15 : memref<128x16xf32, #tpu.memory_space<vmem>>) dst(%dma_wait3A_1966 : memref<768x16xf32, #tpu.memory_space<vmem_shared>>)
    %dma_wait3A_1967 = arith.constant 0 : i32
    %dma_wait3A_1968 = arith.constant 0 : i32
    %dma_wait3A_1969 = arith.constant 0 : i32
    %dma_wait3A_1970 = tpu.memref_slice %arg10[%dma_wait3A_1968, %dma_wait3A_1969] : memref<256x64xf32, #tpu.memory_space<vmem>> -> memref<128x64xf32, #tpu.memory_space<vmem>>
    %dma_wait3A_1971 = arith.constant 0 : i32
    %dma_wait3A_1972 = tpu.memref_slice %arg12[%dma_wait3A_1967, %dma_wait3A_1971] : memref<2x128xi32, #tpu.memory_space<vmem>> -> memref<1x128xi32, #tpu.memory_space<vmem>>
    %dma_wait3A_1973 = tpu.memref_squeeze %dma_wait3A_1972 : memref<1x128xi32, #tpu.memory_space<vmem>> -> memref<128xi32, #tpu.memory_space<vmem>>
    %dma_wait3A_1974 = arith.constant 0 : i32
    %dma_wait3A_1975 = arith.constant 0 : i32
    %dma_wait3A_1976 = tpu.memref_slice %arg20[%dma_wait3A_1974, %dma_wait3A_1975] : memref<768x64xf32, #tpu.memory_space<vmem_shared>> -> memref<768x64xf32, #tpu.memory_space<vmem_shared>>
    tpu.wait_indirect_dma semaphore(%arg25 : memref<!tpu.dma_semaphore, #tpu.memory_space<semaphore_mem>>) src(%dma_wait3A_1970 : memref<128x64xf32, #tpu.memory_space<vmem>>) dst(%dma_wait3A_1976 : memref<768x64xf32, #tpu.memory_space<vmem_shared>>)
    %dma_wait3A_1977 = arith.constant 0 : i32
    %dma_wait3A_1978 = arith.constant 0 : i32
    %dma_wait3A_1979 = tpu.memref_slice %arg12[%dma_wait3A_1977, %dma_wait3A_1978] : memref<2x128xi32, #tpu.memory_space<vmem>> -> memref<1x128xi32, #tpu.memory_space<vmem>>
    %dma_wait3A_1980 = tpu.memref_squeeze %dma_wait3A_1979 : memref<1x128xi32, #tpu.memory_space<vmem>> -> memref<128xi32, #tpu.memory_space<vmem>>
    %dma_wait3A_1981 = arith.constant 0 : i32
    %dma_wait3A_1982 = arith.constant 0 : i32
    %dma_wait3A_1983 = tpu.memref_slice %arg21[%dma_wait3A_1981, %dma_wait3A_1982] : memref<768x16xf32, #tpu.memory_space<vmem_shared>> -> memref<768x16xf32, #tpu.memory_space<vmem_shared>>
    tpu.wait_indirect_dma semaphore(%arg25 : memref<!tpu.dma_semaphore, #tpu.memory_space<semaphore_mem>>) src(%arg15 : memref<128x16xf32, #tpu.memory_space<vmem>>) dst(%dma_wait3A_1983 : memref<768x16xf32, #tpu.memory_space<vmem_shared>>)
    %dma_wait3A_1984 = arith.constant 1 : i32
    %dma_wait3A_1985 = arith.constant 128 : i32
    %dma_wait3A_1986 = arith.constant 0 : i32
    %dma_wait3A_1987 = tpu.memref_slice %arg10[%dma_wait3A_1985, %dma_wait3A_1986] : memref<256x64xf32, #tpu.memory_space<vmem>> -> memref<128x64xf32, #tpu.memory_space<vmem>>
    %dma_wait3A_1988 = arith.constant 0 : i32
    %dma_wait3A_1989 = tpu.memref_slice %arg12[%dma_wait3A_1984, %dma_wait3A_1988] : memref<2x128xi32, #tpu.memory_space<vmem>> -> memref<1x128xi32, #tpu.memory_space<vmem>>
    %dma_wait3A_1990 = tpu.memref_squeeze %dma_wait3A_1989 : memref<1x128xi32, #tpu.memory_space<vmem>> -> memref<128xi32, #tpu.memory_space<vmem>>
    %dma_wait3A_1991 = arith.constant 0 : i32
    %dma_wait3A_1992 = arith.constant 0 : i32
    %dma_wait3A_1993 = tpu.memref_slice %arg20[%dma_wait3A_1991, %dma_wait3A_1992] : memref<768x64xf32, #tpu.memory_space<vmem_shared>> -> memref<768x64xf32, #tpu.memory_space<vmem_shared>>
    tpu.wait_indirect_dma semaphore(%arg25 : memref<!tpu.dma_semaphore, #tpu.memory_space<semaphore_mem>>) src(%dma_wait3A_1987 : memref<128x64xf32, #tpu.memory_space<vmem>>) dst(%dma_wait3A_1993 : memref<768x64xf32, #tpu.memory_space<vmem_shared>>)
    %dma_wait3A_1994 = arith.constant 1 : i32
    %dma_wait3A_1995 = arith.constant 0 : i32
    %dma_wait3A_1996 = tpu.memref_slice %arg12[%dma_wait3A_1994, %dma_wait3A_1995] : memref<2x128xi32, #tpu.memory_space<vmem>> -> memref<1x128xi32, #tpu.memory_space<vmem>>
    %dma_wait3A_1997 = tpu.memref_squeeze %dma_wait3A_1996 : memref<1x128xi32, #tpu.memory_space<vmem>> -> memref<128xi32, #tpu.memory_space<vmem>>
    %dma_wait3A_1998 = arith.constant 0 : i32
    %dma_wait3A_1999 = arith.constant 0 : i32
    %dma_wait3A_2000 = tpu.memref_slice %arg21[%dma_wait3A_1998, %dma_wait3A_1999] : memref<768x16xf32, #tpu.memory_space<vmem_shared>> -> memref<768x16xf32, #tpu.memory_space<vmem_shared>>
    tpu.wait_indirect_dma semaphore(%arg25 : memref<!tpu.dma_semaphore, #tpu.memory_space<semaphore_mem>>) src(%arg15 : memref<128x16xf32, #tpu.memory_space<vmem>>) dst(%dma_wait3A_2000 : memref<768x16xf32, #tpu.memory_space<vmem_shared>>)
    %lt3A = arith.constant 6 : i32
    %lt3A_2001 = arith.cmpi slt, %add3A, %lt3A : i32
    %convert_element_type3A = arith.extui %lt3A_2001 : i1 to i32
    %cond3A = arith.constant 0 : i32
    %cond3A_2002 = arith.cmpi ne, %convert_element_type3A, %cond3A : i32
    scf.if %cond3A_2002 {
      %add3A_2013 = arith.constant 384 : i32
      %add3A_2014 = arith.addi %add3A_2013, %add3A : i32
      "tpu.region"() ({
        %run_scoped3A_2020 = tpu.sem_alloc : memref<!tpu.dma_semaphore, #tpu.memory_space<semaphore_mem>>
        %dma_start3A_2021 = arith.constant 0 : i32
        %dma_start3A_2022 = arith.constant 0 : i32
        %dma_start3A_2023 = tpu.memref_slice %arg3[%add3A_2014, %dma_start3A_2021, %dma_start3A_2022] : memref<391x2x128xi32, #tpu.memory_space<hbm>> -> memref<1x2x128xi32, #tpu.memory_space<hbm>>
        %dma_start3A_2024 = tpu.memref_squeeze %dma_start3A_2023 : memref<1x2x128xi32, #tpu.memory_space<hbm>> -> memref<2x128xi32, #tpu.memory_space<hbm>>
        %dma_start3A_2025 = arith.constant 0 : i32
        %dma_start3A_2026 = arith.constant 0 : i32
        %dma_start3A_2027 = tpu.memref_slice %arg3[%add3A_2014, %dma_start3A_2025, %dma_start3A_2026] : memref<391x2x128xi32, #tpu.memory_space<hbm>> -> memref<1x2x128xi32, #tpu.memory_space<hbm>>
        %dma_start3A_2028 = tpu.memref_squeeze %dma_start3A_2027 : memref<1x2x128xi32, #tpu.memory_space<hbm>> -> memref<2x128xi32, #tpu.memory_space<hbm>>
        tpu.enqueue_dma source(%dma_start3A_2028 : memref<2x128xi32, #tpu.memory_space<hbm>>) target(%arg11 : memref<2x128xi32, #tpu.memory_space<vmem>>) target_semaphore(%run_scoped3A_2020 : memref<!tpu.dma_semaphore, #tpu.memory_space<semaphore_mem>>)
        %dma_wait3A_2029 = arith.constant 0 : i32
        %dma_wait3A_2030 = arith.constant 0 : i32
        %dma_wait3A_2031 = tpu.memref_slice %arg3[%add3A_2014, %dma_wait3A_2029, %dma_wait3A_2030] : memref<391x2x128xi32, #tpu.memory_space<hbm>> -> memref<1x2x128xi32, #tpu.memory_space<hbm>>
        %dma_wait3A_2032 = tpu.memref_squeeze %dma_wait3A_2031 : memref<1x2x128xi32, #tpu.memory_space<hbm>> -> memref<2x128xi32, #tpu.memory_space<hbm>>
        %dma_wait3A_2033 = arith.constant 0 : i32
        %dma_wait3A_2034 = arith.constant 0 : i32
        %dma_wait3A_2035 = tpu.memref_slice %arg3[%add3A_2014, %dma_wait3A_2033, %dma_wait3A_2034] : memref<391x2x128xi32, #tpu.memory_space<hbm>> -> memref<1x2x128xi32, #tpu.memory_space<hbm>>
        %dma_wait3A_2036 = tpu.memref_squeeze %dma_wait3A_2035 : memref<1x2x128xi32, #tpu.memory_space<hbm>> -> memref<2x128xi32, #tpu.memory_space<hbm>>
        tpu.wait_dma2 semaphore(%run_scoped3A_2020 : memref<!tpu.dma_semaphore, #tpu.memory_space<semaphore_mem>>) src(%dma_wait3A_2036 : memref<2x128xi32, #tpu.memory_space<hbm>>) dst(%arg11 : memref<2x128xi32, #tpu.memory_space<vmem>>)
        tpu.yield
      }) : () -> ()
      %mul3A_2015 = arith.constant 256 : i32
      %mul3A_2016 = arith.muli %add3A_2014, %mul3A_2015 : i32
      "tpu.region"() ({
        %run_scoped3A_2020 = tpu.sem_alloc : memref<!tpu.dma_semaphore, #tpu.memory_space<semaphore_mem>>
        %dma_start3A_2021 = arith.constant 0 : i32
        %dma_start3A_2022 = tpu.memref_slice %arg2[%mul3A_2016, %dma_start3A_2021] : memref<100000x64xf32, #tpu.memory_space<hbm>> -> memref<256x64xf32, #tpu.memory_space<hbm>>
        %dma_start3A_2023 = arith.constant 0 : i32
        %dma_start3A_2024 = tpu.memref_slice %arg2[%mul3A_2016, %dma_start3A_2023] : memref<100000x64xf32, #tpu.memory_space<hbm>> -> memref<256x64xf32, #tpu.memory_space<hbm>>
        tpu.enqueue_dma source(%dma_start3A_2024 : memref<256x64xf32, #tpu.memory_space<hbm>>) target(%arg9 : memref<256x64xf32, #tpu.memory_space<vmem>>) target_semaphore(%run_scoped3A_2020 : memref<!tpu.dma_semaphore, #tpu.memory_space<semaphore_mem>>)
        %dma_wait3A_2025 = arith.constant 0 : i32
        %dma_wait3A_2026 = tpu.memref_slice %arg2[%mul3A_2016, %dma_wait3A_2025] : memref<100000x64xf32, #tpu.memory_space<hbm>> -> memref<256x64xf32, #tpu.memory_space<hbm>>
        %dma_wait3A_2027 = arith.constant 0 : i32
        %dma_wait3A_2028 = tpu.memref_slice %arg2[%mul3A_2016, %dma_wait3A_2027] : memref<100000x64xf32, #tpu.memory_space<hbm>> -> memref<256x64xf32, #tpu.memory_space<hbm>>
        tpu.wait_dma2 semaphore(%run_scoped3A_2020 : memref<!tpu.dma_semaphore, #tpu.memory_space<semaphore_mem>>) src(%dma_wait3A_2028 : memref<256x64xf32, #tpu.memory_space<hbm>>) dst(%arg9 : memref<256x64xf32, #tpu.memory_space<vmem>>)
        tpu.yield
      }) : () -> ()
      %run_scoped3A = arith.constant 0 : i32
      "tpu.region"() ({
        %run_scoped3A_2020 = tpu.sem_alloc : memref<!tpu.dma_semaphore, #tpu.memory_space<semaphore_mem>>
        %dma_start3A_2021 = arith.constant 0 : i32
        %dma_start3A_2022 = arith.constant 0 : i32
        %dma_start3A_2023 = tpu.memref_slice %arg9[%dma_start3A_2021, %dma_start3A_2022] : memref<256x64xf32, #tpu.memory_space<vmem>> -> memref<128x64xf32, #tpu.memory_space<vmem>>
        %dma_start3A_2024 = arith.constant 0 : i32
        %dma_start3A_2025 = tpu.memref_slice %arg11[%run_scoped3A, %dma_start3A_2024] : memref<2x128xi32, #tpu.memory_space<vmem>> -> memref<1x128xi32, #tpu.memory_space<vmem>>
        %dma_start3A_2026 = tpu.memref_squeeze %dma_start3A_2025 : memref<1x128xi32, #tpu.memory_space<vmem>> -> memref<128xi32, #tpu.memory_space<vmem>>
        %dma_start3A_2027 = arith.constant 0 : i32
        %dma_start3A_2028 = arith.constant 0 : i32
        %dma_start3A_2029 = tpu.memref_slice %arg20[%dma_start3A_2027, %dma_start3A_2028] : memref<768x64xf32, #tpu.memory_space<vmem_shared>> -> memref<768x64xf32, #tpu.memory_space<vmem_shared>>
        tpu.enqueue_indirect_dma source(%dma_start3A_2023 : memref<128x64xf32, #tpu.memory_space<vmem>>) target(%dma_start3A_2029 : memref<768x64xf32, #tpu.memory_space<vmem_shared>>) offsets(%dma_start3A_2026 : memref<128xi32, #tpu.memory_space<vmem>>) semaphore(%run_scoped3A_2020 : memref<!tpu.dma_semaphore, #tpu.memory_space<semaphore_mem>>) {add = true}
        %dma_wait3A_2030 = arith.constant 0 : i32
        %dma_wait3A_2031 = arith.constant 0 : i32
        %dma_wait3A_2032 = tpu.memref_slice %arg9[%dma_wait3A_2030, %dma_wait3A_2031] : memref<256x64xf32, #tpu.memory_space<vmem>> -> memref<128x64xf32, #tpu.memory_space<vmem>>
        %dma_wait3A_2033 = arith.constant 0 : i32
        %dma_wait3A_2034 = tpu.memref_slice %arg11[%run_scoped3A, %dma_wait3A_2033] : memref<2x128xi32, #tpu.memory_space<vmem>> -> memref<1x128xi32, #tpu.memory_space<vmem>>
        %dma_wait3A_2035 = tpu.memref_squeeze %dma_wait3A_2034 : memref<1x128xi32, #tpu.memory_space<vmem>> -> memref<128xi32, #tpu.memory_space<vmem>>
        %dma_wait3A_2036 = arith.constant 0 : i32
        %dma_wait3A_2037 = arith.constant 0 : i32
        %dma_wait3A_2038 = tpu.memref_slice %arg20[%dma_wait3A_2036, %dma_wait3A_2037] : memref<768x64xf32, #tpu.memory_space<vmem_shared>> -> memref<768x64xf32, #tpu.memory_space<vmem_shared>>
        tpu.wait_indirect_dma semaphore(%run_scoped3A_2020 : memref<!tpu.dma_semaphore, #tpu.memory_space<semaphore_mem>>) src(%dma_wait3A_2032 : memref<128x64xf32, #tpu.memory_space<vmem>>) dst(%dma_wait3A_2038 : memref<768x64xf32, #tpu.memory_space<vmem_shared>>)
        tpu.yield
      }) : () -> ()
      %run_scoped3A_2017 = arith.constant 0 : i32
      "tpu.region"() ({
        %run_scoped3A_2020 = tpu.sem_alloc : memref<!tpu.dma_semaphore, #tpu.memory_space<semaphore_mem>>
        %dma_start3A_2021 = arith.constant 0 : i32
        %dma_start3A_2022 = tpu.memref_slice %arg11[%run_scoped3A_2017, %dma_start3A_2021] : memref<2x128xi32, #tpu.memory_space<vmem>> -> memref<1x128xi32, #tpu.memory_space<vmem>>
        %dma_start3A_2023 = tpu.memref_squeeze %dma_start3A_2022 : memref<1x128xi32, #tpu.memory_space<vmem>> -> memref<128xi32, #tpu.memory_space<vmem>>
        %dma_start3A_2024 = arith.constant 0 : i32
        %dma_start3A_2025 = arith.constant 0 : i32
        %dma_start3A_2026 = tpu.memref_slice %arg21[%dma_start3A_2024, %dma_start3A_2025] : memref<768x16xf32, #tpu.memory_space<vmem_shared>> -> memref<768x16xf32, #tpu.memory_space<vmem_shared>>
        tpu.enqueue_indirect_dma source(%arg15 : memref<128x16xf32, #tpu.memory_space<vmem>>) target(%dma_start3A_2026 : memref<768x16xf32, #tpu.memory_space<vmem_shared>>) offsets(%dma_start3A_2023 : memref<128xi32, #tpu.memory_space<vmem>>) semaphore(%run_scoped3A_2020 : memref<!tpu.dma_semaphore, #tpu.memory_space<semaphore_mem>>) {add = true}
        %dma_wait3A_2027 = arith.constant 0 : i32
        %dma_wait3A_2028 = tpu.memref_slice %arg11[%run_scoped3A_2017, %dma_wait3A_2027] : memref<2x128xi32, #tpu.memory_space<vmem>> -> memref<1x128xi32, #tpu.memory_space<vmem>>
        %dma_wait3A_2029 = tpu.memref_squeeze %dma_wait3A_2028 : memref<1x128xi32, #tpu.memory_space<vmem>> -> memref<128xi32, #tpu.memory_space<vmem>>
        %dma_wait3A_2030 = arith.constant 0 : i32
        %dma_wait3A_2031 = arith.constant 0 : i32
        %dma_wait3A_2032 = tpu.memref_slice %arg21[%dma_wait3A_2030, %dma_wait3A_2031] : memref<768x16xf32, #tpu.memory_space<vmem_shared>> -> memref<768x16xf32, #tpu.memory_space<vmem_shared>>
        tpu.wait_indirect_dma semaphore(%run_scoped3A_2020 : memref<!tpu.dma_semaphore, #tpu.memory_space<semaphore_mem>>) src(%arg15 : memref<128x16xf32, #tpu.memory_space<vmem>>) dst(%dma_wait3A_2032 : memref<768x16xf32, #tpu.memory_space<vmem_shared>>)
        tpu.yield
      }) : () -> ()
      %run_scoped3A_2018 = arith.constant 1 : i32
      "tpu.region"() ({
        %run_scoped3A_2020 = tpu.sem_alloc : memref<!tpu.dma_semaphore, #tpu.memory_space<semaphore_mem>>
        %dma_start3A_2021 = arith.constant 128 : i32
        %dma_start3A_2022 = arith.constant 0 : i32
        %dma_start3A_2023 = tpu.memref_slice %arg9[%dma_start3A_2021, %dma_start3A_2022] : memref<256x64xf32, #tpu.memory_space<vmem>> -> memref<128x64xf32, #tpu.memory_space<vmem>>
        %dma_start3A_2024 = arith.constant 0 : i32
        %dma_start3A_2025 = tpu.memref_slice %arg11[%run_scoped3A_2018, %dma_start3A_2024] : memref<2x128xi32, #tpu.memory_space<vmem>> -> memref<1x128xi32, #tpu.memory_space<vmem>>
        %dma_start3A_2026 = tpu.memref_squeeze %dma_start3A_2025 : memref<1x128xi32, #tpu.memory_space<vmem>> -> memref<128xi32, #tpu.memory_space<vmem>>
        %dma_start3A_2027 = arith.constant 0 : i32
        %dma_start3A_2028 = arith.constant 0 : i32
        %dma_start3A_2029 = tpu.memref_slice %arg20[%dma_start3A_2027, %dma_start3A_2028] : memref<768x64xf32, #tpu.memory_space<vmem_shared>> -> memref<768x64xf32, #tpu.memory_space<vmem_shared>>
        tpu.enqueue_indirect_dma source(%dma_start3A_2023 : memref<128x64xf32, #tpu.memory_space<vmem>>) target(%dma_start3A_2029 : memref<768x64xf32, #tpu.memory_space<vmem_shared>>) offsets(%dma_start3A_2026 : memref<128xi32, #tpu.memory_space<vmem>>) semaphore(%run_scoped3A_2020 : memref<!tpu.dma_semaphore, #tpu.memory_space<semaphore_mem>>) {add = true}
        %dma_wait3A_2030 = arith.constant 128 : i32
        %dma_wait3A_2031 = arith.constant 0 : i32
        %dma_wait3A_2032 = tpu.memref_slice %arg9[%dma_wait3A_2030, %dma_wait3A_2031] : memref<256x64xf32, #tpu.memory_space<vmem>> -> memref<128x64xf32, #tpu.memory_space<vmem>>
        %dma_wait3A_2033 = arith.constant 0 : i32
        %dma_wait3A_2034 = tpu.memref_slice %arg11[%run_scoped3A_2018, %dma_wait3A_2033] : memref<2x128xi32, #tpu.memory_space<vmem>> -> memref<1x128xi32, #tpu.memory_space<vmem>>
        %dma_wait3A_2035 = tpu.memref_squeeze %dma_wait3A_2034 : memref<1x128xi32, #tpu.memory_space<vmem>> -> memref<128xi32, #tpu.memory_space<vmem>>
        %dma_wait3A_2036 = arith.constant 0 : i32
        %dma_wait3A_2037 = arith.constant 0 : i32
        %dma_wait3A_2038 = tpu.memref_slice %arg20[%dma_wait3A_2036, %dma_wait3A_2037] : memref<768x64xf32, #tpu.memory_space<vmem_shared>> -> memref<768x64xf32, #tpu.memory_space<vmem_shared>>
        tpu.wait_indirect_dma semaphore(%run_scoped3A_2020 : memref<!tpu.dma_semaphore, #tpu.memory_space<semaphore_mem>>) src(%dma_wait3A_2032 : memref<128x64xf32, #tpu.memory_space<vmem>>) dst(%dma_wait3A_2038 : memref<768x64xf32, #tpu.memory_space<vmem_shared>>)
        tpu.yield
      }) : () -> ()
      %run_scoped3A_2019 = arith.constant 1 : i32
      "tpu.region"() ({
        %run_scoped3A_2020 = tpu.sem_alloc : memref<!tpu.dma_semaphore, #tpu.memory_space<semaphore_mem>>
        %dma_start3A_2021 = arith.constant 0 : i32
        %dma_start3A_2022 = tpu.memref_slice %arg11[%run_scoped3A_2019, %dma_start3A_2021] : memref<2x128xi32, #tpu.memory_space<vmem>> -> memref<1x128xi32, #tpu.memory_space<vmem>>
        %dma_start3A_2023 = tpu.memref_squeeze %dma_start3A_2022 : memref<1x128xi32, #tpu.memory_space<vmem>> -> memref<128xi32, #tpu.memory_space<vmem>>
        %dma_start3A_2024 = arith.constant 0 : i32
        %dma_start3A_2025 = arith.constant 0 : i32
        %dma_start3A_2026 = tpu.memref_slice %arg21[%dma_start3A_2024, %dma_start3A_2025] : memref<768x16xf32, #tpu.memory_space<vmem_shared>> -> memref<768x16xf32, #tpu.memory_space<vmem_shared>>
        tpu.enqueue_indirect_dma source(%arg15 : memref<128x16xf32, #tpu.memory_space<vmem>>) target(%dma_start3A_2026 : memref<768x16xf32, #tpu.memory_space<vmem_shared>>) offsets(%dma_start3A_2023 : memref<128xi32, #tpu.memory_space<vmem>>) semaphore(%run_scoped3A_2020 : memref<!tpu.dma_semaphore, #tpu.memory_space<semaphore_mem>>) {add = true}
        %dma_wait3A_2027 = arith.constant 0 : i32
        %dma_wait3A_2028 = tpu.memref_slice %arg11[%run_scoped3A_2019, %dma_wait3A_2027] : memref<2x128xi32, #tpu.memory_space<vmem>> -> memref<1x128xi32, #tpu.memory_space<vmem>>
        %dma_wait3A_2029 = tpu.memref_squeeze %dma_wait3A_2028 : memref<1x128xi32, #tpu.memory_space<vmem>> -> memref<128xi32, #tpu.memory_space<vmem>>
        %dma_wait3A_2030 = arith.constant 0 : i32
        %dma_wait3A_2031 = arith.constant 0 : i32
        %dma_wait3A_2032 = tpu.memref_slice %arg21[%dma_wait3A_2030, %dma_wait3A_2031] : memref<768x16xf32, #tpu.memory_space<vmem_shared>> -> memref<768x16xf32, #tpu.memory_space<vmem_shared>>
        tpu.wait_indirect_dma semaphore(%run_scoped3A_2020 : memref<!tpu.dma_semaphore, #tpu.memory_space<semaphore_mem>>) src(%arg15 : memref<128x16xf32, #tpu.memory_space<vmem>>) dst(%dma_wait3A_2032 : memref<768x16xf32, #tpu.memory_space<vmem_shared>>)
        tpu.yield
      }) : () -> ()
    } else {
    }
    %eq3A = arith.constant 6 : i32
    %eq3A_2003 = arith.cmpi eq, %add3A, %eq3A : i32
    %convert_element_type3A_2004 = arith.extui %eq3A_2003 : i1 to i32
    %cond3A_2005 = arith.constant 0 : i32
    %cond3A_2006 = arith.cmpi ne, %convert_element_type3A_2004, %cond3A_2005 : i32
    scf.if %cond3A_2006 {
      %run_scoped3A = arith.constant 390 : i32
      "tpu.region"() ({
        %run_scoped3A_2018 = tpu.sem_alloc : memref<!tpu.dma_semaphore, #tpu.memory_space<semaphore_mem>>
        %dma_start3A_2019 = arith.constant 0 : i32
        %dma_start3A_2020 = arith.constant 0 : i32
        %dma_start3A_2021 = tpu.memref_slice %arg3[%run_scoped3A, %dma_start3A_2019, %dma_start3A_2020] : memref<391x2x128xi32, #tpu.memory_space<hbm>> -> memref<1x2x128xi32, #tpu.memory_space<hbm>>
        %dma_start3A_2022 = tpu.memref_squeeze %dma_start3A_2021 : memref<1x2x128xi32, #tpu.memory_space<hbm>> -> memref<2x128xi32, #tpu.memory_space<hbm>>
        %dma_start3A_2023 = arith.constant 0 : i32
        %dma_start3A_2024 = arith.constant 0 : i32
        %dma_start3A_2025 = tpu.memref_slice %arg3[%run_scoped3A, %dma_start3A_2023, %dma_start3A_2024] : memref<391x2x128xi32, #tpu.memory_space<hbm>> -> memref<1x2x128xi32, #tpu.memory_space<hbm>>
        %dma_start3A_2026 = tpu.memref_squeeze %dma_start3A_2025 : memref<1x2x128xi32, #tpu.memory_space<hbm>> -> memref<2x128xi32, #tpu.memory_space<hbm>>
        tpu.enqueue_dma source(%dma_start3A_2026 : memref<2x128xi32, #tpu.memory_space<hbm>>) target(%arg11 : memref<2x128xi32, #tpu.memory_space<vmem>>) target_semaphore(%run_scoped3A_2018 : memref<!tpu.dma_semaphore, #tpu.memory_space<semaphore_mem>>)
        %dma_wait3A_2027 = arith.constant 0 : i32
        %dma_wait3A_2028 = arith.constant 0 : i32
        %dma_wait3A_2029 = tpu.memref_slice %arg3[%run_scoped3A, %dma_wait3A_2027, %dma_wait3A_2028] : memref<391x2x128xi32, #tpu.memory_space<hbm>> -> memref<1x2x128xi32, #tpu.memory_space<hbm>>
        %dma_wait3A_2030 = tpu.memref_squeeze %dma_wait3A_2029 : memref<1x2x128xi32, #tpu.memory_space<hbm>> -> memref<2x128xi32, #tpu.memory_space<hbm>>
        %dma_wait3A_2031 = arith.constant 0 : i32
        %dma_wait3A_2032 = arith.constant 0 : i32
        %dma_wait3A_2033 = tpu.memref_slice %arg3[%run_scoped3A, %dma_wait3A_2031, %dma_wait3A_2032] : memref<391x2x128xi32, #tpu.memory_space<hbm>> -> memref<1x2x128xi32, #tpu.memory_space<hbm>>
        %dma_wait3A_2034 = tpu.memref_squeeze %dma_wait3A_2033 : memref<1x2x128xi32, #tpu.memory_space<hbm>> -> memref<2x128xi32, #tpu.memory_space<hbm>>
        tpu.wait_dma2 semaphore(%run_scoped3A_2018 : memref<!tpu.dma_semaphore, #tpu.memory_space<semaphore_mem>>) src(%dma_wait3A_2034 : memref<2x128xi32, #tpu.memory_space<hbm>>) dst(%arg11 : memref<2x128xi32, #tpu.memory_space<vmem>>)
        tpu.yield
      }) : () -> ()
      "tpu.region"() ({
        %run_scoped3A_2018 = tpu.sem_alloc : memref<!tpu.dma_semaphore, #tpu.memory_space<semaphore_mem>>
        %dma_start3A_2019 = arith.constant 0 : i32
        %dma_start3A_2020 = arith.constant 0 : i32
        %dma_start3A_2021 = tpu.memref_slice %arg9[%dma_start3A_2019, %dma_start3A_2020] : memref<256x64xf32, #tpu.memory_space<vmem>> -> memref<128x64xf32, #tpu.memory_space<vmem>>
        %dma_start3A_2022 = arith.constant 99840 : i32
        %dma_start3A_2023 = arith.constant 0 : i32
        %dma_start3A_2024 = tpu.memref_slice %arg2[%dma_start3A_2022, %dma_start3A_2023] : memref<100000x64xf32, #tpu.memory_space<hbm>> -> memref<128x64xf32, #tpu.memory_space<hbm>>
        %dma_start3A_2025 = arith.constant 0 : i32
        %dma_start3A_2026 = arith.constant 0 : i32
        %dma_start3A_2027 = tpu.memref_slice %arg9[%dma_start3A_2025, %dma_start3A_2026] : memref<256x64xf32, #tpu.memory_space<vmem>> -> memref<128x64xf32, #tpu.memory_space<vmem>>
        %dma_start3A_2028 = arith.constant 99840 : i32
        %dma_start3A_2029 = arith.constant 0 : i32
        %dma_start3A_2030 = tpu.memref_slice %arg2[%dma_start3A_2028, %dma_start3A_2029] : memref<100000x64xf32, #tpu.memory_space<hbm>> -> memref<128x64xf32, #tpu.memory_space<hbm>>
        tpu.enqueue_dma source(%dma_start3A_2030 : memref<128x64xf32, #tpu.memory_space<hbm>>) target(%dma_start3A_2027 : memref<128x64xf32, #tpu.memory_space<vmem>>) target_semaphore(%run_scoped3A_2018 : memref<!tpu.dma_semaphore, #tpu.memory_space<semaphore_mem>>)
        %dma_wait3A_2031 = arith.constant 0 : i32
        %dma_wait3A_2032 = arith.constant 0 : i32
        %dma_wait3A_2033 = tpu.memref_slice %arg9[%dma_wait3A_2031, %dma_wait3A_2032] : memref<256x64xf32, #tpu.memory_space<vmem>> -> memref<128x64xf32, #tpu.memory_space<vmem>>
        %dma_wait3A_2034 = arith.constant 99840 : i32
        %dma_wait3A_2035 = arith.constant 0 : i32
        %dma_wait3A_2036 = tpu.memref_slice %arg2[%dma_wait3A_2034, %dma_wait3A_2035] : memref<100000x64xf32, #tpu.memory_space<hbm>> -> memref<128x64xf32, #tpu.memory_space<hbm>>
        %dma_wait3A_2037 = arith.constant 0 : i32
        %dma_wait3A_2038 = arith.constant 0 : i32
        %dma_wait3A_2039 = tpu.memref_slice %arg9[%dma_wait3A_2037, %dma_wait3A_2038] : memref<256x64xf32, #tpu.memory_space<vmem>> -> memref<128x64xf32, #tpu.memory_space<vmem>>
        %dma_wait3A_2040 = arith.constant 99840 : i32
        %dma_wait3A_2041 = arith.constant 0 : i32
        %dma_wait3A_2042 = tpu.memref_slice %arg2[%dma_wait3A_2040, %dma_wait3A_2041] : memref<100000x64xf32, #tpu.memory_space<hbm>> -> memref<128x64xf32, #tpu.memory_space<hbm>>
        tpu.wait_dma2 semaphore(%run_scoped3A_2018 : memref<!tpu.dma_semaphore, #tpu.memory_space<semaphore_mem>>) src(%dma_wait3A_2042 : memref<128x64xf32, #tpu.memory_space<hbm>>) dst(%dma_wait3A_2039 : memref<128x64xf32, #tpu.memory_space<vmem>>)
        tpu.yield
      }) : () -> ()
      %run_scoped3A_2013 = arith.constant 0 : i32
      "tpu.region"() ({
        %run_scoped3A_2018 = tpu.sem_alloc : memref<!tpu.dma_semaphore, #tpu.memory_space<semaphore_mem>>
        %dma_start3A_2019 = arith.constant 0 : i32
        %dma_start3A_2020 = arith.constant 0 : i32
        %dma_start3A_2021 = tpu.memref_slice %arg9[%dma_start3A_2019, %dma_start3A_2020] : memref<256x64xf32, #tpu.memory_space<vmem>> -> memref<128x64xf32, #tpu.memory_space<vmem>>
        %dma_start3A_2022 = arith.constant 0 : i32
        %dma_start3A_2023 = tpu.memref_slice %arg11[%run_scoped3A_2013, %dma_start3A_2022] : memref<2x128xi32, #tpu.memory_space<vmem>> -> memref<1x128xi32, #tpu.memory_space<vmem>>
        %dma_start3A_2024 = tpu.memref_squeeze %dma_start3A_2023 : memref<1x128xi32, #tpu.memory_space<vmem>> -> memref<128xi32, #tpu.memory_space<vmem>>
        %dma_start3A_2025 = arith.constant 0 : i32
        %dma_start3A_2026 = arith.constant 0 : i32
        %dma_start3A_2027 = tpu.memref_slice %arg20[%dma_start3A_2025, %dma_start3A_2026] : memref<768x64xf32, #tpu.memory_space<vmem_shared>> -> memref<768x64xf32, #tpu.memory_space<vmem_shared>>
        tpu.enqueue_indirect_dma source(%dma_start3A_2021 : memref<128x64xf32, #tpu.memory_space<vmem>>) target(%dma_start3A_2027 : memref<768x64xf32, #tpu.memory_space<vmem_shared>>) offsets(%dma_start3A_2024 : memref<128xi32, #tpu.memory_space<vmem>>) semaphore(%run_scoped3A_2018 : memref<!tpu.dma_semaphore, #tpu.memory_space<semaphore_mem>>) {add = true}
        %dma_wait3A_2028 = arith.constant 0 : i32
        %dma_wait3A_2029 = arith.constant 0 : i32
        %dma_wait3A_2030 = tpu.memref_slice %arg9[%dma_wait3A_2028, %dma_wait3A_2029] : memref<256x64xf32, #tpu.memory_space<vmem>> -> memref<128x64xf32, #tpu.memory_space<vmem>>
        %dma_wait3A_2031 = arith.constant 0 : i32
        %dma_wait3A_2032 = tpu.memref_slice %arg11[%run_scoped3A_2013, %dma_wait3A_2031] : memref<2x128xi32, #tpu.memory_space<vmem>> -> memref<1x128xi32, #tpu.memory_space<vmem>>
        %dma_wait3A_2033 = tpu.memref_squeeze %dma_wait3A_2032 : memref<1x128xi32, #tpu.memory_space<vmem>> -> memref<128xi32, #tpu.memory_space<vmem>>
        %dma_wait3A_2034 = arith.constant 0 : i32
        %dma_wait3A_2035 = arith.constant 0 : i32
        %dma_wait3A_2036 = tpu.memref_slice %arg20[%dma_wait3A_2034, %dma_wait3A_2035] : memref<768x64xf32, #tpu.memory_space<vmem_shared>> -> memref<768x64xf32, #tpu.memory_space<vmem_shared>>
        tpu.wait_indirect_dma semaphore(%run_scoped3A_2018 : memref<!tpu.dma_semaphore, #tpu.memory_space<semaphore_mem>>) src(%dma_wait3A_2030 : memref<128x64xf32, #tpu.memory_space<vmem>>) dst(%dma_wait3A_2036 : memref<768x64xf32, #tpu.memory_space<vmem_shared>>)
        tpu.yield
      }) : () -> ()
      %run_scoped3A_2014 = arith.constant 0 : i32
      "tpu.region"() ({
        %run_scoped3A_2018 = tpu.sem_alloc : memref<!tpu.dma_semaphore, #tpu.memory_space<semaphore_mem>>
        %dma_start3A_2019 = arith.constant 0 : i32
        %dma_start3A_2020 = tpu.memref_slice %arg11[%run_scoped3A_2014, %dma_start3A_2019] : memref<2x128xi32, #tpu.memory_space<vmem>> -> memref<1x128xi32, #tpu.memory_space<vmem>>
        %dma_start3A_2021 = tpu.memref_squeeze %dma_start3A_2020 : memref<1x128xi32, #tpu.memory_space<vmem>> -> memref<128xi32, #tpu.memory_space<vmem>>
        %dma_start3A_2022 = arith.constant 0 : i32
        %dma_start3A_2023 = arith.constant 0 : i32
        %dma_start3A_2024 = tpu.memref_slice %arg21[%dma_start3A_2022, %dma_start3A_2023] : memref<768x16xf32, #tpu.memory_space<vmem_shared>> -> memref<768x16xf32, #tpu.memory_space<vmem_shared>>
        tpu.enqueue_indirect_dma source(%arg15 : memref<128x16xf32, #tpu.memory_space<vmem>>) target(%dma_start3A_2024 : memref<768x16xf32, #tpu.memory_space<vmem_shared>>) offsets(%dma_start3A_2021 : memref<128xi32, #tpu.memory_space<vmem>>) semaphore(%run_scoped3A_2018 : memref<!tpu.dma_semaphore, #tpu.memory_space<semaphore_mem>>) {add = true}
        %dma_wait3A_2025 = arith.constant 0 : i32
        %dma_wait3A_2026 = tpu.memref_slice %arg11[%run_scoped3A_2014, %dma_wait3A_2025] : memref<2x128xi32, #tpu.memory_space<vmem>> -> memref<1x128xi32, #tpu.memory_space<vmem>>
        %dma_wait3A_2027 = tpu.memref_squeeze %dma_wait3A_2026 : memref<1x128xi32, #tpu.memory_space<vmem>> -> memref<128xi32, #tpu.memory_space<vmem>>
        %dma_wait3A_2028 = arith.constant 0 : i32
        %dma_wait3A_2029 = arith.constant 0 : i32
        %dma_wait3A_2030 = tpu.memref_slice %arg21[%dma_wait3A_2028, %dma_wait3A_2029] : memref<768x16xf32, #tpu.memory_space<vmem_shared>> -> memref<768x16xf32, #tpu.memory_space<vmem_shared>>
        tpu.wait_indirect_dma semaphore(%run_scoped3A_2018 : memref<!tpu.dma_semaphore, #tpu.memory_space<semaphore_mem>>) src(%arg15 : memref<128x16xf32, #tpu.memory_space<vmem>>) dst(%dma_wait3A_2030 : memref<768x16xf32, #tpu.memory_space<vmem_shared>>)
        tpu.yield
      }) : () -> ()
      %run_scoped3A_2015 = arith.constant 0 : i32
      "tpu.region"() ({
        %run_scoped3A_2018 = tpu.sem_alloc : memref<!tpu.dma_semaphore, #tpu.memory_space<semaphore_mem>>
        %dma_start3A_2019 = arith.constant 0 : i32
        %dma_start3A_2020 = tpu.memref_slice %arg14[%run_scoped3A_2015, %dma_start3A_2019] : memref<1x32xi32, #tpu.memory_space<vmem>> -> memref<1x32xi32, #tpu.memory_space<vmem>>
        %dma_start3A_2021 = tpu.memref_squeeze %dma_start3A_2020 : memref<1x32xi32, #tpu.memory_space<vmem>> -> memref<32xi32, #tpu.memory_space<vmem>>
        %dma_start3A_2022 = arith.constant 99968 : i32
        %dma_start3A_2023 = tpu.memref_slice %arg4[%dma_start3A_2022] : memref<100000xi32, #tpu.memory_space<hbm>> -> memref<32xi32, #tpu.memory_space<hbm>>
        %dma_start3A_2024 = arith.constant 0 : i32
        %dma_start3A_2025 = tpu.memref_slice %arg14[%run_scoped3A_2015, %dma_start3A_2024] : memref<1x32xi32, #tpu.memory_space<vmem>> -> memref<1x32xi32, #tpu.memory_space<vmem>>
        %dma_start3A_2026 = tpu.memref_squeeze %dma_start3A_2025 : memref<1x32xi32, #tpu.memory_space<vmem>> -> memref<32xi32, #tpu.memory_space<vmem>>
        %dma_start3A_2027 = arith.constant 99968 : i32
        %dma_start3A_2028 = tpu.memref_slice %arg4[%dma_start3A_2027] : memref<100000xi32, #tpu.memory_space<hbm>> -> memref<32xi32, #tpu.memory_space<hbm>>
        tpu.enqueue_dma source(%dma_start3A_2028 : memref<32xi32, #tpu.memory_space<hbm>>) target(%dma_start3A_2026 : memref<32xi32, #tpu.memory_space<vmem>>) target_semaphore(%run_scoped3A_2018 : memref<!tpu.dma_semaphore, #tpu.memory_space<semaphore_mem>>)
        %dma_wait3A_2029 = arith.constant 0 : i32
        %dma_wait3A_2030 = tpu.memref_slice %arg14[%run_scoped3A_2015, %dma_wait3A_2029] : memref<1x32xi32, #tpu.memory_space<vmem>> -> memref<1x32xi32, #tpu.memory_space<vmem>>
        %dma_wait3A_2031 = tpu.memref_squeeze %dma_wait3A_2030 : memref<1x32xi32, #tpu.memory_space<vmem>> -> memref<32xi32, #tpu.memory_space<vmem>>
        %dma_wait3A_2032 = arith.constant 99968 : i32
        %dma_wait3A_2033 = tpu.memref_slice %arg4[%dma_wait3A_2032] : memref<100000xi32, #tpu.memory_space<hbm>> -> memref<32xi32, #tpu.memory_space<hbm>>
        %dma_wait3A_2034 = arith.constant 0 : i32
        %dma_wait3A_2035 = tpu.memref_slice %arg14[%run_scoped3A_2015, %dma_wait3A_2034] : memref<1x32xi32, #tpu.memory_space<vmem>> -> memref<1x32xi32, #tpu.memory_space<vmem>>
        %dma_wait3A_2036 = tpu.memref_squeeze %dma_wait3A_2035 : memref<1x32xi32, #tpu.memory_space<vmem>> -> memref<32xi32, #tpu.memory_space<vmem>>
        %dma_wait3A_2037 = arith.constant 99968 : i32
        %dma_wait3A_2038 = tpu.memref_slice %arg4[%dma_wait3A_2037] : memref<100000xi32, #tpu.memory_space<hbm>> -> memref<32xi32, #tpu.memory_space<hbm>>
        tpu.wait_dma2 semaphore(%run_scoped3A_2018 : memref<!tpu.dma_semaphore, #tpu.memory_space<semaphore_mem>>) src(%dma_wait3A_2038 : memref<32xi32, #tpu.memory_space<hbm>>) dst(%dma_wait3A_2036 : memref<32xi32, #tpu.memory_space<vmem>>)
        tpu.yield
      }) : () -> ()
      "tpu.region"() ({
        %run_scoped3A_2018 = tpu.sem_alloc : memref<!tpu.dma_semaphore, #tpu.memory_space<semaphore_mem>>
        %dma_start3A_2019 = arith.constant 99968 : i32
        %dma_start3A_2020 = arith.constant 0 : i32
        %dma_start3A_2021 = tpu.memref_slice %arg2[%dma_start3A_2019, %dma_start3A_2020] : memref<100000x64xf32, #tpu.memory_space<hbm>> -> memref<32x64xf32, #tpu.memory_space<hbm>>
        %dma_start3A_2022 = arith.constant 99968 : i32
        %dma_start3A_2023 = arith.constant 0 : i32
        %dma_start3A_2024 = tpu.memref_slice %arg2[%dma_start3A_2022, %dma_start3A_2023] : memref<100000x64xf32, #tpu.memory_space<hbm>> -> memref<32x64xf32, #tpu.memory_space<hbm>>
        tpu.enqueue_dma source(%dma_start3A_2024 : memref<32x64xf32, #tpu.memory_space<hbm>>) target(%arg13 : memref<32x64xf32, #tpu.memory_space<vmem>>) target_semaphore(%run_scoped3A_2018 : memref<!tpu.dma_semaphore, #tpu.memory_space<semaphore_mem>>)
        %dma_wait3A_2025 = arith.constant 99968 : i32
        %dma_wait3A_2026 = arith.constant 0 : i32
        %dma_wait3A_2027 = tpu.memref_slice %arg2[%dma_wait3A_2025, %dma_wait3A_2026] : memref<100000x64xf32, #tpu.memory_space<hbm>> -> memref<32x64xf32, #tpu.memory_space<hbm>>
        %dma_wait3A_2028 = arith.constant 99968 : i32
        %dma_wait3A_2029 = arith.constant 0 : i32
        %dma_wait3A_2030 = tpu.memref_slice %arg2[%dma_wait3A_2028, %dma_wait3A_2029] : memref<100000x64xf32, #tpu.memory_space<hbm>> -> memref<32x64xf32, #tpu.memory_space<hbm>>
        tpu.wait_dma2 semaphore(%run_scoped3A_2018 : memref<!tpu.dma_semaphore, #tpu.memory_space<semaphore_mem>>) src(%dma_wait3A_2030 : memref<32x64xf32, #tpu.memory_space<hbm>>) dst(%arg13 : memref<32x64xf32, #tpu.memory_space<vmem>>)
        tpu.yield
      }) : () -> ()
      %run_scoped3A_2016 = arith.constant 0 : i32
      "tpu.region"() ({
        %run_scoped3A_2018 = tpu.sem_alloc : memref<!tpu.dma_semaphore, #tpu.memory_space<semaphore_mem>>
        %dma_start3A_2019 = arith.constant 0 : i32
        %dma_start3A_2020 = tpu.memref_slice %arg14[%run_scoped3A_2016, %dma_start3A_2019] : memref<1x32xi32, #tpu.memory_space<vmem>> -> memref<1x32xi32, #tpu.memory_space<vmem>>
        %dma_start3A_2021 = tpu.memref_squeeze %dma_start3A_2020 : memref<1x32xi32, #tpu.memory_space<vmem>> -> memref<32xi32, #tpu.memory_space<vmem>>
        %dma_start3A_2022 = arith.constant 0 : i32
        %dma_start3A_2023 = arith.constant 0 : i32
        %dma_start3A_2024 = tpu.memref_slice %arg20[%dma_start3A_2022, %dma_start3A_2023] : memref<768x64xf32, #tpu.memory_space<vmem_shared>> -> memref<768x64xf32, #tpu.memory_space<vmem_shared>>
        tpu.enqueue_indirect_dma source(%arg13 : memref<32x64xf32, #tpu.memory_space<vmem>>) target(%dma_start3A_2024 : memref<768x64xf32, #tpu.memory_space<vmem_shared>>) offsets(%dma_start3A_2021 : memref<32xi32, #tpu.memory_space<vmem>>) semaphore(%run_scoped3A_2018 : memref<!tpu.dma_semaphore, #tpu.memory_space<semaphore_mem>>) {add = true}
        %dma_wait3A_2025 = arith.constant 0 : i32
        %dma_wait3A_2026 = tpu.memref_slice %arg14[%run_scoped3A_2016, %dma_wait3A_2025] : memref<1x32xi32, #tpu.memory_space<vmem>> -> memref<1x32xi32, #tpu.memory_space<vmem>>
        %dma_wait3A_2027 = tpu.memref_squeeze %dma_wait3A_2026 : memref<1x32xi32, #tpu.memory_space<vmem>> -> memref<32xi32, #tpu.memory_space<vmem>>
        %dma_wait3A_2028 = arith.constant 0 : i32
        %dma_wait3A_2029 = arith.constant 0 : i32
        %dma_wait3A_2030 = tpu.memref_slice %arg20[%dma_wait3A_2028, %dma_wait3A_2029] : memref<768x64xf32, #tpu.memory_space<vmem_shared>> -> memref<768x64xf32, #tpu.memory_space<vmem_shared>>
        tpu.wait_indirect_dma semaphore(%run_scoped3A_2018 : memref<!tpu.dma_semaphore, #tpu.memory_space<semaphore_mem>>) src(%arg13 : memref<32x64xf32, #tpu.memory_space<vmem>>) dst(%dma_wait3A_2030 : memref<768x64xf32, #tpu.memory_space<vmem_shared>>)
        tpu.yield
      }) : () -> ()
      %run_scoped3A_2017 = arith.constant 0 : i32
      "tpu.region"() ({
        %run_scoped3A_2018 = tpu.sem_alloc : memref<!tpu.dma_semaphore, #tpu.memory_space<semaphore_mem>>
        %dma_start3A_2019 = arith.constant 0 : i32
        %dma_start3A_2020 = arith.constant 0 : i32
        %dma_start3A_2021 = tpu.memref_slice %arg15[%dma_start3A_2019, %dma_start3A_2020] : memref<128x16xf32, #tpu.memory_space<vmem>> -> memref<32x16xf32, #tpu.memory_space<vmem>>
        %dma_start3A_2022 = arith.constant 0 : i32
        %dma_start3A_2023 = tpu.memref_slice %arg14[%run_scoped3A_2017, %dma_start3A_2022] : memref<1x32xi32, #tpu.memory_space<vmem>> -> memref<1x32xi32, #tpu.memory_space<vmem>>
        %dma_start3A_2024 = tpu.memref_squeeze %dma_start3A_2023 : memref<1x32xi32, #tpu.memory_space<vmem>> -> memref<32xi32, #tpu.memory_space<vmem>>
        %dma_start3A_2025 = arith.constant 0 : i32
        %dma_start3A_2026 = arith.constant 0 : i32
        %dma_start3A_2027 = tpu.memref_slice %arg21[%dma_start3A_2025, %dma_start3A_2026] : memref<768x16xf32, #tpu.memory_space<vmem_shared>> -> memref<768x16xf32, #tpu.memory_space<vmem_shared>>
        tpu.enqueue_indirect_dma source(%dma_start3A_2021 : memref<32x16xf32, #tpu.memory_space<vmem>>) target(%dma_start3A_2027 : memref<768x16xf32, #tpu.memory_space<vmem_shared>>) offsets(%dma_start3A_2024 : memref<32xi32, #tpu.memory_space<vmem>>) semaphore(%run_scoped3A_2018 : memref<!tpu.dma_semaphore, #tpu.memory_space<semaphore_mem>>) {add = true}
        %dma_wait3A_2028 = arith.constant 0 : i32
        %dma_wait3A_2029 = arith.constant 0 : i32
        %dma_wait3A_2030 = tpu.memref_slice %arg15[%dma_wait3A_2028, %dma_wait3A_2029] : memref<128x16xf32, #tpu.memory_space<vmem>> -> memref<32x16xf32, #tpu.memory_space<vmem>>
        %dma_wait3A_2031 = arith.constant 0 : i32
        %dma_wait3A_2032 = tpu.memref_slice %arg14[%run_scoped3A_2017, %dma_wait3A_2031] : memref<1x32xi32, #tpu.memory_space<vmem>> -> memref<1x32xi32, #tpu.memory_space<vmem>>
        %dma_wait3A_2033 = tpu.memref_squeeze %dma_wait3A_2032 : memref<1x32xi32, #tpu.memory_space<vmem>> -> memref<32xi32, #tpu.memory_space<vmem>>
        %dma_wait3A_2034 = arith.constant 0 : i32
        %dma_wait3A_2035 = arith.constant 0 : i32
        %dma_wait3A_2036 = tpu.memref_slice %arg21[%dma_wait3A_2034, %dma_wait3A_2035] : memref<768x16xf32, #tpu.memory_space<vmem_shared>> -> memref<768x16xf32, #tpu.memory_space<vmem_shared>>
        tpu.wait_indirect_dma semaphore(%run_scoped3A_2018 : memref<!tpu.dma_semaphore, #tpu.memory_space<semaphore_mem>>) src(%dma_wait3A_2030 : memref<32x16xf32, #tpu.memory_space<vmem>>) dst(%dma_wait3A_2036 : memref<768x16xf32, #tpu.memory_space<vmem_shared>>)
        tpu.yield
      }) : () -> ()
    } else {
    }
    %barrier3A_2007 = arith.constant 0 : index
    tpu.barrier barrier_id(%barrier3A_2007)
    %eq3A_2008 = arith.constant 0 : i32
    %eq3A_2009 = arith.cmpi eq, %arg1, %eq3A_2008 : i32
    %convert_element_type3A_2010 = arith.extui %eq3A_2009 : i1 to i32
    %cond3A_2011 = arith.constant 0 : i32
    %cond3A_2012 = arith.cmpi ne, %convert_element_type3A_2010, %cond3A_2011 : i32
    scf.if %cond3A_2012 {
      "tpu.region"() ({
        %run_scoped3A = tpu.sem_alloc : memref<!tpu.dma_semaphore, #tpu.memory_space<semaphore_mem>>
        %dma_start3A_2013 = arith.constant 0 : i32
        %dma_start3A_2014 = arith.constant 0 : i32
        %dma_start3A_2015 = tpu.memref_slice %arg6[%arg0, %dma_start3A_2013, %dma_start3A_2014] : memref<2x768x64xf32, #tpu.memory_space<hbm>> -> memref<1x768x64xf32, #tpu.memory_space<hbm>>
        %dma_start3A_2016 = tpu.memref_squeeze %dma_start3A_2015 : memref<1x768x64xf32, #tpu.memory_space<hbm>> -> memref<768x64xf32, #tpu.memory_space<hbm>>
        tpu.enqueue_dma source(%arg20 : memref<768x64xf32, #tpu.memory_space<vmem_shared>>) target(%dma_start3A_2016 : memref<768x64xf32, #tpu.memory_space<hbm>>) target_semaphore(%run_scoped3A : memref<!tpu.dma_semaphore, #tpu.memory_space<semaphore_mem>>)
        %dma_wait3A_2017 = arith.constant 0 : i32
        %dma_wait3A_2018 = arith.constant 0 : i32
        %dma_wait3A_2019 = tpu.memref_slice %arg6[%arg0, %dma_wait3A_2017, %dma_wait3A_2018] : memref<2x768x64xf32, #tpu.memory_space<hbm>> -> memref<1x768x64xf32, #tpu.memory_space<hbm>>
        %dma_wait3A_2020 = tpu.memref_squeeze %dma_wait3A_2019 : memref<1x768x64xf32, #tpu.memory_space<hbm>> -> memref<768x64xf32, #tpu.memory_space<hbm>>
        tpu.wait_dma2 semaphore(%run_scoped3A : memref<!tpu.dma_semaphore, #tpu.memory_space<semaphore_mem>>) src(%arg20 : memref<768x64xf32, #tpu.memory_space<vmem_shared>>) dst(%dma_wait3A_2020 : memref<768x64xf32, #tpu.memory_space<hbm>>)
        tpu.yield
      }) : () -> ()
      "tpu.region"() ({
        %run_scoped3A = tpu.sem_alloc : memref<!tpu.dma_semaphore, #tpu.memory_space<semaphore_mem>>
        %dma_start3A_2013 = arith.constant 0 : i32
        %dma_start3A_2014 = arith.constant 0 : i32
        %dma_start3A_2015 = tpu.memref_slice %arg7[%arg0, %dma_start3A_2013, %dma_start3A_2014] : memref<2x768x16xf32, #tpu.memory_space<hbm>> -> memref<1x768x16xf32, #tpu.memory_space<hbm>>
        %dma_start3A_2016 = tpu.memref_squeeze %dma_start3A_2015 : memref<1x768x16xf32, #tpu.memory_space<hbm>> -> memref<768x16xf32, #tpu.memory_space<hbm>>
        tpu.enqueue_dma source(%arg21 : memref<768x16xf32, #tpu.memory_space<vmem_shared>>) target(%dma_start3A_2016 : memref<768x16xf32, #tpu.memory_space<hbm>>) target_semaphore(%run_scoped3A : memref<!tpu.dma_semaphore, #tpu.memory_space<semaphore_mem>>)
        %dma_wait3A_2017 = arith.constant 0 : i32
        %dma_wait3A_2018 = arith.constant 0 : i32
        %dma_wait3A_2019 = tpu.memref_slice %arg7[%arg0, %dma_wait3A_2017, %dma_wait3A_2018] : memref<2x768x16xf32, #tpu.memory_space<hbm>> -> memref<1x768x16xf32, #tpu.memory_space<hbm>>
        %dma_wait3A_2020 = tpu.memref_squeeze %dma_wait3A_2019 : memref<1x768x16xf32, #tpu.memory_space<hbm>> -> memref<768x16xf32, #tpu.memory_space<hbm>>
        tpu.wait_dma2 semaphore(%run_scoped3A : memref<!tpu.dma_semaphore, #tpu.memory_space<semaphore_mem>>) src(%arg21 : memref<768x16xf32, #tpu.memory_space<vmem_shared>>) dst(%dma_wait3A_2020 : memref<768x16xf32, #tpu.memory_space<hbm>>)
        tpu.yield
      }) : () -> ()
    } else {
    }
    return
  }
}

module attributes {stable_mosaic.version = 14 : i64} {
  func.func @body(%arg0: memref<1024x64xf32, #tpu.memory_space<vmem>>, %arg1: memref<2x768x64xf32, #tpu.memory_space<vmem>>, %arg2: memref<2x768x16xf32, #tpu.memory_space<vmem>>, %arg3: memref<1024xi32, #tpu.memory_space<vmem>>, %arg4: memref<1x1xf32, #tpu.memory_space<vmem>>) attributes {dimension_semantics = [], scalar_prefetch = 0 : i64, scratch_operands = 0 : i64, tpu.core_type = #tpu.core_type<tc>} {
    %get3A = arith.constant 0 : index
    %get3A_0 = arith.constant 0 : index
    %get3A_1 = vector.load %arg0[%get3A, %get3A_0] : memref<1024x64xf32, #tpu.memory_space<vmem>>, vector<1024x64xf32>
    %get3A_2 = arith.constant 0 : index
    %get3A_3 = arith.constant 0 : index
    %get3A_4 = arith.constant 0 : index
    %get3A_5 = vector.load %arg1[%get3A_2, %get3A_3, %get3A_4] : memref<2x768x64xf32, #tpu.memory_space<vmem>>, vector<1x768x64xf32>
    %get3A_6 = vector.shape_cast %get3A_5 : vector<1x768x64xf32> to vector<768x64xf32>
    %get3A_7 = arith.constant 1 : index
    %get3A_8 = arith.constant 0 : index
    %get3A_9 = arith.constant 0 : index
    %get3A_10 = vector.load %arg1[%get3A_7, %get3A_8, %get3A_9] : memref<2x768x64xf32, #tpu.memory_space<vmem>>, vector<1x768x64xf32>
    %get3A_11 = vector.shape_cast %get3A_10 : vector<1x768x64xf32> to vector<768x64xf32>
    %add3A = arith.addf %get3A_6, %get3A_11 : vector<768x64xf32>
    %get3A_12 = arith.constant 0 : index
    %get3A_13 = arith.constant 0 : index
    %get3A_14 = arith.constant 0 : index
    %get3A_15 = vector.load %arg2[%get3A_12, %get3A_13, %get3A_14] : memref<2x768x16xf32, #tpu.memory_space<vmem>>, vector<1x768x1xf32>
    %get3A_16 = vector.shape_cast %get3A_15 : vector<1x768x1xf32> to vector<768x1xf32>
    %get3A_17 = arith.constant 1 : index
    %get3A_18 = arith.constant 0 : index
    %get3A_19 = arith.constant 0 : index
    %get3A_20 = vector.load %arg2[%get3A_17, %get3A_18, %get3A_19] : memref<2x768x16xf32, #tpu.memory_space<vmem>>, vector<1x768x1xf32>
    %get3A_21 = vector.shape_cast %get3A_20 : vector<1x768x1xf32> to vector<768x1xf32>
    %add3A_22 = arith.addf %get3A_16, %get3A_21 : vector<768x1xf32>
    %dot_general3A = arith.constant dense<0.000000e+00> : vector<768x1024xf32>
    %dot_general3A_23 = tpu.matmul %add3A, %get3A_1, %dot_general3A {dimension_numbers = #tpu.dot_dimension_numbers<[1], [1], [0], [0], [0, 0, 1, 0], [], []>, transpose_lhs_hint = false} : vector<768x64xf32>, vector<1024x64xf32>, vector<768x1024xf32> -> vector<768x1024xf32>
    %gt3A = arith.constant 0.000000e+00 : f32
    %gt3A_24 = vector.broadcast %gt3A : f32 to vector<768x1xf32>
    %gt3A_25 = arith.cmpf ogt, %add3A_22, %gt3A_24 : vector<768x1xf32>
    %iota3A = tpu.iota {dimensions = array<i32: 0>} : vector<768x1xi32>
    %lt3A = arith.constant 751 : i32
    %lt3A_26 = vector.broadcast %lt3A : i32 to vector<768x1xi32>
    %lt3A_27 = arith.cmpi slt, %iota3A, %lt3A_26 : vector<768x1xi32>
    %and3A = arith.andi %gt3A_25, %lt3A_27 : vector<768x1xi1>
    %gt3A_28 = arith.constant 0.000000e+00 : f32
    %gt3A_29 = vector.broadcast %gt3A_28 : f32 to vector<768x1xf32>
    %gt3A_30 = arith.cmpf ogt, %add3A_22, %gt3A_29 : vector<768x1xf32>
    %jit3A = arith.constant 1.000000e+00 : f32
    %broadcast_in_dim3A = vector.broadcast %jit3A : f32 to vector<768x1xf32>
    %select_n3A = arith.select %gt3A_30, %add3A_22, %broadcast_in_dim3A : vector<768x1xi1>, vector<768x1xf32>
    %mul3A = arith.constant 5.000000e-02 : f32
    %mul3A_31 = vector.broadcast %mul3A : f32 to vector<768x1xf32>
    %mul3A_32 = arith.mulf %select_n3A, %mul3A_31 : vector<768x1xf32>
    %div3A = vector.broadcast %mul3A_32 : vector<768x1xf32> to vector<768x1024xf32>
    %div3A_33 = arith.divf %dot_general3A_23, %div3A : vector<768x1024xf32>
    %exp3A = math.exp %div3A_33 : vector<768x1024xf32>
    %convert_element_type3A = arith.extui %and3A : vector<768x1xi1> to vector<768x1xi32>
    %convert_element_type3A_34 = arith.sitofp %convert_element_type3A : vector<768x1xi32> to vector<768x1xf32>
    %mul3A_35 = vector.broadcast %convert_element_type3A_34 : vector<768x1xf32> to vector<768x1024xf32>
    %mul3A_36 = arith.mulf %exp3A, %mul3A_35 : vector<768x1024xf32>
    %reduce_sum3A = arith.constant dense<0.000000e+00> : vector<1024xf32>
    %reduce_sum3A_37 = vector.multi_reduction <add>, %mul3A_36, %reduce_sum3A [0] : vector<768x1024xf32> to vector<1024xf32>
    %broadcast_in_dim3A_38 = vector.shape_cast %reduce_sum3A_37 : vector<1024xf32> to vector<1x1024xf32>
    %add3A_39 = arith.constant 9.99999997E-7 : f32
    %add3A_40 = vector.broadcast %add3A_39 : f32 to vector<1x1024xf32>
    %add3A_41 = arith.addf %broadcast_in_dim3A_38, %add3A_40 : vector<1x1024xf32>
    %div3A_42 = vector.broadcast %add3A_41 : vector<1x1024xf32> to vector<768x1024xf32>
    %div3A_43 = arith.divf %mul3A_36, %div3A_42 : vector<768x1024xf32>
    %add3A_44 = arith.constant 9.99999997E-7 : f32
    %add3A_45 = vector.broadcast %add3A_44 : f32 to vector<768x1024xf32>
    %add3A_46 = arith.addf %div3A_43, %add3A_45 : vector<768x1024xf32>
    %log3A = math.log %add3A_46 : vector<768x1024xf32>
    %get3A_47 = arith.constant 0 : index
    %get3A_48 = vector.load %arg3[%get3A_47] : memref<1024xi32, #tpu.memory_space<vmem>>, vector<1024xi32>
    %reshape3A = vector.shape_cast %get3A_48 : vector<1024xi32> to vector<1x1024xi32>
    %iota3A_49 = tpu.iota {dimensions = array<i32: 0>} : vector<768x1024xi32>
    %eq3A = vector.broadcast %reshape3A : vector<1x1024xi32> to vector<768x1024xi32>
    %eq3A_50 = arith.cmpi eq, %iota3A_49, %eq3A : vector<768x1024xi32>
    %jit3A_51 = arith.constant 0.000000e+00 : f32
    %broadcast_in_dim3A_52 = vector.broadcast %jit3A_51 : f32 to vector<768x1024xf32>
    %select_n3A_53 = arith.select %eq3A_50, %log3A, %broadcast_in_dim3A_52 : vector<768x1024xi1>, vector<768x1024xf32>
    %reduce_sum3A_54 = arith.constant dense<0.000000e+00> : vector<1024xf32>
    %reduce_sum3A_55 = vector.multi_reduction <add>, %select_n3A_53, %reduce_sum3A_54 [0] : vector<768x1024xf32> to vector<1024xf32>
    %reduce_sum3A_56 = vector.shape_cast %reduce_sum3A_55 : vector<1024xf32> to vector<1x1024xf32>
    %reduce_sum3A_57 = arith.constant dense<0.000000e+00> : vector<1xf32>
    %reduce_sum3A_58 = vector.multi_reduction <add>, %reduce_sum3A_56, %reduce_sum3A_57 [1] : vector<1x1024xf32> to vector<1xf32>
    %reduce_sum3A_59 = vector.shape_cast %reduce_sum3A_58 : vector<1xf32> to vector<1x1xf32>
    %reduce_sum3A_60 = vector.extract %reduce_sum3A_59[0, 0] : f32 from vector<1x1xf32>
    %neg3A = arith.constant 0.000000e+00 : f32
    %neg3A_61 = arith.subf %neg3A, %reduce_sum3A_60 : f32
    %div3A_62 = arith.constant 1.024000e+03 : f32
    %div3A_63 = arith.divf %neg3A_61, %div3A_62 : f32
    %reshape3A_64 = vector.broadcast %div3A_63 : f32 to vector<1x1xf32>
    %swap3A = arith.constant 0 : index
    %swap3A_65 = arith.constant 0 : index
    %swap3A_66 = vector.load %arg4[%swap3A, %swap3A_65] : memref<1x1xf32, #tpu.memory_space<vmem>>, vector<1x1xf32>
    tpu.vector_store %arg4[%swap3A, %swap3A_65], %reshape3A_64 {strides = array<i32>} : memref<1x1xf32, #tpu.memory_space<vmem>>, vector<1x1xf32>,
    return
  }
}

</mosaic_0001>

<sc_bundles>
// kernel: kernel.4.cloned.1.call-start
scs
__scs_entry_jumppad:
0x0: {  	(pc) =	sbr.rel $0x88, $3  }
0x1: {  	(tag) =	ssettag $0x0;
	lr =	simm.s32 $0x1  }
0x2: {  	[smem:$0x3F9D] =	sst lr;
	_ =	strace $0xD0000000  }
0x3: {  	_ = 	snop  }
0x4: {  	_ = 	snop  }
0x5: {  	_ = 	snop  }
0x6: {  	_ = 	snop  }
0x7: {  	_ = 	snop  }
__scs_overlays_trampoline_lowered:
0x8: {  	[smem:$0x3FAC] =	sst s0  }
0x9: {  	[smem:$0x3FAD] =	sst s1  }
0xa: {  	[smem:$0x3FAE] =	sst s2  }
0xb: {  	[smem:$0x3FAF] =	sst s3  }
0xc: {  	[smem:$0x3FB0] =	sst s4  }
0xd: {  	[smem:$0x3FB1] =	sst s5  }
0xe: {  	[smem:$0x3FB2] =	sst s6  }
0xf: {  	[smem:$0x3FB3] =	sst s7  }
0x10: {  	[smem:$0x3FB4] =	sst s8  }
0x11: {  	[smem:$0x3FB5] =	sst s9;
	s0 =	simm.s32 @!p0 $0x0  }
0x12: {  	s1 =	sld [smem:$0x3F9B];
	s0 =	simm.s32 @p0 $0x1  }
0x13: {  	[smem:$0x3FB6] =	sst s0;
	s0 =	simm.s32 @!p1 $0x0  }
0x14: {  	s2 =	sld [smem:$0x3F9A];
	s0 =	simm.s32 @p1 $0x1  }
0x15: {  	[smem:$0x3FB7] =	sst s0;
	s0 =	simm.s32 @!p2 $0x0  }
0x16: {  	s3 =	sld [smem:$0x3FDB];
	s0 =	simm.s32 @p2 $0x1  }
0x17: {  	s4 =	simm.s32 $0x1BF5;
	[smem:$0x3FB9] =	sst s0  }
0x18: {  	s0 =	sld [smem:$0x3F9C];
	_ =	swait.ge [sflag:s4], $0x0  }
0x19: {  	s7 =	sld [smem:$0x3F9D]  }
0x1a: {  	s8 =	sadd.s32 $0xFFFFE003, lr  }
0x1b: {  	s9 =	sadd.s32 $0xFFFFFEF7, lr;
	s5 =	simm.s32 $0xFFFFFFFF;
	p2 =	slt.u32 s8, $0xFFFFF086  }
0x1c: {  	p1 =	slt.u32 s9, $0xF7A;
	s5 =	simm.s32 @!p2 $0x0  }
0x1d: {  	s5 =	simm.s32 @p1 $0x1;
	p0 =	seq.s32 s7, s2  }
0x1e: {  	s7 =	smul.u32 @!p0 $0xF7A, s2;
	p2 =	seq.s32 @!p0 s5, $0x0  }
0x1f: {  	s9 =	smul.u32 $0xF7A, s1;
	s8 =	simm.s32 @!p0 $0x1BF5;
	p2 =	por !p2, p0  }
0x20: {  	[sflag:s8] =	ssyncset.s32 @!p0 $0xFFFFF086;
	s6 =	sadd.s32 @!p0 s3, s7;
	s7 =	simm.s32 @!p0 $0x108  }
0x21: {  	s3 =	sadd.s32 s3, s9;
	s6 =	sadd.s32 @!p0 $0x88, s6;
	s7 =	simm.s32 @p2 $0x1082  }
0x22: {  	[simem:s7], [sflag:s8] =	dma.local @!p0 [hbm:s6], $0xF7A  }
0x23: {  	s9 =	sor.u32 $0xD0000000, s2;
	s6 =	simm.s32 $0x108;
	_ =	swait.ge @!p0 [sflag:s8], $0x0  }
0x24: {  	s3 =	sadd.s32 $0x88, s3;
	s6 =	simm.s32 @!p1 $0x1082;
	[sflag:s4] =	ssyncset.s32 $0xFFFFF086  }
0x25: {  	[simem:s6], [sflag:s4] =	dma.local [hbm:s3], $0xF7A  }
0x26: {  	[smem:$0x3F9D] =	sst s1;
	(tag) =	ssettag s2;
	_ =	strace s9  }
0x27: {  	s1 =	sld [smem:$0x3FAD]  }
0x28: {  	s2 =	sld [smem:$0x3FAE]  }
0x29: {  	s4 =	sld [smem:$0x3FB0]  }
0x2a: {  	p0 =	seq.s32 s5, $0x0;
	s5 =	sld [smem:$0x3FB1]  }
0x2b: {  	s6 =	sld [smem:$0x3FB2]  }
0x2c: {  	s7 =	sld [smem:$0x3FB3]  }
0x2d: {  	s3 =	simm.s32 $0x108;
	s8 =	sld [smem:$0x3FB4]  }
0x2e: {  	s3 =	simm.s32 @!p0 $0x1082;
	s9 =	sld [smem:$0x3FB5]  }
0x2f: {  	lr =	sadd.s32 s0, s3;
	s0 =	sld [smem:$0x3FAC]  }
0x30: {  	s3 =	sld [smem:$0x3FAF]  }
0x31: {  	[smem:$0x3FB8] =	sst s10  }
0x32: {  	s10 =	sld [smem:$0x3FB6];
	_ =	sdelay $0x3  }
0x33: {  	p0 =	seq.s32 s10, $0x1;
	s10 =	sld [smem:$0x3FB8];
	_ =	sdelay $0x3  }
0x34: {  	[smem:$0x3FB8] =	sst s10  }
0x35: {  	s10 =	sld [smem:$0x3FB7];
	_ =	sdelay $0x3  }
0x36: {  	p1 =	seq.s32 s10, $0x1;
	s10 =	sld [smem:$0x3FB8];
	_ =	sdelay $0x3  }
0x37: {  	[smem:$0x3FB8] =	sst s10  }
0x38: {  	s10 =	sld [smem:$0x3FB9]  }
0x39: {  	_ = 	snop;
	(pc) =	sbr.ind lr, $3  }
0x3a: {  	_ = 	snop  }
0x3b: {  	_ = 	snop  }
0x3c: {  	p2 =	seq.s32 s10, $0x1;
	s10 =	sld [smem:$0x3FB8]  }
0x3d: {  	_ =	shalt  }
0x3e: {  	_ =	shalt  }
0x3f: {  	_ =	shalt  }
0x40: {  	_ =	shalt  }
0x41: {  	_ =	shalt  }
0x42: {  	_ =	shalt  }
0x43: {  	_ =	shalt  }
0x44: {  	_ =	shalt  }
0x45: {  	_ =	shalt  }
0x46: {  	_ =	shalt  }
0x47: {  	_ =	shalt  }
0x48: {  	_ =	shalt  }
0x49: {  	_ =	shalt  }
0x4a: {  	_ =	shalt  }
0x4b: {  	_ =	shalt  }
0x4c: {  	_ =	shalt  }
0x4d: {  	_ =	shalt  }
0x4e: {  	_ =	shalt  }
0x4f: {  	_ =	shalt  }
0x50: {  	_ =	shalt  }
0x51: {  	_ =	shalt  }
0x52: {  	_ =	shalt  }
0x53: {  	_ =	shalt  }
0x54: {  	_ =	shalt  }
0x55: {  	_ =	shalt  }
0x56: {  	_ =	shalt  }
0x57: {  	_ =	shalt  }
0x58: {  	_ =	shalt  }
0x59: {  	_ =	shalt  }
0x5a: {  	_ =	shalt  }
0x5b: {  	_ =	shalt  }
0x5c: {  	_ =	shalt  }
0x5d: {  	_ =	shalt  }
0x5e: {  	_ =	shalt  }
0x5f: {  	_ =	shalt  }
0x60: {  	_ =	shalt  }
0x61: {  	_ =	shalt  }
0x62: {  	_ =	shalt  }
0x63: {  	_ =	shalt  }
0x64: {  	_ =	shalt  }
0x65: {  	_ =	shalt  }
0x66: {  	_ =	shalt  }
0x67: {  	_ =	shalt  }
0x68: {  	_ =	shalt  }
0x69: {  	_ =	shalt  }
0x6a: {  	_ =	shalt  }
0x6b: {  	_ =	shalt  }
0x6c: {  	_ =	shalt  }
0x6d: {  	_ =	shalt  }
0x6e: {  	_ =	shalt  }
0x6f: {  	_ =	shalt  }
0x70: {  	_ =	shalt  }
0x71: {  	_ =	shalt  }
0x72: {  	_ =	shalt  }
0x73: {  	_ =	shalt  }
0x74: {  	_ =	shalt  }
0x75: {  	_ =	shalt  }
0x76: {  	_ =	shalt  }
0x77: {  	_ =	shalt  }
0x78: {  	_ =	shalt  }
0x79: {  	_ =	shalt  }
0x7a: {  	_ =	shalt  }
0x7b: {  	_ =	shalt  }
0x7c: {  	_ =	shalt  }
0x7d: {  	_ =	shalt  }
0x7e: {  	_ =	shalt  }
0x7f: {  	_ =	shalt  }
0x80: {  	_ =	shalt  }
0x81: {  	_ =	shalt  }
0x82: {  	_ =	shalt  }
0x83: {  	_ =	shalt  }
0x84: {  	_ =	shalt  }
0x85: {  	_ =	shalt  }
0x86: {  	_ =	shalt  }
0x87: {  	_ =	shalt  }
.Lfunc_end0:
.L_simem_size_0:
called_computation_lowered:
.L_overlay_start_0:
0x88: {  	s2 =	sld [smem:$0x3FD9]  }
0x89: {  	s3 =	sld [smem:$0x3FFE];
	_ =	sdelay $0x1  }
0x8a: {  	s1 =	srdreg.scid  }
0x8b: {  	s0 =	sand.u32 $0x1, s1  }
0x8c: {  	s17 =	sshll.u32 s0, $0xA;
	s2 =	sadd.s32 s3, s2  }
0x8d: {  	s2 =	sadd.s32 s2, s17  }
0x8e: {  	[smem:$0x3FC4] =	sst s2  }
0x8f: {  	_ = 	snop  }
0x90: {  	s2 =	sld [smem:$0x3FC6];
	(tm) =	ssettm $0x1  }
0x91: {  	s18 =	sld [smem:$0x3FFB];
	_ =	sdelay $0x3  }
0x92: {  	_ =	strace s18  }
0x93: {  	s3 =	sld [smem:$0x3FFC];
	_ =	sdelay $0x3  }
0x94: {  	_ =	strace s3  }
0x95: {  	s3 =	sld [smem:$0x3FFD];
	_ =	sdelay $0x3  }
0x96: {  	_ =	strace s3  }
0x97: {  	_ =	strace $0x8FFFFFFF  }
0x98: {  	s19 =	sld [smem:$0x3FDB];
	_ =	sdelay $0x1  }
0x99: {  	s4 =	simm.s32 $_scs_section_size  }
0x9a: {  	s5 =	simm.s32 $_size__tile_overlayer_lowered;
	s6 =	simm.s32 $_tile_overlayer_lowered  }
0x9b: {  	s22 =	simm.s32 $0x1BFF;
	s21 =	sshll.u32 s6, $0x1;
	s3 =	sadd.s32 s4, s19  }
0x9c: {  	s7 =	simm.s32 $0x0;
	s20 =	sshll.u32 s5, $0x1;
	s5 =	sadd.s32 s21, s3  }
0x9d: {  	[timem:s7], [sflag:s22] =	dma.local [hbm:s5], s20  }
0x9e: {  	_ =	swait.ge [sflag:s22], s20  }
0x9f: {  	s4 =	ssub.s32 $0x0, s20;
	[sflag:s22] =	ssyncset.done $0x0  }
0xa0: {  	[sflag:s22] =	ssyncadd.s32 s4;
	_ =	sdelay $0x1  }
0xa1: {  	s23 =	simm.s32 $0x1B8B  }
0xa2: {  	_ =	swait.ge [sflag:s23], $0x1  }
0xa3: {  	[sflag:s23] =	ssyncset.done $0x0  }
0xa4: {  	s25 =	simm.s32 $0x1B8E;
	s24 =	sld [smem:$0x3FFE];
	[sflag:s23] =	ssyncadd.s32 $0xFFFFFFFF  }
0xa5: {  	s26 =	simm.s32 $execute0_lowered;
	[smem:$0x3FD2] =	sst s25  }
0xa6: {  	s5 =	sshll.u32 s26, $0x1;
	_ =	strace $0x80000046;
	[dreg:$0x1] =	wrdreg $0xFFFFFFFF  }
0xa7: {  	s28 =	simm.s32 $_size_execute0_lowered;
	s3 =	sadd.s32 s3, s5;
	[dreg:$0x0] =	wrdreg $0x0  }
0xa8: {  	s5 =	sshll.u32 s28, $0x1;
	[dreg:$0x2] =	wrdreg s3  }
0xa9: {  	[dreg:$0x3] =	wrdreg s5  }
0xaa: {  	[dreg:$0x4] =	wrdreg $0xC0  }
0xab: {  	_ =	task [dreg:s7], $0x5FFFF  }
0xac: {  	[dreg:$0x1] =	wrdreg $0xFFFFFFFF  }
0xad: {  	[dreg:$0x0] =	wrdreg $0x60  }
0xae: {  	[dreg:$0x2] =	wrdreg s24  }
0xaf: {  	[dreg:$0x3] =	wrdreg s2  }
0xb0: {  	[dreg:$0x4] =	wrdreg $0x163800  }
0xb1: {  	[dreg:$0x5] =	wrdreg $0x16F800  }
0xb2: {  	[dreg:$0x6] =	wrdreg $0x9  }
0xb3: {  	_ =	task.clear_ibuf [dreg:s7], $0x7FFFF;
	_ =	strace $0x90000046  }
0xb4: {  	s29 =	simm.s32 $0x9;
	_ =	strace $0x80000048  }
0xb5: {  	_ =	swait.ge [sflag:s29], $0x1  }
0xb6: {  	[sflag:s29] =	ssyncadd.s32 $0xFFFFFFFF  }
0xb7: {  	_ =	strace $0x90000048  }
0xb8: {  	_ =	sfence  }
0xb9: {  	s30 =	sld [smem:$0x0];
	_ =	sdelay $0x2  }
0xba: {  	s31 =	sshll.u32 s1, $0xD;
	s1 =	sshrl.u32 s1, $0x2  }
0xbb: {  	s3 =	sand.u32 $0x4000, s31;
	s1 =	sadd.s32 s1, s30  }
0xbc: {  	s0 =	sor.u32 s3, s0;
	s1 =	sshll.u32 s1, $0x11  }
0xbd: {  	s0 =	sor.u32 s1, s0  }
0xbe: {  	s0 =	sadd.s32 $0x8F2B, s0  }
0xbf: {  	[sflag:s0] =	ssyncadd.remote.s32 $0x1  }
0xc0: {  	_ =	sfence.sel $0xFFFF  }
0xc1: {  	[dreg:$0x0] =	wrdreg $0xFFFFFFFF;
	(pc) =	sbr.abs _section_cstart, $3  }
0xc2: {  	[dreg:$0x1] =	wrdreg $0xFFFFFFFF  }
0xc3: {  	_ =	task.clear_ibuf [dreg:s7], $0x2FFFF;
	_ =	strace $0x9FFFFFFF  }
0xc4: {  	(tm) =	ssettm $0x7FFFFFFF  }
0xc5: {  	_ =	shalt  }
tec
execute0_lowered:
.L_overlay_start_1:
0x0: {  	(tag) =	ssettag $0x1  }
0x1: {  	s5 =	rddreg [dreg:$0x0]  }
0x2: {  	s1 =	rddreg [dreg:$0x1]  }
0x3: {  	s2 =	rddreg [dreg:$0x2]  }
0x4: {  	s3 =	rddreg [dreg:$0x3]  }
0x5: {  	s0 =	rddreg [dreg:$0x4];
	s4 =	simm.s32 $0x0;
	s24 =	stileid.u32  }
0x6: {  	s6 =	srdreg.scid;
	[smem:$0x7FF] =	sst s4  }
0x7: {  	s7 =	smul.u32 $0x1800, s24;
	s6 =	sand.u32 $0x1, s6;
	s8 =	sshll.u32 s24, $0x1  }
0x8: {  	p0 =	sgt.u32 s24, $0x2;
	p1 =	sne.s32 s24, $0x0;
	_ =	strace $0x80000047  }
0x9: {  	s25 =	sor.u32 s6, s8;
	s8 =	sadd.s32 $0x187E00, s5;
	s9 =	sadd.s32 s7, s2  }
0xa: {  	s19 =	sadd.s32 s7, s3;
	s10 =	sadd.s32 $0x800, s7;
	[dreg:$0x5] =	wrdreg s9  }
0xb: {  	s7 =	sadd.s32 $0x1000, s7;
	[dreg:$0x6] =	wrdreg s19;
	s20 =	sadd.s32 s10, s2  }
0xc: {  	s22 =	sshll.u32 s25, $0x2;
	s21 =	sadd.s32 s10, s3;
	[dreg:$0x7] =	wrdreg s20  }
0xd: {  	s28 =	sshll.u32 s25, $0x5;
	s23 =	sadd.s32 s7, s2;
	[dreg:$0x8] =	wrdreg s21  }
0xe: {  	s11 =	sshll.u32 s25, $0xC;
	s7 =	sadd.s32 s7, s3;
	[dreg:$0x9] =	wrdreg s23  }
0xf: {  	s9 =	sadd.s32 s22, s5;
	s29 =	sadd.s32 s8, s28;
	[dreg:$0xa] =	wrdreg s7  }
0x10: {  	p2 =	sne.s32 s25, $0x6;
	s26 =	sadd.s32 $0x18B000, s9;
	[dreg:$0xd] =	wrdreg s29  }
0x11: {  	s7 =	sadd.s32 $0x1400, s5;
	s9 =	sadd.s32 $0x197200, s9;
	[dreg:$0xb] =	wrdreg s26  }
0x12: {  	[dreg:$0xc] =	wrdreg s9;
	s9 =	sshll.u32 s25, $0x8;
	s30 =	sadd.s32 s7, s11  }
0x13: {  	s31 =	sor.u32 $0x2000, s9;
	[dreg:$0xe] =	wrdreg s30;
	s18 =	sor.u32 $0x6000, s9  }
0x14: {  	s20 =	sor.u32 $0x8000, s9;
	s29 =	sor.u32 $0xA000, s9;
	s12 =	sshrl.u32 s31, $0x3  }
0x15: {  	s11 =	sshll.u32 s31, $0x4;
	s19 =	sshrl.u32 s18, $0x3;
	s22 =	sshrl.u32 s20, $0x3  }
0x16: {  	s26 =	sshll.u32 s20, $0x4;
	s30 =	sshrl.u32 s29, $0x3;
	s31 =	sor.u32 $0xC000, s9  }
0x17: {  	s20 =	sor.u32 $0x10000, s9;
	s10 =	sadd.s32 s8, s12;
	s12 =	sor.u32 $0x4000, s9  }
0x18: {  	s13 =	sadd.s32 s7, s11;
	s11 =	sshll.u32 s18, $0x4;
	s23 =	sadd.s32 s8, s22  }
0x19: {  	s28 =	sadd.s32 s7, s26;
	s18 =	sor.u32 $0xE000, s9;
	[dreg:$0xf] =	wrdreg s10  }
0x1a: {  	s22 =	sshrl.u32 s20, $0x3;
	s26 =	sshll.u32 s20, $0x4;
	[dreg:$0x10] =	wrdreg s13  }
0x1b: {  	s14 =	sshrl.u32 s12, $0x3;
	s16 =	sshll.u32 s12, $0x4;
	[dreg:$0x15] =	wrdreg s23  }
0x1c: {  	s10 =	sadd.s32 s8, s19;
	s21 =	sadd.s32 s7, s11;
	[dreg:$0x16] =	wrdreg s28  }
0x1d: {  	s11 =	sshll.u32 s29, $0x4;
	s19 =	sshrl.u32 s18, $0x3;
	[dreg:$0x13] =	wrdreg s10  }
0x1e: {  	s23 =	sadd.s32 s8, s22;
	s28 =	sadd.s32 s7, s26;
	[dreg:$0x14] =	wrdreg s21  }
0x1f: {  	s29 =	sor.u32 $0x12000, s9;
	s22 =	smul.u32 $0x3000, s6;
	[dreg:$0x1d] =	wrdreg s23  }
0x20: {  	s26 =	sadd.s32 $0x30D0, s1;
	s6 =	ssub.s32 $0x2, s6;
	[dreg:$0x1e] =	wrdreg s28  }
0x21: {  	s12 =	simm.s32 $0x1;
	s15 =	sadd.s32 s8, s14;
	[smem:$0x7F9] =	sst s26  }
0x22: {  	s17 =	sadd.s32 s7, s16;
	s10 =	sadd.s32 s8, s30;
	[dreg:$0x11] =	wrdreg s15  }
0x23: {  	s13 =	sadd.s32 s7, s11;
	s14 =	sshrl.u32 s31, $0x3;
	[dreg:$0x12] =	wrdreg s17  }
0x24: {  	s16 =	sshll.u32 s31, $0x4;
	s11 =	sshll.u32 s18, $0x4;
	[dreg:$0x17] =	wrdreg s10  }
0x25: {  	s30 =	sshrl.u32 s29, $0x3;
	s23 =	sadd.s32 $0x187400, s5;
	[dreg:$0x18] =	wrdreg s13  }
0x26: {  	s31 =	sor.u32 $0x14000, s9;
	s15 =	sadd.s32 s8, s14;
	[smem:$0x7F8] =	sst s23  }
0x27: {  	s17 =	sadd.s32 s7, s16;
	s10 =	sadd.s32 s8, s19;
	[dreg:$0x19] =	wrdreg s15  }
0x28: {  	s21 =	sadd.s32 s7, s11;
	s11 =	sshll.u32 s29, $0x4;
	[dreg:$0x1a] =	wrdreg s17  }
0x29: {  	s13 =	sshrl.u32 s31, $0x3;
	s29 =	sshrl.u32 s6, $0x1;
	[dreg:$0x1b] =	wrdreg s10  }
0x2a: {  	s23 =	simm.s32 $0x4;
	[dreg:$0x1c] =	wrdreg s21;
	s10 =	sadd.s32 s8, s30  }
0x2b: {  	s11 =	sadd.s32 s7, s11;
	s14 =	sadd.s32 s8, s13;
	s15 =	sshll.u32 s31, $0x4  }
0x2c: {  	s17 =	sor.u32 $0x16000, s9;
	s9 =	sor.u32 $0x18000, s9;
	[dreg:$0x1f] =	wrdreg s10  }
0x2d: {  	s21 =	sadd.s32 $0x18AEC0, s5;
	s6 =	ssub.s32 s6, s29;
	[smem:$0x7F0] =	sst s11  }
0x2e: {  	s31 =	simm.s32 $0x20;
	s13 =	simm.s32 $0x10100;
	[smem:$0x7F1] =	sst s14  }
0x2f: {  	s16 =	sadd.s32 s7, s15;
	s18 =	sshrl.u32 s17, $0x3;
	s11 =	sshll.u32 s17, $0x4  }
0x30: {  	s20 =	sshrl.u32 s9, $0x3;
	s9 =	sshll.u32 s9, $0x4;
	[smem:$0x7F7] =	sst s21  }
0x31: {  	[smem:$0x7FD] =	sst s31;
	s14 =	simm.s32 $0x8000;
	s15 =	simm.s32 $0x80  }
0x32: {  	s17 =	simm.s32 $0x10080;
	s21 =	simm.s32 $0x10180;
	[smem:$0x7F2] =	sst s16  }
0x33: {  	s10 =	sadd.s32 s8, s18;
	s19 =	sadd.s32 s7, s11;
	s8 =	sadd.s32 s8, s20  }
0x34: {  	s7 =	sadd.s32 s7, s9;
	s9 =	simm.s32 $0x15A80;
	[smem:$0x7F3] =	sst s10  }
0x35: {  	s11 =	simm.s32 $0x10000;
	s16 =	simm.s32 $0x11280;
	[smem:$0x7F4] =	sst s19  }
0x36: {  	s18 =	simm.s32 $0x4000;
	s20 =	simm.s32 $0x3;
	[smem:$0x7F5] =	sst s8  }
0x37: {  	[smem:$0x7F6] =	sst s7;
	s8 =	sadd.s32 s22, s5;
	s5 =	sadd.s32 $0x187C00, s5  }
0x38: {  	s7 =	simm.s32 $0x5;
	s10 =	simm.s32 $0x15B00;
	s19 =	simm.s32 $0x2  }
0x39: {  	s22 =	simm.s32 $0xC000;
	[smem:$0x7FA] =	sst s5;
	s28 =	sadd.s32 $0x18B200, s8  }
0x3a: {  	s30 =	sadd.s32 $0x191200, s8;
	s5 =	smax.u32 s6, $0x1;
	[smem:$0x7FB] =	sst s28  }
0x3b: {  	v0 =	vimm.f32 $0.0e+00;
	v1 =	vimm.f32 $1.000000000e+00;
	s6 =	simm.s32 $0x15B80;
	s8 =	simm.s32 $0x15280;
	[smem:$0x7FC] =	sst s30  }
.LBB2_1:
0x3c: {  	[tilespmem:$0x15B80] =	vst v0  }
0x3d: {  	[tilespmem:$0x15B90] =	vst v0  }
0x3e: {  	[tilespmem:$0x15BA0] =	vst v0  }
0x3f: {  	[tilespmem:$0x15BB0] =	vst v0  }
0x40: {  	[tilespmem:$0x15280] =	vst v0  }
0x41: {  	[tilespmem:$0x15C00] =	vst v0  }
0x42: {  	[tilespmem:$0x15C10] =	vst v0  }
0x43: {  	[tilespmem:$0x15C20] =	vst v0  }
0x44: {  	[tilespmem:$0x15C30] =	vst v0  }
0x45: {  	[tilespmem:$0x15300] =	vst v0  }
0x46: {  	[tilespmem:$0x15C80] =	vst v0  }
0x47: {  	[tilespmem:$0x15C90] =	vst v0  }
0x48: {  	[tilespmem:$0x15CA0] =	vst v0  }
0x49: {  	[tilespmem:$0x15CB0] =	vst v0  }
0x4a: {  	[tilespmem:$0x15380] =	vst v0  }
0x4b: {  	[tilespmem:$0x15D00] =	vst v0  }
0x4c: {  	[tilespmem:$0x15D10] =	vst v0  }
0x4d: {  	[tilespmem:$0x15D20] =	vst v0  }
0x4e: {  	[tilespmem:$0x15D30] =	vst v0  }
0x4f: {  	[tilespmem:$0x15400] =	vst v0  }
0x50: {  	[tilespmem:$0x15D80] =	vst v0  }
0x51: {  	[tilespmem:$0x15D90] =	vst v0  }
0x52: {  	[tilespmem:$0x15DA0] =	vst v0  }
0x53: {  	[tilespmem:$0x15DB0] =	vst v0  }
0x54: {  	[tilespmem:$0x15480] =	vst v0  }
0x55: {  	[tilespmem:$0x15E00] =	vst v0  }
0x56: {  	[tilespmem:$0x15E10] =	vst v0  }
0x57: {  	[tilespmem:$0x15E20] =	vst v0  }
0x58: {  	[tilespmem:$0x15E30] =	vst v0  }
0x59: {  	[tilespmem:$0x15500] =	vst v0  }
0x5a: {  	[tilespmem:$0x15E80] =	vst v0  }
0x5b: {  	[tilespmem:$0x15E90] =	vst v0  }
0x5c: {  	[tilespmem:$0x15EA0] =	vst v0  }
0x5d: {  	[tilespmem:$0x15EB0] =	vst v0  }
0x5e: {  	[tilespmem:$0x15580] =	vst v0  }
0x5f: {  	[tilespmem:$0x15F00] =	vst v0  }
0x60: {  	[tilespmem:$0x15F10] =	vst v0  }
0x61: {  	[tilespmem:$0x15F20] =	vst v0  }
0x62: {  	[tilespmem:$0x15F30] =	vst v0  }
0x63: {  	[tilespmem:$0x15600] =	vst v0  }
0x64: {  	[tilespmem:$0x15F80] =	vst v0  }
0x65: {  	[tilespmem:$0x15F90] =	vst v0  }
0x66: {  	[tilespmem:$0x15FA0] =	vst v0  }
0x67: {  	[tilespmem:$0x15FB0] =	vst v0  }
0x68: {  	[tilespmem:$0x15680] =	vst v0  }
0x69: {  	[tilespmem:$0x16000] =	vst v0  }
0x6a: {  	[tilespmem:$0x16010] =	vst v0  }
0x6b: {  	[tilespmem:$0x16020] =	vst v0  }
0x6c: {  	[tilespmem:$0x16030] =	vst v0  }
0x6d: {  	[tilespmem:$0x15700] =	vst v0  }
0x6e: {  	[tilespmem:$0x16080] =	vst v0  }
0x6f: {  	[tilespmem:$0x16090] =	vst v0  }
0x70: {  	[tilespmem:$0x160A0] =	vst v0  }
0x71: {  	[tilespmem:$0x160B0] =	vst v0  }
0x72: {  	[tilespmem:$0x15780] =	vst v0  }
0x73: {  	[tilespmem:$0x16100] =	vst v0  }
0x74: {  	[tilespmem:$0x16110] =	vst v0  }
0x75: {  	[tilespmem:$0x16120] =	vst v0  }
0x76: {  	[tilespmem:$0x16130] =	vst v0  }
0x77: {  	[tilespmem:$0x15800] =	vst v0  }
0x78: {  	[tilespmem:$0x16180] =	vst v0  }
0x79: {  	[tilespmem:$0x16190] =	vst v0  }
0x7a: {  	[tilespmem:$0x161A0] =	vst v0  }
0x7b: {  	[tilespmem:$0x161B0] =	vst v0  }
0x7c: {  	[tilespmem:$0x15880] =	vst v0  }
0x7d: {  	[tilespmem:$0x16200] =	vst v0  }
0x7e: {  	[tilespmem:$0x16210] =	vst v0  }
0x7f: {  	[tilespmem:$0x16220] =	vst v0  }
0x80: {  	[tilespmem:$0x16230] =	vst v0  }
0x81: {  	[tilespmem:$0x15900] =	vst v0  }
0x82: {  	[tilespmem:$0x16280] =	vst v0  }
0x83: {  	[tilespmem:$0x16290] =	vst v0  }
0x84: {  	[tilespmem:$0x162A0] =	vst v0  }
0x85: {  	[tilespmem:$0x162B0] =	vst v0  }
0x86: {  	[tilespmem:$0x15980] =	vst v0  }
0x87: {  	[tilespmem:$0x16300] =	vst v0  }
0x88: {  	[tilespmem:$0x16310] =	vst v0  }
0x89: {  	[tilespmem:$0x16320] =	vst v0  }
0x8a: {  	[tilespmem:$0x16330] =	vst v0  }
0x8b: {  	[tilespmem:$0x15A00] =	vst v0  }
0x8c: {  	[tilespmem:$0x11280] =	vst v1  }
0x8d: {  	[tilespmem:$0x11300] =	vst v1  }
0x8e: {  	[tilespmem:$0x11380] =	vst v1  }
0x8f: {  	[tilespmem:$0x11400] =	vst v1  }
0x90: {  	[tilespmem:$0x11480] =	vst v1  }
0x91: {  	[tilespmem:$0x11500] =	vst v1  }
0x92: {  	[tilespmem:$0x11580] =	vst v1  }
0x93: {  	[tilespmem:$0x11600] =	vst v1  }
0x94: {  	[tilespmem:$0x11680] =	vst v1  }
0x95: {  	[tilespmem:$0x11700] =	vst v1  }
0x96: {  	[tilespmem:$0x11780] =	vst v1  }
0x97: {  	[tilespmem:$0x11800] =	vst v1  }
0x98: {  	[tilespmem:$0x11880] =	vst v1  }
0x99: {  	[tilespmem:$0x11900] =	vst v1  }
0x9a: {  	[tilespmem:$0x11980] =	vst v1  }
0x9b: {  	[tilespmem:$0x11A00] =	vst v1  }
0x9c: {  	[tilespmem:$0x11A80] =	vst v1  }
0x9d: {  	[tilespmem:$0x11B00] =	vst v1  }
0x9e: {  	[tilespmem:$0x11B80] =	vst v1  }
0x9f: {  	[tilespmem:$0x11C00] =	vst v1  }
0xa0: {  	[tilespmem:$0x11C80] =	vst v1  }
0xa1: {  	[tilespmem:$0x11D00] =	vst v1  }
0xa2: {  	[tilespmem:$0x11D80] =	vst v1  }
0xa3: {  	[tilespmem:$0x11E00] =	vst v1  }
0xa4: {  	[tilespmem:$0x11E80] =	vst v1  }
0xa5: {  	[tilespmem:$0x11F00] =	vst v1  }
0xa6: {  	[tilespmem:$0x11F80] =	vst v1  }
0xa7: {  	[tilespmem:$0x12000] =	vst v1  }
0xa8: {  	[tilespmem:$0x12080] =	vst v1  }
0xa9: {  	[tilespmem:$0x12100] =	vst v1  }
0xaa: {  	[tilespmem:$0x12180] =	vst v1  }
0xab: {  	[tilespmem:$0x12200] =	vst v1  }
0xac: {  	[tilespmem:$0x12280] =	vst v1  }
0xad: {  	[tilespmem:$0x12300] =	vst v1  }
0xae: {  	[tilespmem:$0x12380] =	vst v1  }
0xaf: {  	[tilespmem:$0x12400] =	vst v1  }
0xb0: {  	[tilespmem:$0x12480] =	vst v1  }
0xb1: {  	[tilespmem:$0x12500] =	vst v1  }
0xb2: {  	[tilespmem:$0x12580] =	vst v1  }
0xb3: {  	[tilespmem:$0x12600] =	vst v1  }
0xb4: {  	[tilespmem:$0x12680] =	vst v1  }
0xb5: {  	[tilespmem:$0x12700] =	vst v1  }
0xb6: {  	[tilespmem:$0x12780] =	vst v1  }
0xb7: {  	[tilespmem:$0x12800] =	vst v1  }
0xb8: {  	[tilespmem:$0x12880] =	vst v1  }
0xb9: {  	[tilespmem:$0x12900] =	vst v1  }
0xba: {  	[tilespmem:$0x12980] =	vst v1  }
0xbb: {  	[tilespmem:$0x12A00] =	vst v1  }
0xbc: {  	[tilespmem:$0x12A80] =	vst v1  }
0xbd: {  	[tilespmem:$0x12B00] =	vst v1  }
0xbe: {  	[tilespmem:$0x12B80] =	vst v1  }
0xbf: {  	[tilespmem:$0x12C00] =	vst v1  }
0xc0: {  	[tilespmem:$0x12C80] =	vst v1  }
0xc1: {  	[tilespmem:$0x12D00] =	vst v1  }
0xc2: {  	[tilespmem:$0x12D80] =	vst v1  }
0xc3: {  	[tilespmem:$0x12E00] =	vst v1  }
0xc4: {  	[tilespmem:$0x12E80] =	vst v1  }
0xc5: {  	[tilespmem:$0x12F00] =	vst v1  }
0xc6: {  	[tilespmem:$0x12F80] =	vst v1  }
0xc7: {  	[tilespmem:$0x13000] =	vst v1  }
0xc8: {  	[tilespmem:$0x13080] =	vst v1  }
0xc9: {  	[tilespmem:$0x13100] =	vst v1  }
0xca: {  	[tilespmem:$0x13180] =	vst v1  }
0xcb: {  	[tilespmem:$0x13200] =	vst v1  }
0xcc: {  	[tilespmem:$0x13280] =	vst v1  }
0xcd: {  	[tilespmem:$0x13300] =	vst v1  }
0xce: {  	[tilespmem:$0x13380] =	vst v1  }
0xcf: {  	[tilespmem:$0x13400] =	vst v1  }
0xd0: {  	[tilespmem:$0x13480] =	vst v1  }
0xd1: {  	[tilespmem:$0x13500] =	vst v1  }
0xd2: {  	[tilespmem:$0x13580] =	vst v1  }
0xd3: {  	[tilespmem:$0x13600] =	vst v1  }
0xd4: {  	[tilespmem:$0x13680] =	vst v1  }
0xd5: {  	[tilespmem:$0x13700] =	vst v1  }
0xd6: {  	[tilespmem:$0x13780] =	vst v1  }
0xd7: {  	[tilespmem:$0x13800] =	vst v1  }
0xd8: {  	[tilespmem:$0x13880] =	vst v1  }
0xd9: {  	[tilespmem:$0x13900] =	vst v1  }
0xda: {  	[tilespmem:$0x13980] =	vst v1  }
0xdb: {  	[tilespmem:$0x13A00] =	vst v1  }
0xdc: {  	[tilespmem:$0x13A80] =	vst v1  }
0xdd: {  	[tilespmem:$0x13B00] =	vst v1  }
0xde: {  	[tilespmem:$0x13B80] =	vst v1  }
0xdf: {  	[tilespmem:$0x13C00] =	vst v1  }
0xe0: {  	[tilespmem:$0x13C80] =	vst v1  }
0xe1: {  	[tilespmem:$0x13D00] =	vst v1  }
0xe2: {  	[tilespmem:$0x13D80] =	vst v1  }
0xe3: {  	[tilespmem:$0x13E00] =	vst v1  }
0xe4: {  	[tilespmem:$0x13E80] =	vst v1  }
0xe5: {  	[tilespmem:$0x13F00] =	vst v1  }
0xe6: {  	[tilespmem:$0x13F80] =	vst v1  }
0xe7: {  	[tilespmem:$0x14000] =	vst v1  }
0xe8: {  	[tilespmem:$0x14080] =	vst v1  }
0xe9: {  	[tilespmem:$0x14100] =	vst v1  }
0xea: {  	[tilespmem:$0x14180] =	vst v1  }
0xeb: {  	[tilespmem:$0x14200] =	vst v1  }
0xec: {  	[tilespmem:$0x14280] =	vst v1  }
0xed: {  	[tilespmem:$0x14300] =	vst v1  }
0xee: {  	[tilespmem:$0x14380] =	vst v1  }
0xef: {  	[tilespmem:$0x14400] =	vst v1  }
0xf0: {  	[tilespmem:$0x14480] =	vst v1  }
0xf1: {  	[tilespmem:$0x14500] =	vst v1  }
0xf2: {  	[tilespmem:$0x14580] =	vst v1  }
0xf3: {  	[tilespmem:$0x14600] =	vst v1  }
0xf4: {  	[tilespmem:$0x14680] =	vst v1  }
0xf5: {  	[tilespmem:$0x14700] =	vst v1  }
0xf6: {  	[tilespmem:$0x14780] =	vst v1  }
0xf7: {  	[tilespmem:$0x14800] =	vst v1  }
0xf8: {  	[tilespmem:$0x14880] =	vst v1  }
0xf9: {  	[tilespmem:$0x14900] =	vst v1  }
0xfa: {  	[tilespmem:$0x14980] =	vst v1  }
0xfb: {  	[tilespmem:$0x14A00] =	vst v1  }
0xfc: {  	[tilespmem:$0x14A80] =	vst v1  }
0xfd: {  	[tilespmem:$0x14B00] =	vst v1  }
0xfe: {  	[tilespmem:$0x14B80] =	vst v1  }
0xff: {  	[tilespmem:$0x14C00] =	vst v1  }
0x100: {  	[tilespmem:$0x14C80] =	vst v1  }
0x101: {  	[tilespmem:$0x14D00] =	vst v1  }
0x102: {  	[tilespmem:$0x14D80] =	vst v1  }
0x103: {  	[tilespmem:$0x14E00] =	vst v1  }
0x104: {  	[tilespmem:$0x14E80] =	vst v1  }
0x105: {  	[tilespmem:$0x14F00] =	vst v1  }
0x106: {  	[tilespmem:$0x14F80] =	vst v1  }
0x107: {  	[tilespmem:$0x15000] =	vst v1  }
0x108: {  	[tilespmem:$0x15080] =	vst v1  }
0x109: {  	[tilespmem:$0x15100] =	vst v1  }
0x10a: {  	[tilespmem:$0x15180] =	vst v1  }
0x10b: {  	[tilespmem:$0x15200] =	vst v1;
	s24 =	rddreg [dreg:$0x5]  }
0x10c: {  	[spmem:s24] =	stream.linear.scatter [tilespmem:s6], [sflag:$0x5], $0x800, $0x38;
	[tilespmem:$0x17280] =	vst v63  }
0x10d: {  	_ =	swait.ge [sflag:s7], $0x800  }
0x10e: {  	[sflag:s7] =	ssyncset.done $0x0  }
0x10f: {  	s31 =	rddreg [dreg:$0x6];
	[sflag:s7] =	ssyncadd.s32 $0xFFFFF800  }
0x110: {  	[spmem:s31] =	stream.linear.scatter [tilespmem:s8], [sflag:$0x5], $0x800, $0x38;
	[tilespmem:$0x17280] =	vst v63  }
0x111: {  	_ =	swait.ge [sflag:s7], $0x800  }
0x112: {  	[sflag:s7] =	ssyncset.done $0x0  }
0x113: {  	s25 =	rddreg [dreg:$0x7];
	[sflag:s7] =	ssyncadd.s32 $0xFFFFF800  }
0x114: {  	[spmem:s25] =	stream.linear.scatter [tilespmem:s6], [sflag:$0x5], $0x800, $0x38;
	[tilespmem:$0x17280] =	vst v63  }
0x115: {  	_ =	swait.ge [sflag:s7], $0x800  }
0x116: {  	[sflag:s7] =	ssyncset.done $0x0  }
0x117: {  	s26 =	rddreg [dreg:$0x8];
	[sflag:s7] =	ssyncadd.s32 $0xFFFFF800  }
0x118: {  	[spmem:s26] =	stream.linear.scatter [tilespmem:s8], [sflag:$0x5], $0x800, $0x38;
	[tilespmem:$0x17280] =	vst v63  }
0x119: {  	_ =	swait.ge [sflag:s7], $0x800  }
0x11a: {  	[sflag:s7] =	ssyncset.done $0x0  }
0x11b: {  	s28 =	rddreg [dreg:$0x9];
	[sflag:s7] =	ssyncadd.s32 $0xFFFFF800  }
0x11c: {  	[spmem:s28] =	stream.linear.scatter [tilespmem:s6], [sflag:$0x5], $0x800, $0x38;
	[tilespmem:$0x17280] =	vst v63  }
0x11d: {  	_ =	swait.ge [sflag:s7], $0x800  }
0x11e: {  	[sflag:s7] =	ssyncset.done $0x0  }
0x11f: {  	s29 =	rddreg [dreg:$0xa];
	[sflag:s7] =	ssyncadd.s32 $0xFFFFF800  }
0x120: {  	[spmem:s29] =	stream.linear.scatter [tilespmem:s8], [sflag:$0x5], $0x800, $0x38;
	[tilespmem:$0x17280] =	vst v63  }
0x121: {  	_ =	swait.ge [sflag:s7], $0x800  }
0x122: {  	[sflag:s7] =	ssyncset.done $0x0  }
0x123: {  	s30 =	rddreg [dreg:$0xb];
	[sflag:s7] =	ssyncadd.s32 $0xFFFFF800  }
0x124: {  	[tilespmem:s9], [sflag:$0x5] =	stream.linear.gather [hbm4b:s30+s4], $0x20, $0x38;
	[tilespmem:$0x17280] =	vst v63  }
0x125: {  	_ =	swait.ge [sflag:s7], $0x20  }
0x126: {  	s31 =	sld [smem:$0x7FD]  }
0x127: {  	[sflag:s7] =	ssyncset.done $0x0  }
0x128: {  	[sflag:s7] =	ssyncadd.s32 $0xFFFFFFE0  }
0x129: {  	[tilespmem:s10], [sflag:$0x5] =	stream.indirect.gather [hbm4b:s1+s31], $0x1, s9, s31, $0xb8;
	[tilespmem:$0x17280] =	vst v63  }
0x12a: {  	_ =	swait.ge [sflag:s7], $0x20  }
0x12b: {  	[sflag:s7] =	ssyncset.done $0x0  }
0x12c: {  	s25 =	rddreg [dreg:$0xc];
	[sflag:s7] =	ssyncadd.s32 $0xFFFFFFE0  }
0x12d: {  	[hbm4b:s25+s4] =	stream.linear.scatter [tilespmem:s10], [sflag:$0x5], $0x20, $0x38;
	[tilespmem:$0x17280] =	vst v63  }
0x12e: {  	_ =	swait.ge [sflag:s7], $0x20  }
0x12f: {  	[sflag:s7] =	ssyncset.done $0x0  }
0x130: {  	[sflag:s7] =	ssyncadd.s32 $0xFFFFFFE0  }
0x131: {  	[bflag:$0x0] =	sbarrier.arrive $0xFFFF  }
0x132: {  	s26 =	rddreg [dreg:$0xd]  }
0x133: {  	[tilespmem:s11], [sflag:$0x1] =	stream.linear.gather [hbm4b:s26+s4], $0x100, $0x38;
	[tilespmem:$0x17280] =	vst v63  }
0x134: {  	s25 =	rddreg [dreg:$0xe]  }
0x135: {  	[tilespmem:s4], [sflag:$0x1] =	stream.linear.gather [hbm4b:s25+s4], $0x8000, $0x38;
	[tilespmem:$0x17280] =	vst v63  }
0x136: {  	_ =	swait.ge [sflag:s12], $0x100  }
0x137: {  	[sflag:s12] =	ssyncset.done $0x0  }
0x138: {  	[sflag:s12] =	ssyncadd.s32 $0xFFFFFF00  }
0x139: {  	_ =	swait.ge [sflag:s12], $0x8000  }
0x13a: {  	[sflag:s12] =	ssyncset.done $0x0  }
0x13b: {  	s28 =	rddreg [dreg:$0xf];
	[sflag:s12] =	ssyncadd.s32 $0xFFFF8000  }
0x13c: {  	[tilespmem:s13], [sflag:$0x2] =	stream.linear.gather [hbm4b:s28+s4], $0x100, $0x38;
	[tilespmem:$0x17280] =	vst v63  }
0x13d: {  	s29 =	rddreg [dreg:$0x10]  }
0x13e: {  	[tilespmem:s14], [sflag:$0x2] =	stream.linear.gather [hbm4b:s29+s4], $0x8000, $0x38;
	[tilespmem:$0x17280] =	vst v63  }
0x13f: {  	_ = 	snop  }
0x140: {  	[spmem:s2] =	stream.indirect.scatter.add.f32 [tilespmem:s4], [sflag:$0x3], $0x40, s11, s15, $0xb8;
	[tilespmem:$0x17280] =	vst v63  }
0x141: {  	_ = 	snop  }
0x142: {  	[spmem:s3] =	stream.indirect.scatter.add.f32 [tilespmem:s16], [sflag:$0x3], $0x10, s11, s15, $0xb8;
	[tilespmem:$0x17280] =	vst v63  }
0x143: {  	_ = 	snop  }
0x144: {  	[spmem:s2] =	stream.indirect.scatter.add.f32 [tilespmem:s18], [sflag:$0x3], $0x40, s17, s15, $0xb8;
	[tilespmem:$0x17280] =	vst v63  }
0x145: {  	_ = 	snop  }
0x146: {  	[spmem:s3] =	stream.indirect.scatter.add.f32 [tilespmem:s16], [sflag:$0x3], $0x10, s17, s15, $0xb8;
	[tilespmem:$0x17280] =	vst v63  }
0x147: {  	_ =	swait.ge [sflag:s19], $0x100  }
0x148: {  	[sflag:s19] =	ssyncset.done $0x0  }
0x149: {  	[sflag:s19] =	ssyncadd.s32 $0xFFFFFF00  }
0x14a: {  	_ =	swait.ge [sflag:s19], $0x8000  }
0x14b: {  	[sflag:s19] =	ssyncset.done $0x0  }
0x14c: {  	[sflag:s19] =	ssyncadd.s32 $0xFFFF8000  }
0x14d: {  	_ =	swait.ge [sflag:s20], $0x2000  }
0x14e: {  	[sflag:s20] =	ssyncset.done $0x0  }
0x14f: {  	[sflag:s20] =	ssyncadd.s32 $0xFFFFE000  }
0x150: {  	_ =	swait.ge [sflag:s20], $0x800  }
0x151: {  	[sflag:s20] =	ssyncset.done $0x0  }
0x152: {  	[sflag:s20] =	ssyncadd.s32 $0xFFFFF800  }
0x153: {  	_ =	swait.ge [sflag:s20], $0x2000  }
0x154: {  	[sflag:s20] =	ssyncset.done $0x0  }
0x155: {  	[sflag:s20] =	ssyncadd.s32 $0xFFFFE000  }
0x156: {  	_ =	swait.ge [sflag:s20], $0x800  }
0x157: {  	[sflag:s20] =	ssyncset.done $0x0  }
0x158: {  	s30 =	rddreg [dreg:$0x11];
	[sflag:s20] =	ssyncadd.s32 $0xFFFFF800  }
0x159: {  	[tilespmem:s11], [sflag:$0x1] =	stream.linear.gather [hbm4b:s30+s4], $0x100, $0x38;
	[tilespmem:$0x17280] =	vst v63  }
0x15a: {  	s31 =	rddreg [dreg:$0x12]  }
0x15b: {  	[tilespmem:s4], [sflag:$0x1] =	stream.linear.gather [hbm4b:s31+s4], $0x8000, $0x38;
	[tilespmem:$0x17280] =	vst v63  }
0x15c: {  	_ = 	snop  }
0x15d: {  	[spmem:s2] =	stream.indirect.scatter.add.f32 [tilespmem:s14], [sflag:$0x4], $0x40, s13, s15, $0xb8;
	[tilespmem:$0x17280] =	vst v63  }
0x15e: {  	_ = 	snop  }
0x15f: {  	[spmem:s3] =	stream.indirect.scatter.add.f32 [tilespmem:s16], [sflag:$0x4], $0x10, s13, s15, $0xb8;
	[tilespmem:$0x17280] =	vst v63  }
0x160: {  	_ = 	snop  }
0x161: {  	[spmem:s2] =	stream.indirect.scatter.add.f32 [tilespmem:s22], [sflag:$0x4], $0x40, s21, s15, $0xb8;
	[tilespmem:$0x17280] =	vst v63  }
0x162: {  	_ = 	snop  }
0x163: {  	[spmem:s3] =	stream.indirect.scatter.add.f32 [tilespmem:s16], [sflag:$0x4], $0x10, s21, s15, $0xb8;
	[tilespmem:$0x17280] =	vst v63  }
0x164: {  	_ =	swait.ge [sflag:s12], $0x100  }
0x165: {  	[sflag:s12] =	ssyncset.done $0x0  }
0x166: {  	[sflag:s12] =	ssyncadd.s32 $0xFFFFFF00  }
0x167: {  	_ =	swait.ge [sflag:s12], $0x8000  }
0x168: {  	[sflag:s12] =	ssyncset.done $0x0  }
0x169: {  	[sflag:s12] =	ssyncadd.s32 $0xFFFF8000  }
0x16a: {  	_ =	swait.ge [sflag:s23], $0x2000  }
0x16b: {  	[sflag:s23] =	ssyncset.done $0x0  }
0x16c: {  	[sflag:s23] =	ssyncadd.s32 $0xFFFFE000  }
0x16d: {  	_ =	swait.ge [sflag:s23], $0x800  }
0x16e: {  	[sflag:s23] =	ssyncset.done $0x0  }
0x16f: {  	[sflag:s23] =	ssyncadd.s32 $0xFFFFF800  }
0x170: {  	_ =	swait.ge [sflag:s23], $0x2000  }
0x171: {  	[sflag:s23] =	ssyncset.done $0x0  }
0x172: {  	[sflag:s23] =	ssyncadd.s32 $0xFFFFE000  }
0x173: {  	_ =	swait.ge [sflag:s23], $0x800  }
0x174: {  	[sflag:s23] =	ssyncset.done $0x0  }
0x175: {  	s25 =	rddreg [dreg:$0x13];
	[sflag:s23] =	ssyncadd.s32 $0xFFFFF800  }
0x176: {  	[tilespmem:s13], [sflag:$0x2] =	stream.linear.gather [hbm4b:s25+s4], $0x100, $0x38;
	[tilespmem:$0x17280] =	vst v63  }
0x177: {  	s26 =	rddreg [dreg:$0x14]  }
0x178: {  	[tilespmem:s14], [sflag:$0x2] =	stream.linear.gather [hbm4b:s26+s4], $0x8000, $0x38;
	[tilespmem:$0x17280] =	vst v63  }
0x179: {  	_ = 	snop  }
0x17a: {  	[spmem:s2] =	stream.indirect.scatter.add.f32 [tilespmem:s4], [sflag:$0x3], $0x40, s11, s15, $0xb8;
	[tilespmem:$0x17280] =	vst v63  }
0x17b: {  	_ = 	snop  }
0x17c: {  	[spmem:s3] =	stream.indirect.scatter.add.f32 [tilespmem:s16], [sflag:$0x3], $0x10, s11, s15, $0xb8;
	[tilespmem:$0x17280] =	vst v63  }
0x17d: {  	_ = 	snop  }
0x17e: {  	[spmem:s2] =	stream.indirect.scatter.add.f32 [tilespmem:s18], [sflag:$0x3], $0x40, s17, s15, $0xb8;
	[tilespmem:$0x17280] =	vst v63  }
0x17f: {  	_ = 	snop  }
0x180: {  	[spmem:s3] =	stream.indirect.scatter.add.f32 [tilespmem:s16], [sflag:$0x3], $0x10, s17, s15, $0xb8;
	[tilespmem:$0x17280] =	vst v63  }
0x181: {  	_ =	swait.ge [sflag:s19], $0x100  }
0x182: {  	[sflag:s19] =	ssyncset.done $0x0  }
0x183: {  	[sflag:s19] =	ssyncadd.s32 $0xFFFFFF00  }
0x184: {  	_ =	swait.ge [sflag:s19], $0x8000  }
0x185: {  	[sflag:s19] =	ssyncset.done $0x0  }
0x186: {  	[sflag:s19] =	ssyncadd.s32 $0xFFFF8000  }
0x187: {  	_ =	swait.ge [sflag:s20], $0x2000  }
0x188: {  	[sflag:s20] =	ssyncset.done $0x0  }
0x189: {  	[sflag:s20] =	ssyncadd.s32 $0xFFFFE000  }
0x18a: {  	_ =	swait.ge [sflag:s20], $0x800  }
0x18b: {  	[sflag:s20] =	ssyncset.done $0x0  }
0x18c: {  	[sflag:s20] =	ssyncadd.s32 $0xFFFFF800  }
0x18d: {  	_ =	swait.ge [sflag:s20], $0x2000  }
0x18e: {  	[sflag:s20] =	ssyncset.done $0x0  }
0x18f: {  	[sflag:s20] =	ssyncadd.s32 $0xFFFFE000  }
0x190: {  	_ =	swait.ge [sflag:s20], $0x800  }
0x191: {  	[sflag:s20] =	ssyncset.done $0x0  }
0x192: {  	s28 =	rddreg [dreg:$0x15];
	[sflag:s20] =	ssyncadd.s32 $0xFFFFF800  }
0x193: {  	[tilespmem:s11], [sflag:$0x1] =	stream.linear.gather [hbm4b:s28+s4], $0x100, $0x38;
	[tilespmem:$0x17280] =	vst v63  }
0x194: {  	s29 =	rddreg [dreg:$0x16]  }
0x195: {  	[tilespmem:s4], [sflag:$0x1] =	stream.linear.gather [hbm4b:s29+s4], $0x8000, $0x38;
	[tilespmem:$0x17280] =	vst v63  }
0x196: {  	_ = 	snop  }
0x197: {  	[spmem:s2] =	stream.indirect.scatter.add.f32 [tilespmem:s14], [sflag:$0x4], $0x40, s13, s15, $0xb8;
	[tilespmem:$0x17280] =	vst v63  }
0x198: {  	_ = 	snop  }
0x199: {  	[spmem:s3] =	stream.indirect.scatter.add.f32 [tilespmem:s16], [sflag:$0x4], $0x10, s13, s15, $0xb8;
	[tilespmem:$0x17280] =	vst v63  }
0x19a: {  	_ = 	snop  }
0x19b: {  	[spmem:s2] =	stream.indirect.scatter.add.f32 [tilespmem:s22], [sflag:$0x4], $0x40, s21, s15, $0xb8;
	[tilespmem:$0x17280] =	vst v63  }
0x19c: {  	_ = 	snop  }
0x19d: {  	[spmem:s3] =	stream.indirect.scatter.add.f32 [tilespmem:s16], [sflag:$0x4], $0x10, s21, s15, $0xb8;
	[tilespmem:$0x17280] =	vst v63  }
0x19e: {  	_ =	swait.ge [sflag:s12], $0x100  }
0x19f: {  	[sflag:s12] =	ssyncset.done $0x0  }
0x1a0: {  	[sflag:s12] =	ssyncadd.s32 $0xFFFFFF00  }
0x1a1: {  	_ =	swait.ge [sflag:s12], $0x8000  }
0x1a2: {  	[sflag:s12] =	ssyncset.done $0x0  }
0x1a3: {  	[sflag:s12] =	ssyncadd.s32 $0xFFFF8000  }
0x1a4: {  	_ =	swait.ge [sflag:s23], $0x2000  }
0x1a5: {  	[sflag:s23] =	ssyncset.done $0x0  }
0x1a6: {  	[sflag:s23] =	ssyncadd.s32 $0xFFFFE000  }
0x1a7: {  	_ =	swait.ge [sflag:s23], $0x800  }
0x1a8: {  	[sflag:s23] =	ssyncset.done $0x0  }
0x1a9: {  	[sflag:s23] =	ssyncadd.s32 $0xFFFFF800  }
0x1aa: {  	_ =	swait.ge [sflag:s23], $0x2000  }
0x1ab: {  	[sflag:s23] =	ssyncset.done $0x0  }
0x1ac: {  	[sflag:s23] =	ssyncadd.s32 $0xFFFFE000  }
0x1ad: {  	_ =	swait.ge [sflag:s23], $0x800  }
0x1ae: {  	[sflag:s23] =	ssyncset.done $0x0  }
0x1af: {  	s30 =	rddreg [dreg:$0x17];
	[sflag:s23] =	ssyncadd.s32 $0xFFFFF800  }
0x1b0: {  	[tilespmem:s13], [sflag:$0x2] =	stream.linear.gather [hbm4b:s30+s4], $0x100, $0x38;
	[tilespmem:$0x17280] =	vst v63  }
0x1b1: {  	s31 =	rddreg [dreg:$0x18]  }
0x1b2: {  	[tilespmem:s14], [sflag:$0x2] =	stream.linear.gather [hbm4b:s31+s4], $0x8000, $0x38;
	[tilespmem:$0x17280] =	vst v63  }
0x1b3: {  	_ = 	snop  }
0x1b4: {  	[spmem:s2] =	stream.indirect.scatter.add.f32 [tilespmem:s4], [sflag:$0x3], $0x40, s11, s15, $0xb8;
	[tilespmem:$0x17280] =	vst v63  }
0x1b5: {  	_ = 	snop  }
0x1b6: {  	[spmem:s3] =	stream.indirect.scatter.add.f32 [tilespmem:s16], [sflag:$0x3], $0x10, s11, s15, $0xb8;
	[tilespmem:$0x17280] =	vst v63  }
0x1b7: {  	_ = 	snop  }
0x1b8: {  	[spmem:s2] =	stream.indirect.scatter.add.f32 [tilespmem:s18], [sflag:$0x3], $0x40, s17, s15, $0xb8;
	[tilespmem:$0x17280] =	vst v63  }
0x1b9: {  	_ = 	snop  }
0x1ba: {  	[spmem:s3] =	stream.indirect.scatter.add.f32 [tilespmem:s16], [sflag:$0x3], $0x10, s17, s15, $0xb8;
	[tilespmem:$0x17280] =	vst v63  }
0x1bb: {  	_ =	swait.ge [sflag:s19], $0x100  }
0x1bc: {  	[sflag:s19] =	ssyncset.done $0x0  }
0x1bd: {  	[sflag:s19] =	ssyncadd.s32 $0xFFFFFF00  }
0x1be: {  	_ =	swait.ge [sflag:s19], $0x8000  }
0x1bf: {  	[sflag:s19] =	ssyncset.done $0x0  }
0x1c0: {  	[sflag:s19] =	ssyncadd.s32 $0xFFFF8000  }
0x1c1: {  	_ =	swait.ge [sflag:s20], $0x2000  }
0x1c2: {  	[sflag:s20] =	ssyncset.done $0x0  }
0x1c3: {  	[sflag:s20] =	ssyncadd.s32 $0xFFFFE000  }
0x1c4: {  	_ =	swait.ge [sflag:s20], $0x800  }
0x1c5: {  	[sflag:s20] =	ssyncset.done $0x0  }
0x1c6: {  	[sflag:s20] =	ssyncadd.s32 $0xFFFFF800  }
0x1c7: {  	_ =	swait.ge [sflag:s20], $0x2000  }
0x1c8: {  	[sflag:s20] =	ssyncset.done $0x0  }
0x1c9: {  	[sflag:s20] =	ssyncadd.s32 $0xFFFFE000  }
0x1ca: {  	_ =	swait.ge [sflag:s20], $0x800  }
0x1cb: {  	[sflag:s20] =	ssyncset.done $0x0  }
0x1cc: {  	s25 =	rddreg [dreg:$0x19];
	[sflag:s20] =	ssyncadd.s32 $0xFFFFF800  }
0x1cd: {  	[tilespmem:s11], [sflag:$0x1] =	stream.linear.gather [hbm4b:s25+s4], $0x100, $0x38;
	[tilespmem:$0x17280] =	vst v63  }
0x1ce: {  	s26 =	rddreg [dreg:$0x1a]  }
0x1cf: {  	[tilespmem:s4], [sflag:$0x1] =	stream.linear.gather [hbm4b:s26+s4], $0x8000, $0x38;
	[tilespmem:$0x17280] =	vst v63  }
0x1d0: {  	_ = 	snop  }
0x1d1: {  	[spmem:s2] =	stream.indirect.scatter.add.f32 [tilespmem:s14], [sflag:$0x4], $0x40, s13, s15, $0xb8;
	[tilespmem:$0x17280] =	vst v63  }
0x1d2: {  	_ = 	snop  }
0x1d3: {  	[spmem:s3] =	stream.indirect.scatter.add.f32 [tilespmem:s16], [sflag:$0x4], $0x10, s13, s15, $0xb8;
	[tilespmem:$0x17280] =	vst v63  }
0x1d4: {  	_ = 	snop  }
0x1d5: {  	[spmem:s2] =	stream.indirect.scatter.add.f32 [tilespmem:s22], [sflag:$0x4], $0x40, s21, s15, $0xb8;
	[tilespmem:$0x17280] =	vst v63  }
0x1d6: {  	_ = 	snop  }
0x1d7: {  	[spmem:s3] =	stream.indirect.scatter.add.f32 [tilespmem:s16], [sflag:$0x4], $0x10, s21, s15, $0xb8;
	[tilespmem:$0x17280] =	vst v63  }
0x1d8: {  	_ =	swait.ge [sflag:s12], $0x100  }
0x1d9: {  	[sflag:s12] =	ssyncset.done $0x0  }
0x1da: {  	[sflag:s12] =	ssyncadd.s32 $0xFFFFFF00  }
0x1db: {  	_ =	swait.ge [sflag:s12], $0x8000  }
0x1dc: {  	[sflag:s12] =	ssyncset.done $0x0  }
0x1dd: {  	[sflag:s12] =	ssyncadd.s32 $0xFFFF8000  }
0x1de: {  	_ =	swait.ge [sflag:s23], $0x2000  }
0x1df: {  	[sflag:s23] =	ssyncset.done $0x0  }
0x1e0: {  	[sflag:s23] =	ssyncadd.s32 $0xFFFFE000  }
0x1e1: {  	_ =	swait.ge [sflag:s23], $0x800  }
0x1e2: {  	[sflag:s23] =	ssyncset.done $0x0  }
0x1e3: {  	[sflag:s23] =	ssyncadd.s32 $0xFFFFF800  }
0x1e4: {  	_ =	swait.ge [sflag:s23], $0x2000  }
0x1e5: {  	[sflag:s23] =	ssyncset.done $0x0  }
0x1e6: {  	[sflag:s23] =	ssyncadd.s32 $0xFFFFE000  }
0x1e7: {  	_ =	swait.ge [sflag:s23], $0x800  }
0x1e8: {  	[sflag:s23] =	ssyncset.done $0x0  }
0x1e9: {  	s28 =	rddreg [dreg:$0x1b];
	[sflag:s23] =	ssyncadd.s32 $0xFFFFF800  }
0x1ea: {  	[tilespmem:s13], [sflag:$0x2] =	stream.linear.gather [hbm4b:s28+s4], $0x100, $0x38;
	[tilespmem:$0x17280] =	vst v63  }
0x1eb: {  	s29 =	rddreg [dreg:$0x1c]  }
0x1ec: {  	[tilespmem:s14], [sflag:$0x2] =	stream.linear.gather [hbm4b:s29+s4], $0x8000, $0x38;
	[tilespmem:$0x17280] =	vst v63  }
0x1ed: {  	_ = 	snop  }
0x1ee: {  	[spmem:s2] =	stream.indirect.scatter.add.f32 [tilespmem:s4], [sflag:$0x3], $0x40, s11, s15, $0xb8;
	[tilespmem:$0x17280] =	vst v63  }
0x1ef: {  	_ = 	snop  }
0x1f0: {  	[spmem:s3] =	stream.indirect.scatter.add.f32 [tilespmem:s16], [sflag:$0x3], $0x10, s11, s15, $0xb8;
	[tilespmem:$0x17280] =	vst v63  }
0x1f1: {  	_ = 	snop  }
0x1f2: {  	[spmem:s2] =	stream.indirect.scatter.add.f32 [tilespmem:s18], [sflag:$0x3], $0x40, s17, s15, $0xb8;
	[tilespmem:$0x17280] =	vst v63  }
0x1f3: {  	_ = 	snop  }
0x1f4: {  	[spmem:s3] =	stream.indirect.scatter.add.f32 [tilespmem:s16], [sflag:$0x3], $0x10, s17, s15, $0xb8;
	[tilespmem:$0x17280] =	vst v63  }
0x1f5: {  	_ =	swait.ge [sflag:s19], $0x100  }
0x1f6: {  	[sflag:s19] =	ssyncset.done $0x0  }
0x1f7: {  	[sflag:s19] =	ssyncadd.s32 $0xFFFFFF00  }
0x1f8: {  	_ =	swait.ge [sflag:s19], $0x8000  }
0x1f9: {  	[sflag:s19] =	ssyncset.done $0x0  }
0x1fa: {  	[sflag:s19] =	ssyncadd.s32 $0xFFFF8000  }
0x1fb: {  	_ =	swait.ge [sflag:s20], $0x2000  }
0x1fc: {  	[sflag:s20] =	ssyncset.done $0x0  }
0x1fd: {  	[sflag:s20] =	ssyncadd.s32 $0xFFFFE000  }
0x1fe: {  	_ =	swait.ge [sflag:s20], $0x800  }
0x1ff: {  	[sflag:s20] =	ssyncset.done $0x0  }
0x200: {  	[sflag:s20] =	ssyncadd.s32 $0xFFFFF800  }
0x201: {  	_ =	swait.ge [sflag:s20], $0x2000  }
0x202: {  	[sflag:s20] =	ssyncset.done $0x0  }
0x203: {  	[sflag:s20] =	ssyncadd.s32 $0xFFFFE000  }
0x204: {  	_ =	swait.ge [sflag:s20], $0x800  }
0x205: {  	[sflag:s20] =	ssyncset.done $0x0  }
0x206: {  	s30 =	rddreg [dreg:$0x1d];
	[sflag:s20] =	ssyncadd.s32 $0xFFFFF800  }
0x207: {  	[tilespmem:s11], [sflag:$0x1] =	stream.linear.gather [hbm4b:s30+s4], $0x100, $0x38;
	[tilespmem:$0x17280] =	vst v63  }
0x208: {  	s31 =	rddreg [dreg:$0x1e]  }
0x209: {  	[tilespmem:s4], [sflag:$0x1] =	stream.linear.gather [hbm4b:s31+s4], $0x8000, $0x38;
	[tilespmem:$0x17280] =	vst v63  }
0x20a: {  	_ = 	snop  }
0x20b: {  	[spmem:s2] =	stream.indirect.scatter.add.f32 [tilespmem:s14], [sflag:$0x4], $0x40, s13, s15, $0xb8;
	[tilespmem:$0x17280] =	vst v63  }
0x20c: {  	_ = 	snop  }
0x20d: {  	[spmem:s3] =	stream.indirect.scatter.add.f32 [tilespmem:s16], [sflag:$0x4], $0x10, s13, s15, $0xb8;
	[tilespmem:$0x17280] =	vst v63  }
0x20e: {  	_ = 	snop  }
0x20f: {  	[spmem:s2] =	stream.indirect.scatter.add.f32 [tilespmem:s22], [sflag:$0x4], $0x40, s21, s15, $0xb8;
	[tilespmem:$0x17280] =	vst v63  }
0x210: {  	_ = 	snop  }
0x211: {  	[spmem:s3] =	stream.indirect.scatter.add.f32 [tilespmem:s16], [sflag:$0x4], $0x10, s21, s15, $0xb8;
	[tilespmem:$0x17280] =	vst v63  }
0x212: {  	_ =	swait.ge [sflag:s12], $0x100  }
0x213: {  	[sflag:s12] =	ssyncset.done $0x0  }
0x214: {  	[sflag:s12] =	ssyncadd.s32 $0xFFFFFF00  }
0x215: {  	_ =	swait.ge [sflag:s12], $0x8000  }
0x216: {  	[sflag:s12] =	ssyncset.done $0x0  }
0x217: {  	[sflag:s12] =	ssyncadd.s32 $0xFFFF8000  }
0x218: {  	_ =	swait.ge [sflag:s23], $0x2000  }
0x219: {  	[sflag:s23] =	ssyncset.done $0x0  }
0x21a: {  	[sflag:s23] =	ssyncadd.s32 $0xFFFFE000  }
0x21b: {  	_ =	swait.ge [sflag:s23], $0x800  }
0x21c: {  	[sflag:s23] =	ssyncset.done $0x0  }
0x21d: {  	[sflag:s23] =	ssyncadd.s32 $0xFFFFF800  }
0x21e: {  	_ =	swait.ge [sflag:s23], $0x2000  }
0x21f: {  	[sflag:s23] =	ssyncset.done $0x0  }
0x220: {  	[sflag:s23] =	ssyncadd.s32 $0xFFFFE000  }
0x221: {  	_ =	swait.ge [sflag:s23], $0x800  }
0x222: {  	s25 =	rddreg [dreg:$0x1f];
	[sflag:s23] =	ssyncset.done $0x0  }
0x223: {  	s26 =	sld [smem:$0x7F0];
	[sflag:s23] =	ssyncadd.s32 $0xFFFFF800  }
0x224: {  	[tilespmem:s13], [sflag:$0x2] =	stream.linear.gather [hbm4b:s25+s4], $0x100, $0x38;
	[tilespmem:$0x17280] =	vst v63  }
0x225: {  	_ = 	snop  }
0x226: {  	[tilespmem:s14], [sflag:$0x2] =	stream.linear.gather [hbm4b:s26+s4], $0x8000, $0x38;
	[tilespmem:$0x17280] =	vst v63  }
0x227: {  	_ = 	snop  }
0x228: {  	[spmem:s2] =	stream.indirect.scatter.add.f32 [tilespmem:s4], [sflag:$0x3], $0x40, s11, s15, $0xb8;
	[tilespmem:$0x17280] =	vst v63  }
0x229: {  	_ = 	snop  }
0x22a: {  	[spmem:s3] =	stream.indirect.scatter.add.f32 [tilespmem:s16], [sflag:$0x3], $0x10, s11, s15, $0xb8;
	[tilespmem:$0x17280] =	vst v63  }
0x22b: {  	_ = 	snop  }
0x22c: {  	[spmem:s2] =	stream.indirect.scatter.add.f32 [tilespmem:s18], [sflag:$0x3], $0x40, s17, s15, $0xb8;
	[tilespmem:$0x17280] =	vst v63  }
0x22d: {  	_ = 	snop  }
0x22e: {  	[spmem:s3] =	stream.indirect.scatter.add.f32 [tilespmem:s16], [sflag:$0x3], $0x10, s17, s15, $0xb8;
	[tilespmem:$0x17280] =	vst v63  }
0x22f: {  	_ =	swait.ge [sflag:s19], $0x100  }
0x230: {  	[sflag:s19] =	ssyncset.done $0x0  }
0x231: {  	[sflag:s19] =	ssyncadd.s32 $0xFFFFFF00  }
0x232: {  	_ =	swait.ge [sflag:s19], $0x8000  }
0x233: {  	[sflag:s19] =	ssyncset.done $0x0  }
0x234: {  	[sflag:s19] =	ssyncadd.s32 $0xFFFF8000  }
0x235: {  	_ =	swait.ge [sflag:s20], $0x2000  }
0x236: {  	[sflag:s20] =	ssyncset.done $0x0  }
0x237: {  	[sflag:s20] =	ssyncadd.s32 $0xFFFFE000  }
0x238: {  	_ =	swait.ge [sflag:s20], $0x800  }
0x239: {  	[sflag:s20] =	ssyncset.done $0x0  }
0x23a: {  	[sflag:s20] =	ssyncadd.s32 $0xFFFFF800  }
0x23b: {  	_ =	swait.ge [sflag:s20], $0x2000  }
0x23c: {  	[sflag:s20] =	ssyncset.done $0x0  }
0x23d: {  	[sflag:s20] =	ssyncadd.s32 $0xFFFFE000  }
0x23e: {  	_ =	swait.ge [sflag:s20], $0x800  }
0x23f: {  	s28 =	sld [smem:$0x7F1]  }
0x240: {  	[sflag:s20] =	ssyncset.done $0x0  }
0x241: {  	s29 =	sld [smem:$0x7F2];
	[sflag:s20] =	ssyncadd.s32 $0xFFFFF800  }
0x242: {  	[tilespmem:s11], [sflag:$0x1] =	stream.linear.gather [hbm4b:s28+s4], $0x100, $0x38;
	[tilespmem:$0x17280] =	vst v63  }
0x243: {  	_ = 	snop  }
0x244: {  	[tilespmem:s4], [sflag:$0x1] =	stream.linear.gather [hbm4b:s29+s4], $0x8000, $0x38;
	[tilespmem:$0x17280] =	vst v63  }
0x245: {  	_ = 	snop  }
0x246: {  	[spmem:s2] =	stream.indirect.scatter.add.f32 [tilespmem:s14], [sflag:$0x4], $0x40, s13, s15, $0xb8;
	[tilespmem:$0x17280] =	vst v63  }
0x247: {  	_ = 	snop  }
0x248: {  	[spmem:s3] =	stream.indirect.scatter.add.f32 [tilespmem:s16], [sflag:$0x4], $0x10, s13, s15, $0xb8;
	[tilespmem:$0x17280] =	vst v63  }
0x249: {  	_ = 	snop  }
0x24a: {  	[spmem:s2] =	stream.indirect.scatter.add.f32 [tilespmem:s22], [sflag:$0x4], $0x40, s21, s15, $0xb8;
	[tilespmem:$0x17280] =	vst v63  }
0x24b: {  	_ = 	snop  }
0x24c: {  	[spmem:s3] =	stream.indirect.scatter.add.f32 [tilespmem:s16], [sflag:$0x4], $0x10, s21, s15, $0xb8;
	[tilespmem:$0x17280] =	vst v63  }
0x24d: {  	_ =	swait.ge [sflag:s12], $0x100  }
0x24e: {  	[sflag:s12] =	ssyncset.done $0x0  }
0x24f: {  	[sflag:s12] =	ssyncadd.s32 $0xFFFFFF00  }
0x250: {  	_ =	swait.ge [sflag:s12], $0x8000  }
0x251: {  	[sflag:s12] =	ssyncset.done $0x0  }
0x252: {  	[sflag:s12] =	ssyncadd.s32 $0xFFFF8000  }
0x253: {  	_ =	swait.ge [sflag:s23], $0x2000  }
0x254: {  	[sflag:s23] =	ssyncset.done $0x0  }
0x255: {  	[sflag:s23] =	ssyncadd.s32 $0xFFFFE000  }
0x256: {  	_ =	swait.ge [sflag:s23], $0x800  }
0x257: {  	[sflag:s23] =	ssyncset.done $0x0  }
0x258: {  	[sflag:s23] =	ssyncadd.s32 $0xFFFFF800  }
0x259: {  	_ =	swait.ge [sflag:s23], $0x2000  }
0x25a: {  	[sflag:s23] =	ssyncset.done $0x0  }
0x25b: {  	[sflag:s23] =	ssyncadd.s32 $0xFFFFE000  }
0x25c: {  	_ =	swait.ge [sflag:s23], $0x800  }
0x25d: {  	s30 =	sld [smem:$0x7F3]  }
0x25e: {  	[sflag:s23] =	ssyncset.done $0x0  }
0x25f: {  	s31 =	sld [smem:$0x7F4];
	[sflag:s23] =	ssyncadd.s32 $0xFFFFF800  }
0x260: {  	[tilespmem:s13], [sflag:$0x2] =	stream.linear.gather [hbm4b:s30+s4], $0x100, $0x38;
	[tilespmem:$0x17280] =	vst v63  }
0x261: {  	_ = 	snop  }
0x262: {  	[tilespmem:s14], [sflag:$0x2] =	stream.linear.gather [hbm4b:s31+s4], $0x8000, $0x38;
	[tilespmem:$0x17280] =	vst v63  }
0x263: {  	_ = 	snop  }
0x264: {  	[spmem:s2] =	stream.indirect.scatter.add.f32 [tilespmem:s4], [sflag:$0x3], $0x40, s11, s15, $0xb8;
	[tilespmem:$0x17280] =	vst v63  }
0x265: {  	_ = 	snop  }
0x266: {  	[spmem:s3] =	stream.indirect.scatter.add.f32 [tilespmem:s16], [sflag:$0x3], $0x10, s11, s15, $0xb8;
	[tilespmem:$0x17280] =	vst v63  }
0x267: {  	_ = 	snop  }
0x268: {  	[spmem:s2] =	stream.indirect.scatter.add.f32 [tilespmem:s18], [sflag:$0x3], $0x40, s17, s15, $0xb8;
	[tilespmem:$0x17280] =	vst v63  }
0x269: {  	_ = 	snop  }
0x26a: {  	[spmem:s3] =	stream.indirect.scatter.add.f32 [tilespmem:s16], [sflag:$0x3], $0x10, s17, s15, $0xb8;
	[tilespmem:$0x17280] =	vst v63  }
0x26b: {  	_ =	swait.ge [sflag:s19], $0x100  }
0x26c: {  	[sflag:s19] =	ssyncset.done $0x0  }
0x26d: {  	[sflag:s19] =	ssyncadd.s32 $0xFFFFFF00  }
0x26e: {  	_ =	swait.ge [sflag:s19], $0x8000  }
0x26f: {  	[sflag:s19] =	ssyncset.done $0x0  }
0x270: {  	[sflag:s19] =	ssyncadd.s32 $0xFFFF8000  }
0x271: {  	[spmem:s2] =	stream.indirect.scatter.add.f32 [tilespmem:s14], [sflag:$0x4], $0x40, s13, s15, $0xb8;
	[tilespmem:$0x17280] =	vst v63  }
0x272: {  	_ = 	snop  }
0x273: {  	[spmem:s3] =	stream.indirect.scatter.add.f32 [tilespmem:s16], [sflag:$0x4], $0x10, s13, s15, $0xb8;
	[tilespmem:$0x17280] =	vst v63  }
0x274: {  	_ = 	snop  }
0x275: {  	[spmem:s2] =	stream.indirect.scatter.add.f32 [tilespmem:s22], [sflag:$0x4], $0x40, s21, s15, $0xb8;
	[tilespmem:$0x17280] =	vst v63  }
0x276: {  	_ = 	snop  }
0x277: {  	[spmem:s3] =	stream.indirect.scatter.add.f32 [tilespmem:s16], [sflag:$0x4], $0x10, s21, s15, $0xb8;
	[tilespmem:$0x17280] =	vst v63  }
0x278: {  	_ =	swait.ge [sflag:s20], $0x2000  }
0x279: {  	[sflag:s20] =	ssyncset.done $0x0  }
0x27a: {  	[sflag:s20] =	ssyncadd.s32 $0xFFFFE000  }
0x27b: {  	_ =	swait.ge [sflag:s20], $0x800  }
0x27c: {  	[sflag:s20] =	ssyncset.done $0x0  }
0x27d: {  	[sflag:s20] =	ssyncadd.s32 $0xFFFFF800  }
0x27e: {  	_ =	swait.ge [sflag:s20], $0x2000  }
0x27f: {  	[sflag:s20] =	ssyncset.done $0x0  }
0x280: {  	[sflag:s20] =	ssyncadd.s32 $0xFFFFE000  }
0x281: {  	_ =	swait.ge [sflag:s20], $0x800  }
0x282: {  	[sflag:s20] =	ssyncset.done $0x0  }
0x283: {  	[sflag:s20] =	ssyncadd.s32 $0xFFFFF800  }
0x284: {  	_ =	swait.ge [sflag:s23], $0x2000  }
0x285: {  	[sflag:s23] =	ssyncset.done $0x0  }
0x286: {  	[sflag:s23] =	ssyncadd.s32 $0xFFFFE000  }
0x287: {  	_ =	swait.ge [sflag:s23], $0x800  }
0x288: {  	[sflag:s23] =	ssyncset.done $0x0  }
0x289: {  	[sflag:s23] =	ssyncadd.s32 $0xFFFFF800  }
0x28a: {  	_ =	swait.ge [sflag:s23], $0x2000  }
0x28b: {  	[sflag:s23] =	ssyncset.done $0x0  }
0x28c: {  	[sflag:s23] =	ssyncadd.s32 $0xFFFFE000  }
0x28d: {  	_ =	swait.ge [sflag:s23], $0x800  }
0x28e: {  	s24 =	sld [smem:$0x7F5]  }
0x28f: {  	[sflag:s23] =	ssyncset.done $0x0  }
0x290: {  	s25 =	simm.s32 @!p0 $0x0;
	s26 =	simm.s32 @!p0 $0x10000;
	[sflag:s23] =	ssyncadd.s32 $0xFFFFF800  }
0x291: {  	[tilespmem:s26], [sflag:$0x5] =	stream.linear.gather @!p0 [hbm4b:s24+s25], $0x100, $0x38;
	[tilespmem:$0x17280] =	vst v63  }
0x292: {  	s24 =	simm.s32 @!p0 $0x5  }
0x293: {  	_ =	swait.ge @!p0 [sflag:s24], $0x100  }
0x294: {  	s28 =	sld [smem:$0x7F6]  }
0x295: {  	[sflag:s24] =	ssyncset.done @!p0 $0x0  }
0x296: {  	[sflag:s24] =	ssyncadd.s32 @!p0 $0xFFFFFF00  }
0x297: {  	[tilespmem:s25], [sflag:$0x5] =	stream.linear.gather @!p0 [hbm4b:s28+s25], $0x8000, $0x38;
	[tilespmem:$0x17280] =	vst v63  }
0x298: {  	_ =	swait.ge @!p0 [sflag:s24], $0x8000  }
0x299: {  	[sflag:s24] =	ssyncset.done @!p0 $0x0  }
0x29a: {  	s28 =	simm.s32 @!p0 $0x80;
	[sflag:s24] =	ssyncadd.s32 @!p0 $0xFFFF8000  }
0x29b: {  	[spmem:s2] =	stream.indirect.scatter.add.f32 @!p0 [tilespmem:s25], [sflag:$0x5], $0x40, s26, s28, $0xb8;
	[tilespmem:$0x17280] =	vst v63  }
0x29c: {  	_ =	swait.ge @!p0 [sflag:s24], $0x2000  }
0x29d: {  	[sflag:s24] =	ssyncset.done @!p0 $0x0  }
0x29e: {  	s25 =	simm.s32 @!p0 $0x11280;
	[sflag:s24] =	ssyncadd.s32 @!p0 $0xFFFFE000  }
0x29f: {  	[spmem:s3] =	stream.indirect.scatter.add.f32 @!p0 [tilespmem:s25], [sflag:$0x5], $0x10, s26, s28, $0xb8;
	[tilespmem:$0x17280] =	vst v63  }
0x2a0: {  	_ =	swait.ge @!p0 [sflag:s24], $0x800  }
0x2a1: {  	[sflag:s24] =	ssyncset.done @!p0 $0x0  }
0x2a2: {  	s29 =	simm.s32 @!p0 $0x4000;
	s26 =	simm.s32 @!p0 $0x10080;
	[sflag:s24] =	ssyncadd.s32 @!p0 $0xFFFFF800  }
0x2a3: {  	[spmem:s2] =	stream.indirect.scatter.add.f32 @!p0 [tilespmem:s29], [sflag:$0x5], $0x40, s26, s28, $0xb8;
	[tilespmem:$0x17280] =	vst v63  }
0x2a4: {  	_ =	swait.ge @!p0 [sflag:s24], $0x2000  }
0x2a5: {  	[sflag:s24] =	ssyncset.done @!p0 $0x0  }
0x2a6: {  	[sflag:s24] =	ssyncadd.s32 @!p0 $0xFFFFE000  }
0x2a7: {  	[spmem:s3] =	stream.indirect.scatter.add.f32 @!p0 [tilespmem:s25], [sflag:$0x5], $0x10, s26, s28, $0xb8;
	[tilespmem:$0x17280] =	vst v63  }
0x2a8: {  	_ =	swait.ge @!p0 [sflag:s24], $0x800  }
0x2a9: {  	s25 =	sld [smem:$0x7F7]  }
0x2aa: {  	[sflag:s24] =	ssyncset.done @!p0 $0x0  }
0x2ab: {  	s26 =	simm.s32 @!p2 $0x10000;
	[sflag:s24] =	ssyncadd.s32 @!p0 $0xFFFFF800;
	s24 =	simm.s32 @!p2 $0x0  }
0x2ac: {  	[tilespmem:s26], [sflag:$0x5] =	stream.linear.gather @!p2 [hbm4b:s25+s24], $0x100, $0x38;
	[tilespmem:$0x17280] =	vst v63  }
0x2ad: {  	s25 =	simm.s32 @!p2 $0x5  }
0x2ae: {  	_ =	swait.ge @!p2 [sflag:s25], $0x100  }
0x2af: {  	s28 =	sld [smem:$0x7F8]  }
0x2b0: {  	[sflag:s25] =	ssyncset.done @!p2 $0x0  }
0x2b1: {  	[sflag:s25] =	ssyncadd.s32 @!p2 $0xFFFFFF00  }
0x2b2: {  	[tilespmem:s24], [sflag:$0x5] =	stream.linear.gather @!p2 [hbm4b:s28+s24], $0x4000, $0x38;
	[tilespmem:$0x17280] =	vst v63  }
0x2b3: {  	_ =	swait.ge @!p2 [sflag:s25], $0x4000  }
0x2b4: {  	[sflag:s25] =	ssyncset.done @!p2 $0x0  }
0x2b5: {  	s28 =	simm.s32 @!p2 $0x80;
	[sflag:s25] =	ssyncadd.s32 @!p2 $0xFFFFC000  }
0x2b6: {  	[spmem:s2] =	stream.indirect.scatter.add.f32 @!p2 [tilespmem:s24], [sflag:$0x5], $0x40, s26, s28, $0xb8;
	[tilespmem:$0x17280] =	vst v63  }
0x2b7: {  	_ =	swait.ge @!p2 [sflag:s25], $0x2000  }
0x2b8: {  	[sflag:s25] =	ssyncset.done @!p2 $0x0  }
0x2b9: {  	s29 =	simm.s32 @!p2 $0x11280;
	[sflag:s25] =	ssyncadd.s32 @!p2 $0xFFFFE000  }
0x2ba: {  	[spmem:s3] =	stream.indirect.scatter.add.f32 @!p2 [tilespmem:s29], [sflag:$0x5], $0x10, s26, s28, $0xb8;
	[tilespmem:$0x17280] =	vst v63  }
0x2bb: {  	_ =	swait.ge @!p2 [sflag:s25], $0x800  }
0x2bc: {  	s26 =	sld [smem:$0x7F9]  }
0x2bd: {  	[sflag:s25] =	ssyncset.done @!p2 $0x0  }
0x2be: {  	s28 =	simm.s32 @!p2 $0x11200;
	[sflag:s25] =	ssyncadd.s32 @!p2 $0xFFFFF800  }
0x2bf: {  	[tilespmem:s28], [sflag:$0x5] =	stream.linear.gather @!p2 [hbm4b:s26+s24], $0x20, $0x38;
	[tilespmem:$0x17280] =	vst v63  }
0x2c0: {  	_ =	swait.ge @!p2 [sflag:s25], $0x20  }
0x2c1: {  	s26 =	sld [smem:$0x7FA]  }
0x2c2: {  	[sflag:s25] =	ssyncset.done @!p2 $0x0  }
0x2c3: {  	s30 =	simm.s32 @!p2 $0x10200;
	[sflag:s25] =	ssyncadd.s32 @!p2 $0xFFFFFFE0  }
0x2c4: {  	[tilespmem:s30], [sflag:$0x5] =	stream.linear.gather @!p2 [hbm4b:s26+s24], $0x1000, $0x38;
	[tilespmem:$0x17280] =	vst v63  }
0x2c5: {  	_ =	swait.ge @!p2 [sflag:s25], $0x1000  }
0x2c6: {  	[sflag:s25] =	ssyncset.done @!p2 $0x0  }
0x2c7: {  	s24 =	simm.s32 @!p2 $0x20;
	[sflag:s25] =	ssyncadd.s32 @!p2 $0xFFFFF000  }
0x2c8: {  	[spmem:s2] =	stream.indirect.scatter.add.f32 @!p2 [tilespmem:s30], [sflag:$0x5], $0x40, s28, s24, $0xb8;
	[tilespmem:$0x17280] =	vst v63  }
0x2c9: {  	_ =	swait.ge @!p2 [sflag:s25], $0x800  }
0x2ca: {  	[sflag:s25] =	ssyncset.done @!p2 $0x0  }
0x2cb: {  	[sflag:s25] =	ssyncadd.s32 @!p2 $0xFFFFF800  }
0x2cc: {  	[spmem:s3] =	stream.indirect.scatter.add.f32 @!p2 [tilespmem:s29], [sflag:$0x5], $0x10, s28, s24, $0xb8;
	[tilespmem:$0x17280] =	vst v63  }
0x2cd: {  	_ =	swait.ge @!p2 [sflag:s25], $0x200  }
0x2ce: {  	[sflag:s25] =	ssyncset.done @!p2 $0x0  }
0x2cf: {  	[sflag:s25] =	ssyncadd.s32 @!p2 $0xFFFFFE00  }
0x2d0: {  	[bflag:$0x0] =	sbarrier.arrive $0xFFFF  }
0x2d1: {  	s24 =	sld [smem:$0x7FB];
	_ =	sdelay $0x1  }
0x2d2: {  	s26 =	simm.s32 @!p1 $0x1C05;
	s25 =	sshrl.u32 @!p1 s2, $0x3  }
0x2d3: {  	[hbm:s24], [sflag:s26] =	dma.local @!p1 [spmem:s25], $0x3000  }
0x2d4: {  	s24 =	simm.s32 @!p1 $0x5  }
0x2d5: {  	_ =	swait.ge @!p1 [sflag:s24], $0x3000  }
0x2d6: {  	s5 =	sadd.s32 $0xFFFFFFFF, s5;
	s25 =	sld [smem:$0x7FC]  }
0x2d7: {  	p3 =	sne.s32 s5, $0x0;
	[sflag:s24] =	ssyncset.done @!p1 $0x0  }
.Ltmp0:
0x2d8: {  	s28 =	sshrl.u32 @!p1 s3, $0x3;
	[sflag:s24] =	ssyncadd.s32 @!p1 $0xFFFFD000;
	(pc) =	sbr.rel @p3 .LBB2_1-.Ltmp0, $4  }
0x2d9: {  	[hbm:s25], [sflag:s26] =	dma.local @!p1 [spmem:s28], $0x3000  }
0x2da: {  	_ =	swait.ge @!p1 [sflag:s24], $0x3000  }
0x2db: {  	[sflag:s24] =	ssyncset.done @!p1 $0x0  }
0x2dc: {  	[sflag:s24] =	ssyncadd.s32 @!p1 $0xFFFFD000  }
0x2dd: {  	_ =	sfence.sel $0x180000  }
0x2de: {  	[bflag:$0x0] =	sbarrier.arrive $0xFFFF  }
0x2df: {  	_ =	strace $0x90000047  }
0x2e0: {  	s0 =	sadd.s32 @!p1 $0x100000, s0;
	[bflag:$0x2] =	sbarrier.arrive $0xFFFF  }
0x2e1: {  	[sflag:s0] =	ssyncadd.tile.s32 @!p1 $0x1;
	_ =	shalt  }
.Lfunc_end2:
_tile_overlayer_lowered:
.L_overlay_start_2:
0x2e2: {  	(tag) =	ssettag $0x2  }
0x2e3: {  	s0 =	rddreg [dreg:$0x0];
	s2 =	stileid.u32  }
0x2e4: {  	s1 =	rddreg [dreg:$0x1];
	p0 =	sne.s32 s2, $0x0  }
0x2e5: {  	s3 =	rddreg [dreg:$0x2];
	[bflag:$0x3] =	sbarrier.arrive $0xFFFF;
	s2 =	simm.s32 @!p0 $0x1C05  }
0x2e6: {  	[timem:s3], [sflag:s2] =	dma.local @!p0 [hbm:s0], s1  }
0x2e7: {  	s0 =	simm.s32 @!p0 $0x5  }
0x2e8: {  	_ =	swait.ge @!p0 [sflag:s0], s1  }
0x2e9: {  	s1 =	ssub.s32 @!p0 $0x0, s1;
	[sflag:s0] =	ssyncset.done @!p0 $0x0  }
0x2ea: {  	[sflag:s0] =	ssyncadd.s32 @!p0 s1  }
0x2eb: {  	[bflag:$0x3] =	sbarrier.arrive $0xFFFF  }
0x2ec: {  	_ =	shalt  }

</sc_bundles>
